<compile_context>
chip_gen: v7x
topology: tpu7x:2x2x1
jax: 0.10.2.dev20260603
libtpu: 0.0.44.dev20260713+nightly
codegen_flags: <defaults>
</compile_context>

<pallas_src>
import functools

import jax
import jax.numpy as jnp
from jax import lax
from jax.experimental import pallas as pl
from jax.experimental.pallas import tpu as pltpu
from jax.experimental.pallas import tpu_sc as plsc

N_KF = 16
N_MP = 32
M = 65536
FX = 320.0
FY = 320.0
CX = 320.0
CY = 240.0

NUM_WORKERS = 32
MEAS_PER_W = M // NUM_WORKERS
N_TABLE = N_KF * N_MP
TT_KF = N_KF * 16
TT_LEN = TT_KF + N_MP * 3


def _sc_body(ids_hbm, tt_hbm, idx_hbm, x_hbm, y_hbm,
             ids_v, x_v, y_v, tabx_v, taby_v, tt_v,
             idx_v, invkf_v, invmp_v,
             sem_idx, sem_tab, sem_meas):
    wid = lax.axis_index("s") * 2 + lax.axis_index("c")
    iota = lax.iota(jnp.int32, 16)

    cp_ids = pltpu.async_copy(ids_hbm.at[pl.ds(wid * (2 * MEAS_PER_W), 2 * MEAS_PER_W)], ids_v, sem_meas)
    cp_idx = pltpu.async_copy(idx_hbm, idx_v, sem_idx)
    cp_tt = pltpu.async_copy(tt_hbm, tt_v, sem_tab)

    cp_idx.wait()
    plsc.store_scatter(invkf_v, [idx_v[pl.ds(0, 16)]], iota)
    plsc.store_scatter(invmp_v, [idx_v[pl.ds(16, 16)]], iota)
    plsc.store_scatter(invmp_v, [idx_v[pl.ds(32, 16)]], iota + 16)
    cp_tt.wait()

    invkf_vec = invkf_v[...]
    for t in range(N_TABLE // 16):
        cbase = 16 * t
        kid = cbase >> 5
        kpos = invkf_vec[kid]
        kbase = kpos * 16
        pose = tt_v[pl.ds(kbase, 16)]
        r = [pose[j] for j in range(12)]
        mid = (cbase & 31) + iota
        mpos = plsc.load_gather(invmp_v, [mid])
        mbase = TT_KF + mpos + lax.shift_left(mpos, jnp.int32(1))
        px = plsc.load_gather(tt_v, [mbase])
        py = plsc.load_gather(tt_v, [mbase + 1])
        pz = plsc.load_gather(tt_v, [mbase + 2])
        x = r[0] * px + r[1] * py + r[2] * pz + r[3]
        y = r[4] * px + r[5] * py + r[6] * pz + r[7]
        z = r[8] * px + r[9] * py + r[10] * pz + r[11]
        inv = jnp.float32(1.0) / z
        ptx = x * inv * jnp.float32(FX) + jnp.float32(CX)
        pty = y * inv * jnp.float32(FY) + jnp.float32(CY)
        tabx_v[pl.ds(cbase, 16)] = ptx
        taby_v[pl.ds(cbase, 16)] = pty

    cp_ids.wait()

    def gather_block(_, boff):
        xoff = lax.shift_right_logical(boff, jnp.int32(1))
        for j in range(0, 128, 16):
            kf = ids_v[pl.ds(boff + j, 16)]
            mp = ids_v[pl.ds(boff + 128 + j, 16)]
            c = lax.shift_left(kf, jnp.int32(5)) + mp
            x_v[pl.ds(xoff + j, 16)] = plsc.load_gather(tabx_v, [c])
            y_v[pl.ds(xoff + j, 16)] = plsc.load_gather(taby_v, [c])
        return boff + jnp.int32(256)

    lax.fori_loop(0, MEAS_PER_W // 128, gather_block, jnp.int32(0), unroll=4)

    cp_x = pltpu.async_copy(x_v, x_hbm.at[pl.ds(wid * MEAS_PER_W, MEAS_PER_W)], sem_meas)
    cp_y = pltpu.async_copy(y_v, y_hbm.at[pl.ds(wid * MEAS_PER_W, MEAS_PER_W)], sem_meas)
    cp_x.wait()
    cp_y.wait()


def kernel(tMP, tKF, measurements, idxMP, idxKF):
    meas32 = measurements.astype(jnp.int32)
    ids_flat = meas32.reshape(M // 128, 128, 2).transpose(0, 2, 1).reshape(2 * M)
    pose_blocks = jnp.pad(tKF[:, :3, :].reshape(N_KF, 12), ((0, 0), (0, 4)))
    tt = jnp.concatenate(
        [pose_blocks.reshape(TT_KF), tMP.reshape(N_MP * 3)]
    ).astype(jnp.float32)
    idx = jnp.concatenate([idxKF, idxMP])

    mesh = plsc.VectorSubcoreMesh(core_axis_name="c", subcore_axis_name="s")
    sc_call = functools.partial(
        pl.kernel,
        mesh=mesh,
        out_type=(
            jax.ShapeDtypeStruct((M,), jnp.float32),
            jax.ShapeDtypeStruct((M,), jnp.float32),
        ),
        compiler_params=pltpu.CompilerParams(needs_layout_passes=False),
        scratch_types=[
            pltpu.VMEM((2 * MEAS_PER_W,), jnp.int32),
            pltpu.VMEM((MEAS_PER_W,), jnp.float32),
            pltpu.VMEM((MEAS_PER_W,), jnp.float32),
            pltpu.VMEM((N_TABLE,), jnp.float32),
            pltpu.VMEM((N_TABLE,), jnp.float32),
            pltpu.VMEM((TT_LEN,), jnp.float32),
            pltpu.VMEM((N_KF + N_MP,), jnp.int32),
            pltpu.VMEM((N_KF,), jnp.int32),
            pltpu.VMEM((N_MP,), jnp.int32),
            pltpu.SemaphoreType.DMA,
            pltpu.SemaphoreType.DMA,
            pltpu.SemaphoreType.DMA,
        ],
    )(_sc_body)
    out_x, out_y = sc_call(ids_flat, tt, idx)
    obs2d = jnp.stack([out_x, out_y], axis=1).astype(jnp.float64)
    return obs2d

# --- scband reference (transcript-rebuilt; emitter-appended) ---
"""Pipeline reference for scband-bagdnet-66657892434512 (READ-ONLY COPY).

The authoritative reference and input builder live on the scoring server;
editing this copy changes nothing except your own understanding.
"""

import jax, jax.numpy as jnp
import numpy as np

jax.config.update("jax_enable_x64", True)

N_KF = 16
N_MP = 32
M = 65536
FX = 320.0
FY = 320.0
CX = 320.0
CY = 240.0


def setup_inputs(seed: int = 0) -> dict:
    key = jax.random.key(seed)
    # measurements: columns are (KF_id, MP_id); ids in [0, 16) are valid for both tables
    measurements = jax.random.randint(key, (M, 2), 0, 16).astype(jnp.int64)
    # Keyframe poses: identity rotation + per-frame translation (matches init_kwargs pattern)
    i = jnp.arange(N_KF, dtype=jnp.float64)
    tKF = jnp.tile(jnp.eye(4, dtype=jnp.float64)[None, :, :], (N_KF, 1, 1))
    tKF = tKF.at[:, 0, 3].set(0.05 * i).at[:, 1, 3].set(-0.05 * i).at[:, 2, 3].set(0.5)
    # Map points: ids 0..N_MP-1, coordinates with positive depth (z ~ 2.0-2.93)
    j = jnp.arange(N_MP, dtype=jnp.float64)
    tMP = jnp.stack([-0.8 + 0.05 * j, 0.4 - 0.025 * j, 2.0 + 0.03 * j], axis=1)
    idxKF = jnp.arange(N_KF, dtype=jnp.int32)
    idxMP = jnp.arange(N_MP, dtype=jnp.int32)
    return {"tMP": tMP, "tKF": tKF, "measurements": measurements, "idxMP": idxMP, "idxKF": idxKF}


def reference(tMP, tKF, measurements, idxMP, idxKF):
    # torch.where(meas_ids == idx)[1] with unique ids == per-row matched index
    indexKF = jnp.argmax(measurements[:, 0:1].astype(jnp.int32) == idxKF[None, :], axis=1)
    indexMP = jnp.argmax(measurements[:, 1:2].astype(jnp.int32) == idxMP[None, :], axis=1)
    # F.pad(tMP, (0,1), value=1).unsqueeze(2) -> homogeneous column vectors [N_MP, 4, 1]
    tMPhomo = jnp.pad(tMP, ((0, 0), (0, 1)), mode="constant", constant_values=1.0)[:, :, None]
    # gather poses/points per measurement and reproject
    rp = jnp.matmul(tKF[indexKF], tMPhomo[indexMP])  # [M, 4, 1]
    ptx = rp[:, 0] / rp[:, 2] * FX + CX  # [M, 1]
    pty = rp[:, 1] / rp[:, 2] * FY + CY  # [M, 1]
    obs2d = jnp.concatenate([ptx, pty], axis=1)  # [M, 2]
    return obs2d

if __name__ == "__main__":
    import jax
    _d = setup_inputs()
    print(jax.jit(kernel)(*tuple(_d.values())))

</pallas_src>

<mosaic_0001>
#map = affine_map<(d0, d1) -> (0)>
module attributes {stable_mosaic.version = 14 : i64} {
  func.func @_sc_body(%arg0: i32, %arg1: i32, %arg2: memref<131072xi32, #tpu.memory_space<hbm>>, %arg3: memref<352xf32, #tpu.memory_space<hbm>>, %arg4: memref<48xi32, #tpu.memory_space<hbm>>, %arg5: memref<65536xf32, #tpu.memory_space<hbm>>, %arg6: memref<65536xf32, #tpu.memory_space<hbm>>, %arg7: memref<4096xi32, #tpu.memory_space<vmem>>, %arg8: memref<2048xf32, #tpu.memory_space<vmem>>, %arg9: memref<2048xf32, #tpu.memory_space<vmem>>, %arg10: memref<512xf32, #tpu.memory_space<vmem>>, %arg11: memref<512xf32, #tpu.memory_space<vmem>>, %arg12: memref<352xf32, #tpu.memory_space<vmem>>, %arg13: memref<48xi32, #tpu.memory_space<vmem>>, %arg14: memref<16xi32, #tpu.memory_space<vmem>>, %arg15: memref<32xi32, #tpu.memory_space<vmem>>, %arg16: memref<!tpu.dma_semaphore, #tpu.memory_space<semaphore_mem>>, %arg17: memref<!tpu.dma_semaphore, #tpu.memory_space<semaphore_mem>>, %arg18: memref<!tpu.dma_semaphore, #tpu.memory_space<semaphore_mem>>) attributes {dimension_semantics = [#tpu.dimension_semantics<core_parallel>, #tpu.dimension_semantics<subcore_parallel>], iteration_bounds = array<i64: 2, 16>, scalar_prefetch = 0 : i64, scratch_operands = 12 : i64, tpu.core_type = #tpu.core_type<sc_vector_subcore>, window_params = [{transform_indices = #map}, {transform_indices = #map}, {transform_indices = #map}, {transform_indices = #map}, {transform_indices = #map}]} {
    %mul3A = arith.constant 2 : i32
    %mul3A_0 = arith.muli %arg1, %mul3A : i32
    %add3A = arith.addi %mul3A_0, %arg0 : i32
    %iota3A = tpu.iota {dimensions = array<i32: 0>} : vector<16xi32>
    %mul3A_1 = arith.constant 4096 : i32
    %mul3A_2 = arith.muli %add3A, %mul3A_1 : i32
    %dma_start3A = tpu.memref_slice %arg2[%mul3A_2] : memref<131072xi32, #tpu.memory_space<hbm>> -> memref<4096xi32, #tpu.memory_space<hbm>>
    %dma_start3A_3 = tpu.memref_slice %arg2[%mul3A_2] : memref<131072xi32, #tpu.memory_space<hbm>> -> memref<4096xi32, #tpu.memory_space<hbm>>
    tpu.enqueue_dma source(%dma_start3A_3 : memref<4096xi32, #tpu.memory_space<hbm>>) target(%arg7 : memref<4096xi32, #tpu.memory_space<vmem>>) target_semaphore(%arg18 : memref<!tpu.dma_semaphore, #tpu.memory_space<semaphore_mem>>)
    tpu.enqueue_dma source(%arg4 : memref<48xi32, #tpu.memory_space<hbm>>) target(%arg13 : memref<48xi32, #tpu.memory_space<vmem>>) target_semaphore(%arg16 : memref<!tpu.dma_semaphore, #tpu.memory_space<semaphore_mem>>)
    tpu.enqueue_dma source(%arg3 : memref<352xf32, #tpu.memory_space<hbm>>) target(%arg12 : memref<352xf32, #tpu.memory_space<vmem>>) target_semaphore(%arg17 : memref<!tpu.dma_semaphore, #tpu.memory_space<semaphore_mem>>)
    tpu.wait_dma2 semaphore(%arg16 : memref<!tpu.dma_semaphore, #tpu.memory_space<semaphore_mem>>) src(%arg4 : memref<48xi32, #tpu.memory_space<hbm>>) dst(%arg13 : memref<48xi32, #tpu.memory_space<vmem>>)
    %get3A = arith.constant 0 : index
    %get3A_4 = tpu.vector_load %arg13[%get3A] {strides = array<i32>} : memref<48xi32, #tpu.memory_space<vmem>>, vector<16xi32>,
    tpu.vector_store_idx %arg14[%get3A_4], %iota3A : memref<16xi32, #tpu.memory_space<vmem>>[vector<16xi32>], vector<16xi32>,
    %get3A_5 = arith.constant 16 : index
    %get3A_6 = tpu.vector_load %arg13[%get3A_5] {strides = array<i32>} : memref<48xi32, #tpu.memory_space<vmem>>, vector<16xi32>,
    tpu.vector_store_idx %arg15[%get3A_6], %iota3A : memref<32xi32, #tpu.memory_space<vmem>>[vector<16xi32>], vector<16xi32>,
    %get3A_7 = arith.constant 32 : index
    %get3A_8 = tpu.vector_load %arg13[%get3A_7] {strides = array<i32>} : memref<48xi32, #tpu.memory_space<vmem>>, vector<16xi32>,
    %add3A_9 = arith.constant 16 : i32
    %add3A_10 = vector.broadcast %add3A_9 : i32 to vector<16xi32>
    %add3A_11 = arith.addi %iota3A, %add3A_10 : vector<16xi32>
    tpu.vector_store_idx %arg15[%get3A_8], %add3A_11 : memref<32xi32, #tpu.memory_space<vmem>>[vector<16xi32>], vector<16xi32>,
    tpu.wait_dma2 semaphore(%arg17 : memref<!tpu.dma_semaphore, #tpu.memory_space<semaphore_mem>>) src(%arg3 : memref<352xf32, #tpu.memory_space<hbm>>) dst(%arg12 : memref<352xf32, #tpu.memory_space<vmem>>)
    %get3A_12 = arith.constant 0 : index
    %get3A_13 = tpu.vector_load %arg14[%get3A_12] {strides = array<i32>} : memref<16xi32, #tpu.memory_space<vmem>>, vector<16xi32>,
    %slice3A = vector.extract_strided_slice %get3A_13 {offsets = [0], sizes = [1], strides = [1]} : vector<16xi32> to vector<1xi32>
    %squeeze3A = vector.extract %slice3A[0] : i32 from vector<1xi32>
    %mul3A_14 = arith.constant 16 : i32
    %mul3A_15 = arith.muli %squeeze3A, %mul3A_14 : i32
    %get3A_16 = arith.index_cast %mul3A_15 : i32 to index
    %get3A_17 = tpu.vector_load %arg12[%get3A_16] {strides = array<i32>} : memref<352xf32, #tpu.memory_space<vmem>>, vector<16xf32>,
    %slice3A_18 = vector.extract_strided_slice %get3A_17 {offsets = [0], sizes = [1], strides = [1]} : vector<16xf32> to vector<1xf32>
    %squeeze3A_19 = vector.extract %slice3A_18[0] : f32 from vector<1xf32>
    %slice3A_20 = vector.extract_strided_slice %get3A_17 {offsets = [1], sizes = [1], strides = [1]} : vector<16xf32> to vector<1xf32>
    %squeeze3A_21 = vector.extract %slice3A_20[0] : f32 from vector<1xf32>
    %slice3A_22 = vector.extract_strided_slice %get3A_17 {offsets = [2], sizes = [1], strides = [1]} : vector<16xf32> to vector<1xf32>
    %squeeze3A_23 = vector.extract %slice3A_22[0] : f32 from vector<1xf32>
    %slice3A_24 = vector.extract_strided_slice %get3A_17 {offsets = [3], sizes = [1], strides = [1]} : vector<16xf32> to vector<1xf32>
    %squeeze3A_25 = vector.extract %slice3A_24[0] : f32 from vector<1xf32>
    %slice3A_26 = vector.extract_strided_slice %get3A_17 {offsets = [4], sizes = [1], strides = [1]} : vector<16xf32> to vector<1xf32>
    %squeeze3A_27 = vector.extract %slice3A_26[0] : f32 from vector<1xf32>
    %slice3A_28 = vector.extract_strided_slice %get3A_17 {offsets = [5], sizes = [1], strides = [1]} : vector<16xf32> to vector<1xf32>
    %squeeze3A_29 = vector.extract %slice3A_28[0] : f32 from vector<1xf32>
    %slice3A_30 = vector.extract_strided_slice %get3A_17 {offsets = [6], sizes = [1], strides = [1]} : vector<16xf32> to vector<1xf32>
    %squeeze3A_31 = vector.extract %slice3A_30[0] : f32 from vector<1xf32>
    %slice3A_32 = vector.extract_strided_slice %get3A_17 {offsets = [7], sizes = [1], strides = [1]} : vector<16xf32> to vector<1xf32>
    %squeeze3A_33 = vector.extract %slice3A_32[0] : f32 from vector<1xf32>
    %slice3A_34 = vector.extract_strided_slice %get3A_17 {offsets = [8], sizes = [1], strides = [1]} : vector<16xf32> to vector<1xf32>
    %squeeze3A_35 = vector.extract %slice3A_34[0] : f32 from vector<1xf32>
    %slice3A_36 = vector.extract_strided_slice %get3A_17 {offsets = [9], sizes = [1], strides = [1]} : vector<16xf32> to vector<1xf32>
    %squeeze3A_37 = vector.extract %slice3A_36[0] : f32 from vector<1xf32>
    %slice3A_38 = vector.extract_strided_slice %get3A_17 {offsets = [10], sizes = [1], strides = [1]} : vector<16xf32> to vector<1xf32>
    %squeeze3A_39 = vector.extract %slice3A_38[0] : f32 from vector<1xf32>
    %slice3A_40 = vector.extract_strided_slice %get3A_17 {offsets = [11], sizes = [1], strides = [1]} : vector<16xf32> to vector<1xf32>
    %squeeze3A_41 = vector.extract %slice3A_40[0] : f32 from vector<1xf32>
    %add3A_42 = arith.constant 0 : i32
    %add3A_43 = vector.broadcast %add3A_42 : i32 to vector<16xi32>
    %add3A_44 = arith.addi %add3A_43, %iota3A : vector<16xi32>
    %gather3A = tpu.vector_load_idx %arg15[%add3A_44] : memref<32xi32, #tpu.memory_space<vmem>>[vector<16xi32>], vector<16xi32>,
    %add3A_45 = arith.constant 256 : i32
    %add3A_46 = vector.broadcast %add3A_45 : i32 to vector<16xi32>
    %add3A_47 = arith.addi %add3A_46, %gather3A : vector<16xi32>
    %shift_left3A = arith.constant 1 : i32
    %shift_left3A_48 = vector.broadcast %shift_left3A : i32 to vector<16xi32>
    %shift_left3A_49 = arith.shli %gather3A, %shift_left3A_48 : vector<16xi32>
    %add3A_50 = arith.addi %add3A_47, %shift_left3A_49 : vector<16xi32>
    %gather3A_51 = tpu.vector_load_idx %arg12[%add3A_50] : memref<352xf32, #tpu.memory_space<vmem>>[vector<16xi32>], vector<16xf32>,
    %add3A_52 = arith.constant 1 : i32
    %add3A_53 = vector.broadcast %add3A_52 : i32 to vector<16xi32>
    %add3A_54 = arith.addi %add3A_50, %add3A_53 : vector<16xi32>
    %gather3A_55 = tpu.vector_load_idx %arg12[%add3A_54] : memref<352xf32, #tpu.memory_space<vmem>>[vector<16xi32>], vector<16xf32>,
    %add3A_56 = arith.constant 2 : i32
    %add3A_57 = vector.broadcast %add3A_56 : i32 to vector<16xi32>
    %add3A_58 = arith.addi %add3A_50, %add3A_57 : vector<16xi32>
    %gather3A_59 = tpu.vector_load_idx %arg12[%add3A_58] : memref<352xf32, #tpu.memory_space<vmem>>[vector<16xi32>], vector<16xf32>,
    %mul3A_60 = vector.broadcast %squeeze3A_19 : f32 to vector<16xf32>
    %mul3A_61 = arith.mulf %mul3A_60, %gather3A_51 : vector<16xf32>
    %mul3A_62 = vector.broadcast %squeeze3A_21 : f32 to vector<16xf32>
    %mul3A_63 = arith.mulf %mul3A_62, %gather3A_55 : vector<16xf32>
    %add3A_64 = arith.addf %mul3A_61, %mul3A_63 : vector<16xf32>
    %mul3A_65 = vector.broadcast %squeeze3A_23 : f32 to vector<16xf32>
    %mul3A_66 = arith.mulf %mul3A_65, %gather3A_59 : vector<16xf32>
    %add3A_67 = arith.addf %add3A_64, %mul3A_66 : vector<16xf32>
    %add3A_68 = vector.broadcast %squeeze3A_25 : f32 to vector<16xf32>
    %add3A_69 = arith.addf %add3A_67, %add3A_68 : vector<16xf32>
    %mul3A_70 = vector.broadcast %squeeze3A_27 : f32 to vector<16xf32>
    %mul3A_71 = arith.mulf %mul3A_70, %gather3A_51 : vector<16xf32>
    %mul3A_72 = vector.broadcast %squeeze3A_29 : f32 to vector<16xf32>
    %mul3A_73 = arith.mulf %mul3A_72, %gather3A_55 : vector<16xf32>
    %add3A_74 = arith.addf %mul3A_71, %mul3A_73 : vector<16xf32>
    %mul3A_75 = vector.broadcast %squeeze3A_31 : f32 to vector<16xf32>
    %mul3A_76 = arith.mulf %mul3A_75, %gather3A_59 : vector<16xf32>
    %add3A_77 = arith.addf %add3A_74, %mul3A_76 : vector<16xf32>
    %add3A_78 = vector.broadcast %squeeze3A_33 : f32 to vector<16xf32>
    %add3A_79 = arith.addf %add3A_77, %add3A_78 : vector<16xf32>
    %mul3A_80 = vector.broadcast %squeeze3A_35 : f32 to vector<16xf32>
    %mul3A_81 = arith.mulf %mul3A_80, %gather3A_51 : vector<16xf32>
    %mul3A_82 = vector.broadcast %squeeze3A_37 : f32 to vector<16xf32>
    %mul3A_83 = arith.mulf %mul3A_82, %gather3A_55 : vector<16xf32>
    %add3A_84 = arith.addf %mul3A_81, %mul3A_83 : vector<16xf32>
    %mul3A_85 = vector.broadcast %squeeze3A_39 : f32 to vector<16xf32>
    %mul3A_86 = arith.mulf %mul3A_85, %gather3A_59 : vector<16xf32>
    %add3A_87 = arith.addf %add3A_84, %mul3A_86 : vector<16xf32>
    %add3A_88 = vector.broadcast %squeeze3A_41 : f32 to vector<16xf32>
    %add3A_89 = arith.addf %add3A_87, %add3A_88 : vector<16xf32>
    %div3A = arith.constant 1.000000e+00 : f32
    %div3A_90 = vector.broadcast %div3A : f32 to vector<16xf32>
    %div3A_91 = arith.divf %div3A_90, %add3A_89 : vector<16xf32>
    %mul3A_92 = arith.mulf %add3A_69, %div3A_91 : vector<16xf32>
    %mul3A_93 = arith.constant 3.200000e+02 : f32
    %mul3A_94 = vector.broadcast %mul3A_93 : f32 to vector<16xf32>
    %mul3A_95 = arith.mulf %mul3A_92, %mul3A_94 : vector<16xf32>
    %add3A_96 = arith.constant 3.200000e+02 : f32
    %add3A_97 = vector.broadcast %add3A_96 : f32 to vector<16xf32>
    %add3A_98 = arith.addf %mul3A_95, %add3A_97 : vector<16xf32>
    %mul3A_99 = arith.mulf %add3A_79, %div3A_91 : vector<16xf32>
    %mul3A_100 = arith.constant 3.200000e+02 : f32
    %mul3A_101 = vector.broadcast %mul3A_100 : f32 to vector<16xf32>
    %mul3A_102 = arith.mulf %mul3A_99, %mul3A_101 : vector<16xf32>
    %add3A_103 = arith.constant 2.400000e+02 : f32
    %add3A_104 = vector.broadcast %add3A_103 : f32 to vector<16xf32>
    %add3A_105 = arith.addf %mul3A_102, %add3A_104 : vector<16xf32>
    %swap3A = arith.constant 0 : index
    %swap3A_106 = tpu.vector_load %arg10[%swap3A] {strides = array<i32>} : memref<512xf32, #tpu.memory_space<vmem>>, vector<16xf32>,
    tpu.vector_store %arg10[%swap3A], %add3A_98 {strides = array<i32>} : memref<512xf32, #tpu.memory_space<vmem>>, vector<16xf32>,
    %swap3A_107 = arith.constant 0 : index
    %swap3A_108 = tpu.vector_load %arg11[%swap3A_107] {strides = array<i32>} : memref<512xf32, #tpu.memory_space<vmem>>, vector<16xf32>,
    tpu.vector_store %arg11[%swap3A_107], %add3A_105 {strides = array<i32>} : memref<512xf32, #tpu.memory_space<vmem>>, vector<16xf32>,
    %slice3A_109 = vector.extract_strided_slice %get3A_13 {offsets = [0], sizes = [1], strides = [1]} : vector<16xi32> to vector<1xi32>
    %squeeze3A_110 = vector.extract %slice3A_109[0] : i32 from vector<1xi32>
    %mul3A_111 = arith.constant 16 : i32
    %mul3A_112 = arith.muli %squeeze3A_110, %mul3A_111 : i32
    %get3A_113 = arith.index_cast %mul3A_112 : i32 to index
    %get3A_114 = tpu.vector_load %arg12[%get3A_113] {strides = array<i32>} : memref<352xf32, #tpu.memory_space<vmem>>, vector<16xf32>,
    %slice3A_115 = vector.extract_strided_slice %get3A_114 {offsets = [0], sizes = [1], strides = [1]} : vector<16xf32> to vector<1xf32>
    %squeeze3A_116 = vector.extract %slice3A_115[0] : f32 from vector<1xf32>
    %slice3A_117 = vector.extract_strided_slice %get3A_114 {offsets = [1], sizes = [1], strides = [1]} : vector<16xf32> to vector<1xf32>
    %squeeze3A_118 = vector.extract %slice3A_117[0] : f32 from vector<1xf32>
    %slice3A_119 = vector.extract_strided_slice %get3A_114 {offsets = [2], sizes = [1], strides = [1]} : vector<16xf32> to vector<1xf32>
    %squeeze3A_120 = vector.extract %slice3A_119[0] : f32 from vector<1xf32>
    %slice3A_121 = vector.extract_strided_slice %get3A_114 {offsets = [3], sizes = [1], strides = [1]} : vector<16xf32> to vector<1xf32>
    %squeeze3A_122 = vector.extract %slice3A_121[0] : f32 from vector<1xf32>
    %slice3A_123 = vector.extract_strided_slice %get3A_114 {offsets = [4], sizes = [1], strides = [1]} : vector<16xf32> to vector<1xf32>
    %squeeze3A_124 = vector.extract %slice3A_123[0] : f32 from vector<1xf32>
    %slice3A_125 = vector.extract_strided_slice %get3A_114 {offsets = [5], sizes = [1], strides = [1]} : vector<16xf32> to vector<1xf32>
    %squeeze3A_126 = vector.extract %slice3A_125[0] : f32 from vector<1xf32>
    %slice3A_127 = vector.extract_strided_slice %get3A_114 {offsets = [6], sizes = [1], strides = [1]} : vector<16xf32> to vector<1xf32>
    %squeeze3A_128 = vector.extract %slice3A_127[0] : f32 from vector<1xf32>
    %slice3A_129 = vector.extract_strided_slice %get3A_114 {offsets = [7], sizes = [1], strides = [1]} : vector<16xf32> to vector<1xf32>
    %squeeze3A_130 = vector.extract %slice3A_129[0] : f32 from vector<1xf32>
    %slice3A_131 = vector.extract_strided_slice %get3A_114 {offsets = [8], sizes = [1], strides = [1]} : vector<16xf32> to vector<1xf32>
    %squeeze3A_132 = vector.extract %slice3A_131[0] : f32 from vector<1xf32>
    %slice3A_133 = vector.extract_strided_slice %get3A_114 {offsets = [9], sizes = [1], strides = [1]} : vector<16xf32> to vector<1xf32>
    %squeeze3A_134 = vector.extract %slice3A_133[0] : f32 from vector<1xf32>
    %slice3A_135 = vector.extract_strided_slice %get3A_114 {offsets = [10], sizes = [1], strides = [1]} : vector<16xf32> to vector<1xf32>
    %squeeze3A_136 = vector.extract %slice3A_135[0] : f32 from vector<1xf32>
    %slice3A_137 = vector.extract_strided_slice %get3A_114 {offsets = [11], sizes = [1], strides = [1]} : vector<16xf32> to vector<1xf32>
    %squeeze3A_138 = vector.extract %slice3A_137[0] : f32 from vector<1xf32>
    %add3A_139 = arith.constant 16 : i32
    %add3A_140 = vector.broadcast %add3A_139 : i32 to vector<16xi32>
    %add3A_141 = arith.addi %add3A_140, %iota3A : vector<16xi32>
    %gather3A_142 = tpu.vector_load_idx %arg15[%add3A_141] : memref<32xi32, #tpu.memory_space<vmem>>[vector<16xi32>], vector<16xi32>,
    %add3A_143 = arith.constant 256 : i32
    %add3A_144 = vector.broadcast %add3A_143 : i32 to vector<16xi32>
    %add3A_145 = arith.addi %add3A_144, %gather3A_142 : vector<16xi32>
    %shift_left3A_146 = arith.constant 1 : i32
    %shift_left3A_147 = vector.broadcast %shift_left3A_146 : i32 to vector<16xi32>
    %shift_left3A_148 = arith.shli %gather3A_142, %shift_left3A_147 : vector<16xi32>
    %add3A_149 = arith.addi %add3A_145, %shift_left3A_148 : vector<16xi32>
    %gather3A_150 = tpu.vector_load_idx %arg12[%add3A_149] : memref<352xf32, #tpu.memory_space<vmem>>[vector<16xi32>], vector<16xf32>,
    %add3A_151 = arith.constant 1 : i32
    %add3A_152 = vector.broadcast %add3A_151 : i32 to vector<16xi32>
    %add3A_153 = arith.addi %add3A_149, %add3A_152 : vector<16xi32>
    %gather3A_154 = tpu.vector_load_idx %arg12[%add3A_153] : memref<352xf32, #tpu.memory_space<vmem>>[vector<16xi32>], vector<16xf32>,
    %add3A_155 = arith.constant 2 : i32
    %add3A_156 = vector.broadcast %add3A_155 : i32 to vector<16xi32>
    %add3A_157 = arith.addi %add3A_149, %add3A_156 : vector<16xi32>
    %gather3A_158 = tpu.vector_load_idx %arg12[%add3A_157] : memref<352xf32, #tpu.memory_space<vmem>>[vector<16xi32>], vector<16xf32>,
    %mul3A_159 = vector.broadcast %squeeze3A_116 : f32 to vector<16xf32>
    %mul3A_160 = arith.mulf %mul3A_159, %gather3A_150 : vector<16xf32>
    %mul3A_161 = vector.broadcast %squeeze3A_118 : f32 to vector<16xf32>
    %mul3A_162 = arith.mulf %mul3A_161, %gather3A_154 : vector<16xf32>
    %add3A_163 = arith.addf %mul3A_160, %mul3A_162 : vector<16xf32>
    %mul3A_164 = vector.broadcast %squeeze3A_120 : f32 to vector<16xf32>
    %mul3A_165 = arith.mulf %mul3A_164, %gather3A_158 : vector<16xf32>
    %add3A_166 = arith.addf %add3A_163, %mul3A_165 : vector<16xf32>
    %add3A_167 = vector.broadcast %squeeze3A_122 : f32 to vector<16xf32>
    %add3A_168 = arith.addf %add3A_166, %add3A_167 : vector<16xf32>
    %mul3A_169 = vector.broadcast %squeeze3A_124 : f32 to vector<16xf32>
    %mul3A_170 = arith.mulf %mul3A_169, %gather3A_150 : vector<16xf32>
    %mul3A_171 = vector.broadcast %squeeze3A_126 : f32 to vector<16xf32>
    %mul3A_172 = arith.mulf %mul3A_171, %gather3A_154 : vector<16xf32>
    %add3A_173 = arith.addf %mul3A_170, %mul3A_172 : vector<16xf32>
    %mul3A_174 = vector.broadcast %squeeze3A_128 : f32 to vector<16xf32>
    %mul3A_175 = arith.mulf %mul3A_174, %gather3A_158 : vector<16xf32>
    %add3A_176 = arith.addf %add3A_173, %mul3A_175 : vector<16xf32>
    %add3A_177 = vector.broadcast %squeeze3A_130 : f32 to vector<16xf32>
    %add3A_178 = arith.addf %add3A_176, %add3A_177 : vector<16xf32>
    %mul3A_179 = vector.broadcast %squeeze3A_132 : f32 to vector<16xf32>
    %mul3A_180 = arith.mulf %mul3A_179, %gather3A_150 : vector<16xf32>
    %mul3A_181 = vector.broadcast %squeeze3A_134 : f32 to vector<16xf32>
    %mul3A_182 = arith.mulf %mul3A_181, %gather3A_154 : vector<16xf32>
    %add3A_183 = arith.addf %mul3A_180, %mul3A_182 : vector<16xf32>
    %mul3A_184 = vector.broadcast %squeeze3A_136 : f32 to vector<16xf32>
    %mul3A_185 = arith.mulf %mul3A_184, %gather3A_158 : vector<16xf32>
    %add3A_186 = arith.addf %add3A_183, %mul3A_185 : vector<16xf32>
    %add3A_187 = vector.broadcast %squeeze3A_138 : f32 to vector<16xf32>
    %add3A_188 = arith.addf %add3A_186, %add3A_187 : vector<16xf32>
    %div3A_189 = arith.constant 1.000000e+00 : f32
    %div3A_190 = vector.broadcast %div3A_189 : f32 to vector<16xf32>
    %div3A_191 = arith.divf %div3A_190, %add3A_188 : vector<16xf32>
    %mul3A_192 = arith.mulf %add3A_168, %div3A_191 : vector<16xf32>
    %mul3A_193 = arith.constant 3.200000e+02 : f32
    %mul3A_194 = vector.broadcast %mul3A_193 : f32 to vector<16xf32>
    %mul3A_195 = arith.mulf %mul3A_192, %mul3A_194 : vector<16xf32>
    %add3A_196 = arith.constant 3.200000e+02 : f32
    %add3A_197 = vector.broadcast %add3A_196 : f32 to vector<16xf32>
    %add3A_198 = arith.addf %mul3A_195, %add3A_197 : vector<16xf32>
    %mul3A_199 = arith.mulf %add3A_178, %div3A_191 : vector<16xf32>
    %mul3A_200 = arith.constant 3.200000e+02 : f32
    %mul3A_201 = vector.broadcast %mul3A_200 : f32 to vector<16xf32>
    %mul3A_202 = arith.mulf %mul3A_199, %mul3A_201 : vector<16xf32>
    %add3A_203 = arith.constant 2.400000e+02 : f32
    %add3A_204 = vector.broadcast %add3A_203 : f32 to vector<16xf32>
    %add3A_205 = arith.addf %mul3A_202, %add3A_204 : vector<16xf32>
    %swap3A_206 = arith.constant 16 : index
    %swap3A_207 = tpu.vector_load %arg10[%swap3A_206] {strides = array<i32>} : memref<512xf32, #tpu.memory_space<vmem>>, vector<16xf32>,
    tpu.vector_store %arg10[%swap3A_206], %add3A_198 {strides = array<i32>} : memref<512xf32, #tpu.memory_space<vmem>>, vector<16xf32>,
    %swap3A_208 = arith.constant 16 : index
    %swap3A_209 = tpu.vector_load %arg11[%swap3A_208] {strides = array<i32>} : memref<512xf32, #tpu.memory_space<vmem>>, vector<16xf32>,
    tpu.vector_store %arg11[%swap3A_208], %add3A_205 {strides = array<i32>} : memref<512xf32, #tpu.memory_space<vmem>>, vector<16xf32>,
    %slice3A_210 = vector.extract_strided_slice %get3A_13 {offsets = [1], sizes = [1], strides = [1]} : vector<16xi32> to vector<1xi32>
    %squeeze3A_211 = vector.extract %slice3A_210[0] : i32 from vector<1xi32>
    %mul3A_212 = arith.constant 16 : i32
    %mul3A_213 = arith.muli %squeeze3A_211, %mul3A_212 : i32
    %get3A_214 = arith.index_cast %mul3A_213 : i32 to index
    %get3A_215 = tpu.vector_load %arg12[%get3A_214] {strides = array<i32>} : memref<352xf32, #tpu.memory_space<vmem>>, vector<16xf32>,
    %slice3A_216 = vector.extract_strided_slice %get3A_215 {offsets = [0], sizes = [1], strides = [1]} : vector<16xf32> to vector<1xf32>
    %squeeze3A_217 = vector.extract %slice3A_216[0] : f32 from vector<1xf32>
    %slice3A_218 = vector.extract_strided_slice %get3A_215 {offsets = [1], sizes = [1], strides = [1]} : vector<16xf32> to vector<1xf32>
    %squeeze3A_219 = vector.extract %slice3A_218[0] : f32 from vector<1xf32>
    %slice3A_220 = vector.extract_strided_slice %get3A_215 {offsets = [2], sizes = [1], strides = [1]} : vector<16xf32> to vector<1xf32>
    %squeeze3A_221 = vector.extract %slice3A_220[0] : f32 from vector<1xf32>
    %slice3A_222 = vector.extract_strided_slice %get3A_215 {offsets = [3], sizes = [1], strides = [1]} : vector<16xf32> to vector<1xf32>
    %squeeze3A_223 = vector.extract %slice3A_222[0] : f32 from vector<1xf32>
    %slice3A_224 = vector.extract_strided_slice %get3A_215 {offsets = [4], sizes = [1], strides = [1]} : vector<16xf32> to vector<1xf32>
    %squeeze3A_225 = vector.extract %slice3A_224[0] : f32 from vector<1xf32>
    %slice3A_226 = vector.extract_strided_slice %get3A_215 {offsets = [5], sizes = [1], strides = [1]} : vector<16xf32> to vector<1xf32>
    %squeeze3A_227 = vector.extract %slice3A_226[0] : f32 from vector<1xf32>
    %slice3A_228 = vector.extract_strided_slice %get3A_215 {offsets = [6], sizes = [1], strides = [1]} : vector<16xf32> to vector<1xf32>
    %squeeze3A_229 = vector.extract %slice3A_228[0] : f32 from vector<1xf32>
    %slice3A_230 = vector.extract_strided_slice %get3A_215 {offsets = [7], sizes = [1], strides = [1]} : vector<16xf32> to vector<1xf32>
    %squeeze3A_231 = vector.extract %slice3A_230[0] : f32 from vector<1xf32>
    %slice3A_232 = vector.extract_strided_slice %get3A_215 {offsets = [8], sizes = [1], strides = [1]} : vector<16xf32> to vector<1xf32>
    %squeeze3A_233 = vector.extract %slice3A_232[0] : f32 from vector<1xf32>
    %slice3A_234 = vector.extract_strided_slice %get3A_215 {offsets = [9], sizes = [1], strides = [1]} : vector<16xf32> to vector<1xf32>
    %squeeze3A_235 = vector.extract %slice3A_234[0] : f32 from vector<1xf32>
    %slice3A_236 = vector.extract_strided_slice %get3A_215 {offsets = [10], sizes = [1], strides = [1]} : vector<16xf32> to vector<1xf32>
    %squeeze3A_237 = vector.extract %slice3A_236[0] : f32 from vector<1xf32>
    %slice3A_238 = vector.extract_strided_slice %get3A_215 {offsets = [11], sizes = [1], strides = [1]} : vector<16xf32> to vector<1xf32>
    %squeeze3A_239 = vector.extract %slice3A_238[0] : f32 from vector<1xf32>
    %add3A_240 = arith.constant 0 : i32
    %add3A_241 = vector.broadcast %add3A_240 : i32 to vector<16xi32>
    %add3A_242 = arith.addi %add3A_241, %iota3A : vector<16xi32>
    %gather3A_243 = tpu.vector_load_idx %arg15[%add3A_242] : memref<32xi32, #tpu.memory_space<vmem>>[vector<16xi32>], vector<16xi32>,
    %add3A_244 = arith.constant 256 : i32
    %add3A_245 = vector.broadcast %add3A_244 : i32 to vector<16xi32>
    %add3A_246 = arith.addi %add3A_245, %gather3A_243 : vector<16xi32>
    %shift_left3A_247 = arith.constant 1 : i32
    %shift_left3A_248 = vector.broadcast %shift_left3A_247 : i32 to vector<16xi32>
    %shift_left3A_249 = arith.shli %gather3A_243, %shift_left3A_248 : vector<16xi32>
    %add3A_250 = arith.addi %add3A_246, %shift_left3A_249 : vector<16xi32>
    %gather3A_251 = tpu.vector_load_idx %arg12[%add3A_250] : memref<352xf32, #tpu.memory_space<vmem>>[vector<16xi32>], vector<16xf32>,
    %add3A_252 = arith.constant 1 : i32
    %add3A_253 = vector.broadcast %add3A_252 : i32 to vector<16xi32>
    %add3A_254 = arith.addi %add3A_250, %add3A_253 : vector<16xi32>
    %gather3A_255 = tpu.vector_load_idx %arg12[%add3A_254] : memref<352xf32, #tpu.memory_space<vmem>>[vector<16xi32>], vector<16xf32>,
    %add3A_256 = arith.constant 2 : i32
    %add3A_257 = vector.broadcast %add3A_256 : i32 to vector<16xi32>
    %add3A_258 = arith.addi %add3A_250, %add3A_257 : vector<16xi32>
    %gather3A_259 = tpu.vector_load_idx %arg12[%add3A_258] : memref<352xf32, #tpu.memory_space<vmem>>[vector<16xi32>], vector<16xf32>,
    %mul3A_260 = vector.broadcast %squeeze3A_217 : f32 to vector<16xf32>
    %mul3A_261 = arith.mulf %mul3A_260, %gather3A_251 : vector<16xf32>
    %mul3A_262 = vector.broadcast %squeeze3A_219 : f32 to vector<16xf32>
    %mul3A_263 = arith.mulf %mul3A_262, %gather3A_255 : vector<16xf32>
    %add3A_264 = arith.addf %mul3A_261, %mul3A_263 : vector<16xf32>
    %mul3A_265 = vector.broadcast %squeeze3A_221 : f32 to vector<16xf32>
    %mul3A_266 = arith.mulf %mul3A_265, %gather3A_259 : vector<16xf32>
    %add3A_267 = arith.addf %add3A_264, %mul3A_266 : vector<16xf32>
    %add3A_268 = vector.broadcast %squeeze3A_223 : f32 to vector<16xf32>
    %add3A_269 = arith.addf %add3A_267, %add3A_268 : vector<16xf32>
    %mul3A_270 = vector.broadcast %squeeze3A_225 : f32 to vector<16xf32>
    %mul3A_271 = arith.mulf %mul3A_270, %gather3A_251 : vector<16xf32>
    %mul3A_272 = vector.broadcast %squeeze3A_227 : f32 to vector<16xf32>
    %mul3A_273 = arith.mulf %mul3A_272, %gather3A_255 : vector<16xf32>
    %add3A_274 = arith.addf %mul3A_271, %mul3A_273 : vector<16xf32>
    %mul3A_275 = vector.broadcast %squeeze3A_229 : f32 to vector<16xf32>
    %mul3A_276 = arith.mulf %mul3A_275, %gather3A_259 : vector<16xf32>
    %add3A_277 = arith.addf %add3A_274, %mul3A_276 : vector<16xf32>
    %add3A_278 = vector.broadcast %squeeze3A_231 : f32 to vector<16xf32>
    %add3A_279 = arith.addf %add3A_277, %add3A_278 : vector<16xf32>
    %mul3A_280 = vector.broadcast %squeeze3A_233 : f32 to vector<16xf32>
    %mul3A_281 = arith.mulf %mul3A_280, %gather3A_251 : vector<16xf32>
    %mul3A_282 = vector.broadcast %squeeze3A_235 : f32 to vector<16xf32>
    %mul3A_283 = arith.mulf %mul3A_282, %gather3A_255 : vector<16xf32>
    %add3A_284 = arith.addf %mul3A_281, %mul3A_283 : vector<16xf32>
    %mul3A_285 = vector.broadcast %squeeze3A_237 : f32 to vector<16xf32>
    %mul3A_286 = arith.mulf %mul3A_285, %gather3A_259 : vector<16xf32>
    %add3A_287 = arith.addf %add3A_284, %mul3A_286 : vector<16xf32>
    %add3A_288 = vector.broadcast %squeeze3A_239 : f32 to vector<16xf32>
    %add3A_289 = arith.addf %add3A_287, %add3A_288 : vector<16xf32>
    %div3A_290 = arith.constant 1.000000e+00 : f32
    %div3A_291 = vector.broadcast %div3A_290 : f32 to vector<16xf32>
    %div3A_292 = arith.divf %div3A_291, %add3A_289 : vector<16xf32>
    %mul3A_293 = arith.mulf %add3A_269, %div3A_292 : vector<16xf32>
    %mul3A_294 = arith.constant 3.200000e+02 : f32
    %mul3A_295 = vector.broadcast %mul3A_294 : f32 to vector<16xf32>
    %mul3A_296 = arith.mulf %mul3A_293, %mul3A_295 : vector<16xf32>
    %add3A_297 = arith.constant 3.200000e+02 : f32
    %add3A_298 = vector.broadcast %add3A_297 : f32 to vector<16xf32>
    %add3A_299 = arith.addf %mul3A_296, %add3A_298 : vector<16xf32>
    %mul3A_300 = arith.mulf %add3A_279, %div3A_292 : vector<16xf32>
    %mul3A_301 = arith.constant 3.200000e+02 : f32
    %mul3A_302 = vector.broadcast %mul3A_301 : f32 to vector<16xf32>
    %mul3A_303 = arith.mulf %mul3A_300, %mul3A_302 : vector<16xf32>
    %add3A_304 = arith.constant 2.400000e+02 : f32
    %add3A_305 = vector.broadcast %add3A_304 : f32 to vector<16xf32>
    %add3A_306 = arith.addf %mul3A_303, %add3A_305 : vector<16xf32>
    %swap3A_307 = arith.constant 32 : index
    %swap3A_308 = tpu.vector_load %arg10[%swap3A_307] {strides = array<i32>} : memref<512xf32, #tpu.memory_space<vmem>>, vector<16xf32>,
    tpu.vector_store %arg10[%swap3A_307], %add3A_299 {strides = array<i32>} : memref<512xf32, #tpu.memory_space<vmem>>, vector<16xf32>,
    %swap3A_309 = arith.constant 32 : index
    %swap3A_310 = tpu.vector_load %arg11[%swap3A_309] {strides = array<i32>} : memref<512xf32, #tpu.memory_space<vmem>>, vector<16xf32>,
    tpu.vector_store %arg11[%swap3A_309], %add3A_306 {strides = array<i32>} : memref<512xf32, #tpu.memory_space<vmem>>, vector<16xf32>,
    %slice3A_311 = vector.extract_strided_slice %get3A_13 {offsets = [1], sizes = [1], strides = [1]} : vector<16xi32> to vector<1xi32>
    %squeeze3A_312 = vector.extract %slice3A_311[0] : i32 from vector<1xi32>
    %mul3A_313 = arith.constant 16 : i32
    %mul3A_314 = arith.muli %squeeze3A_312, %mul3A_313 : i32
    %get3A_315 = arith.index_cast %mul3A_314 : i32 to index
    %get3A_316 = tpu.vector_load %arg12[%get3A_315] {strides = array<i32>} : memref<352xf32, #tpu.memory_space<vmem>>, vector<16xf32>,
    %slice3A_317 = vector.extract_strided_slice %get3A_316 {offsets = [0], sizes = [1], strides = [1]} : vector<16xf32> to vector<1xf32>
    %squeeze3A_318 = vector.extract %slice3A_317[0] : f32 from vector<1xf32>
    %slice3A_319 = vector.extract_strided_slice %get3A_316 {offsets = [1], sizes = [1], strides = [1]} : vector<16xf32> to vector<1xf32>
    %squeeze3A_320 = vector.extract %slice3A_319[0] : f32 from vector<1xf32>
    %slice3A_321 = vector.extract_strided_slice %get3A_316 {offsets = [2], sizes = [1], strides = [1]} : vector<16xf32> to vector<1xf32>
    %squeeze3A_322 = vector.extract %slice3A_321[0] : f32 from vector<1xf32>
    %slice3A_323 = vector.extract_strided_slice %get3A_316 {offsets = [3], sizes = [1], strides = [1]} : vector<16xf32> to vector<1xf32>
    %squeeze3A_324 = vector.extract %slice3A_323[0] : f32 from vector<1xf32>
    %slice3A_325 = vector.extract_strided_slice %get3A_316 {offsets = [4], sizes = [1], strides = [1]} : vector<16xf32> to vector<1xf32>
    %squeeze3A_326 = vector.extract %slice3A_325[0] : f32 from vector<1xf32>
    %slice3A_327 = vector.extract_strided_slice %get3A_316 {offsets = [5], sizes = [1], strides = [1]} : vector<16xf32> to vector<1xf32>
    %squeeze3A_328 = vector.extract %slice3A_327[0] : f32 from vector<1xf32>
    %slice3A_329 = vector.extract_strided_slice %get3A_316 {offsets = [6], sizes = [1], strides = [1]} : vector<16xf32> to vector<1xf32>
    %squeeze3A_330 = vector.extract %slice3A_329[0] : f32 from vector<1xf32>
    %slice3A_331 = vector.extract_strided_slice %get3A_316 {offsets = [7], sizes = [1], strides = [1]} : vector<16xf32> to vector<1xf32>
    %squeeze3A_332 = vector.extract %slice3A_331[0] : f32 from vector<1xf32>
    %slice3A_333 = vector.extract_strided_slice %get3A_316 {offsets = [8], sizes = [1], strides = [1]} : vector<16xf32> to vector<1xf32>
    %squeeze3A_334 = vector.extract %slice3A_333[0] : f32 from vector<1xf32>
    %slice3A_335 = vector.extract_strided_slice %get3A_316 {offsets = [9], sizes = [1], strides = [1]} : vector<16xf32> to vector<1xf32>
    %squeeze3A_336 = vector.extract %slice3A_335[0] : f32 from vector<1xf32>
    %slice3A_337 = vector.extract_strided_slice %get3A_316 {offsets = [10], sizes = [1], strides = [1]} : vector<16xf32> to vector<1xf32>
    %squeeze3A_338 = vector.extract %slice3A_337[0] : f32 from vector<1xf32>
    %slice3A_339 = vector.extract_strided_slice %get3A_316 {offsets = [11], sizes = [1], strides = [1]} : vector<16xf32> to vector<1xf32>
    %squeeze3A_340 = vector.extract %slice3A_339[0] : f32 from vector<1xf32>
    %add3A_341 = arith.constant 16 : i32
    %add3A_342 = vector.broadcast %add3A_341 : i32 to vector<16xi32>
    %add3A_343 = arith.addi %add3A_342, %iota3A : vector<16xi32>
    %gather3A_344 = tpu.vector_load_idx %arg15[%add3A_343] : memref<32xi32, #tpu.memory_space<vmem>>[vector<16xi32>], vector<16xi32>,
    %add3A_345 = arith.constant 256 : i32
    %add3A_346 = vector.broadcast %add3A_345 : i32 to vector<16xi32>
    %add3A_347 = arith.addi %add3A_346, %gather3A_344 : vector<16xi32>
    %shift_left3A_348 = arith.constant 1 : i32
    %shift_left3A_349 = vector.broadcast %shift_left3A_348 : i32 to vector<16xi32>
    %shift_left3A_350 = arith.shli %gather3A_344, %shift_left3A_349 : vector<16xi32>
    %add3A_351 = arith.addi %add3A_347, %shift_left3A_350 : vector<16xi32>
    %gather3A_352 = tpu.vector_load_idx %arg12[%add3A_351] : memref<352xf32, #tpu.memory_space<vmem>>[vector<16xi32>], vector<16xf32>,
    %add3A_353 = arith.constant 1 : i32
    %add3A_354 = vector.broadcast %add3A_353 : i32 to vector<16xi32>
    %add3A_355 = arith.addi %add3A_351, %add3A_354 : vector<16xi32>
    %gather3A_356 = tpu.vector_load_idx %arg12[%add3A_355] : memref<352xf32, #tpu.memory_space<vmem>>[vector<16xi32>], vector<16xf32>,
    %add3A_357 = arith.constant 2 : i32
    %add3A_358 = vector.broadcast %add3A_357 : i32 to vector<16xi32>
    %add3A_359 = arith.addi %add3A_351, %add3A_358 : vector<16xi32>
    %gather3A_360 = tpu.vector_load_idx %arg12[%add3A_359] : memref<352xf32, #tpu.memory_space<vmem>>[vector<16xi32>], vector<16xf32>,
    %mul3A_361 = vector.broadcast %squeeze3A_318 : f32 to vector<16xf32>
    %mul3A_362 = arith.mulf %mul3A_361, %gather3A_352 : vector<16xf32>
    %mul3A_363 = vector.broadcast %squeeze3A_320 : f32 to vector<16xf32>
    %mul3A_364 = arith.mulf %mul3A_363, %gather3A_356 : vector<16xf32>
    %add3A_365 = arith.addf %mul3A_362, %mul3A_364 : vector<16xf32>
    %mul3A_366 = vector.broadcast %squeeze3A_322 : f32 to vector<16xf32>
    %mul3A_367 = arith.mulf %mul3A_366, %gather3A_360 : vector<16xf32>
    %add3A_368 = arith.addf %add3A_365, %mul3A_367 : vector<16xf32>
    %add3A_369 = vector.broadcast %squeeze3A_324 : f32 to vector<16xf32>
    %add3A_370 = arith.addf %add3A_368, %add3A_369 : vector<16xf32>
    %mul3A_371 = vector.broadcast %squeeze3A_326 : f32 to vector<16xf32>
    %mul3A_372 = arith.mulf %mul3A_371, %gather3A_352 : vector<16xf32>
    %mul3A_373 = vector.broadcast %squeeze3A_328 : f32 to vector<16xf32>
    %mul3A_374 = arith.mulf %mul3A_373, %gather3A_356 : vector<16xf32>
    %add3A_375 = arith.addf %mul3A_372, %mul3A_374 : vector<16xf32>
    %mul3A_376 = vector.broadcast %squeeze3A_330 : f32 to vector<16xf32>
    %mul3A_377 = arith.mulf %mul3A_376, %gather3A_360 : vector<16xf32>
    %add3A_378 = arith.addf %add3A_375, %mul3A_377 : vector<16xf32>
    %add3A_379 = vector.broadcast %squeeze3A_332 : f32 to vector<16xf32>
    %add3A_380 = arith.addf %add3A_378, %add3A_379 : vector<16xf32>
    %mul3A_381 = vector.broadcast %squeeze3A_334 : f32 to vector<16xf32>
    %mul3A_382 = arith.mulf %mul3A_381, %gather3A_352 : vector<16xf32>
    %mul3A_383 = vector.broadcast %squeeze3A_336 : f32 to vector<16xf32>
    %mul3A_384 = arith.mulf %mul3A_383, %gather3A_356 : vector<16xf32>
    %add3A_385 = arith.addf %mul3A_382, %mul3A_384 : vector<16xf32>
    %mul3A_386 = vector.broadcast %squeeze3A_338 : f32 to vector<16xf32>
    %mul3A_387 = arith.mulf %mul3A_386, %gather3A_360 : vector<16xf32>
    %add3A_388 = arith.addf %add3A_385, %mul3A_387 : vector<16xf32>
    %add3A_389 = vector.broadcast %squeeze3A_340 : f32 to vector<16xf32>
    %add3A_390 = arith.addf %add3A_388, %add3A_389 : vector<16xf32>
    %div3A_391 = arith.constant 1.000000e+00 : f32
    %div3A_392 = vector.broadcast %div3A_391 : f32 to vector<16xf32>
    %div3A_393 = arith.divf %div3A_392, %add3A_390 : vector<16xf32>
    %mul3A_394 = arith.mulf %add3A_370, %div3A_393 : vector<16xf32>
    %mul3A_395 = arith.constant 3.200000e+02 : f32
    %mul3A_396 = vector.broadcast %mul3A_395 : f32 to vector<16xf32>
    %mul3A_397 = arith.mulf %mul3A_394, %mul3A_396 : vector<16xf32>
    %add3A_398 = arith.constant 3.200000e+02 : f32
    %add3A_399 = vector.broadcast %add3A_398 : f32 to vector<16xf32>
    %add3A_400 = arith.addf %mul3A_397, %add3A_399 : vector<16xf32>
    %mul3A_401 = arith.mulf %add3A_380, %div3A_393 : vector<16xf32>
    %mul3A_402 = arith.constant 3.200000e+02 : f32
    %mul3A_403 = vector.broadcast %mul3A_402 : f32 to vector<16xf32>
    %mul3A_404 = arith.mulf %mul3A_401, %mul3A_403 : vector<16xf32>
    %add3A_405 = arith.constant 2.400000e+02 : f32
    %add3A_406 = vector.broadcast %add3A_405 : f32 to vector<16xf32>
    %add3A_407 = arith.addf %mul3A_404, %add3A_406 : vector<16xf32>
    %swap3A_408 = arith.constant 48 : index
    %swap3A_409 = tpu.vector_load %arg10[%swap3A_408] {strides = array<i32>} : memref<512xf32, #tpu.memory_space<vmem>>, vector<16xf32>,
    tpu.vector_store %arg10[%swap3A_408], %add3A_400 {strides = array<i32>} : memref<512xf32, #tpu.memory_space<vmem>>, vector<16xf32>,
    %swap3A_410 = arith.constant 48 : index
    %swap3A_411 = tpu.vector_load %arg11[%swap3A_410] {strides = array<i32>} : memref<512xf32, #tpu.memory_space<vmem>>, vector<16xf32>,
    tpu.vector_store %arg11[%swap3A_410], %add3A_407 {strides = array<i32>} : memref<512xf32, #tpu.memory_space<vmem>>, vector<16xf32>,
    %slice3A_412 = vector.extract_strided_slice %get3A_13 {offsets = [2], sizes = [1], strides = [1]} : vector<16xi32> to vector<1xi32>
    %squeeze3A_413 = vector.extract %slice3A_412[0] : i32 from vector<1xi32>
    %mul3A_414 = arith.constant 16 : i32
    %mul3A_415 = arith.muli %squeeze3A_413, %mul3A_414 : i32
    %get3A_416 = arith.index_cast %mul3A_415 : i32 to index
    %get3A_417 = tpu.vector_load %arg12[%get3A_416] {strides = array<i32>} : memref<352xf32, #tpu.memory_space<vmem>>, vector<16xf32>,
    %slice3A_418 = vector.extract_strided_slice %get3A_417 {offsets = [0], sizes = [1], strides = [1]} : vector<16xf32> to vector<1xf32>
    %squeeze3A_419 = vector.extract %slice3A_418[0] : f32 from vector<1xf32>
    %slice3A_420 = vector.extract_strided_slice %get3A_417 {offsets = [1], sizes = [1], strides = [1]} : vector<16xf32> to vector<1xf32>
    %squeeze3A_421 = vector.extract %slice3A_420[0] : f32 from vector<1xf32>
    %slice3A_422 = vector.extract_strided_slice %get3A_417 {offsets = [2], sizes = [1], strides = [1]} : vector<16xf32> to vector<1xf32>
    %squeeze3A_423 = vector.extract %slice3A_422[0] : f32 from vector<1xf32>
    %slice3A_424 = vector.extract_strided_slice %get3A_417 {offsets = [3], sizes = [1], strides = [1]} : vector<16xf32> to vector<1xf32>
    %squeeze3A_425 = vector.extract %slice3A_424[0] : f32 from vector<1xf32>
    %slice3A_426 = vector.extract_strided_slice %get3A_417 {offsets = [4], sizes = [1], strides = [1]} : vector<16xf32> to vector<1xf32>
    %squeeze3A_427 = vector.extract %slice3A_426[0] : f32 from vector<1xf32>
    %slice3A_428 = vector.extract_strided_slice %get3A_417 {offsets = [5], sizes = [1], strides = [1]} : vector<16xf32> to vector<1xf32>
    %squeeze3A_429 = vector.extract %slice3A_428[0] : f32 from vector<1xf32>
    %slice3A_430 = vector.extract_strided_slice %get3A_417 {offsets = [6], sizes = [1], strides = [1]} : vector<16xf32> to vector<1xf32>
    %squeeze3A_431 = vector.extract %slice3A_430[0] : f32 from vector<1xf32>
    %slice3A_432 = vector.extract_strided_slice %get3A_417 {offsets = [7], sizes = [1], strides = [1]} : vector<16xf32> to vector<1xf32>
    %squeeze3A_433 = vector.extract %slice3A_432[0] : f32 from vector<1xf32>
    %slice3A_434 = vector.extract_strided_slice %get3A_417 {offsets = [8], sizes = [1], strides = [1]} : vector<16xf32> to vector<1xf32>
    %squeeze3A_435 = vector.extract %slice3A_434[0] : f32 from vector<1xf32>
    %slice3A_436 = vector.extract_strided_slice %get3A_417 {offsets = [9], sizes = [1], strides = [1]} : vector<16xf32> to vector<1xf32>
    %squeeze3A_437 = vector.extract %slice3A_436[0] : f32 from vector<1xf32>
    %slice3A_438 = vector.extract_strided_slice %get3A_417 {offsets = [10], sizes = [1], strides = [1]} : vector<16xf32> to vector<1xf32>
    %squeeze3A_439 = vector.extract %slice3A_438[0] : f32 from vector<1xf32>
    %slice3A_440 = vector.extract_strided_slice %get3A_417 {offsets = [11], sizes = [1], strides = [1]} : vector<16xf32> to vector<1xf32>
    %squeeze3A_441 = vector.extract %slice3A_440[0] : f32 from vector<1xf32>
    %add3A_442 = arith.constant 0 : i32
    %add3A_443 = vector.broadcast %add3A_442 : i32 to vector<16xi32>
    %add3A_444 = arith.addi %add3A_443, %iota3A : vector<16xi32>
    %gather3A_445 = tpu.vector_load_idx %arg15[%add3A_444] : memref<32xi32, #tpu.memory_space<vmem>>[vector<16xi32>], vector<16xi32>,
    %add3A_446 = arith.constant 256 : i32
    %add3A_447 = vector.broadcast %add3A_446 : i32 to vector<16xi32>
    %add3A_448 = arith.addi %add3A_447, %gather3A_445 : vector<16xi32>
    %shift_left3A_449 = arith.constant 1 : i32
    %shift_left3A_450 = vector.broadcast %shift_left3A_449 : i32 to vector<16xi32>
    %shift_left3A_451 = arith.shli %gather3A_445, %shift_left3A_450 : vector<16xi32>
    %add3A_452 = arith.addi %add3A_448, %shift_left3A_451 : vector<16xi32>
    %gather3A_453 = tpu.vector_load_idx %arg12[%add3A_452] : memref<352xf32, #tpu.memory_space<vmem>>[vector<16xi32>], vector<16xf32>,
    %add3A_454 = arith.constant 1 : i32
    %add3A_455 = vector.broadcast %add3A_454 : i32 to vector<16xi32>
    %add3A_456 = arith.addi %add3A_452, %add3A_455 : vector<16xi32>
    %gather3A_457 = tpu.vector_load_idx %arg12[%add3A_456] : memref<352xf32, #tpu.memory_space<vmem>>[vector<16xi32>], vector<16xf32>,
    %add3A_458 = arith.constant 2 : i32
    %add3A_459 = vector.broadcast %add3A_458 : i32 to vector<16xi32>
    %add3A_460 = arith.addi %add3A_452, %add3A_459 : vector<16xi32>
    %gather3A_461 = tpu.vector_load_idx %arg12[%add3A_460] : memref<352xf32, #tpu.memory_space<vmem>>[vector<16xi32>], vector<16xf32>,
    %mul3A_462 = vector.broadcast %squeeze3A_419 : f32 to vector<16xf32>
    %mul3A_463 = arith.mulf %mul3A_462, %gather3A_453 : vector<16xf32>
    %mul3A_464 = vector.broadcast %squeeze3A_421 : f32 to vector<16xf32>
    %mul3A_465 = arith.mulf %mul3A_464, %gather3A_457 : vector<16xf32>
    %add3A_466 = arith.addf %mul3A_463, %mul3A_465 : vector<16xf32>
    %mul3A_467 = vector.broadcast %squeeze3A_423 : f32 to vector<16xf32>
    %mul3A_468 = arith.mulf %mul3A_467, %gather3A_461 : vector<16xf32>
    %add3A_469 = arith.addf %add3A_466, %mul3A_468 : vector<16xf32>
    %add3A_470 = vector.broadcast %squeeze3A_425 : f32 to vector<16xf32>
    %add3A_471 = arith.addf %add3A_469, %add3A_470 : vector<16xf32>
    %mul3A_472 = vector.broadcast %squeeze3A_427 : f32 to vector<16xf32>
    %mul3A_473 = arith.mulf %mul3A_472, %gather3A_453 : vector<16xf32>
    %mul3A_474 = vector.broadcast %squeeze3A_429 : f32 to vector<16xf32>
    %mul3A_475 = arith.mulf %mul3A_474, %gather3A_457 : vector<16xf32>
    %add3A_476 = arith.addf %mul3A_473, %mul3A_475 : vector<16xf32>
    %mul3A_477 = vector.broadcast %squeeze3A_431 : f32 to vector<16xf32>
    %mul3A_478 = arith.mulf %mul3A_477, %gather3A_461 : vector<16xf32>
    %add3A_479 = arith.addf %add3A_476, %mul3A_478 : vector<16xf32>
    %add3A_480 = vector.broadcast %squeeze3A_433 : f32 to vector<16xf32>
    %add3A_481 = arith.addf %add3A_479, %add3A_480 : vector<16xf32>
    %mul3A_482 = vector.broadcast %squeeze3A_435 : f32 to vector<16xf32>
    %mul3A_483 = arith.mulf %mul3A_482, %gather3A_453 : vector<16xf32>
    %mul3A_484 = vector.broadcast %squeeze3A_437 : f32 to vector<16xf32>
    %mul3A_485 = arith.mulf %mul3A_484, %gather3A_457 : vector<16xf32>
    %add3A_486 = arith.addf %mul3A_483, %mul3A_485 : vector<16xf32>
    %mul3A_487 = vector.broadcast %squeeze3A_439 : f32 to vector<16xf32>
    %mul3A_488 = arith.mulf %mul3A_487, %gather3A_461 : vector<16xf32>
    %add3A_489 = arith.addf %add3A_486, %mul3A_488 : vector<16xf32>
    %add3A_490 = vector.broadcast %squeeze3A_441 : f32 to vector<16xf32>
    %add3A_491 = arith.addf %add3A_489, %add3A_490 : vector<16xf32>
    %div3A_492 = arith.constant 1.000000e+00 : f32
    %div3A_493 = vector.broadcast %div3A_492 : f32 to vector<16xf32>
    %div3A_494 = arith.divf %div3A_493, %add3A_491 : vector<16xf32>
    %mul3A_495 = arith.mulf %add3A_471, %div3A_494 : vector<16xf32>
    %mul3A_496 = arith.constant 3.200000e+02 : f32
    %mul3A_497 = vector.broadcast %mul3A_496 : f32 to vector<16xf32>
    %mul3A_498 = arith.mulf %mul3A_495, %mul3A_497 : vector<16xf32>
    %add3A_499 = arith.constant 3.200000e+02 : f32
    %add3A_500 = vector.broadcast %add3A_499 : f32 to vector<16xf32>
    %add3A_501 = arith.addf %mul3A_498, %add3A_500 : vector<16xf32>
    %mul3A_502 = arith.mulf %add3A_481, %div3A_494 : vector<16xf32>
    %mul3A_503 = arith.constant 3.200000e+02 : f32
    %mul3A_504 = vector.broadcast %mul3A_503 : f32 to vector<16xf32>
    %mul3A_505 = arith.mulf %mul3A_502, %mul3A_504 : vector<16xf32>
    %add3A_506 = arith.constant 2.400000e+02 : f32
    %add3A_507 = vector.broadcast %add3A_506 : f32 to vector<16xf32>
    %add3A_508 = arith.addf %mul3A_505, %add3A_507 : vector<16xf32>
    %swap3A_509 = arith.constant 64 : index
    %swap3A_510 = tpu.vector_load %arg10[%swap3A_509] {strides = array<i32>} : memref<512xf32, #tpu.memory_space<vmem>>, vector<16xf32>,
    tpu.vector_store %arg10[%swap3A_509], %add3A_501 {strides = array<i32>} : memref<512xf32, #tpu.memory_space<vmem>>, vector<16xf32>,
    %swap3A_511 = arith.constant 64 : index
    %swap3A_512 = tpu.vector_load %arg11[%swap3A_511] {strides = array<i32>} : memref<512xf32, #tpu.memory_space<vmem>>, vector<16xf32>,
    tpu.vector_store %arg11[%swap3A_511], %add3A_508 {strides = array<i32>} : memref<512xf32, #tpu.memory_space<vmem>>, vector<16xf32>,
    %slice3A_513 = vector.extract_strided_slice %get3A_13 {offsets = [2], sizes = [1], strides = [1]} : vector<16xi32> to vector<1xi32>
    %squeeze3A_514 = vector.extract %slice3A_513[0] : i32 from vector<1xi32>
    %mul3A_515 = arith.constant 16 : i32
    %mul3A_516 = arith.muli %squeeze3A_514, %mul3A_515 : i32
    %get3A_517 = arith.index_cast %mul3A_516 : i32 to index
    %get3A_518 = tpu.vector_load %arg12[%get3A_517] {strides = array<i32>} : memref<352xf32, #tpu.memory_space<vmem>>, vector<16xf32>,
    %slice3A_519 = vector.extract_strided_slice %get3A_518 {offsets = [0], sizes = [1], strides = [1]} : vector<16xf32> to vector<1xf32>
    %squeeze3A_520 = vector.extract %slice3A_519[0] : f32 from vector<1xf32>
    %slice3A_521 = vector.extract_strided_slice %get3A_518 {offsets = [1], sizes = [1], strides = [1]} : vector<16xf32> to vector<1xf32>
    %squeeze3A_522 = vector.extract %slice3A_521[0] : f32 from vector<1xf32>
    %slice3A_523 = vector.extract_strided_slice %get3A_518 {offsets = [2], sizes = [1], strides = [1]} : vector<16xf32> to vector<1xf32>
    %squeeze3A_524 = vector.extract %slice3A_523[0] : f32 from vector<1xf32>
    %slice3A_525 = vector.extract_strided_slice %get3A_518 {offsets = [3], sizes = [1], strides = [1]} : vector<16xf32> to vector<1xf32>
    %squeeze3A_526 = vector.extract %slice3A_525[0] : f32 from vector<1xf32>
    %slice3A_527 = vector.extract_strided_slice %get3A_518 {offsets = [4], sizes = [1], strides = [1]} : vector<16xf32> to vector<1xf32>
    %squeeze3A_528 = vector.extract %slice3A_527[0] : f32 from vector<1xf32>
    %slice3A_529 = vector.extract_strided_slice %get3A_518 {offsets = [5], sizes = [1], strides = [1]} : vector<16xf32> to vector<1xf32>
    %squeeze3A_530 = vector.extract %slice3A_529[0] : f32 from vector<1xf32>
    %slice3A_531 = vector.extract_strided_slice %get3A_518 {offsets = [6], sizes = [1], strides = [1]} : vector<16xf32> to vector<1xf32>
    %squeeze3A_532 = vector.extract %slice3A_531[0] : f32 from vector<1xf32>
    %slice3A_533 = vector.extract_strided_slice %get3A_518 {offsets = [7], sizes = [1], strides = [1]} : vector<16xf32> to vector<1xf32>
    %squeeze3A_534 = vector.extract %slice3A_533[0] : f32 from vector<1xf32>
    %slice3A_535 = vector.extract_strided_slice %get3A_518 {offsets = [8], sizes = [1], strides = [1]} : vector<16xf32> to vector<1xf32>
    %squeeze3A_536 = vector.extract %slice3A_535[0] : f32 from vector<1xf32>
    %slice3A_537 = vector.extract_strided_slice %get3A_518 {offsets = [9], sizes = [1], strides = [1]} : vector<16xf32> to vector<1xf32>
    %squeeze3A_538 = vector.extract %slice3A_537[0] : f32 from vector<1xf32>
    %slice3A_539 = vector.extract_strided_slice %get3A_518 {offsets = [10], sizes = [1], strides = [1]} : vector<16xf32> to vector<1xf32>
    %squeeze3A_540 = vector.extract %slice3A_539[0] : f32 from vector<1xf32>
    %slice3A_541 = vector.extract_strided_slice %get3A_518 {offsets = [11], sizes = [1], strides = [1]} : vector<16xf32> to vector<1xf32>
    %squeeze3A_542 = vector.extract %slice3A_541[0] : f32 from vector<1xf32>
    %add3A_543 = arith.constant 16 : i32
    %add3A_544 = vector.broadcast %add3A_543 : i32 to vector<16xi32>
    %add3A_545 = arith.addi %add3A_544, %iota3A : vector<16xi32>
    %gather3A_546 = tpu.vector_load_idx %arg15[%add3A_545] : memref<32xi32, #tpu.memory_space<vmem>>[vector<16xi32>], vector<16xi32>,
    %add3A_547 = arith.constant 256 : i32
    %add3A_548 = vector.broadcast %add3A_547 : i32 to vector<16xi32>
    %add3A_549 = arith.addi %add3A_548, %gather3A_546 : vector<16xi32>
    %shift_left3A_550 = arith.constant 1 : i32
    %shift_left3A_551 = vector.broadcast %shift_left3A_550 : i32 to vector<16xi32>
    %shift_left3A_552 = arith.shli %gather3A_546, %shift_left3A_551 : vector<16xi32>
    %add3A_553 = arith.addi %add3A_549, %shift_left3A_552 : vector<16xi32>
    %gather3A_554 = tpu.vector_load_idx %arg12[%add3A_553] : memref<352xf32, #tpu.memory_space<vmem>>[vector<16xi32>], vector<16xf32>,
    %add3A_555 = arith.constant 1 : i32
    %add3A_556 = vector.broadcast %add3A_555 : i32 to vector<16xi32>
    %add3A_557 = arith.addi %add3A_553, %add3A_556 : vector<16xi32>
    %gather3A_558 = tpu.vector_load_idx %arg12[%add3A_557] : memref<352xf32, #tpu.memory_space<vmem>>[vector<16xi32>], vector<16xf32>,
    %add3A_559 = arith.constant 2 : i32
    %add3A_560 = vector.broadcast %add3A_559 : i32 to vector<16xi32>
    %add3A_561 = arith.addi %add3A_553, %add3A_560 : vector<16xi32>
    %gather3A_562 = tpu.vector_load_idx %arg12[%add3A_561] : memref<352xf32, #tpu.memory_space<vmem>>[vector<16xi32>], vector<16xf32>,
    %mul3A_563 = vector.broadcast %squeeze3A_520 : f32 to vector<16xf32>
    %mul3A_564 = arith.mulf %mul3A_563, %gather3A_554 : vector<16xf32>
    %mul3A_565 = vector.broadcast %squeeze3A_522 : f32 to vector<16xf32>
    %mul3A_566 = arith.mulf %mul3A_565, %gather3A_558 : vector<16xf32>
    %add3A_567 = arith.addf %mul3A_564, %mul3A_566 : vector<16xf32>
    %mul3A_568 = vector.broadcast %squeeze3A_524 : f32 to vector<16xf32>
    %mul3A_569 = arith.mulf %mul3A_568, %gather3A_562 : vector<16xf32>
    %add3A_570 = arith.addf %add3A_567, %mul3A_569 : vector<16xf32>
    %add3A_571 = vector.broadcast %squeeze3A_526 : f32 to vector<16xf32>
    %add3A_572 = arith.addf %add3A_570, %add3A_571 : vector<16xf32>
    %mul3A_573 = vector.broadcast %squeeze3A_528 : f32 to vector<16xf32>
    %mul3A_574 = arith.mulf %mul3A_573, %gather3A_554 : vector<16xf32>
    %mul3A_575 = vector.broadcast %squeeze3A_530 : f32 to vector<16xf32>
    %mul3A_576 = arith.mulf %mul3A_575, %gather3A_558 : vector<16xf32>
    %add3A_577 = arith.addf %mul3A_574, %mul3A_576 : vector<16xf32>
    %mul3A_578 = vector.broadcast %squeeze3A_532 : f32 to vector<16xf32>
    %mul3A_579 = arith.mulf %mul3A_578, %gather3A_562 : vector<16xf32>
    %add3A_580 = arith.addf %add3A_577, %mul3A_579 : vector<16xf32>
    %add3A_581 = vector.broadcast %squeeze3A_534 : f32 to vector<16xf32>
    %add3A_582 = arith.addf %add3A_580, %add3A_581 : vector<16xf32>
    %mul3A_583 = vector.broadcast %squeeze3A_536 : f32 to vector<16xf32>
    %mul3A_584 = arith.mulf %mul3A_583, %gather3A_554 : vector<16xf32>
    %mul3A_585 = vector.broadcast %squeeze3A_538 : f32 to vector<16xf32>
    %mul3A_586 = arith.mulf %mul3A_585, %gather3A_558 : vector<16xf32>
    %add3A_587 = arith.addf %mul3A_584, %mul3A_586 : vector<16xf32>
    %mul3A_588 = vector.broadcast %squeeze3A_540 : f32 to vector<16xf32>
    %mul3A_589 = arith.mulf %mul3A_588, %gather3A_562 : vector<16xf32>
    %add3A_590 = arith.addf %add3A_587, %mul3A_589 : vector<16xf32>
    %add3A_591 = vector.broadcast %squeeze3A_542 : f32 to vector<16xf32>
    %add3A_592 = arith.addf %add3A_590, %add3A_591 : vector<16xf32>
    %div3A_593 = arith.constant 1.000000e+00 : f32
    %div3A_594 = vector.broadcast %div3A_593 : f32 to vector<16xf32>
    %div3A_595 = arith.divf %div3A_594, %add3A_592 : vector<16xf32>
    %mul3A_596 = arith.mulf %add3A_572, %div3A_595 : vector<16xf32>
    %mul3A_597 = arith.constant 3.200000e+02 : f32
    %mul3A_598 = vector.broadcast %mul3A_597 : f32 to vector<16xf32>
    %mul3A_599 = arith.mulf %mul3A_596, %mul3A_598 : vector<16xf32>
    %add3A_600 = arith.constant 3.200000e+02 : f32
    %add3A_601 = vector.broadcast %add3A_600 : f32 to vector<16xf32>
    %add3A_602 = arith.addf %mul3A_599, %add3A_601 : vector<16xf32>
    %mul3A_603 = arith.mulf %add3A_582, %div3A_595 : vector<16xf32>
    %mul3A_604 = arith.constant 3.200000e+02 : f32
    %mul3A_605 = vector.broadcast %mul3A_604 : f32 to vector<16xf32>
    %mul3A_606 = arith.mulf %mul3A_603, %mul3A_605 : vector<16xf32>
    %add3A_607 = arith.constant 2.400000e+02 : f32
    %add3A_608 = vector.broadcast %add3A_607 : f32 to vector<16xf32>
    %add3A_609 = arith.addf %mul3A_606, %add3A_608 : vector<16xf32>
    %swap3A_610 = arith.constant 80 : index
    %swap3A_611 = tpu.vector_load %arg10[%swap3A_610] {strides = array<i32>} : memref<512xf32, #tpu.memory_space<vmem>>, vector<16xf32>,
    tpu.vector_store %arg10[%swap3A_610], %add3A_602 {strides = array<i32>} : memref<512xf32, #tpu.memory_space<vmem>>, vector<16xf32>,
    %swap3A_612 = arith.constant 80 : index
    %swap3A_613 = tpu.vector_load %arg11[%swap3A_612] {strides = array<i32>} : memref<512xf32, #tpu.memory_space<vmem>>, vector<16xf32>,
    tpu.vector_store %arg11[%swap3A_612], %add3A_609 {strides = array<i32>} : memref<512xf32, #tpu.memory_space<vmem>>, vector<16xf32>,
    %slice3A_614 = vector.extract_strided_slice %get3A_13 {offsets = [3], sizes = [1], strides = [1]} : vector<16xi32> to vector<1xi32>
    %squeeze3A_615 = vector.extract %slice3A_614[0] : i32 from vector<1xi32>
    %mul3A_616 = arith.constant 16 : i32
    %mul3A_617 = arith.muli %squeeze3A_615, %mul3A_616 : i32
    %get3A_618 = arith.index_cast %mul3A_617 : i32 to index
    %get3A_619 = tpu.vector_load %arg12[%get3A_618] {strides = array<i32>} : memref<352xf32, #tpu.memory_space<vmem>>, vector<16xf32>,
    %slice3A_620 = vector.extract_strided_slice %get3A_619 {offsets = [0], sizes = [1], strides = [1]} : vector<16xf32> to vector<1xf32>
    %squeeze3A_621 = vector.extract %slice3A_620[0] : f32 from vector<1xf32>
    %slice3A_622 = vector.extract_strided_slice %get3A_619 {offsets = [1], sizes = [1], strides = [1]} : vector<16xf32> to vector<1xf32>
    %squeeze3A_623 = vector.extract %slice3A_622[0] : f32 from vector<1xf32>
    %slice3A_624 = vector.extract_strided_slice %get3A_619 {offsets = [2], sizes = [1], strides = [1]} : vector<16xf32> to vector<1xf32>
    %squeeze3A_625 = vector.extract %slice3A_624[0] : f32 from vector<1xf32>
    %slice3A_626 = vector.extract_strided_slice %get3A_619 {offsets = [3], sizes = [1], strides = [1]} : vector<16xf32> to vector<1xf32>
    %squeeze3A_627 = vector.extract %slice3A_626[0] : f32 from vector<1xf32>
    %slice3A_628 = vector.extract_strided_slice %get3A_619 {offsets = [4], sizes = [1], strides = [1]} : vector<16xf32> to vector<1xf32>
    %squeeze3A_629 = vector.extract %slice3A_628[0] : f32 from vector<1xf32>
    %slice3A_630 = vector.extract_strided_slice %get3A_619 {offsets = [5], sizes = [1], strides = [1]} : vector<16xf32> to vector<1xf32>
    %squeeze3A_631 = vector.extract %slice3A_630[0] : f32 from vector<1xf32>
    %slice3A_632 = vector.extract_strided_slice %get3A_619 {offsets = [6], sizes = [1], strides = [1]} : vector<16xf32> to vector<1xf32>
    %squeeze3A_633 = vector.extract %slice3A_632[0] : f32 from vector<1xf32>
    %slice3A_634 = vector.extract_strided_slice %get3A_619 {offsets = [7], sizes = [1], strides = [1]} : vector<16xf32> to vector<1xf32>
    %squeeze3A_635 = vector.extract %slice3A_634[0] : f32 from vector<1xf32>
    %slice3A_636 = vector.extract_strided_slice %get3A_619 {offsets = [8], sizes = [1], strides = [1]} : vector<16xf32> to vector<1xf32>
    %squeeze3A_637 = vector.extract %slice3A_636[0] : f32 from vector<1xf32>
    %slice3A_638 = vector.extract_strided_slice %get3A_619 {offsets = [9], sizes = [1], strides = [1]} : vector<16xf32> to vector<1xf32>
    %squeeze3A_639 = vector.extract %slice3A_638[0] : f32 from vector<1xf32>
    %slice3A_640 = vector.extract_strided_slice %get3A_619 {offsets = [10], sizes = [1], strides = [1]} : vector<16xf32> to vector<1xf32>
    %squeeze3A_641 = vector.extract %slice3A_640[0] : f32 from vector<1xf32>
    %slice3A_642 = vector.extract_strided_slice %get3A_619 {offsets = [11], sizes = [1], strides = [1]} : vector<16xf32> to vector<1xf32>
    %squeeze3A_643 = vector.extract %slice3A_642[0] : f32 from vector<1xf32>
    %add3A_644 = arith.constant 0 : i32
    %add3A_645 = vector.broadcast %add3A_644 : i32 to vector<16xi32>
    %add3A_646 = arith.addi %add3A_645, %iota3A : vector<16xi32>
    %gather3A_647 = tpu.vector_load_idx %arg15[%add3A_646] : memref<32xi32, #tpu.memory_space<vmem>>[vector<16xi32>], vector<16xi32>,
    %add3A_648 = arith.constant 256 : i32
    %add3A_649 = vector.broadcast %add3A_648 : i32 to vector<16xi32>
    %add3A_650 = arith.addi %add3A_649, %gather3A_647 : vector<16xi32>
    %shift_left3A_651 = arith.constant 1 : i32
    %shift_left3A_652 = vector.broadcast %shift_left3A_651 : i32 to vector<16xi32>
    %shift_left3A_653 = arith.shli %gather3A_647, %shift_left3A_652 : vector<16xi32>
    %add3A_654 = arith.addi %add3A_650, %shift_left3A_653 : vector<16xi32>
    %gather3A_655 = tpu.vector_load_idx %arg12[%add3A_654] : memref<352xf32, #tpu.memory_space<vmem>>[vector<16xi32>], vector<16xf32>,
    %add3A_656 = arith.constant 1 : i32
    %add3A_657 = vector.broadcast %add3A_656 : i32 to vector<16xi32>
    %add3A_658 = arith.addi %add3A_654, %add3A_657 : vector<16xi32>
    %gather3A_659 = tpu.vector_load_idx %arg12[%add3A_658] : memref<352xf32, #tpu.memory_space<vmem>>[vector<16xi32>], vector<16xf32>,
    %add3A_660 = arith.constant 2 : i32
    %add3A_661 = vector.broadcast %add3A_660 : i32 to vector<16xi32>
    %add3A_662 = arith.addi %add3A_654, %add3A_661 : vector<16xi32>
    %gather3A_663 = tpu.vector_load_idx %arg12[%add3A_662] : memref<352xf32, #tpu.memory_space<vmem>>[vector<16xi32>], vector<16xf32>,
    %mul3A_664 = vector.broadcast %squeeze3A_621 : f32 to vector<16xf32>
    %mul3A_665 = arith.mulf %mul3A_664, %gather3A_655 : vector<16xf32>
    %mul3A_666 = vector.broadcast %squeeze3A_623 : f32 to vector<16xf32>
    %mul3A_667 = arith.mulf %mul3A_666, %gather3A_659 : vector<16xf32>
    %add3A_668 = arith.addf %mul3A_665, %mul3A_667 : vector<16xf32>
    %mul3A_669 = vector.broadcast %squeeze3A_625 : f32 to vector<16xf32>
    %mul3A_670 = arith.mulf %mul3A_669, %gather3A_663 : vector<16xf32>
    %add3A_671 = arith.addf %add3A_668, %mul3A_670 : vector<16xf32>
    %add3A_672 = vector.broadcast %squeeze3A_627 : f32 to vector<16xf32>
    %add3A_673 = arith.addf %add3A_671, %add3A_672 : vector<16xf32>
    %mul3A_674 = vector.broadcast %squeeze3A_629 : f32 to vector<16xf32>
    %mul3A_675 = arith.mulf %mul3A_674, %gather3A_655 : vector<16xf32>
    %mul3A_676 = vector.broadcast %squeeze3A_631 : f32 to vector<16xf32>
    %mul3A_677 = arith.mulf %mul3A_676, %gather3A_659 : vector<16xf32>
    %add3A_678 = arith.addf %mul3A_675, %mul3A_677 : vector<16xf32>
    %mul3A_679 = vector.broadcast %squeeze3A_633 : f32 to vector<16xf32>
    %mul3A_680 = arith.mulf %mul3A_679, %gather3A_663 : vector<16xf32>
    %add3A_681 = arith.addf %add3A_678, %mul3A_680 : vector<16xf32>
    %add3A_682 = vector.broadcast %squeeze3A_635 : f32 to vector<16xf32>
    %add3A_683 = arith.addf %add3A_681, %add3A_682 : vector<16xf32>
    %mul3A_684 = vector.broadcast %squeeze3A_637 : f32 to vector<16xf32>
    %mul3A_685 = arith.mulf %mul3A_684, %gather3A_655 : vector<16xf32>
    %mul3A_686 = vector.broadcast %squeeze3A_639 : f32 to vector<16xf32>
    %mul3A_687 = arith.mulf %mul3A_686, %gather3A_659 : vector<16xf32>
    %add3A_688 = arith.addf %mul3A_685, %mul3A_687 : vector<16xf32>
    %mul3A_689 = vector.broadcast %squeeze3A_641 : f32 to vector<16xf32>
    %mul3A_690 = arith.mulf %mul3A_689, %gather3A_663 : vector<16xf32>
    %add3A_691 = arith.addf %add3A_688, %mul3A_690 : vector<16xf32>
    %add3A_692 = vector.broadcast %squeeze3A_643 : f32 to vector<16xf32>
    %add3A_693 = arith.addf %add3A_691, %add3A_692 : vector<16xf32>
    %div3A_694 = arith.constant 1.000000e+00 : f32
    %div3A_695 = vector.broadcast %div3A_694 : f32 to vector<16xf32>
    %div3A_696 = arith.divf %div3A_695, %add3A_693 : vector<16xf32>
    %mul3A_697 = arith.mulf %add3A_673, %div3A_696 : vector<16xf32>
    %mul3A_698 = arith.constant 3.200000e+02 : f32
    %mul3A_699 = vector.broadcast %mul3A_698 : f32 to vector<16xf32>
    %mul3A_700 = arith.mulf %mul3A_697, %mul3A_699 : vector<16xf32>
    %add3A_701 = arith.constant 3.200000e+02 : f32
    %add3A_702 = vector.broadcast %add3A_701 : f32 to vector<16xf32>
    %add3A_703 = arith.addf %mul3A_700, %add3A_702 : vector<16xf32>
    %mul3A_704 = arith.mulf %add3A_683, %div3A_696 : vector<16xf32>
    %mul3A_705 = arith.constant 3.200000e+02 : f32
    %mul3A_706 = vector.broadcast %mul3A_705 : f32 to vector<16xf32>
    %mul3A_707 = arith.mulf %mul3A_704, %mul3A_706 : vector<16xf32>
    %add3A_708 = arith.constant 2.400000e+02 : f32
    %add3A_709 = vector.broadcast %add3A_708 : f32 to vector<16xf32>
    %add3A_710 = arith.addf %mul3A_707, %add3A_709 : vector<16xf32>
    %swap3A_711 = arith.constant 96 : index
    %swap3A_712 = tpu.vector_load %arg10[%swap3A_711] {strides = array<i32>} : memref<512xf32, #tpu.memory_space<vmem>>, vector<16xf32>,
    tpu.vector_store %arg10[%swap3A_711], %add3A_703 {strides = array<i32>} : memref<512xf32, #tpu.memory_space<vmem>>, vector<16xf32>,
    %swap3A_713 = arith.constant 96 : index
    %swap3A_714 = tpu.vector_load %arg11[%swap3A_713] {strides = array<i32>} : memref<512xf32, #tpu.memory_space<vmem>>, vector<16xf32>,
    tpu.vector_store %arg11[%swap3A_713], %add3A_710 {strides = array<i32>} : memref<512xf32, #tpu.memory_space<vmem>>, vector<16xf32>,
    %slice3A_715 = vector.extract_strided_slice %get3A_13 {offsets = [3], sizes = [1], strides = [1]} : vector<16xi32> to vector<1xi32>
    %squeeze3A_716 = vector.extract %slice3A_715[0] : i32 from vector<1xi32>
    %mul3A_717 = arith.constant 16 : i32
    %mul3A_718 = arith.muli %squeeze3A_716, %mul3A_717 : i32
    %get3A_719 = arith.index_cast %mul3A_718 : i32 to index
    %get3A_720 = tpu.vector_load %arg12[%get3A_719] {strides = array<i32>} : memref<352xf32, #tpu.memory_space<vmem>>, vector<16xf32>,
    %slice3A_721 = vector.extract_strided_slice %get3A_720 {offsets = [0], sizes = [1], strides = [1]} : vector<16xf32> to vector<1xf32>
    %squeeze3A_722 = vector.extract %slice3A_721[0] : f32 from vector<1xf32>
    %slice3A_723 = vector.extract_strided_slice %get3A_720 {offsets = [1], sizes = [1], strides = [1]} : vector<16xf32> to vector<1xf32>
    %squeeze3A_724 = vector.extract %slice3A_723[0] : f32 from vector<1xf32>
    %slice3A_725 = vector.extract_strided_slice %get3A_720 {offsets = [2], sizes = [1], strides = [1]} : vector<16xf32> to vector<1xf32>
    %squeeze3A_726 = vector.extract %slice3A_725[0] : f32 from vector<1xf32>
    %slice3A_727 = vector.extract_strided_slice %get3A_720 {offsets = [3], sizes = [1], strides = [1]} : vector<16xf32> to vector<1xf32>
    %squeeze3A_728 = vector.extract %slice3A_727[0] : f32 from vector<1xf32>
    %slice3A_729 = vector.extract_strided_slice %get3A_720 {offsets = [4], sizes = [1], strides = [1]} : vector<16xf32> to vector<1xf32>
    %squeeze3A_730 = vector.extract %slice3A_729[0] : f32 from vector<1xf32>
    %slice3A_731 = vector.extract_strided_slice %get3A_720 {offsets = [5], sizes = [1], strides = [1]} : vector<16xf32> to vector<1xf32>
    %squeeze3A_732 = vector.extract %slice3A_731[0] : f32 from vector<1xf32>
    %slice3A_733 = vector.extract_strided_slice %get3A_720 {offsets = [6], sizes = [1], strides = [1]} : vector<16xf32> to vector<1xf32>
    %squeeze3A_734 = vector.extract %slice3A_733[0] : f32 from vector<1xf32>
    %slice3A_735 = vector.extract_strided_slice %get3A_720 {offsets = [7], sizes = [1], strides = [1]} : vector<16xf32> to vector<1xf32>
    %squeeze3A_736 = vector.extract %slice3A_735[0] : f32 from vector<1xf32>
    %slice3A_737 = vector.extract_strided_slice %get3A_720 {offsets = [8], sizes = [1], strides = [1]} : vector<16xf32> to vector<1xf32>
    %squeeze3A_738 = vector.extract %slice3A_737[0] : f32 from vector<1xf32>
    %slice3A_739 = vector.extract_strided_slice %get3A_720 {offsets = [9], sizes = [1], strides = [1]} : vector<16xf32> to vector<1xf32>
    %squeeze3A_740 = vector.extract %slice3A_739[0] : f32 from vector<1xf32>
    %slice3A_741 = vector.extract_strided_slice %get3A_720 {offsets = [10], sizes = [1], strides = [1]} : vector<16xf32> to vector<1xf32>
    %squeeze3A_742 = vector.extract %slice3A_741[0] : f32 from vector<1xf32>
    %slice3A_743 = vector.extract_strided_slice %get3A_720 {offsets = [11], sizes = [1], strides = [1]} : vector<16xf32> to vector<1xf32>
    %squeeze3A_744 = vector.extract %slice3A_743[0] : f32 from vector<1xf32>
    %add3A_745 = arith.constant 16 : i32
    %add3A_746 = vector.broadcast %add3A_745 : i32 to vector<16xi32>
    %add3A_747 = arith.addi %add3A_746, %iota3A : vector<16xi32>
    %gather3A_748 = tpu.vector_load_idx %arg15[%add3A_747] : memref<32xi32, #tpu.memory_space<vmem>>[vector<16xi32>], vector<16xi32>,
    %add3A_749 = arith.constant 256 : i32
    %add3A_750 = vector.broadcast %add3A_749 : i32 to vector<16xi32>
    %add3A_751 = arith.addi %add3A_750, %gather3A_748 : vector<16xi32>
    %shift_left3A_752 = arith.constant 1 : i32
    %shift_left3A_753 = vector.broadcast %shift_left3A_752 : i32 to vector<16xi32>
    %shift_left3A_754 = arith.shli %gather3A_748, %shift_left3A_753 : vector<16xi32>
    %add3A_755 = arith.addi %add3A_751, %shift_left3A_754 : vector<16xi32>
    %gather3A_756 = tpu.vector_load_idx %arg12[%add3A_755] : memref<352xf32, #tpu.memory_space<vmem>>[vector<16xi32>], vector<16xf32>,
    %add3A_757 = arith.constant 1 : i32
    %add3A_758 = vector.broadcast %add3A_757 : i32 to vector<16xi32>
    %add3A_759 = arith.addi %add3A_755, %add3A_758 : vector<16xi32>
    %gather3A_760 = tpu.vector_load_idx %arg12[%add3A_759] : memref<352xf32, #tpu.memory_space<vmem>>[vector<16xi32>], vector<16xf32>,
    %add3A_761 = arith.constant 2 : i32
    %add3A_762 = vector.broadcast %add3A_761 : i32 to vector<16xi32>
    %add3A_763 = arith.addi %add3A_755, %add3A_762 : vector<16xi32>
    %gather3A_764 = tpu.vector_load_idx %arg12[%add3A_763] : memref<352xf32, #tpu.memory_space<vmem>>[vector<16xi32>], vector<16xf32>,
    %mul3A_765 = vector.broadcast %squeeze3A_722 : f32 to vector<16xf32>
    %mul3A_766 = arith.mulf %mul3A_765, %gather3A_756 : vector<16xf32>
    %mul3A_767 = vector.broadcast %squeeze3A_724 : f32 to vector<16xf32>
    %mul3A_768 = arith.mulf %mul3A_767, %gather3A_760 : vector<16xf32>
    %add3A_769 = arith.addf %mul3A_766, %mul3A_768 : vector<16xf32>
    %mul3A_770 = vector.broadcast %squeeze3A_726 : f32 to vector<16xf32>
    %mul3A_771 = arith.mulf %mul3A_770, %gather3A_764 : vector<16xf32>
    %add3A_772 = arith.addf %add3A_769, %mul3A_771 : vector<16xf32>
    %add3A_773 = vector.broadcast %squeeze3A_728 : f32 to vector<16xf32>
    %add3A_774 = arith.addf %add3A_772, %add3A_773 : vector<16xf32>
    %mul3A_775 = vector.broadcast %squeeze3A_730 : f32 to vector<16xf32>
    %mul3A_776 = arith.mulf %mul3A_775, %gather3A_756 : vector<16xf32>
    %mul3A_777 = vector.broadcast %squeeze3A_732 : f32 to vector<16xf32>
    %mul3A_778 = arith.mulf %mul3A_777, %gather3A_760 : vector<16xf32>
    %add3A_779 = arith.addf %mul3A_776, %mul3A_778 : vector<16xf32>
    %mul3A_780 = vector.broadcast %squeeze3A_734 : f32 to vector<16xf32>
    %mul3A_781 = arith.mulf %mul3A_780, %gather3A_764 : vector<16xf32>
    %add3A_782 = arith.addf %add3A_779, %mul3A_781 : vector<16xf32>
    %add3A_783 = vector.broadcast %squeeze3A_736 : f32 to vector<16xf32>
    %add3A_784 = arith.addf %add3A_782, %add3A_783 : vector<16xf32>
    %mul3A_785 = vector.broadcast %squeeze3A_738 : f32 to vector<16xf32>
    %mul3A_786 = arith.mulf %mul3A_785, %gather3A_756 : vector<16xf32>
    %mul3A_787 = vector.broadcast %squeeze3A_740 : f32 to vector<16xf32>
    %mul3A_788 = arith.mulf %mul3A_787, %gather3A_760 : vector<16xf32>
    %add3A_789 = arith.addf %mul3A_786, %mul3A_788 : vector<16xf32>
    %mul3A_790 = vector.broadcast %squeeze3A_742 : f32 to vector<16xf32>
    %mul3A_791 = arith.mulf %mul3A_790, %gather3A_764 : vector<16xf32>
    %add3A_792 = arith.addf %add3A_789, %mul3A_791 : vector<16xf32>
    %add3A_793 = vector.broadcast %squeeze3A_744 : f32 to vector<16xf32>
    %add3A_794 = arith.addf %add3A_792, %add3A_793 : vector<16xf32>
    %div3A_795 = arith.constant 1.000000e+00 : f32
    %div3A_796 = vector.broadcast %div3A_795 : f32 to vector<16xf32>
    %div3A_797 = arith.divf %div3A_796, %add3A_794 : vector<16xf32>
    %mul3A_798 = arith.mulf %add3A_774, %div3A_797 : vector<16xf32>
    %mul3A_799 = arith.constant 3.200000e+02 : f32
    %mul3A_800 = vector.broadcast %mul3A_799 : f32 to vector<16xf32>
    %mul3A_801 = arith.mulf %mul3A_798, %mul3A_800 : vector<16xf32>
    %add3A_802 = arith.constant 3.200000e+02 : f32
    %add3A_803 = vector.broadcast %add3A_802 : f32 to vector<16xf32>
    %add3A_804 = arith.addf %mul3A_801, %add3A_803 : vector<16xf32>
    %mul3A_805 = arith.mulf %add3A_784, %div3A_797 : vector<16xf32>
    %mul3A_806 = arith.constant 3.200000e+02 : f32
    %mul3A_807 = vector.broadcast %mul3A_806 : f32 to vector<16xf32>
    %mul3A_808 = arith.mulf %mul3A_805, %mul3A_807 : vector<16xf32>
    %add3A_809 = arith.constant 2.400000e+02 : f32
    %add3A_810 = vector.broadcast %add3A_809 : f32 to vector<16xf32>
    %add3A_811 = arith.addf %mul3A_808, %add3A_810 : vector<16xf32>
    %swap3A_812 = arith.constant 112 : index
    %swap3A_813 = tpu.vector_load %arg10[%swap3A_812] {strides = array<i32>} : memref<512xf32, #tpu.memory_space<vmem>>, vector<16xf32>,
    tpu.vector_store %arg10[%swap3A_812], %add3A_804 {strides = array<i32>} : memref<512xf32, #tpu.memory_space<vmem>>, vector<16xf32>,
    %swap3A_814 = arith.constant 112 : index
    %swap3A_815 = tpu.vector_load %arg11[%swap3A_814] {strides = array<i32>} : memref<512xf32, #tpu.memory_space<vmem>>, vector<16xf32>,
    tpu.vector_store %arg11[%swap3A_814], %add3A_811 {strides = array<i32>} : memref<512xf32, #tpu.memory_space<vmem>>, vector<16xf32>,
    %slice3A_816 = vector.extract_strided_slice %get3A_13 {offsets = [4], sizes = [1], strides = [1]} : vector<16xi32> to vector<1xi32>
    %squeeze3A_817 = vector.extract %slice3A_816[0] : i32 from vector<1xi32>
    %mul3A_818 = arith.constant 16 : i32
    %mul3A_819 = arith.muli %squeeze3A_817, %mul3A_818 : i32
    %get3A_820 = arith.index_cast %mul3A_819 : i32 to index
    %get3A_821 = tpu.vector_load %arg12[%get3A_820] {strides = array<i32>} : memref<352xf32, #tpu.memory_space<vmem>>, vector<16xf32>,
    %slice3A_822 = vector.extract_strided_slice %get3A_821 {offsets = [0], sizes = [1], strides = [1]} : vector<16xf32> to vector<1xf32>
    %squeeze3A_823 = vector.extract %slice3A_822[0] : f32 from vector<1xf32>
    %slice3A_824 = vector.extract_strided_slice %get3A_821 {offsets = [1], sizes = [1], strides = [1]} : vector<16xf32> to vector<1xf32>
    %squeeze3A_825 = vector.extract %slice3A_824[0] : f32 from vector<1xf32>
    %slice3A_826 = vector.extract_strided_slice %get3A_821 {offsets = [2], sizes = [1], strides = [1]} : vector<16xf32> to vector<1xf32>
    %squeeze3A_827 = vector.extract %slice3A_826[0] : f32 from vector<1xf32>
    %slice3A_828 = vector.extract_strided_slice %get3A_821 {offsets = [3], sizes = [1], strides = [1]} : vector<16xf32> to vector<1xf32>
    %squeeze3A_829 = vector.extract %slice3A_828[0] : f32 from vector<1xf32>
    %slice3A_830 = vector.extract_strided_slice %get3A_821 {offsets = [4], sizes = [1], strides = [1]} : vector<16xf32> to vector<1xf32>
    %squeeze3A_831 = vector.extract %slice3A_830[0] : f32 from vector<1xf32>
    %slice3A_832 = vector.extract_strided_slice %get3A_821 {offsets = [5], sizes = [1], strides = [1]} : vector<16xf32> to vector<1xf32>
    %squeeze3A_833 = vector.extract %slice3A_832[0] : f32 from vector<1xf32>
    %slice3A_834 = vector.extract_strided_slice %get3A_821 {offsets = [6], sizes = [1], strides = [1]} : vector<16xf32> to vector<1xf32>
    %squeeze3A_835 = vector.extract %slice3A_834[0] : f32 from vector<1xf32>
    %slice3A_836 = vector.extract_strided_slice %get3A_821 {offsets = [7], sizes = [1], strides = [1]} : vector<16xf32> to vector<1xf32>
    %squeeze3A_837 = vector.extract %slice3A_836[0] : f32 from vector<1xf32>
    %slice3A_838 = vector.extract_strided_slice %get3A_821 {offsets = [8], sizes = [1], strides = [1]} : vector<16xf32> to vector<1xf32>
    %squeeze3A_839 = vector.extract %slice3A_838[0] : f32 from vector<1xf32>
    %slice3A_840 = vector.extract_strided_slice %get3A_821 {offsets = [9], sizes = [1], strides = [1]} : vector<16xf32> to vector<1xf32>
    %squeeze3A_841 = vector.extract %slice3A_840[0] : f32 from vector<1xf32>
    %slice3A_842 = vector.extract_strided_slice %get3A_821 {offsets = [10], sizes = [1], strides = [1]} : vector<16xf32> to vector<1xf32>
    %squeeze3A_843 = vector.extract %slice3A_842[0] : f32 from vector<1xf32>
    %slice3A_844 = vector.extract_strided_slice %get3A_821 {offsets = [11], sizes = [1], strides = [1]} : vector<16xf32> to vector<1xf32>
    %squeeze3A_845 = vector.extract %slice3A_844[0] : f32 from vector<1xf32>
    %add3A_846 = arith.constant 0 : i32
    %add3A_847 = vector.broadcast %add3A_846 : i32 to vector<16xi32>
    %add3A_848 = arith.addi %add3A_847, %iota3A : vector<16xi32>
    %gather3A_849 = tpu.vector_load_idx %arg15[%add3A_848] : memref<32xi32, #tpu.memory_space<vmem>>[vector<16xi32>], vector<16xi32>,
    %add3A_850 = arith.constant 256 : i32
    %add3A_851 = vector.broadcast %add3A_850 : i32 to vector<16xi32>
    %add3A_852 = arith.addi %add3A_851, %gather3A_849 : vector<16xi32>
    %shift_left3A_853 = arith.constant 1 : i32
    %shift_left3A_854 = vector.broadcast %shift_left3A_853 : i32 to vector<16xi32>
    %shift_left3A_855 = arith.shli %gather3A_849, %shift_left3A_854 : vector<16xi32>
    %add3A_856 = arith.addi %add3A_852, %shift_left3A_855 : vector<16xi32>
    %gather3A_857 = tpu.vector_load_idx %arg12[%add3A_856] : memref<352xf32, #tpu.memory_space<vmem>>[vector<16xi32>], vector<16xf32>,
    %add3A_858 = arith.constant 1 : i32
    %add3A_859 = vector.broadcast %add3A_858 : i32 to vector<16xi32>
    %add3A_860 = arith.addi %add3A_856, %add3A_859 : vector<16xi32>
    %gather3A_861 = tpu.vector_load_idx %arg12[%add3A_860] : memref<352xf32, #tpu.memory_space<vmem>>[vector<16xi32>], vector<16xf32>,
    %add3A_862 = arith.constant 2 : i32
    %add3A_863 = vector.broadcast %add3A_862 : i32 to vector<16xi32>
    %add3A_864 = arith.addi %add3A_856, %add3A_863 : vector<16xi32>
    %gather3A_865 = tpu.vector_load_idx %arg12[%add3A_864] : memref<352xf32, #tpu.memory_space<vmem>>[vector<16xi32>], vector<16xf32>,
    %mul3A_866 = vector.broadcast %squeeze3A_823 : f32 to vector<16xf32>
    %mul3A_867 = arith.mulf %mul3A_866, %gather3A_857 : vector<16xf32>
    %mul3A_868 = vector.broadcast %squeeze3A_825 : f32 to vector<16xf32>
    %mul3A_869 = arith.mulf %mul3A_868, %gather3A_861 : vector<16xf32>
    %add3A_870 = arith.addf %mul3A_867, %mul3A_869 : vector<16xf32>
    %mul3A_871 = vector.broadcast %squeeze3A_827 : f32 to vector<16xf32>
    %mul3A_872 = arith.mulf %mul3A_871, %gather3A_865 : vector<16xf32>
    %add3A_873 = arith.addf %add3A_870, %mul3A_872 : vector<16xf32>
    %add3A_874 = vector.broadcast %squeeze3A_829 : f32 to vector<16xf32>
    %add3A_875 = arith.addf %add3A_873, %add3A_874 : vector<16xf32>
    %mul3A_876 = vector.broadcast %squeeze3A_831 : f32 to vector<16xf32>
    %mul3A_877 = arith.mulf %mul3A_876, %gather3A_857 : vector<16xf32>
    %mul3A_878 = vector.broadcast %squeeze3A_833 : f32 to vector<16xf32>
    %mul3A_879 = arith.mulf %mul3A_878, %gather3A_861 : vector<16xf32>
    %add3A_880 = arith.addf %mul3A_877, %mul3A_879 : vector<16xf32>
    %mul3A_881 = vector.broadcast %squeeze3A_835 : f32 to vector<16xf32>
    %mul3A_882 = arith.mulf %mul3A_881, %gather3A_865 : vector<16xf32>
    %add3A_883 = arith.addf %add3A_880, %mul3A_882 : vector<16xf32>
    %add3A_884 = vector.broadcast %squeeze3A_837 : f32 to vector<16xf32>
    %add3A_885 = arith.addf %add3A_883, %add3A_884 : vector<16xf32>
    %mul3A_886 = vector.broadcast %squeeze3A_839 : f32 to vector<16xf32>
    %mul3A_887 = arith.mulf %mul3A_886, %gather3A_857 : vector<16xf32>
    %mul3A_888 = vector.broadcast %squeeze3A_841 : f32 to vector<16xf32>
    %mul3A_889 = arith.mulf %mul3A_888, %gather3A_861 : vector<16xf32>
    %add3A_890 = arith.addf %mul3A_887, %mul3A_889 : vector<16xf32>
    %mul3A_891 = vector.broadcast %squeeze3A_843 : f32 to vector<16xf32>
    %mul3A_892 = arith.mulf %mul3A_891, %gather3A_865 : vector<16xf32>
    %add3A_893 = arith.addf %add3A_890, %mul3A_892 : vector<16xf32>
    %add3A_894 = vector.broadcast %squeeze3A_845 : f32 to vector<16xf32>
    %add3A_895 = arith.addf %add3A_893, %add3A_894 : vector<16xf32>
    %div3A_896 = arith.constant 1.000000e+00 : f32
    %div3A_897 = vector.broadcast %div3A_896 : f32 to vector<16xf32>
    %div3A_898 = arith.divf %div3A_897, %add3A_895 : vector<16xf32>
    %mul3A_899 = arith.mulf %add3A_875, %div3A_898 : vector<16xf32>
    %mul3A_900 = arith.constant 3.200000e+02 : f32
    %mul3A_901 = vector.broadcast %mul3A_900 : f32 to vector<16xf32>
    %mul3A_902 = arith.mulf %mul3A_899, %mul3A_901 : vector<16xf32>
    %add3A_903 = arith.constant 3.200000e+02 : f32
    %add3A_904 = vector.broadcast %add3A_903 : f32 to vector<16xf32>
    %add3A_905 = arith.addf %mul3A_902, %add3A_904 : vector<16xf32>
    %mul3A_906 = arith.mulf %add3A_885, %div3A_898 : vector<16xf32>
    %mul3A_907 = arith.constant 3.200000e+02 : f32
    %mul3A_908 = vector.broadcast %mul3A_907 : f32 to vector<16xf32>
    %mul3A_909 = arith.mulf %mul3A_906, %mul3A_908 : vector<16xf32>
    %add3A_910 = arith.constant 2.400000e+02 : f32
    %add3A_911 = vector.broadcast %add3A_910 : f32 to vector<16xf32>
    %add3A_912 = arith.addf %mul3A_909, %add3A_911 : vector<16xf32>
    %swap3A_913 = arith.constant 128 : index
    %swap3A_914 = tpu.vector_load %arg10[%swap3A_913] {strides = array<i32>} : memref<512xf32, #tpu.memory_space<vmem>>, vector<16xf32>,
    tpu.vector_store %arg10[%swap3A_913], %add3A_905 {strides = array<i32>} : memref<512xf32, #tpu.memory_space<vmem>>, vector<16xf32>,
    %swap3A_915 = arith.constant 128 : index
    %swap3A_916 = tpu.vector_load %arg11[%swap3A_915] {strides = array<i32>} : memref<512xf32, #tpu.memory_space<vmem>>, vector<16xf32>,
    tpu.vector_store %arg11[%swap3A_915], %add3A_912 {strides = array<i32>} : memref<512xf32, #tpu.memory_space<vmem>>, vector<16xf32>,
    %slice3A_917 = vector.extract_strided_slice %get3A_13 {offsets = [4], sizes = [1], strides = [1]} : vector<16xi32> to vector<1xi32>
    %squeeze3A_918 = vector.extract %slice3A_917[0] : i32 from vector<1xi32>
    %mul3A_919 = arith.constant 16 : i32
    %mul3A_920 = arith.muli %squeeze3A_918, %mul3A_919 : i32
    %get3A_921 = arith.index_cast %mul3A_920 : i32 to index
    %get3A_922 = tpu.vector_load %arg12[%get3A_921] {strides = array<i32>} : memref<352xf32, #tpu.memory_space<vmem>>, vector<16xf32>,
    %slice3A_923 = vector.extract_strided_slice %get3A_922 {offsets = [0], sizes = [1], strides = [1]} : vector<16xf32> to vector<1xf32>
    %squeeze3A_924 = vector.extract %slice3A_923[0] : f32 from vector<1xf32>
    %slice3A_925 = vector.extract_strided_slice %get3A_922 {offsets = [1], sizes = [1], strides = [1]} : vector<16xf32> to vector<1xf32>
    %squeeze3A_926 = vector.extract %slice3A_925[0] : f32 from vector<1xf32>
    %slice3A_927 = vector.extract_strided_slice %get3A_922 {offsets = [2], sizes = [1], strides = [1]} : vector<16xf32> to vector<1xf32>
    %squeeze3A_928 = vector.extract %slice3A_927[0] : f32 from vector<1xf32>
    %slice3A_929 = vector.extract_strided_slice %get3A_922 {offsets = [3], sizes = [1], strides = [1]} : vector<16xf32> to vector<1xf32>
    %squeeze3A_930 = vector.extract %slice3A_929[0] : f32 from vector<1xf32>
    %slice3A_931 = vector.extract_strided_slice %get3A_922 {offsets = [4], sizes = [1], strides = [1]} : vector<16xf32> to vector<1xf32>
    %squeeze3A_932 = vector.extract %slice3A_931[0] : f32 from vector<1xf32>
    %slice3A_933 = vector.extract_strided_slice %get3A_922 {offsets = [5], sizes = [1], strides = [1]} : vector<16xf32> to vector<1xf32>
    %squeeze3A_934 = vector.extract %slice3A_933[0] : f32 from vector<1xf32>
    %slice3A_935 = vector.extract_strided_slice %get3A_922 {offsets = [6], sizes = [1], strides = [1]} : vector<16xf32> to vector<1xf32>
    %squeeze3A_936 = vector.extract %slice3A_935[0] : f32 from vector<1xf32>
    %slice3A_937 = vector.extract_strided_slice %get3A_922 {offsets = [7], sizes = [1], strides = [1]} : vector<16xf32> to vector<1xf32>
    %squeeze3A_938 = vector.extract %slice3A_937[0] : f32 from vector<1xf32>
    %slice3A_939 = vector.extract_strided_slice %get3A_922 {offsets = [8], sizes = [1], strides = [1]} : vector<16xf32> to vector<1xf32>
    %squeeze3A_940 = vector.extract %slice3A_939[0] : f32 from vector<1xf32>
    %slice3A_941 = vector.extract_strided_slice %get3A_922 {offsets = [9], sizes = [1], strides = [1]} : vector<16xf32> to vector<1xf32>
    %squeeze3A_942 = vector.extract %slice3A_941[0] : f32 from vector<1xf32>
    %slice3A_943 = vector.extract_strided_slice %get3A_922 {offsets = [10], sizes = [1], strides = [1]} : vector<16xf32> to vector<1xf32>
    %squeeze3A_944 = vector.extract %slice3A_943[0] : f32 from vector<1xf32>
    %slice3A_945 = vector.extract_strided_slice %get3A_922 {offsets = [11], sizes = [1], strides = [1]} : vector<16xf32> to vector<1xf32>
    %squeeze3A_946 = vector.extract %slice3A_945[0] : f32 from vector<1xf32>
    %add3A_947 = arith.constant 16 : i32
    %add3A_948 = vector.broadcast %add3A_947 : i32 to vector<16xi32>
    %add3A_949 = arith.addi %add3A_948, %iota3A : vector<16xi32>
    %gather3A_950 = tpu.vector_load_idx %arg15[%add3A_949] : memref<32xi32, #tpu.memory_space<vmem>>[vector<16xi32>], vector<16xi32>,
    %add3A_951 = arith.constant 256 : i32
    %add3A_952 = vector.broadcast %add3A_951 : i32 to vector<16xi32>
    %add3A_953 = arith.addi %add3A_952, %gather3A_950 : vector<16xi32>
    %shift_left3A_954 = arith.constant 1 : i32
    %shift_left3A_955 = vector.broadcast %shift_left3A_954 : i32 to vector<16xi32>
    %shift_left3A_956 = arith.shli %gather3A_950, %shift_left3A_955 : vector<16xi32>
    %add3A_957 = arith.addi %add3A_953, %shift_left3A_956 : vector<16xi32>
    %gather3A_958 = tpu.vector_load_idx %arg12[%add3A_957] : memref<352xf32, #tpu.memory_space<vmem>>[vector<16xi32>], vector<16xf32>,
    %add3A_959 = arith.constant 1 : i32
    %add3A_960 = vector.broadcast %add3A_959 : i32 to vector<16xi32>
    %add3A_961 = arith.addi %add3A_957, %add3A_960 : vector<16xi32>
    %gather3A_962 = tpu.vector_load_idx %arg12[%add3A_961] : memref<352xf32, #tpu.memory_space<vmem>>[vector<16xi32>], vector<16xf32>,
    %add3A_963 = arith.constant 2 : i32
    %add3A_964 = vector.broadcast %add3A_963 : i32 to vector<16xi32>
    %add3A_965 = arith.addi %add3A_957, %add3A_964 : vector<16xi32>
    %gather3A_966 = tpu.vector_load_idx %arg12[%add3A_965] : memref<352xf32, #tpu.memory_space<vmem>>[vector<16xi32>], vector<16xf32>,
    %mul3A_967 = vector.broadcast %squeeze3A_924 : f32 to vector<16xf32>
    %mul3A_968 = arith.mulf %mul3A_967, %gather3A_958 : vector<16xf32>
    %mul3A_969 = vector.broadcast %squeeze3A_926 : f32 to vector<16xf32>
    %mul3A_970 = arith.mulf %mul3A_969, %gather3A_962 : vector<16xf32>
    %add3A_971 = arith.addf %mul3A_968, %mul3A_970 : vector<16xf32>
    %mul3A_972 = vector.broadcast %squeeze3A_928 : f32 to vector<16xf32>
    %mul3A_973 = arith.mulf %mul3A_972, %gather3A_966 : vector<16xf32>
    %add3A_974 = arith.addf %add3A_971, %mul3A_973 : vector<16xf32>
    %add3A_975 = vector.broadcast %squeeze3A_930 : f32 to vector<16xf32>
    %add3A_976 = arith.addf %add3A_974, %add3A_975 : vector<16xf32>
    %mul3A_977 = vector.broadcast %squeeze3A_932 : f32 to vector<16xf32>
    %mul3A_978 = arith.mulf %mul3A_977, %gather3A_958 : vector<16xf32>
    %mul3A_979 = vector.broadcast %squeeze3A_934 : f32 to vector<16xf32>
    %mul3A_980 = arith.mulf %mul3A_979, %gather3A_962 : vector<16xf32>
    %add3A_981 = arith.addf %mul3A_978, %mul3A_980 : vector<16xf32>
    %mul3A_982 = vector.broadcast %squeeze3A_936 : f32 to vector<16xf32>
    %mul3A_983 = arith.mulf %mul3A_982, %gather3A_966 : vector<16xf32>
    %add3A_984 = arith.addf %add3A_981, %mul3A_983 : vector<16xf32>
    %add3A_985 = vector.broadcast %squeeze3A_938 : f32 to vector<16xf32>
    %add3A_986 = arith.addf %add3A_984, %add3A_985 : vector<16xf32>
    %mul3A_987 = vector.broadcast %squeeze3A_940 : f32 to vector<16xf32>
    %mul3A_988 = arith.mulf %mul3A_987, %gather3A_958 : vector<16xf32>
    %mul3A_989 = vector.broadcast %squeeze3A_942 : f32 to vector<16xf32>
    %mul3A_990 = arith.mulf %mul3A_989, %gather3A_962 : vector<16xf32>
    %add3A_991 = arith.addf %mul3A_988, %mul3A_990 : vector<16xf32>
    %mul3A_992 = vector.broadcast %squeeze3A_944 : f32 to vector<16xf32>
    %mul3A_993 = arith.mulf %mul3A_992, %gather3A_966 : vector<16xf32>
    %add3A_994 = arith.addf %add3A_991, %mul3A_993 : vector<16xf32>
    %add3A_995 = vector.broadcast %squeeze3A_946 : f32 to vector<16xf32>
    %add3A_996 = arith.addf %add3A_994, %add3A_995 : vector<16xf32>
    %div3A_997 = arith.constant 1.000000e+00 : f32
    %div3A_998 = vector.broadcast %div3A_997 : f32 to vector<16xf32>
    %div3A_999 = arith.divf %div3A_998, %add3A_996 : vector<16xf32>
    %mul3A_1000 = arith.mulf %add3A_976, %div3A_999 : vector<16xf32>
    %mul3A_1001 = arith.constant 3.200000e+02 : f32
    %mul3A_1002 = vector.broadcast %mul3A_1001 : f32 to vector<16xf32>
    %mul3A_1003 = arith.mulf %mul3A_1000, %mul3A_1002 : vector<16xf32>
    %add3A_1004 = arith.constant 3.200000e+02 : f32
    %add3A_1005 = vector.broadcast %add3A_1004 : f32 to vector<16xf32>
    %add3A_1006 = arith.addf %mul3A_1003, %add3A_1005 : vector<16xf32>
    %mul3A_1007 = arith.mulf %add3A_986, %div3A_999 : vector<16xf32>
    %mul3A_1008 = arith.constant 3.200000e+02 : f32
    %mul3A_1009 = vector.broadcast %mul3A_1008 : f32 to vector<16xf32>
    %mul3A_1010 = arith.mulf %mul3A_1007, %mul3A_1009 : vector<16xf32>
    %add3A_1011 = arith.constant 2.400000e+02 : f32
    %add3A_1012 = vector.broadcast %add3A_1011 : f32 to vector<16xf32>
    %add3A_1013 = arith.addf %mul3A_1010, %add3A_1012 : vector<16xf32>
    %swap3A_1014 = arith.constant 144 : index
    %swap3A_1015 = tpu.vector_load %arg10[%swap3A_1014] {strides = array<i32>} : memref<512xf32, #tpu.memory_space<vmem>>, vector<16xf32>,
    tpu.vector_store %arg10[%swap3A_1014], %add3A_1006 {strides = array<i32>} : memref<512xf32, #tpu.memory_space<vmem>>, vector<16xf32>,
    %swap3A_1016 = arith.constant 144 : index
    %swap3A_1017 = tpu.vector_load %arg11[%swap3A_1016] {strides = array<i32>} : memref<512xf32, #tpu.memory_space<vmem>>, vector<16xf32>,
    tpu.vector_store %arg11[%swap3A_1016], %add3A_1013 {strides = array<i32>} : memref<512xf32, #tpu.memory_space<vmem>>, vector<16xf32>,
    %slice3A_1018 = vector.extract_strided_slice %get3A_13 {offsets = [5], sizes = [1], strides = [1]} : vector<16xi32> to vector<1xi32>
    %squeeze3A_1019 = vector.extract %slice3A_1018[0] : i32 from vector<1xi32>
    %mul3A_1020 = arith.constant 16 : i32
    %mul3A_1021 = arith.muli %squeeze3A_1019, %mul3A_1020 : i32
    %get3A_1022 = arith.index_cast %mul3A_1021 : i32 to index
    %get3A_1023 = tpu.vector_load %arg12[%get3A_1022] {strides = array<i32>} : memref<352xf32, #tpu.memory_space<vmem>>, vector<16xf32>,
    %slice3A_1024 = vector.extract_strided_slice %get3A_1023 {offsets = [0], sizes = [1], strides = [1]} : vector<16xf32> to vector<1xf32>
    %squeeze3A_1025 = vector.extract %slice3A_1024[0] : f32 from vector<1xf32>
    %slice3A_1026 = vector.extract_strided_slice %get3A_1023 {offsets = [1], sizes = [1], strides = [1]} : vector<16xf32> to vector<1xf32>
    %squeeze3A_1027 = vector.extract %slice3A_1026[0] : f32 from vector<1xf32>
    %slice3A_1028 = vector.extract_strided_slice %get3A_1023 {offsets = [2], sizes = [1], strides = [1]} : vector<16xf32> to vector<1xf32>
    %squeeze3A_1029 = vector.extract %slice3A_1028[0] : f32 from vector<1xf32>
    %slice3A_1030 = vector.extract_strided_slice %get3A_1023 {offsets = [3], sizes = [1], strides = [1]} : vector<16xf32> to vector<1xf32>
    %squeeze3A_1031 = vector.extract %slice3A_1030[0] : f32 from vector<1xf32>
    %slice3A_1032 = vector.extract_strided_slice %get3A_1023 {offsets = [4], sizes = [1], strides = [1]} : vector<16xf32> to vector<1xf32>
    %squeeze3A_1033 = vector.extract %slice3A_1032[0] : f32 from vector<1xf32>
    %slice3A_1034 = vector.extract_strided_slice %get3A_1023 {offsets = [5], sizes = [1], strides = [1]} : vector<16xf32> to vector<1xf32>
    %squeeze3A_1035 = vector.extract %slice3A_1034[0] : f32 from vector<1xf32>
    %slice3A_1036 = vector.extract_strided_slice %get3A_1023 {offsets = [6], sizes = [1], strides = [1]} : vector<16xf32> to vector<1xf32>
    %squeeze3A_1037 = vector.extract %slice3A_1036[0] : f32 from vector<1xf32>
    %slice3A_1038 = vector.extract_strided_slice %get3A_1023 {offsets = [7], sizes = [1], strides = [1]} : vector<16xf32> to vector<1xf32>
    %squeeze3A_1039 = vector.extract %slice3A_1038[0] : f32 from vector<1xf32>
    %slice3A_1040 = vector.extract_strided_slice %get3A_1023 {offsets = [8], sizes = [1], strides = [1]} : vector<16xf32> to vector<1xf32>
    %squeeze3A_1041 = vector.extract %slice3A_1040[0] : f32 from vector<1xf32>
    %slice3A_1042 = vector.extract_strided_slice %get3A_1023 {offsets = [9], sizes = [1], strides = [1]} : vector<16xf32> to vector<1xf32>
    %squeeze3A_1043 = vector.extract %slice3A_1042[0] : f32 from vector<1xf32>
    %slice3A_1044 = vector.extract_strided_slice %get3A_1023 {offsets = [10], sizes = [1], strides = [1]} : vector<16xf32> to vector<1xf32>
    %squeeze3A_1045 = vector.extract %slice3A_1044[0] : f32 from vector<1xf32>
    %slice3A_1046 = vector.extract_strided_slice %get3A_1023 {offsets = [11], sizes = [1], strides = [1]} : vector<16xf32> to vector<1xf32>
    %squeeze3A_1047 = vector.extract %slice3A_1046[0] : f32 from vector<1xf32>
    %add3A_1048 = arith.constant 0 : i32
    %add3A_1049 = vector.broadcast %add3A_1048 : i32 to vector<16xi32>
    %add3A_1050 = arith.addi %add3A_1049, %iota3A : vector<16xi32>
    %gather3A_1051 = tpu.vector_load_idx %arg15[%add3A_1050] : memref<32xi32, #tpu.memory_space<vmem>>[vector<16xi32>], vector<16xi32>,
    %add3A_1052 = arith.constant 256 : i32
    %add3A_1053 = vector.broadcast %add3A_1052 : i32 to vector<16xi32>
    %add3A_1054 = arith.addi %add3A_1053, %gather3A_1051 : vector<16xi32>
    %shift_left3A_1055 = arith.constant 1 : i32
    %shift_left3A_1056 = vector.broadcast %shift_left3A_1055 : i32 to vector<16xi32>
    %shift_left3A_1057 = arith.shli %gather3A_1051, %shift_left3A_1056 : vector<16xi32>
    %add3A_1058 = arith.addi %add3A_1054, %shift_left3A_1057 : vector<16xi32>
    %gather3A_1059 = tpu.vector_load_idx %arg12[%add3A_1058] : memref<352xf32, #tpu.memory_space<vmem>>[vector<16xi32>], vector<16xf32>,
    %add3A_1060 = arith.constant 1 : i32
    %add3A_1061 = vector.broadcast %add3A_1060 : i32 to vector<16xi32>
    %add3A_1062 = arith.addi %add3A_1058, %add3A_1061 : vector<16xi32>
    %gather3A_1063 = tpu.vector_load_idx %arg12[%add3A_1062] : memref<352xf32, #tpu.memory_space<vmem>>[vector<16xi32>], vector<16xf32>,
    %add3A_1064 = arith.constant 2 : i32
    %add3A_1065 = vector.broadcast %add3A_1064 : i32 to vector<16xi32>
    %add3A_1066 = arith.addi %add3A_1058, %add3A_1065 : vector<16xi32>
    %gather3A_1067 = tpu.vector_load_idx %arg12[%add3A_1066] : memref<352xf32, #tpu.memory_space<vmem>>[vector<16xi32>], vector<16xf32>,
    %mul3A_1068 = vector.broadcast %squeeze3A_1025 : f32 to vector<16xf32>
    %mul3A_1069 = arith.mulf %mul3A_1068, %gather3A_1059 : vector<16xf32>
    %mul3A_1070 = vector.broadcast %squeeze3A_1027 : f32 to vector<16xf32>
    %mul3A_1071 = arith.mulf %mul3A_1070, %gather3A_1063 : vector<16xf32>
    %add3A_1072 = arith.addf %mul3A_1069, %mul3A_1071 : vector<16xf32>
    %mul3A_1073 = vector.broadcast %squeeze3A_1029 : f32 to vector<16xf32>
    %mul3A_1074 = arith.mulf %mul3A_1073, %gather3A_1067 : vector<16xf32>
    %add3A_1075 = arith.addf %add3A_1072, %mul3A_1074 : vector<16xf32>
    %add3A_1076 = vector.broadcast %squeeze3A_1031 : f32 to vector<16xf32>
    %add3A_1077 = arith.addf %add3A_1075, %add3A_1076 : vector<16xf32>
    %mul3A_1078 = vector.broadcast %squeeze3A_1033 : f32 to vector<16xf32>
    %mul3A_1079 = arith.mulf %mul3A_1078, %gather3A_1059 : vector<16xf32>
    %mul3A_1080 = vector.broadcast %squeeze3A_1035 : f32 to vector<16xf32>
    %mul3A_1081 = arith.mulf %mul3A_1080, %gather3A_1063 : vector<16xf32>
    %add3A_1082 = arith.addf %mul3A_1079, %mul3A_1081 : vector<16xf32>
    %mul3A_1083 = vector.broadcast %squeeze3A_1037 : f32 to vector<16xf32>
    %mul3A_1084 = arith.mulf %mul3A_1083, %gather3A_1067 : vector<16xf32>
    %add3A_1085 = arith.addf %add3A_1082, %mul3A_1084 : vector<16xf32>
    %add3A_1086 = vector.broadcast %squeeze3A_1039 : f32 to vector<16xf32>
    %add3A_1087 = arith.addf %add3A_1085, %add3A_1086 : vector<16xf32>
    %mul3A_1088 = vector.broadcast %squeeze3A_1041 : f32 to vector<16xf32>
    %mul3A_1089 = arith.mulf %mul3A_1088, %gather3A_1059 : vector<16xf32>
    %mul3A_1090 = vector.broadcast %squeeze3A_1043 : f32 to vector<16xf32>
    %mul3A_1091 = arith.mulf %mul3A_1090, %gather3A_1063 : vector<16xf32>
    %add3A_1092 = arith.addf %mul3A_1089, %mul3A_1091 : vector<16xf32>
    %mul3A_1093 = vector.broadcast %squeeze3A_1045 : f32 to vector<16xf32>
    %mul3A_1094 = arith.mulf %mul3A_1093, %gather3A_1067 : vector<16xf32>
    %add3A_1095 = arith.addf %add3A_1092, %mul3A_1094 : vector<16xf32>
    %add3A_1096 = vector.broadcast %squeeze3A_1047 : f32 to vector<16xf32>
    %add3A_1097 = arith.addf %add3A_1095, %add3A_1096 : vector<16xf32>
    %div3A_1098 = arith.constant 1.000000e+00 : f32
    %div3A_1099 = vector.broadcast %div3A_1098 : f32 to vector<16xf32>
    %div3A_1100 = arith.divf %div3A_1099, %add3A_1097 : vector<16xf32>
    %mul3A_1101 = arith.mulf %add3A_1077, %div3A_1100 : vector<16xf32>
    %mul3A_1102 = arith.constant 3.200000e+02 : f32
    %mul3A_1103 = vector.broadcast %mul3A_1102 : f32 to vector<16xf32>
    %mul3A_1104 = arith.mulf %mul3A_1101, %mul3A_1103 : vector<16xf32>
    %add3A_1105 = arith.constant 3.200000e+02 : f32
    %add3A_1106 = vector.broadcast %add3A_1105 : f32 to vector<16xf32>
    %add3A_1107 = arith.addf %mul3A_1104, %add3A_1106 : vector<16xf32>
    %mul3A_1108 = arith.mulf %add3A_1087, %div3A_1100 : vector<16xf32>
    %mul3A_1109 = arith.constant 3.200000e+02 : f32
    %mul3A_1110 = vector.broadcast %mul3A_1109 : f32 to vector<16xf32>
    %mul3A_1111 = arith.mulf %mul3A_1108, %mul3A_1110 : vector<16xf32>
    %add3A_1112 = arith.constant 2.400000e+02 : f32
    %add3A_1113 = vector.broadcast %add3A_1112 : f32 to vector<16xf32>
    %add3A_1114 = arith.addf %mul3A_1111, %add3A_1113 : vector<16xf32>
    %swap3A_1115 = arith.constant 160 : index
    %swap3A_1116 = tpu.vector_load %arg10[%swap3A_1115] {strides = array<i32>} : memref<512xf32, #tpu.memory_space<vmem>>, vector<16xf32>,
    tpu.vector_store %arg10[%swap3A_1115], %add3A_1107 {strides = array<i32>} : memref<512xf32, #tpu.memory_space<vmem>>, vector<16xf32>,
    %swap3A_1117 = arith.constant 160 : index
    %swap3A_1118 = tpu.vector_load %arg11[%swap3A_1117] {strides = array<i32>} : memref<512xf32, #tpu.memory_space<vmem>>, vector<16xf32>,
    tpu.vector_store %arg11[%swap3A_1117], %add3A_1114 {strides = array<i32>} : memref<512xf32, #tpu.memory_space<vmem>>, vector<16xf32>,
    %slice3A_1119 = vector.extract_strided_slice %get3A_13 {offsets = [5], sizes = [1], strides = [1]} : vector<16xi32> to vector<1xi32>
    %squeeze3A_1120 = vector.extract %slice3A_1119[0] : i32 from vector<1xi32>
    %mul3A_1121 = arith.constant 16 : i32
    %mul3A_1122 = arith.muli %squeeze3A_1120, %mul3A_1121 : i32
    %get3A_1123 = arith.index_cast %mul3A_1122 : i32 to index
    %get3A_1124 = tpu.vector_load %arg12[%get3A_1123] {strides = array<i32>} : memref<352xf32, #tpu.memory_space<vmem>>, vector<16xf32>,
    %slice3A_1125 = vector.extract_strided_slice %get3A_1124 {offsets = [0], sizes = [1], strides = [1]} : vector<16xf32> to vector<1xf32>
    %squeeze3A_1126 = vector.extract %slice3A_1125[0] : f32 from vector<1xf32>
    %slice3A_1127 = vector.extract_strided_slice %get3A_1124 {offsets = [1], sizes = [1], strides = [1]} : vector<16xf32> to vector<1xf32>
    %squeeze3A_1128 = vector.extract %slice3A_1127[0] : f32 from vector<1xf32>
    %slice3A_1129 = vector.extract_strided_slice %get3A_1124 {offsets = [2], sizes = [1], strides = [1]} : vector<16xf32> to vector<1xf32>
    %squeeze3A_1130 = vector.extract %slice3A_1129[0] : f32 from vector<1xf32>
    %slice3A_1131 = vector.extract_strided_slice %get3A_1124 {offsets = [3], sizes = [1], strides = [1]} : vector<16xf32> to vector<1xf32>
    %squeeze3A_1132 = vector.extract %slice3A_1131[0] : f32 from vector<1xf32>
    %slice3A_1133 = vector.extract_strided_slice %get3A_1124 {offsets = [4], sizes = [1], strides = [1]} : vector<16xf32> to vector<1xf32>
    %squeeze3A_1134 = vector.extract %slice3A_1133[0] : f32 from vector<1xf32>
    %slice3A_1135 = vector.extract_strided_slice %get3A_1124 {offsets = [5], sizes = [1], strides = [1]} : vector<16xf32> to vector<1xf32>
    %squeeze3A_1136 = vector.extract %slice3A_1135[0] : f32 from vector<1xf32>
    %slice3A_1137 = vector.extract_strided_slice %get3A_1124 {offsets = [6], sizes = [1], strides = [1]} : vector<16xf32> to vector<1xf32>
    %squeeze3A_1138 = vector.extract %slice3A_1137[0] : f32 from vector<1xf32>
    %slice3A_1139 = vector.extract_strided_slice %get3A_1124 {offsets = [7], sizes = [1], strides = [1]} : vector<16xf32> to vector<1xf32>
    %squeeze3A_1140 = vector.extract %slice3A_1139[0] : f32 from vector<1xf32>
    %slice3A_1141 = vector.extract_strided_slice %get3A_1124 {offsets = [8], sizes = [1], strides = [1]} : vector<16xf32> to vector<1xf32>
    %squeeze3A_1142 = vector.extract %slice3A_1141[0] : f32 from vector<1xf32>
    %slice3A_1143 = vector.extract_strided_slice %get3A_1124 {offsets = [9], sizes = [1], strides = [1]} : vector<16xf32> to vector<1xf32>
    %squeeze3A_1144 = vector.extract %slice3A_1143[0] : f32 from vector<1xf32>
    %slice3A_1145 = vector.extract_strided_slice %get3A_1124 {offsets = [10], sizes = [1], strides = [1]} : vector<16xf32> to vector<1xf32>
    %squeeze3A_1146 = vector.extract %slice3A_1145[0] : f32 from vector<1xf32>
    %slice3A_1147 = vector.extract_strided_slice %get3A_1124 {offsets = [11], sizes = [1], strides = [1]} : vector<16xf32> to vector<1xf32>
    %squeeze3A_1148 = vector.extract %slice3A_1147[0] : f32 from vector<1xf32>
    %add3A_1149 = arith.constant 16 : i32
    %add3A_1150 = vector.broadcast %add3A_1149 : i32 to vector<16xi32>
    %add3A_1151 = arith.addi %add3A_1150, %iota3A : vector<16xi32>
    %gather3A_1152 = tpu.vector_load_idx %arg15[%add3A_1151] : memref<32xi32, #tpu.memory_space<vmem>>[vector<16xi32>], vector<16xi32>,
    %add3A_1153 = arith.constant 256 : i32
    %add3A_1154 = vector.broadcast %add3A_1153 : i32 to vector<16xi32>
    %add3A_1155 = arith.addi %add3A_1154, %gather3A_1152 : vector<16xi32>
    %shift_left3A_1156 = arith.constant 1 : i32
    %shift_left3A_1157 = vector.broadcast %shift_left3A_1156 : i32 to vector<16xi32>
    %shift_left3A_1158 = arith.shli %gather3A_1152, %shift_left3A_1157 : vector<16xi32>
    %add3A_1159 = arith.addi %add3A_1155, %shift_left3A_1158 : vector<16xi32>
    %gather3A_1160 = tpu.vector_load_idx %arg12[%add3A_1159] : memref<352xf32, #tpu.memory_space<vmem>>[vector<16xi32>], vector<16xf32>,
    %add3A_1161 = arith.constant 1 : i32
    %add3A_1162 = vector.broadcast %add3A_1161 : i32 to vector<16xi32>
    %add3A_1163 = arith.addi %add3A_1159, %add3A_1162 : vector<16xi32>
    %gather3A_1164 = tpu.vector_load_idx %arg12[%add3A_1163] : memref<352xf32, #tpu.memory_space<vmem>>[vector<16xi32>], vector<16xf32>,
    %add3A_1165 = arith.constant 2 : i32
    %add3A_1166 = vector.broadcast %add3A_1165 : i32 to vector<16xi32>
    %add3A_1167 = arith.addi %add3A_1159, %add3A_1166 : vector<16xi32>
    %gather3A_1168 = tpu.vector_load_idx %arg12[%add3A_1167] : memref<352xf32, #tpu.memory_space<vmem>>[vector<16xi32>], vector<16xf32>,
    %mul3A_1169 = vector.broadcast %squeeze3A_1126 : f32 to vector<16xf32>
    %mul3A_1170 = arith.mulf %mul3A_1169, %gather3A_1160 : vector<16xf32>
    %mul3A_1171 = vector.broadcast %squeeze3A_1128 : f32 to vector<16xf32>
    %mul3A_1172 = arith.mulf %mul3A_1171, %gather3A_1164 : vector<16xf32>
    %add3A_1173 = arith.addf %mul3A_1170, %mul3A_1172 : vector<16xf32>
    %mul3A_1174 = vector.broadcast %squeeze3A_1130 : f32 to vector<16xf32>
    %mul3A_1175 = arith.mulf %mul3A_1174, %gather3A_1168 : vector<16xf32>
    %add3A_1176 = arith.addf %add3A_1173, %mul3A_1175 : vector<16xf32>
    %add3A_1177 = vector.broadcast %squeeze3A_1132 : f32 to vector<16xf32>
    %add3A_1178 = arith.addf %add3A_1176, %add3A_1177 : vector<16xf32>
    %mul3A_1179 = vector.broadcast %squeeze3A_1134 : f32 to vector<16xf32>
    %mul3A_1180 = arith.mulf %mul3A_1179, %gather3A_1160 : vector<16xf32>
    %mul3A_1181 = vector.broadcast %squeeze3A_1136 : f32 to vector<16xf32>
    %mul3A_1182 = arith.mulf %mul3A_1181, %gather3A_1164 : vector<16xf32>
    %add3A_1183 = arith.addf %mul3A_1180, %mul3A_1182 : vector<16xf32>
    %mul3A_1184 = vector.broadcast %squeeze3A_1138 : f32 to vector<16xf32>
    %mul3A_1185 = arith.mulf %mul3A_1184, %gather3A_1168 : vector<16xf32>
    %add3A_1186 = arith.addf %add3A_1183, %mul3A_1185 : vector<16xf32>
    %add3A_1187 = vector.broadcast %squeeze3A_1140 : f32 to vector<16xf32>
    %add3A_1188 = arith.addf %add3A_1186, %add3A_1187 : vector<16xf32>
    %mul3A_1189 = vector.broadcast %squeeze3A_1142 : f32 to vector<16xf32>
    %mul3A_1190 = arith.mulf %mul3A_1189, %gather3A_1160 : vector<16xf32>
    %mul3A_1191 = vector.broadcast %squeeze3A_1144 : f32 to vector<16xf32>
    %mul3A_1192 = arith.mulf %mul3A_1191, %gather3A_1164 : vector<16xf32>
    %add3A_1193 = arith.addf %mul3A_1190, %mul3A_1192 : vector<16xf32>
    %mul3A_1194 = vector.broadcast %squeeze3A_1146 : f32 to vector<16xf32>
    %mul3A_1195 = arith.mulf %mul3A_1194, %gather3A_1168 : vector<16xf32>
    %add3A_1196 = arith.addf %add3A_1193, %mul3A_1195 : vector<16xf32>
    %add3A_1197 = vector.broadcast %squeeze3A_1148 : f32 to vector<16xf32>
    %add3A_1198 = arith.addf %add3A_1196, %add3A_1197 : vector<16xf32>
    %div3A_1199 = arith.constant 1.000000e+00 : f32
    %div3A_1200 = vector.broadcast %div3A_1199 : f32 to vector<16xf32>
    %div3A_1201 = arith.divf %div3A_1200, %add3A_1198 : vector<16xf32>
    %mul3A_1202 = arith.mulf %add3A_1178, %div3A_1201 : vector<16xf32>
    %mul3A_1203 = arith.constant 3.200000e+02 : f32
    %mul3A_1204 = vector.broadcast %mul3A_1203 : f32 to vector<16xf32>
    %mul3A_1205 = arith.mulf %mul3A_1202, %mul3A_1204 : vector<16xf32>
    %add3A_1206 = arith.constant 3.200000e+02 : f32
    %add3A_1207 = vector.broadcast %add3A_1206 : f32 to vector<16xf32>
    %add3A_1208 = arith.addf %mul3A_1205, %add3A_1207 : vector<16xf32>
    %mul3A_1209 = arith.mulf %add3A_1188, %div3A_1201 : vector<16xf32>
    %mul3A_1210 = arith.constant 3.200000e+02 : f32
    %mul3A_1211 = vector.broadcast %mul3A_1210 : f32 to vector<16xf32>
    %mul3A_1212 = arith.mulf %mul3A_1209, %mul3A_1211 : vector<16xf32>
    %add3A_1213 = arith.constant 2.400000e+02 : f32
    %add3A_1214 = vector.broadcast %add3A_1213 : f32 to vector<16xf32>
    %add3A_1215 = arith.addf %mul3A_1212, %add3A_1214 : vector<16xf32>
    %swap3A_1216 = arith.constant 176 : index
    %swap3A_1217 = tpu.vector_load %arg10[%swap3A_1216] {strides = array<i32>} : memref<512xf32, #tpu.memory_space<vmem>>, vector<16xf32>,
    tpu.vector_store %arg10[%swap3A_1216], %add3A_1208 {strides = array<i32>} : memref<512xf32, #tpu.memory_space<vmem>>, vector<16xf32>,
    %swap3A_1218 = arith.constant 176 : index
    %swap3A_1219 = tpu.vector_load %arg11[%swap3A_1218] {strides = array<i32>} : memref<512xf32, #tpu.memory_space<vmem>>, vector<16xf32>,
    tpu.vector_store %arg11[%swap3A_1218], %add3A_1215 {strides = array<i32>} : memref<512xf32, #tpu.memory_space<vmem>>, vector<16xf32>,
    %slice3A_1220 = vector.extract_strided_slice %get3A_13 {offsets = [6], sizes = [1], strides = [1]} : vector<16xi32> to vector<1xi32>
    %squeeze3A_1221 = vector.extract %slice3A_1220[0] : i32 from vector<1xi32>
    %mul3A_1222 = arith.constant 16 : i32
    %mul3A_1223 = arith.muli %squeeze3A_1221, %mul3A_1222 : i32
    %get3A_1224 = arith.index_cast %mul3A_1223 : i32 to index
    %get3A_1225 = tpu.vector_load %arg12[%get3A_1224] {strides = array<i32>} : memref<352xf32, #tpu.memory_space<vmem>>, vector<16xf32>,
    %slice3A_1226 = vector.extract_strided_slice %get3A_1225 {offsets = [0], sizes = [1], strides = [1]} : vector<16xf32> to vector<1xf32>
    %squeeze3A_1227 = vector.extract %slice3A_1226[0] : f32 from vector<1xf32>
    %slice3A_1228 = vector.extract_strided_slice %get3A_1225 {offsets = [1], sizes = [1], strides = [1]} : vector<16xf32> to vector<1xf32>
    %squeeze3A_1229 = vector.extract %slice3A_1228[0] : f32 from vector<1xf32>
    %slice3A_1230 = vector.extract_strided_slice %get3A_1225 {offsets = [2], sizes = [1], strides = [1]} : vector<16xf32> to vector<1xf32>
    %squeeze3A_1231 = vector.extract %slice3A_1230[0] : f32 from vector<1xf32>
    %slice3A_1232 = vector.extract_strided_slice %get3A_1225 {offsets = [3], sizes = [1], strides = [1]} : vector<16xf32> to vector<1xf32>
    %squeeze3A_1233 = vector.extract %slice3A_1232[0] : f32 from vector<1xf32>
    %slice3A_1234 = vector.extract_strided_slice %get3A_1225 {offsets = [4], sizes = [1], strides = [1]} : vector<16xf32> to vector<1xf32>
    %squeeze3A_1235 = vector.extract %slice3A_1234[0] : f32 from vector<1xf32>
    %slice3A_1236 = vector.extract_strided_slice %get3A_1225 {offsets = [5], sizes = [1], strides = [1]} : vector<16xf32> to vector<1xf32>
    %squeeze3A_1237 = vector.extract %slice3A_1236[0] : f32 from vector<1xf32>
    %slice3A_1238 = vector.extract_strided_slice %get3A_1225 {offsets = [6], sizes = [1], strides = [1]} : vector<16xf32> to vector<1xf32>
    %squeeze3A_1239 = vector.extract %slice3A_1238[0] : f32 from vector<1xf32>
    %slice3A_1240 = vector.extract_strided_slice %get3A_1225 {offsets = [7], sizes = [1], strides = [1]} : vector<16xf32> to vector<1xf32>
    %squeeze3A_1241 = vector.extract %slice3A_1240[0] : f32 from vector<1xf32>
    %slice3A_1242 = vector.extract_strided_slice %get3A_1225 {offsets = [8], sizes = [1], strides = [1]} : vector<16xf32> to vector<1xf32>
    %squeeze3A_1243 = vector.extract %slice3A_1242[0] : f32 from vector<1xf32>
    %slice3A_1244 = vector.extract_strided_slice %get3A_1225 {offsets = [9], sizes = [1], strides = [1]} : vector<16xf32> to vector<1xf32>
    %squeeze3A_1245 = vector.extract %slice3A_1244[0] : f32 from vector<1xf32>
    %slice3A_1246 = vector.extract_strided_slice %get3A_1225 {offsets = [10], sizes = [1], strides = [1]} : vector<16xf32> to vector<1xf32>
    %squeeze3A_1247 = vector.extract %slice3A_1246[0] : f32 from vector<1xf32>
    %slice3A_1248 = vector.extract_strided_slice %get3A_1225 {offsets = [11], sizes = [1], strides = [1]} : vector<16xf32> to vector<1xf32>
    %squeeze3A_1249 = vector.extract %slice3A_1248[0] : f32 from vector<1xf32>
    %add3A_1250 = arith.constant 0 : i32
    %add3A_1251 = vector.broadcast %add3A_1250 : i32 to vector<16xi32>
    %add3A_1252 = arith.addi %add3A_1251, %iota3A : vector<16xi32>
    %gather3A_1253 = tpu.vector_load_idx %arg15[%add3A_1252] : memref<32xi32, #tpu.memory_space<vmem>>[vector<16xi32>], vector<16xi32>,
    %add3A_1254 = arith.constant 256 : i32
    %add3A_1255 = vector.broadcast %add3A_1254 : i32 to vector<16xi32>
    %add3A_1256 = arith.addi %add3A_1255, %gather3A_1253 : vector<16xi32>
    %shift_left3A_1257 = arith.constant 1 : i32
    %shift_left3A_1258 = vector.broadcast %shift_left3A_1257 : i32 to vector<16xi32>
    %shift_left3A_1259 = arith.shli %gather3A_1253, %shift_left3A_1258 : vector<16xi32>
    %add3A_1260 = arith.addi %add3A_1256, %shift_left3A_1259 : vector<16xi32>
    %gather3A_1261 = tpu.vector_load_idx %arg12[%add3A_1260] : memref<352xf32, #tpu.memory_space<vmem>>[vector<16xi32>], vector<16xf32>,
    %add3A_1262 = arith.constant 1 : i32
    %add3A_1263 = vector.broadcast %add3A_1262 : i32 to vector<16xi32>
    %add3A_1264 = arith.addi %add3A_1260, %add3A_1263 : vector<16xi32>
    %gather3A_1265 = tpu.vector_load_idx %arg12[%add3A_1264] : memref<352xf32, #tpu.memory_space<vmem>>[vector<16xi32>], vector<16xf32>,
    %add3A_1266 = arith.constant 2 : i32
    %add3A_1267 = vector.broadcast %add3A_1266 : i32 to vector<16xi32>
    %add3A_1268 = arith.addi %add3A_1260, %add3A_1267 : vector<16xi32>
    %gather3A_1269 = tpu.vector_load_idx %arg12[%add3A_1268] : memref<352xf32, #tpu.memory_space<vmem>>[vector<16xi32>], vector<16xf32>,
    %mul3A_1270 = vector.broadcast %squeeze3A_1227 : f32 to vector<16xf32>
    %mul3A_1271 = arith.mulf %mul3A_1270, %gather3A_1261 : vector<16xf32>
    %mul3A_1272 = vector.broadcast %squeeze3A_1229 : f32 to vector<16xf32>
    %mul3A_1273 = arith.mulf %mul3A_1272, %gather3A_1265 : vector<16xf32>
    %add3A_1274 = arith.addf %mul3A_1271, %mul3A_1273 : vector<16xf32>
    %mul3A_1275 = vector.broadcast %squeeze3A_1231 : f32 to vector<16xf32>
    %mul3A_1276 = arith.mulf %mul3A_1275, %gather3A_1269 : vector<16xf32>
    %add3A_1277 = arith.addf %add3A_1274, %mul3A_1276 : vector<16xf32>
    %add3A_1278 = vector.broadcast %squeeze3A_1233 : f32 to vector<16xf32>
    %add3A_1279 = arith.addf %add3A_1277, %add3A_1278 : vector<16xf32>
    %mul3A_1280 = vector.broadcast %squeeze3A_1235 : f32 to vector<16xf32>
    %mul3A_1281 = arith.mulf %mul3A_1280, %gather3A_1261 : vector<16xf32>
    %mul3A_1282 = vector.broadcast %squeeze3A_1237 : f32 to vector<16xf32>
    %mul3A_1283 = arith.mulf %mul3A_1282, %gather3A_1265 : vector<16xf32>
    %add3A_1284 = arith.addf %mul3A_1281, %mul3A_1283 : vector<16xf32>
    %mul3A_1285 = vector.broadcast %squeeze3A_1239 : f32 to vector<16xf32>
    %mul3A_1286 = arith.mulf %mul3A_1285, %gather3A_1269 : vector<16xf32>
    %add3A_1287 = arith.addf %add3A_1284, %mul3A_1286 : vector<16xf32>
    %add3A_1288 = vector.broadcast %squeeze3A_1241 : f32 to vector<16xf32>
    %add3A_1289 = arith.addf %add3A_1287, %add3A_1288 : vector<16xf32>
    %mul3A_1290 = vector.broadcast %squeeze3A_1243 : f32 to vector<16xf32>
    %mul3A_1291 = arith.mulf %mul3A_1290, %gather3A_1261 : vector<16xf32>
    %mul3A_1292 = vector.broadcast %squeeze3A_1245 : f32 to vector<16xf32>
    %mul3A_1293 = arith.mulf %mul3A_1292, %gather3A_1265 : vector<16xf32>
    %add3A_1294 = arith.addf %mul3A_1291, %mul3A_1293 : vector<16xf32>
    %mul3A_1295 = vector.broadcast %squeeze3A_1247 : f32 to vector<16xf32>
    %mul3A_1296 = arith.mulf %mul3A_1295, %gather3A_1269 : vector<16xf32>
    %add3A_1297 = arith.addf %add3A_1294, %mul3A_1296 : vector<16xf32>
    %add3A_1298 = vector.broadcast %squeeze3A_1249 : f32 to vector<16xf32>
    %add3A_1299 = arith.addf %add3A_1297, %add3A_1298 : vector<16xf32>
    %div3A_1300 = arith.constant 1.000000e+00 : f32
    %div3A_1301 = vector.broadcast %div3A_1300 : f32 to vector<16xf32>
    %div3A_1302 = arith.divf %div3A_1301, %add3A_1299 : vector<16xf32>
    %mul3A_1303 = arith.mulf %add3A_1279, %div3A_1302 : vector<16xf32>
    %mul3A_1304 = arith.constant 3.200000e+02 : f32
    %mul3A_1305 = vector.broadcast %mul3A_1304 : f32 to vector<16xf32>
    %mul3A_1306 = arith.mulf %mul3A_1303, %mul3A_1305 : vector<16xf32>
    %add3A_1307 = arith.constant 3.200000e+02 : f32
    %add3A_1308 = vector.broadcast %add3A_1307 : f32 to vector<16xf32>
    %add3A_1309 = arith.addf %mul3A_1306, %add3A_1308 : vector<16xf32>
    %mul3A_1310 = arith.mulf %add3A_1289, %div3A_1302 : vector<16xf32>
    %mul3A_1311 = arith.constant 3.200000e+02 : f32
    %mul3A_1312 = vector.broadcast %mul3A_1311 : f32 to vector<16xf32>
    %mul3A_1313 = arith.mulf %mul3A_1310, %mul3A_1312 : vector<16xf32>
    %add3A_1314 = arith.constant 2.400000e+02 : f32
    %add3A_1315 = vector.broadcast %add3A_1314 : f32 to vector<16xf32>
    %add3A_1316 = arith.addf %mul3A_1313, %add3A_1315 : vector<16xf32>
    %swap3A_1317 = arith.constant 192 : index
    %swap3A_1318 = tpu.vector_load %arg10[%swap3A_1317] {strides = array<i32>} : memref<512xf32, #tpu.memory_space<vmem>>, vector<16xf32>,
    tpu.vector_store %arg10[%swap3A_1317], %add3A_1309 {strides = array<i32>} : memref<512xf32, #tpu.memory_space<vmem>>, vector<16xf32>,
    %swap3A_1319 = arith.constant 192 : index
    %swap3A_1320 = tpu.vector_load %arg11[%swap3A_1319] {strides = array<i32>} : memref<512xf32, #tpu.memory_space<vmem>>, vector<16xf32>,
    tpu.vector_store %arg11[%swap3A_1319], %add3A_1316 {strides = array<i32>} : memref<512xf32, #tpu.memory_space<vmem>>, vector<16xf32>,
    %slice3A_1321 = vector.extract_strided_slice %get3A_13 {offsets = [6], sizes = [1], strides = [1]} : vector<16xi32> to vector<1xi32>
    %squeeze3A_1322 = vector.extract %slice3A_1321[0] : i32 from vector<1xi32>
    %mul3A_1323 = arith.constant 16 : i32
    %mul3A_1324 = arith.muli %squeeze3A_1322, %mul3A_1323 : i32
    %get3A_1325 = arith.index_cast %mul3A_1324 : i32 to index
    %get3A_1326 = tpu.vector_load %arg12[%get3A_1325] {strides = array<i32>} : memref<352xf32, #tpu.memory_space<vmem>>, vector<16xf32>,
    %slice3A_1327 = vector.extract_strided_slice %get3A_1326 {offsets = [0], sizes = [1], strides = [1]} : vector<16xf32> to vector<1xf32>
    %squeeze3A_1328 = vector.extract %slice3A_1327[0] : f32 from vector<1xf32>
    %slice3A_1329 = vector.extract_strided_slice %get3A_1326 {offsets = [1], sizes = [1], strides = [1]} : vector<16xf32> to vector<1xf32>
    %squeeze3A_1330 = vector.extract %slice3A_1329[0] : f32 from vector<1xf32>
    %slice3A_1331 = vector.extract_strided_slice %get3A_1326 {offsets = [2], sizes = [1], strides = [1]} : vector<16xf32> to vector<1xf32>
    %squeeze3A_1332 = vector.extract %slice3A_1331[0] : f32 from vector<1xf32>
    %slice3A_1333 = vector.extract_strided_slice %get3A_1326 {offsets = [3], sizes = [1], strides = [1]} : vector<16xf32> to vector<1xf32>
    %squeeze3A_1334 = vector.extract %slice3A_1333[0] : f32 from vector<1xf32>
    %slice3A_1335 = vector.extract_strided_slice %get3A_1326 {offsets = [4], sizes = [1], strides = [1]} : vector<16xf32> to vector<1xf32>
    %squeeze3A_1336 = vector.extract %slice3A_1335[0] : f32 from vector<1xf32>
    %slice3A_1337 = vector.extract_strided_slice %get3A_1326 {offsets = [5], sizes = [1], strides = [1]} : vector<16xf32> to vector<1xf32>
    %squeeze3A_1338 = vector.extract %slice3A_1337[0] : f32 from vector<1xf32>
    %slice3A_1339 = vector.extract_strided_slice %get3A_1326 {offsets = [6], sizes = [1], strides = [1]} : vector<16xf32> to vector<1xf32>
    %squeeze3A_1340 = vector.extract %slice3A_1339[0] : f32 from vector<1xf32>
    %slice3A_1341 = vector.extract_strided_slice %get3A_1326 {offsets = [7], sizes = [1], strides = [1]} : vector<16xf32> to vector<1xf32>
    %squeeze3A_1342 = vector.extract %slice3A_1341[0] : f32 from vector<1xf32>
    %slice3A_1343 = vector.extract_strided_slice %get3A_1326 {offsets = [8], sizes = [1], strides = [1]} : vector<16xf32> to vector<1xf32>
    %squeeze3A_1344 = vector.extract %slice3A_1343[0] : f32 from vector<1xf32>
    %slice3A_1345 = vector.extract_strided_slice %get3A_1326 {offsets = [9], sizes = [1], strides = [1]} : vector<16xf32> to vector<1xf32>
    %squeeze3A_1346 = vector.extract %slice3A_1345[0] : f32 from vector<1xf32>
    %slice3A_1347 = vector.extract_strided_slice %get3A_1326 {offsets = [10], sizes = [1], strides = [1]} : vector<16xf32> to vector<1xf32>
    %squeeze3A_1348 = vector.extract %slice3A_1347[0] : f32 from vector<1xf32>
    %slice3A_1349 = vector.extract_strided_slice %get3A_1326 {offsets = [11], sizes = [1], strides = [1]} : vector<16xf32> to vector<1xf32>
    %squeeze3A_1350 = vector.extract %slice3A_1349[0] : f32 from vector<1xf32>
    %add3A_1351 = arith.constant 16 : i32
    %add3A_1352 = vector.broadcast %add3A_1351 : i32 to vector<16xi32>
    %add3A_1353 = arith.addi %add3A_1352, %iota3A : vector<16xi32>
    %gather3A_1354 = tpu.vector_load_idx %arg15[%add3A_1353] : memref<32xi32, #tpu.memory_space<vmem>>[vector<16xi32>], vector<16xi32>,
    %add3A_1355 = arith.constant 256 : i32
    %add3A_1356 = vector.broadcast %add3A_1355 : i32 to vector<16xi32>
    %add3A_1357 = arith.addi %add3A_1356, %gather3A_1354 : vector<16xi32>
    %shift_left3A_1358 = arith.constant 1 : i32
    %shift_left3A_1359 = vector.broadcast %shift_left3A_1358 : i32 to vector<16xi32>
    %shift_left3A_1360 = arith.shli %gather3A_1354, %shift_left3A_1359 : vector<16xi32>
    %add3A_1361 = arith.addi %add3A_1357, %shift_left3A_1360 : vector<16xi32>
    %gather3A_1362 = tpu.vector_load_idx %arg12[%add3A_1361] : memref<352xf32, #tpu.memory_space<vmem>>[vector<16xi32>], vector<16xf32>,
    %add3A_1363 = arith.constant 1 : i32
    %add3A_1364 = vector.broadcast %add3A_1363 : i32 to vector<16xi32>
    %add3A_1365 = arith.addi %add3A_1361, %add3A_1364 : vector<16xi32>
    %gather3A_1366 = tpu.vector_load_idx %arg12[%add3A_1365] : memref<352xf32, #tpu.memory_space<vmem>>[vector<16xi32>], vector<16xf32>,
    %add3A_1367 = arith.constant 2 : i32
    %add3A_1368 = vector.broadcast %add3A_1367 : i32 to vector<16xi32>
    %add3A_1369 = arith.addi %add3A_1361, %add3A_1368 : vector<16xi32>
    %gather3A_1370 = tpu.vector_load_idx %arg12[%add3A_1369] : memref<352xf32, #tpu.memory_space<vmem>>[vector<16xi32>], vector<16xf32>,
    %mul3A_1371 = vector.broadcast %squeeze3A_1328 : f32 to vector<16xf32>
    %mul3A_1372 = arith.mulf %mul3A_1371, %gather3A_1362 : vector<16xf32>
    %mul3A_1373 = vector.broadcast %squeeze3A_1330 : f32 to vector<16xf32>
    %mul3A_1374 = arith.mulf %mul3A_1373, %gather3A_1366 : vector<16xf32>
    %add3A_1375 = arith.addf %mul3A_1372, %mul3A_1374 : vector<16xf32>
    %mul3A_1376 = vector.broadcast %squeeze3A_1332 : f32 to vector<16xf32>
    %mul3A_1377 = arith.mulf %mul3A_1376, %gather3A_1370 : vector<16xf32>
    %add3A_1378 = arith.addf %add3A_1375, %mul3A_1377 : vector<16xf32>
    %add3A_1379 = vector.broadcast %squeeze3A_1334 : f32 to vector<16xf32>
    %add3A_1380 = arith.addf %add3A_1378, %add3A_1379 : vector<16xf32>
    %mul3A_1381 = vector.broadcast %squeeze3A_1336 : f32 to vector<16xf32>
    %mul3A_1382 = arith.mulf %mul3A_1381, %gather3A_1362 : vector<16xf32>
    %mul3A_1383 = vector.broadcast %squeeze3A_1338 : f32 to vector<16xf32>
    %mul3A_1384 = arith.mulf %mul3A_1383, %gather3A_1366 : vector<16xf32>
    %add3A_1385 = arith.addf %mul3A_1382, %mul3A_1384 : vector<16xf32>
    %mul3A_1386 = vector.broadcast %squeeze3A_1340 : f32 to vector<16xf32>
    %mul3A_1387 = arith.mulf %mul3A_1386, %gather3A_1370 : vector<16xf32>
    %add3A_1388 = arith.addf %add3A_1385, %mul3A_1387 : vector<16xf32>
    %add3A_1389 = vector.broadcast %squeeze3A_1342 : f32 to vector<16xf32>
    %add3A_1390 = arith.addf %add3A_1388, %add3A_1389 : vector<16xf32>
    %mul3A_1391 = vector.broadcast %squeeze3A_1344 : f32 to vector<16xf32>
    %mul3A_1392 = arith.mulf %mul3A_1391, %gather3A_1362 : vector<16xf32>
    %mul3A_1393 = vector.broadcast %squeeze3A_1346 : f32 to vector<16xf32>
    %mul3A_1394 = arith.mulf %mul3A_1393, %gather3A_1366 : vector<16xf32>
    %add3A_1395 = arith.addf %mul3A_1392, %mul3A_1394 : vector<16xf32>
    %mul3A_1396 = vector.broadcast %squeeze3A_1348 : f32 to vector<16xf32>
    %mul3A_1397 = arith.mulf %mul3A_1396, %gather3A_1370 : vector<16xf32>
    %add3A_1398 = arith.addf %add3A_1395, %mul3A_1397 : vector<16xf32>
    %add3A_1399 = vector.broadcast %squeeze3A_1350 : f32 to vector<16xf32>
    %add3A_1400 = arith.addf %add3A_1398, %add3A_1399 : vector<16xf32>
    %div3A_1401 = arith.constant 1.000000e+00 : f32
    %div3A_1402 = vector.broadcast %div3A_1401 : f32 to vector<16xf32>
    %div3A_1403 = arith.divf %div3A_1402, %add3A_1400 : vector<16xf32>
    %mul3A_1404 = arith.mulf %add3A_1380, %div3A_1403 : vector<16xf32>
    %mul3A_1405 = arith.constant 3.200000e+02 : f32
    %mul3A_1406 = vector.broadcast %mul3A_1405 : f32 to vector<16xf32>
    %mul3A_1407 = arith.mulf %mul3A_1404, %mul3A_1406 : vector<16xf32>
    %add3A_1408 = arith.constant 3.200000e+02 : f32
    %add3A_1409 = vector.broadcast %add3A_1408 : f32 to vector<16xf32>
    %add3A_1410 = arith.addf %mul3A_1407, %add3A_1409 : vector<16xf32>
    %mul3A_1411 = arith.mulf %add3A_1390, %div3A_1403 : vector<16xf32>
    %mul3A_1412 = arith.constant 3.200000e+02 : f32
    %mul3A_1413 = vector.broadcast %mul3A_1412 : f32 to vector<16xf32>
    %mul3A_1414 = arith.mulf %mul3A_1411, %mul3A_1413 : vector<16xf32>
    %add3A_1415 = arith.constant 2.400000e+02 : f32
    %add3A_1416 = vector.broadcast %add3A_1415 : f32 to vector<16xf32>
    %add3A_1417 = arith.addf %mul3A_1414, %add3A_1416 : vector<16xf32>
    %swap3A_1418 = arith.constant 208 : index
    %swap3A_1419 = tpu.vector_load %arg10[%swap3A_1418] {strides = array<i32>} : memref<512xf32, #tpu.memory_space<vmem>>, vector<16xf32>,
    tpu.vector_store %arg10[%swap3A_1418], %add3A_1410 {strides = array<i32>} : memref<512xf32, #tpu.memory_space<vmem>>, vector<16xf32>,
    %swap3A_1420 = arith.constant 208 : index
    %swap3A_1421 = tpu.vector_load %arg11[%swap3A_1420] {strides = array<i32>} : memref<512xf32, #tpu.memory_space<vmem>>, vector<16xf32>,
    tpu.vector_store %arg11[%swap3A_1420], %add3A_1417 {strides = array<i32>} : memref<512xf32, #tpu.memory_space<vmem>>, vector<16xf32>,
    %slice3A_1422 = vector.extract_strided_slice %get3A_13 {offsets = [7], sizes = [1], strides = [1]} : vector<16xi32> to vector<1xi32>
    %squeeze3A_1423 = vector.extract %slice3A_1422[0] : i32 from vector<1xi32>
    %mul3A_1424 = arith.constant 16 : i32
    %mul3A_1425 = arith.muli %squeeze3A_1423, %mul3A_1424 : i32
    %get3A_1426 = arith.index_cast %mul3A_1425 : i32 to index
    %get3A_1427 = tpu.vector_load %arg12[%get3A_1426] {strides = array<i32>} : memref<352xf32, #tpu.memory_space<vmem>>, vector<16xf32>,
    %slice3A_1428 = vector.extract_strided_slice %get3A_1427 {offsets = [0], sizes = [1], strides = [1]} : vector<16xf32> to vector<1xf32>
    %squeeze3A_1429 = vector.extract %slice3A_1428[0] : f32 from vector<1xf32>
    %slice3A_1430 = vector.extract_strided_slice %get3A_1427 {offsets = [1], sizes = [1], strides = [1]} : vector<16xf32> to vector<1xf32>
    %squeeze3A_1431 = vector.extract %slice3A_1430[0] : f32 from vector<1xf32>
    %slice3A_1432 = vector.extract_strided_slice %get3A_1427 {offsets = [2], sizes = [1], strides = [1]} : vector<16xf32> to vector<1xf32>
    %squeeze3A_1433 = vector.extract %slice3A_1432[0] : f32 from vector<1xf32>
    %slice3A_1434 = vector.extract_strided_slice %get3A_1427 {offsets = [3], sizes = [1], strides = [1]} : vector<16xf32> to vector<1xf32>
    %squeeze3A_1435 = vector.extract %slice3A_1434[0] : f32 from vector<1xf32>
    %slice3A_1436 = vector.extract_strided_slice %get3A_1427 {offsets = [4], sizes = [1], strides = [1]} : vector<16xf32> to vector<1xf32>
    %squeeze3A_1437 = vector.extract %slice3A_1436[0] : f32 from vector<1xf32>
    %slice3A_1438 = vector.extract_strided_slice %get3A_1427 {offsets = [5], sizes = [1], strides = [1]} : vector<16xf32> to vector<1xf32>
    %squeeze3A_1439 = vector.extract %slice3A_1438[0] : f32 from vector<1xf32>
    %slice3A_1440 = vector.extract_strided_slice %get3A_1427 {offsets = [6], sizes = [1], strides = [1]} : vector<16xf32> to vector<1xf32>
    %squeeze3A_1441 = vector.extract %slice3A_1440[0] : f32 from vector<1xf32>
    %slice3A_1442 = vector.extract_strided_slice %get3A_1427 {offsets = [7], sizes = [1], strides = [1]} : vector<16xf32> to vector<1xf32>
    %squeeze3A_1443 = vector.extract %slice3A_1442[0] : f32 from vector<1xf32>
    %slice3A_1444 = vector.extract_strided_slice %get3A_1427 {offsets = [8], sizes = [1], strides = [1]} : vector<16xf32> to vector<1xf32>
    %squeeze3A_1445 = vector.extract %slice3A_1444[0] : f32 from vector<1xf32>
    %slice3A_1446 = vector.extract_strided_slice %get3A_1427 {offsets = [9], sizes = [1], strides = [1]} : vector<16xf32> to vector<1xf32>
    %squeeze3A_1447 = vector.extract %slice3A_1446[0] : f32 from vector<1xf32>
    %slice3A_1448 = vector.extract_strided_slice %get3A_1427 {offsets = [10], sizes = [1], strides = [1]} : vector<16xf32> to vector<1xf32>
    %squeeze3A_1449 = vector.extract %slice3A_1448[0] : f32 from vector<1xf32>
    %slice3A_1450 = vector.extract_strided_slice %get3A_1427 {offsets = [11], sizes = [1], strides = [1]} : vector<16xf32> to vector<1xf32>
    %squeeze3A_1451 = vector.extract %slice3A_1450[0] : f32 from vector<1xf32>
    %add3A_1452 = arith.constant 0 : i32
    %add3A_1453 = vector.broadcast %add3A_1452 : i32 to vector<16xi32>
    %add3A_1454 = arith.addi %add3A_1453, %iota3A : vector<16xi32>
    %gather3A_1455 = tpu.vector_load_idx %arg15[%add3A_1454] : memref<32xi32, #tpu.memory_space<vmem>>[vector<16xi32>], vector<16xi32>,
    %add3A_1456 = arith.constant 256 : i32
    %add3A_1457 = vector.broadcast %add3A_1456 : i32 to vector<16xi32>
    %add3A_1458 = arith.addi %add3A_1457, %gather3A_1455 : vector<16xi32>
    %shift_left3A_1459 = arith.constant 1 : i32
    %shift_left3A_1460 = vector.broadcast %shift_left3A_1459 : i32 to vector<16xi32>
    %shift_left3A_1461 = arith.shli %gather3A_1455, %shift_left3A_1460 : vector<16xi32>
    %add3A_1462 = arith.addi %add3A_1458, %shift_left3A_1461 : vector<16xi32>
    %gather3A_1463 = tpu.vector_load_idx %arg12[%add3A_1462] : memref<352xf32, #tpu.memory_space<vmem>>[vector<16xi32>], vector<16xf32>,
    %add3A_1464 = arith.constant 1 : i32
    %add3A_1465 = vector.broadcast %add3A_1464 : i32 to vector<16xi32>
    %add3A_1466 = arith.addi %add3A_1462, %add3A_1465 : vector<16xi32>
    %gather3A_1467 = tpu.vector_load_idx %arg12[%add3A_1466] : memref<352xf32, #tpu.memory_space<vmem>>[vector<16xi32>], vector<16xf32>,
    %add3A_1468 = arith.constant 2 : i32
    %add3A_1469 = vector.broadcast %add3A_1468 : i32 to vector<16xi32>
    %add3A_1470 = arith.addi %add3A_1462, %add3A_1469 : vector<16xi32>
    %gather3A_1471 = tpu.vector_load_idx %arg12[%add3A_1470] : memref<352xf32, #tpu.memory_space<vmem>>[vector<16xi32>], vector<16xf32>,
    %mul3A_1472 = vector.broadcast %squeeze3A_1429 : f32 to vector<16xf32>
    %mul3A_1473 = arith.mulf %mul3A_1472, %gather3A_1463 : vector<16xf32>
    %mul3A_1474 = vector.broadcast %squeeze3A_1431 : f32 to vector<16xf32>
    %mul3A_1475 = arith.mulf %mul3A_1474, %gather3A_1467 : vector<16xf32>
    %add3A_1476 = arith.addf %mul3A_1473, %mul3A_1475 : vector<16xf32>
    %mul3A_1477 = vector.broadcast %squeeze3A_1433 : f32 to vector<16xf32>
    %mul3A_1478 = arith.mulf %mul3A_1477, %gather3A_1471 : vector<16xf32>
    %add3A_1479 = arith.addf %add3A_1476, %mul3A_1478 : vector<16xf32>
    %add3A_1480 = vector.broadcast %squeeze3A_1435 : f32 to vector<16xf32>
    %add3A_1481 = arith.addf %add3A_1479, %add3A_1480 : vector<16xf32>
    %mul3A_1482 = vector.broadcast %squeeze3A_1437 : f32 to vector<16xf32>
    %mul3A_1483 = arith.mulf %mul3A_1482, %gather3A_1463 : vector<16xf32>
    %mul3A_1484 = vector.broadcast %squeeze3A_1439 : f32 to vector<16xf32>
    %mul3A_1485 = arith.mulf %mul3A_1484, %gather3A_1467 : vector<16xf32>
    %add3A_1486 = arith.addf %mul3A_1483, %mul3A_1485 : vector<16xf32>
    %mul3A_1487 = vector.broadcast %squeeze3A_1441 : f32 to vector<16xf32>
    %mul3A_1488 = arith.mulf %mul3A_1487, %gather3A_1471 : vector<16xf32>
    %add3A_1489 = arith.addf %add3A_1486, %mul3A_1488 : vector<16xf32>
    %add3A_1490 = vector.broadcast %squeeze3A_1443 : f32 to vector<16xf32>
    %add3A_1491 = arith.addf %add3A_1489, %add3A_1490 : vector<16xf32>
    %mul3A_1492 = vector.broadcast %squeeze3A_1445 : f32 to vector<16xf32>
    %mul3A_1493 = arith.mulf %mul3A_1492, %gather3A_1463 : vector<16xf32>
    %mul3A_1494 = vector.broadcast %squeeze3A_1447 : f32 to vector<16xf32>
    %mul3A_1495 = arith.mulf %mul3A_1494, %gather3A_1467 : vector<16xf32>
    %add3A_1496 = arith.addf %mul3A_1493, %mul3A_1495 : vector<16xf32>
    %mul3A_1497 = vector.broadcast %squeeze3A_1449 : f32 to vector<16xf32>
    %mul3A_1498 = arith.mulf %mul3A_1497, %gather3A_1471 : vector<16xf32>
    %add3A_1499 = arith.addf %add3A_1496, %mul3A_1498 : vector<16xf32>
    %add3A_1500 = vector.broadcast %squeeze3A_1451 : f32 to vector<16xf32>
    %add3A_1501 = arith.addf %add3A_1499, %add3A_1500 : vector<16xf32>
    %div3A_1502 = arith.constant 1.000000e+00 : f32
    %div3A_1503 = vector.broadcast %div3A_1502 : f32 to vector<16xf32>
    %div3A_1504 = arith.divf %div3A_1503, %add3A_1501 : vector<16xf32>
    %mul3A_1505 = arith.mulf %add3A_1481, %div3A_1504 : vector<16xf32>
    %mul3A_1506 = arith.constant 3.200000e+02 : f32
    %mul3A_1507 = vector.broadcast %mul3A_1506 : f32 to vector<16xf32>
    %mul3A_1508 = arith.mulf %mul3A_1505, %mul3A_1507 : vector<16xf32>
    %add3A_1509 = arith.constant 3.200000e+02 : f32
    %add3A_1510 = vector.broadcast %add3A_1509 : f32 to vector<16xf32>
    %add3A_1511 = arith.addf %mul3A_1508, %add3A_1510 : vector<16xf32>
    %mul3A_1512 = arith.mulf %add3A_1491, %div3A_1504 : vector<16xf32>
    %mul3A_1513 = arith.constant 3.200000e+02 : f32
    %mul3A_1514 = vector.broadcast %mul3A_1513 : f32 to vector<16xf32>
    %mul3A_1515 = arith.mulf %mul3A_1512, %mul3A_1514 : vector<16xf32>
    %add3A_1516 = arith.constant 2.400000e+02 : f32
    %add3A_1517 = vector.broadcast %add3A_1516 : f32 to vector<16xf32>
    %add3A_1518 = arith.addf %mul3A_1515, %add3A_1517 : vector<16xf32>
    %swap3A_1519 = arith.constant 224 : index
    %swap3A_1520 = tpu.vector_load %arg10[%swap3A_1519] {strides = array<i32>} : memref<512xf32, #tpu.memory_space<vmem>>, vector<16xf32>,
    tpu.vector_store %arg10[%swap3A_1519], %add3A_1511 {strides = array<i32>} : memref<512xf32, #tpu.memory_space<vmem>>, vector<16xf32>,
    %swap3A_1521 = arith.constant 224 : index
    %swap3A_1522 = tpu.vector_load %arg11[%swap3A_1521] {strides = array<i32>} : memref<512xf32, #tpu.memory_space<vmem>>, vector<16xf32>,
    tpu.vector_store %arg11[%swap3A_1521], %add3A_1518 {strides = array<i32>} : memref<512xf32, #tpu.memory_space<vmem>>, vector<16xf32>,
    %slice3A_1523 = vector.extract_strided_slice %get3A_13 {offsets = [7], sizes = [1], strides = [1]} : vector<16xi32> to vector<1xi32>
    %squeeze3A_1524 = vector.extract %slice3A_1523[0] : i32 from vector<1xi32>
    %mul3A_1525 = arith.constant 16 : i32
    %mul3A_1526 = arith.muli %squeeze3A_1524, %mul3A_1525 : i32
    %get3A_1527 = arith.index_cast %mul3A_1526 : i32 to index
    %get3A_1528 = tpu.vector_load %arg12[%get3A_1527] {strides = array<i32>} : memref<352xf32, #tpu.memory_space<vmem>>, vector<16xf32>,
    %slice3A_1529 = vector.extract_strided_slice %get3A_1528 {offsets = [0], sizes = [1], strides = [1]} : vector<16xf32> to vector<1xf32>
    %squeeze3A_1530 = vector.extract %slice3A_1529[0] : f32 from vector<1xf32>
    %slice3A_1531 = vector.extract_strided_slice %get3A_1528 {offsets = [1], sizes = [1], strides = [1]} : vector<16xf32> to vector<1xf32>
    %squeeze3A_1532 = vector.extract %slice3A_1531[0] : f32 from vector<1xf32>
    %slice3A_1533 = vector.extract_strided_slice %get3A_1528 {offsets = [2], sizes = [1], strides = [1]} : vector<16xf32> to vector<1xf32>
    %squeeze3A_1534 = vector.extract %slice3A_1533[0] : f32 from vector<1xf32>
    %slice3A_1535 = vector.extract_strided_slice %get3A_1528 {offsets = [3], sizes = [1], strides = [1]} : vector<16xf32> to vector<1xf32>
    %squeeze3A_1536 = vector.extract %slice3A_1535[0] : f32 from vector<1xf32>
    %slice3A_1537 = vector.extract_strided_slice %get3A_1528 {offsets = [4], sizes = [1], strides = [1]} : vector<16xf32> to vector<1xf32>
    %squeeze3A_1538 = vector.extract %slice3A_1537[0] : f32 from vector<1xf32>
    %slice3A_1539 = vector.extract_strided_slice %get3A_1528 {offsets = [5], sizes = [1], strides = [1]} : vector<16xf32> to vector<1xf32>
    %squeeze3A_1540 = vector.extract %slice3A_1539[0] : f32 from vector<1xf32>
    %slice3A_1541 = vector.extract_strided_slice %get3A_1528 {offsets = [6], sizes = [1], strides = [1]} : vector<16xf32> to vector<1xf32>
    %squeeze3A_1542 = vector.extract %slice3A_1541[0] : f32 from vector<1xf32>
    %slice3A_1543 = vector.extract_strided_slice %get3A_1528 {offsets = [7], sizes = [1], strides = [1]} : vector<16xf32> to vector<1xf32>
    %squeeze3A_1544 = vector.extract %slice3A_1543[0] : f32 from vector<1xf32>
    %slice3A_1545 = vector.extract_strided_slice %get3A_1528 {offsets = [8], sizes = [1], strides = [1]} : vector<16xf32> to vector<1xf32>
    %squeeze3A_1546 = vector.extract %slice3A_1545[0] : f32 from vector<1xf32>
    %slice3A_1547 = vector.extract_strided_slice %get3A_1528 {offsets = [9], sizes = [1], strides = [1]} : vector<16xf32> to vector<1xf32>
    %squeeze3A_1548 = vector.extract %slice3A_1547[0] : f32 from vector<1xf32>
    %slice3A_1549 = vector.extract_strided_slice %get3A_1528 {offsets = [10], sizes = [1], strides = [1]} : vector<16xf32> to vector<1xf32>
    %squeeze3A_1550 = vector.extract %slice3A_1549[0] : f32 from vector<1xf32>
    %slice3A_1551 = vector.extract_strided_slice %get3A_1528 {offsets = [11], sizes = [1], strides = [1]} : vector<16xf32> to vector<1xf32>
    %squeeze3A_1552 = vector.extract %slice3A_1551[0] : f32 from vector<1xf32>
    %add3A_1553 = arith.constant 16 : i32
    %add3A_1554 = vector.broadcast %add3A_1553 : i32 to vector<16xi32>
    %add3A_1555 = arith.addi %add3A_1554, %iota3A : vector<16xi32>
    %gather3A_1556 = tpu.vector_load_idx %arg15[%add3A_1555] : memref<32xi32, #tpu.memory_space<vmem>>[vector<16xi32>], vector<16xi32>,
    %add3A_1557 = arith.constant 256 : i32
    %add3A_1558 = vector.broadcast %add3A_1557 : i32 to vector<16xi32>
    %add3A_1559 = arith.addi %add3A_1558, %gather3A_1556 : vector<16xi32>
    %shift_left3A_1560 = arith.constant 1 : i32
    %shift_left3A_1561 = vector.broadcast %shift_left3A_1560 : i32 to vector<16xi32>
    %shift_left3A_1562 = arith.shli %gather3A_1556, %shift_left3A_1561 : vector<16xi32>
    %add3A_1563 = arith.addi %add3A_1559, %shift_left3A_1562 : vector<16xi32>
    %gather3A_1564 = tpu.vector_load_idx %arg12[%add3A_1563] : memref<352xf32, #tpu.memory_space<vmem>>[vector<16xi32>], vector<16xf32>,
    %add3A_1565 = arith.constant 1 : i32
    %add3A_1566 = vector.broadcast %add3A_1565 : i32 to vector<16xi32>
    %add3A_1567 = arith.addi %add3A_1563, %add3A_1566 : vector<16xi32>
    %gather3A_1568 = tpu.vector_load_idx %arg12[%add3A_1567] : memref<352xf32, #tpu.memory_space<vmem>>[vector<16xi32>], vector<16xf32>,
    %add3A_1569 = arith.constant 2 : i32
    %add3A_1570 = vector.broadcast %add3A_1569 : i32 to vector<16xi32>
    %add3A_1571 = arith.addi %add3A_1563, %add3A_1570 : vector<16xi32>
    %gather3A_1572 = tpu.vector_load_idx %arg12[%add3A_1571] : memref<352xf32, #tpu.memory_space<vmem>>[vector<16xi32>], vector<16xf32>,
    %mul3A_1573 = vector.broadcast %squeeze3A_1530 : f32 to vector<16xf32>
    %mul3A_1574 = arith.mulf %mul3A_1573, %gather3A_1564 : vector<16xf32>
    %mul3A_1575 = vector.broadcast %squeeze3A_1532 : f32 to vector<16xf32>
    %mul3A_1576 = arith.mulf %mul3A_1575, %gather3A_1568 : vector<16xf32>
    %add3A_1577 = arith.addf %mul3A_1574, %mul3A_1576 : vector<16xf32>
    %mul3A_1578 = vector.broadcast %squeeze3A_1534 : f32 to vector<16xf32>
    %mul3A_1579 = arith.mulf %mul3A_1578, %gather3A_1572 : vector<16xf32>
    %add3A_1580 = arith.addf %add3A_1577, %mul3A_1579 : vector<16xf32>
    %add3A_1581 = vector.broadcast %squeeze3A_1536 : f32 to vector<16xf32>
    %add3A_1582 = arith.addf %add3A_1580, %add3A_1581 : vector<16xf32>
    %mul3A_1583 = vector.broadcast %squeeze3A_1538 : f32 to vector<16xf32>
    %mul3A_1584 = arith.mulf %mul3A_1583, %gather3A_1564 : vector<16xf32>
    %mul3A_1585 = vector.broadcast %squeeze3A_1540 : f32 to vector<16xf32>
    %mul3A_1586 = arith.mulf %mul3A_1585, %gather3A_1568 : vector<16xf32>
    %add3A_1587 = arith.addf %mul3A_1584, %mul3A_1586 : vector<16xf32>
    %mul3A_1588 = vector.broadcast %squeeze3A_1542 : f32 to vector<16xf32>
    %mul3A_1589 = arith.mulf %mul3A_1588, %gather3A_1572 : vector<16xf32>
    %add3A_1590 = arith.addf %add3A_1587, %mul3A_1589 : vector<16xf32>
    %add3A_1591 = vector.broadcast %squeeze3A_1544 : f32 to vector<16xf32>
    %add3A_1592 = arith.addf %add3A_1590, %add3A_1591 : vector<16xf32>
    %mul3A_1593 = vector.broadcast %squeeze3A_1546 : f32 to vector<16xf32>
    %mul3A_1594 = arith.mulf %mul3A_1593, %gather3A_1564 : vector<16xf32>
    %mul3A_1595 = vector.broadcast %squeeze3A_1548 : f32 to vector<16xf32>
    %mul3A_1596 = arith.mulf %mul3A_1595, %gather3A_1568 : vector<16xf32>
    %add3A_1597 = arith.addf %mul3A_1594, %mul3A_1596 : vector<16xf32>
    %mul3A_1598 = vector.broadcast %squeeze3A_1550 : f32 to vector<16xf32>
    %mul3A_1599 = arith.mulf %mul3A_1598, %gather3A_1572 : vector<16xf32>
    %add3A_1600 = arith.addf %add3A_1597, %mul3A_1599 : vector<16xf32>
    %add3A_1601 = vector.broadcast %squeeze3A_1552 : f32 to vector<16xf32>
    %add3A_1602 = arith.addf %add3A_1600, %add3A_1601 : vector<16xf32>
    %div3A_1603 = arith.constant 1.000000e+00 : f32
    %div3A_1604 = vector.broadcast %div3A_1603 : f32 to vector<16xf32>
    %div3A_1605 = arith.divf %div3A_1604, %add3A_1602 : vector<16xf32>
    %mul3A_1606 = arith.mulf %add3A_1582, %div3A_1605 : vector<16xf32>
    %mul3A_1607 = arith.constant 3.200000e+02 : f32
    %mul3A_1608 = vector.broadcast %mul3A_1607 : f32 to vector<16xf32>
    %mul3A_1609 = arith.mulf %mul3A_1606, %mul3A_1608 : vector<16xf32>
    %add3A_1610 = arith.constant 3.200000e+02 : f32
    %add3A_1611 = vector.broadcast %add3A_1610 : f32 to vector<16xf32>
    %add3A_1612 = arith.addf %mul3A_1609, %add3A_1611 : vector<16xf32>
    %mul3A_1613 = arith.mulf %add3A_1592, %div3A_1605 : vector<16xf32>
    %mul3A_1614 = arith.constant 3.200000e+02 : f32
    %mul3A_1615 = vector.broadcast %mul3A_1614 : f32 to vector<16xf32>
    %mul3A_1616 = arith.mulf %mul3A_1613, %mul3A_1615 : vector<16xf32>
    %add3A_1617 = arith.constant 2.400000e+02 : f32
    %add3A_1618 = vector.broadcast %add3A_1617 : f32 to vector<16xf32>
    %add3A_1619 = arith.addf %mul3A_1616, %add3A_1618 : vector<16xf32>
    %swap3A_1620 = arith.constant 240 : index
    %swap3A_1621 = tpu.vector_load %arg10[%swap3A_1620] {strides = array<i32>} : memref<512xf32, #tpu.memory_space<vmem>>, vector<16xf32>,
    tpu.vector_store %arg10[%swap3A_1620], %add3A_1612 {strides = array<i32>} : memref<512xf32, #tpu.memory_space<vmem>>, vector<16xf32>,
    %swap3A_1622 = arith.constant 240 : index
    %swap3A_1623 = tpu.vector_load %arg11[%swap3A_1622] {strides = array<i32>} : memref<512xf32, #tpu.memory_space<vmem>>, vector<16xf32>,
    tpu.vector_store %arg11[%swap3A_1622], %add3A_1619 {strides = array<i32>} : memref<512xf32, #tpu.memory_space<vmem>>, vector<16xf32>,
    %slice3A_1624 = vector.extract_strided_slice %get3A_13 {offsets = [8], sizes = [1], strides = [1]} : vector<16xi32> to vector<1xi32>
    %squeeze3A_1625 = vector.extract %slice3A_1624[0] : i32 from vector<1xi32>
    %mul3A_1626 = arith.constant 16 : i32
    %mul3A_1627 = arith.muli %squeeze3A_1625, %mul3A_1626 : i32
    %get3A_1628 = arith.index_cast %mul3A_1627 : i32 to index
    %get3A_1629 = tpu.vector_load %arg12[%get3A_1628] {strides = array<i32>} : memref<352xf32, #tpu.memory_space<vmem>>, vector<16xf32>,
    %slice3A_1630 = vector.extract_strided_slice %get3A_1629 {offsets = [0], sizes = [1], strides = [1]} : vector<16xf32> to vector<1xf32>
    %squeeze3A_1631 = vector.extract %slice3A_1630[0] : f32 from vector<1xf32>
    %slice3A_1632 = vector.extract_strided_slice %get3A_1629 {offsets = [1], sizes = [1], strides = [1]} : vector<16xf32> to vector<1xf32>
    %squeeze3A_1633 = vector.extract %slice3A_1632[0] : f32 from vector<1xf32>
    %slice3A_1634 = vector.extract_strided_slice %get3A_1629 {offsets = [2], sizes = [1], strides = [1]} : vector<16xf32> to vector<1xf32>
    %squeeze3A_1635 = vector.extract %slice3A_1634[0] : f32 from vector<1xf32>
    %slice3A_1636 = vector.extract_strided_slice %get3A_1629 {offsets = [3], sizes = [1], strides = [1]} : vector<16xf32> to vector<1xf32>
    %squeeze3A_1637 = vector.extract %slice3A_1636[0] : f32 from vector<1xf32>
    %slice3A_1638 = vector.extract_strided_slice %get3A_1629 {offsets = [4], sizes = [1], strides = [1]} : vector<16xf32> to vector<1xf32>
    %squeeze3A_1639 = vector.extract %slice3A_1638[0] : f32 from vector<1xf32>
    %slice3A_1640 = vector.extract_strided_slice %get3A_1629 {offsets = [5], sizes = [1], strides = [1]} : vector<16xf32> to vector<1xf32>
    %squeeze3A_1641 = vector.extract %slice3A_1640[0] : f32 from vector<1xf32>
    %slice3A_1642 = vector.extract_strided_slice %get3A_1629 {offsets = [6], sizes = [1], strides = [1]} : vector<16xf32> to vector<1xf32>
    %squeeze3A_1643 = vector.extract %slice3A_1642[0] : f32 from vector<1xf32>
    %slice3A_1644 = vector.extract_strided_slice %get3A_1629 {offsets = [7], sizes = [1], strides = [1]} : vector<16xf32> to vector<1xf32>
    %squeeze3A_1645 = vector.extract %slice3A_1644[0] : f32 from vector<1xf32>
    %slice3A_1646 = vector.extract_strided_slice %get3A_1629 {offsets = [8], sizes = [1], strides = [1]} : vector<16xf32> to vector<1xf32>
    %squeeze3A_1647 = vector.extract %slice3A_1646[0] : f32 from vector<1xf32>
    %slice3A_1648 = vector.extract_strided_slice %get3A_1629 {offsets = [9], sizes = [1], strides = [1]} : vector<16xf32> to vector<1xf32>
    %squeeze3A_1649 = vector.extract %slice3A_1648[0] : f32 from vector<1xf32>
    %slice3A_1650 = vector.extract_strided_slice %get3A_1629 {offsets = [10], sizes = [1], strides = [1]} : vector<16xf32> to vector<1xf32>
    %squeeze3A_1651 = vector.extract %slice3A_1650[0] : f32 from vector<1xf32>
    %slice3A_1652 = vector.extract_strided_slice %get3A_1629 {offsets = [11], sizes = [1], strides = [1]} : vector<16xf32> to vector<1xf32>
    %squeeze3A_1653 = vector.extract %slice3A_1652[0] : f32 from vector<1xf32>
    %add3A_1654 = arith.constant 0 : i32
    %add3A_1655 = vector.broadcast %add3A_1654 : i32 to vector<16xi32>
    %add3A_1656 = arith.addi %add3A_1655, %iota3A : vector<16xi32>
    %gather3A_1657 = tpu.vector_load_idx %arg15[%add3A_1656] : memref<32xi32, #tpu.memory_space<vmem>>[vector<16xi32>], vector<16xi32>,
    %add3A_1658 = arith.constant 256 : i32
    %add3A_1659 = vector.broadcast %add3A_1658 : i32 to vector<16xi32>
    %add3A_1660 = arith.addi %add3A_1659, %gather3A_1657 : vector<16xi32>
    %shift_left3A_1661 = arith.constant 1 : i32
    %shift_left3A_1662 = vector.broadcast %shift_left3A_1661 : i32 to vector<16xi32>
    %shift_left3A_1663 = arith.shli %gather3A_1657, %shift_left3A_1662 : vector<16xi32>
    %add3A_1664 = arith.addi %add3A_1660, %shift_left3A_1663 : vector<16xi32>
    %gather3A_1665 = tpu.vector_load_idx %arg12[%add3A_1664] : memref<352xf32, #tpu.memory_space<vmem>>[vector<16xi32>], vector<16xf32>,
    %add3A_1666 = arith.constant 1 : i32
    %add3A_1667 = vector.broadcast %add3A_1666 : i32 to vector<16xi32>
    %add3A_1668 = arith.addi %add3A_1664, %add3A_1667 : vector<16xi32>
    %gather3A_1669 = tpu.vector_load_idx %arg12[%add3A_1668] : memref<352xf32, #tpu.memory_space<vmem>>[vector<16xi32>], vector<16xf32>,
    %add3A_1670 = arith.constant 2 : i32
    %add3A_1671 = vector.broadcast %add3A_1670 : i32 to vector<16xi32>
    %add3A_1672 = arith.addi %add3A_1664, %add3A_1671 : vector<16xi32>
    %gather3A_1673 = tpu.vector_load_idx %arg12[%add3A_1672] : memref<352xf32, #tpu.memory_space<vmem>>[vector<16xi32>], vector<16xf32>,
    %mul3A_1674 = vector.broadcast %squeeze3A_1631 : f32 to vector<16xf32>
    %mul3A_1675 = arith.mulf %mul3A_1674, %gather3A_1665 : vector<16xf32>
    %mul3A_1676 = vector.broadcast %squeeze3A_1633 : f32 to vector<16xf32>
    %mul3A_1677 = arith.mulf %mul3A_1676, %gather3A_1669 : vector<16xf32>
    %add3A_1678 = arith.addf %mul3A_1675, %mul3A_1677 : vector<16xf32>
    %mul3A_1679 = vector.broadcast %squeeze3A_1635 : f32 to vector<16xf32>
    %mul3A_1680 = arith.mulf %mul3A_1679, %gather3A_1673 : vector<16xf32>
    %add3A_1681 = arith.addf %add3A_1678, %mul3A_1680 : vector<16xf32>
    %add3A_1682 = vector.broadcast %squeeze3A_1637 : f32 to vector<16xf32>
    %add3A_1683 = arith.addf %add3A_1681, %add3A_1682 : vector<16xf32>
    %mul3A_1684 = vector.broadcast %squeeze3A_1639 : f32 to vector<16xf32>
    %mul3A_1685 = arith.mulf %mul3A_1684, %gather3A_1665 : vector<16xf32>
    %mul3A_1686 = vector.broadcast %squeeze3A_1641 : f32 to vector<16xf32>
    %mul3A_1687 = arith.mulf %mul3A_1686, %gather3A_1669 : vector<16xf32>
    %add3A_1688 = arith.addf %mul3A_1685, %mul3A_1687 : vector<16xf32>
    %mul3A_1689 = vector.broadcast %squeeze3A_1643 : f32 to vector<16xf32>
    %mul3A_1690 = arith.mulf %mul3A_1689, %gather3A_1673 : vector<16xf32>
    %add3A_1691 = arith.addf %add3A_1688, %mul3A_1690 : vector<16xf32>
    %add3A_1692 = vector.broadcast %squeeze3A_1645 : f32 to vector<16xf32>
    %add3A_1693 = arith.addf %add3A_1691, %add3A_1692 : vector<16xf32>
    %mul3A_1694 = vector.broadcast %squeeze3A_1647 : f32 to vector<16xf32>
    %mul3A_1695 = arith.mulf %mul3A_1694, %gather3A_1665 : vector<16xf32>
    %mul3A_1696 = vector.broadcast %squeeze3A_1649 : f32 to vector<16xf32>
    %mul3A_1697 = arith.mulf %mul3A_1696, %gather3A_1669 : vector<16xf32>
    %add3A_1698 = arith.addf %mul3A_1695, %mul3A_1697 : vector<16xf32>
    %mul3A_1699 = vector.broadcast %squeeze3A_1651 : f32 to vector<16xf32>
    %mul3A_1700 = arith.mulf %mul3A_1699, %gather3A_1673 : vector<16xf32>
    %add3A_1701 = arith.addf %add3A_1698, %mul3A_1700 : vector<16xf32>
    %add3A_1702 = vector.broadcast %squeeze3A_1653 : f32 to vector<16xf32>
    %add3A_1703 = arith.addf %add3A_1701, %add3A_1702 : vector<16xf32>
    %div3A_1704 = arith.constant 1.000000e+00 : f32
    %div3A_1705 = vector.broadcast %div3A_1704 : f32 to vector<16xf32>
    %div3A_1706 = arith.divf %div3A_1705, %add3A_1703 : vector<16xf32>
    %mul3A_1707 = arith.mulf %add3A_1683, %div3A_1706 : vector<16xf32>
    %mul3A_1708 = arith.constant 3.200000e+02 : f32
    %mul3A_1709 = vector.broadcast %mul3A_1708 : f32 to vector<16xf32>
    %mul3A_1710 = arith.mulf %mul3A_1707, %mul3A_1709 : vector<16xf32>
    %add3A_1711 = arith.constant 3.200000e+02 : f32
    %add3A_1712 = vector.broadcast %add3A_1711 : f32 to vector<16xf32>
    %add3A_1713 = arith.addf %mul3A_1710, %add3A_1712 : vector<16xf32>
    %mul3A_1714 = arith.mulf %add3A_1693, %div3A_1706 : vector<16xf32>
    %mul3A_1715 = arith.constant 3.200000e+02 : f32
    %mul3A_1716 = vector.broadcast %mul3A_1715 : f32 to vector<16xf32>
    %mul3A_1717 = arith.mulf %mul3A_1714, %mul3A_1716 : vector<16xf32>
    %add3A_1718 = arith.constant 2.400000e+02 : f32
    %add3A_1719 = vector.broadcast %add3A_1718 : f32 to vector<16xf32>
    %add3A_1720 = arith.addf %mul3A_1717, %add3A_1719 : vector<16xf32>
    %swap3A_1721 = arith.constant 256 : index
    %swap3A_1722 = tpu.vector_load %arg10[%swap3A_1721] {strides = array<i32>} : memref<512xf32, #tpu.memory_space<vmem>>, vector<16xf32>,
    tpu.vector_store %arg10[%swap3A_1721], %add3A_1713 {strides = array<i32>} : memref<512xf32, #tpu.memory_space<vmem>>, vector<16xf32>,
    %swap3A_1723 = arith.constant 256 : index
    %swap3A_1724 = tpu.vector_load %arg11[%swap3A_1723] {strides = array<i32>} : memref<512xf32, #tpu.memory_space<vmem>>, vector<16xf32>,
    tpu.vector_store %arg11[%swap3A_1723], %add3A_1720 {strides = array<i32>} : memref<512xf32, #tpu.memory_space<vmem>>, vector<16xf32>,
    %slice3A_1725 = vector.extract_strided_slice %get3A_13 {offsets = [8], sizes = [1], strides = [1]} : vector<16xi32> to vector<1xi32>
    %squeeze3A_1726 = vector.extract %slice3A_1725[0] : i32 from vector<1xi32>
    %mul3A_1727 = arith.constant 16 : i32
    %mul3A_1728 = arith.muli %squeeze3A_1726, %mul3A_1727 : i32
    %get3A_1729 = arith.index_cast %mul3A_1728 : i32 to index
    %get3A_1730 = tpu.vector_load %arg12[%get3A_1729] {strides = array<i32>} : memref<352xf32, #tpu.memory_space<vmem>>, vector<16xf32>,
    %slice3A_1731 = vector.extract_strided_slice %get3A_1730 {offsets = [0], sizes = [1], strides = [1]} : vector<16xf32> to vector<1xf32>
    %squeeze3A_1732 = vector.extract %slice3A_1731[0] : f32 from vector<1xf32>
    %slice3A_1733 = vector.extract_strided_slice %get3A_1730 {offsets = [1], sizes = [1], strides = [1]} : vector<16xf32> to vector<1xf32>
    %squeeze3A_1734 = vector.extract %slice3A_1733[0] : f32 from vector<1xf32>
    %slice3A_1735 = vector.extract_strided_slice %get3A_1730 {offsets = [2], sizes = [1], strides = [1]} : vector<16xf32> to vector<1xf32>
    %squeeze3A_1736 = vector.extract %slice3A_1735[0] : f32 from vector<1xf32>
    %slice3A_1737 = vector.extract_strided_slice %get3A_1730 {offsets = [3], sizes = [1], strides = [1]} : vector<16xf32> to vector<1xf32>
    %squeeze3A_1738 = vector.extract %slice3A_1737[0] : f32 from vector<1xf32>
    %slice3A_1739 = vector.extract_strided_slice %get3A_1730 {offsets = [4], sizes = [1], strides = [1]} : vector<16xf32> to vector<1xf32>
    %squeeze3A_1740 = vector.extract %slice3A_1739[0] : f32 from vector<1xf32>
    %slice3A_1741 = vector.extract_strided_slice %get3A_1730 {offsets = [5], sizes = [1], strides = [1]} : vector<16xf32> to vector<1xf32>
    %squeeze3A_1742 = vector.extract %slice3A_1741[0] : f32 from vector<1xf32>
    %slice3A_1743 = vector.extract_strided_slice %get3A_1730 {offsets = [6], sizes = [1], strides = [1]} : vector<16xf32> to vector<1xf32>
    %squeeze3A_1744 = vector.extract %slice3A_1743[0] : f32 from vector<1xf32>
    %slice3A_1745 = vector.extract_strided_slice %get3A_1730 {offsets = [7], sizes = [1], strides = [1]} : vector<16xf32> to vector<1xf32>
    %squeeze3A_1746 = vector.extract %slice3A_1745[0] : f32 from vector<1xf32>
    %slice3A_1747 = vector.extract_strided_slice %get3A_1730 {offsets = [8], sizes = [1], strides = [1]} : vector<16xf32> to vector<1xf32>
    %squeeze3A_1748 = vector.extract %slice3A_1747[0] : f32 from vector<1xf32>
    %slice3A_1749 = vector.extract_strided_slice %get3A_1730 {offsets = [9], sizes = [1], strides = [1]} : vector<16xf32> to vector<1xf32>
    %squeeze3A_1750 = vector.extract %slice3A_1749[0] : f32 from vector<1xf32>
    %slice3A_1751 = vector.extract_strided_slice %get3A_1730 {offsets = [10], sizes = [1], strides = [1]} : vector<16xf32> to vector<1xf32>
    %squeeze3A_1752 = vector.extract %slice3A_1751[0] : f32 from vector<1xf32>
    %slice3A_1753 = vector.extract_strided_slice %get3A_1730 {offsets = [11], sizes = [1], strides = [1]} : vector<16xf32> to vector<1xf32>
    %squeeze3A_1754 = vector.extract %slice3A_1753[0] : f32 from vector<1xf32>
    %add3A_1755 = arith.constant 16 : i32
    %add3A_1756 = vector.broadcast %add3A_1755 : i32 to vector<16xi32>
    %add3A_1757 = arith.addi %add3A_1756, %iota3A : vector<16xi32>
    %gather3A_1758 = tpu.vector_load_idx %arg15[%add3A_1757] : memref<32xi32, #tpu.memory_space<vmem>>[vector<16xi32>], vector<16xi32>,
    %add3A_1759 = arith.constant 256 : i32
    %add3A_1760 = vector.broadcast %add3A_1759 : i32 to vector<16xi32>
    %add3A_1761 = arith.addi %add3A_1760, %gather3A_1758 : vector<16xi32>
    %shift_left3A_1762 = arith.constant 1 : i32
    %shift_left3A_1763 = vector.broadcast %shift_left3A_1762 : i32 to vector<16xi32>
    %shift_left3A_1764 = arith.shli %gather3A_1758, %shift_left3A_1763 : vector<16xi32>
    %add3A_1765 = arith.addi %add3A_1761, %shift_left3A_1764 : vector<16xi32>
    %gather3A_1766 = tpu.vector_load_idx %arg12[%add3A_1765] : memref<352xf32, #tpu.memory_space<vmem>>[vector<16xi32>], vector<16xf32>,
    %add3A_1767 = arith.constant 1 : i32
    %add3A_1768 = vector.broadcast %add3A_1767 : i32 to vector<16xi32>
    %add3A_1769 = arith.addi %add3A_1765, %add3A_1768 : vector<16xi32>
    %gather3A_1770 = tpu.vector_load_idx %arg12[%add3A_1769] : memref<352xf32, #tpu.memory_space<vmem>>[vector<16xi32>], vector<16xf32>,
    %add3A_1771 = arith.constant 2 : i32
    %add3A_1772 = vector.broadcast %add3A_1771 : i32 to vector<16xi32>
    %add3A_1773 = arith.addi %add3A_1765, %add3A_1772 : vector<16xi32>
    %gather3A_1774 = tpu.vector_load_idx %arg12[%add3A_1773] : memref<352xf32, #tpu.memory_space<vmem>>[vector<16xi32>], vector<16xf32>,
    %mul3A_1775 = vector.broadcast %squeeze3A_1732 : f32 to vector<16xf32>
    %mul3A_1776 = arith.mulf %mul3A_1775, %gather3A_1766 : vector<16xf32>
    %mul3A_1777 = vector.broadcast %squeeze3A_1734 : f32 to vector<16xf32>
    %mul3A_1778 = arith.mulf %mul3A_1777, %gather3A_1770 : vector<16xf32>
    %add3A_1779 = arith.addf %mul3A_1776, %mul3A_1778 : vector<16xf32>
    %mul3A_1780 = vector.broadcast %squeeze3A_1736 : f32 to vector<16xf32>
    %mul3A_1781 = arith.mulf %mul3A_1780, %gather3A_1774 : vector<16xf32>
    %add3A_1782 = arith.addf %add3A_1779, %mul3A_1781 : vector<16xf32>
    %add3A_1783 = vector.broadcast %squeeze3A_1738 : f32 to vector<16xf32>
    %add3A_1784 = arith.addf %add3A_1782, %add3A_1783 : vector<16xf32>
    %mul3A_1785 = vector.broadcast %squeeze3A_1740 : f32 to vector<16xf32>
    %mul3A_1786 = arith.mulf %mul3A_1785, %gather3A_1766 : vector<16xf32>
    %mul3A_1787 = vector.broadcast %squeeze3A_1742 : f32 to vector<16xf32>
    %mul3A_1788 = arith.mulf %mul3A_1787, %gather3A_1770 : vector<16xf32>
    %add3A_1789 = arith.addf %mul3A_1786, %mul3A_1788 : vector<16xf32>
    %mul3A_1790 = vector.broadcast %squeeze3A_1744 : f32 to vector<16xf32>
    %mul3A_1791 = arith.mulf %mul3A_1790, %gather3A_1774 : vector<16xf32>
    %add3A_1792 = arith.addf %add3A_1789, %mul3A_1791 : vector<16xf32>
    %add3A_1793 = vector.broadcast %squeeze3A_1746 : f32 to vector<16xf32>
    %add3A_1794 = arith.addf %add3A_1792, %add3A_1793 : vector<16xf32>
    %mul3A_1795 = vector.broadcast %squeeze3A_1748 : f32 to vector<16xf32>
    %mul3A_1796 = arith.mulf %mul3A_1795, %gather3A_1766 : vector<16xf32>
    %mul3A_1797 = vector.broadcast %squeeze3A_1750 : f32 to vector<16xf32>
    %mul3A_1798 = arith.mulf %mul3A_1797, %gather3A_1770 : vector<16xf32>
    %add3A_1799 = arith.addf %mul3A_1796, %mul3A_1798 : vector<16xf32>
    %mul3A_1800 = vector.broadcast %squeeze3A_1752 : f32 to vector<16xf32>
    %mul3A_1801 = arith.mulf %mul3A_1800, %gather3A_1774 : vector<16xf32>
    %add3A_1802 = arith.addf %add3A_1799, %mul3A_1801 : vector<16xf32>
    %add3A_1803 = vector.broadcast %squeeze3A_1754 : f32 to vector<16xf32>
    %add3A_1804 = arith.addf %add3A_1802, %add3A_1803 : vector<16xf32>
    %div3A_1805 = arith.constant 1.000000e+00 : f32
    %div3A_1806 = vector.broadcast %div3A_1805 : f32 to vector<16xf32>
    %div3A_1807 = arith.divf %div3A_1806, %add3A_1804 : vector<16xf32>
    %mul3A_1808 = arith.mulf %add3A_1784, %div3A_1807 : vector<16xf32>
    %mul3A_1809 = arith.constant 3.200000e+02 : f32
    %mul3A_1810 = vector.broadcast %mul3A_1809 : f32 to vector<16xf32>
    %mul3A_1811 = arith.mulf %mul3A_1808, %mul3A_1810 : vector<16xf32>
    %add3A_1812 = arith.constant 3.200000e+02 : f32
    %add3A_1813 = vector.broadcast %add3A_1812 : f32 to vector<16xf32>
    %add3A_1814 = arith.addf %mul3A_1811, %add3A_1813 : vector<16xf32>
    %mul3A_1815 = arith.mulf %add3A_1794, %div3A_1807 : vector<16xf32>
    %mul3A_1816 = arith.constant 3.200000e+02 : f32
    %mul3A_1817 = vector.broadcast %mul3A_1816 : f32 to vector<16xf32>
    %mul3A_1818 = arith.mulf %mul3A_1815, %mul3A_1817 : vector<16xf32>
    %add3A_1819 = arith.constant 2.400000e+02 : f32
    %add3A_1820 = vector.broadcast %add3A_1819 : f32 to vector<16xf32>
    %add3A_1821 = arith.addf %mul3A_1818, %add3A_1820 : vector<16xf32>
    %swap3A_1822 = arith.constant 272 : index
    %swap3A_1823 = tpu.vector_load %arg10[%swap3A_1822] {strides = array<i32>} : memref<512xf32, #tpu.memory_space<vmem>>, vector<16xf32>,
    tpu.vector_store %arg10[%swap3A_1822], %add3A_1814 {strides = array<i32>} : memref<512xf32, #tpu.memory_space<vmem>>, vector<16xf32>,
    %swap3A_1824 = arith.constant 272 : index
    %swap3A_1825 = tpu.vector_load %arg11[%swap3A_1824] {strides = array<i32>} : memref<512xf32, #tpu.memory_space<vmem>>, vector<16xf32>,
    tpu.vector_store %arg11[%swap3A_1824], %add3A_1821 {strides = array<i32>} : memref<512xf32, #tpu.memory_space<vmem>>, vector<16xf32>,
    %slice3A_1826 = vector.extract_strided_slice %get3A_13 {offsets = [9], sizes = [1], strides = [1]} : vector<16xi32> to vector<1xi32>
    %squeeze3A_1827 = vector.extract %slice3A_1826[0] : i32 from vector<1xi32>
    %mul3A_1828 = arith.constant 16 : i32
    %mul3A_1829 = arith.muli %squeeze3A_1827, %mul3A_1828 : i32
    %get3A_1830 = arith.index_cast %mul3A_1829 : i32 to index
    %get3A_1831 = tpu.vector_load %arg12[%get3A_1830] {strides = array<i32>} : memref<352xf32, #tpu.memory_space<vmem>>, vector<16xf32>,
    %slice3A_1832 = vector.extract_strided_slice %get3A_1831 {offsets = [0], sizes = [1], strides = [1]} : vector<16xf32> to vector<1xf32>
    %squeeze3A_1833 = vector.extract %slice3A_1832[0] : f32 from vector<1xf32>
    %slice3A_1834 = vector.extract_strided_slice %get3A_1831 {offsets = [1], sizes = [1], strides = [1]} : vector<16xf32> to vector<1xf32>
    %squeeze3A_1835 = vector.extract %slice3A_1834[0] : f32 from vector<1xf32>
    %slice3A_1836 = vector.extract_strided_slice %get3A_1831 {offsets = [2], sizes = [1], strides = [1]} : vector<16xf32> to vector<1xf32>
    %squeeze3A_1837 = vector.extract %slice3A_1836[0] : f32 from vector<1xf32>
    %slice3A_1838 = vector.extract_strided_slice %get3A_1831 {offsets = [3], sizes = [1], strides = [1]} : vector<16xf32> to vector<1xf32>
    %squeeze3A_1839 = vector.extract %slice3A_1838[0] : f32 from vector<1xf32>
    %slice3A_1840 = vector.extract_strided_slice %get3A_1831 {offsets = [4], sizes = [1], strides = [1]} : vector<16xf32> to vector<1xf32>
    %squeeze3A_1841 = vector.extract %slice3A_1840[0] : f32 from vector<1xf32>
    %slice3A_1842 = vector.extract_strided_slice %get3A_1831 {offsets = [5], sizes = [1], strides = [1]} : vector<16xf32> to vector<1xf32>
    %squeeze3A_1843 = vector.extract %slice3A_1842[0] : f32 from vector<1xf32>
    %slice3A_1844 = vector.extract_strided_slice %get3A_1831 {offsets = [6], sizes = [1], strides = [1]} : vector<16xf32> to vector<1xf32>
    %squeeze3A_1845 = vector.extract %slice3A_1844[0] : f32 from vector<1xf32>
    %slice3A_1846 = vector.extract_strided_slice %get3A_1831 {offsets = [7], sizes = [1], strides = [1]} : vector<16xf32> to vector<1xf32>
    %squeeze3A_1847 = vector.extract %slice3A_1846[0] : f32 from vector<1xf32>
    %slice3A_1848 = vector.extract_strided_slice %get3A_1831 {offsets = [8], sizes = [1], strides = [1]} : vector<16xf32> to vector<1xf32>
    %squeeze3A_1849 = vector.extract %slice3A_1848[0] : f32 from vector<1xf32>
    %slice3A_1850 = vector.extract_strided_slice %get3A_1831 {offsets = [9], sizes = [1], strides = [1]} : vector<16xf32> to vector<1xf32>
    %squeeze3A_1851 = vector.extract %slice3A_1850[0] : f32 from vector<1xf32>
    %slice3A_1852 = vector.extract_strided_slice %get3A_1831 {offsets = [10], sizes = [1], strides = [1]} : vector<16xf32> to vector<1xf32>
    %squeeze3A_1853 = vector.extract %slice3A_1852[0] : f32 from vector<1xf32>
    %slice3A_1854 = vector.extract_strided_slice %get3A_1831 {offsets = [11], sizes = [1], strides = [1]} : vector<16xf32> to vector<1xf32>
    %squeeze3A_1855 = vector.extract %slice3A_1854[0] : f32 from vector<1xf32>
    %add3A_1856 = arith.constant 0 : i32
    %add3A_1857 = vector.broadcast %add3A_1856 : i32 to vector<16xi32>
    %add3A_1858 = arith.addi %add3A_1857, %iota3A : vector<16xi32>
    %gather3A_1859 = tpu.vector_load_idx %arg15[%add3A_1858] : memref<32xi32, #tpu.memory_space<vmem>>[vector<16xi32>], vector<16xi32>,
    %add3A_1860 = arith.constant 256 : i32
    %add3A_1861 = vector.broadcast %add3A_1860 : i32 to vector<16xi32>
    %add3A_1862 = arith.addi %add3A_1861, %gather3A_1859 : vector<16xi32>
    %shift_left3A_1863 = arith.constant 1 : i32
    %shift_left3A_1864 = vector.broadcast %shift_left3A_1863 : i32 to vector<16xi32>
    %shift_left3A_1865 = arith.shli %gather3A_1859, %shift_left3A_1864 : vector<16xi32>
    %add3A_1866 = arith.addi %add3A_1862, %shift_left3A_1865 : vector<16xi32>
    %gather3A_1867 = tpu.vector_load_idx %arg12[%add3A_1866] : memref<352xf32, #tpu.memory_space<vmem>>[vector<16xi32>], vector<16xf32>,
    %add3A_1868 = arith.constant 1 : i32
    %add3A_1869 = vector.broadcast %add3A_1868 : i32 to vector<16xi32>
    %add3A_1870 = arith.addi %add3A_1866, %add3A_1869 : vector<16xi32>
    %gather3A_1871 = tpu.vector_load_idx %arg12[%add3A_1870] : memref<352xf32, #tpu.memory_space<vmem>>[vector<16xi32>], vector<16xf32>,
    %add3A_1872 = arith.constant 2 : i32
    %add3A_1873 = vector.broadcast %add3A_1872 : i32 to vector<16xi32>
    %add3A_1874 = arith.addi %add3A_1866, %add3A_1873 : vector<16xi32>
    %gather3A_1875 = tpu.vector_load_idx %arg12[%add3A_1874] : memref<352xf32, #tpu.memory_space<vmem>>[vector<16xi32>], vector<16xf32>,
    %mul3A_1876 = vector.broadcast %squeeze3A_1833 : f32 to vector<16xf32>
    %mul3A_1877 = arith.mulf %mul3A_1876, %gather3A_1867 : vector<16xf32>
    %mul3A_1878 = vector.broadcast %squeeze3A_1835 : f32 to vector<16xf32>
    %mul3A_1879 = arith.mulf %mul3A_1878, %gather3A_1871 : vector<16xf32>
    %add3A_1880 = arith.addf %mul3A_1877, %mul3A_1879 : vector<16xf32>
    %mul3A_1881 = vector.broadcast %squeeze3A_1837 : f32 to vector<16xf32>
    %mul3A_1882 = arith.mulf %mul3A_1881, %gather3A_1875 : vector<16xf32>
    %add3A_1883 = arith.addf %add3A_1880, %mul3A_1882 : vector<16xf32>
    %add3A_1884 = vector.broadcast %squeeze3A_1839 : f32 to vector<16xf32>
    %add3A_1885 = arith.addf %add3A_1883, %add3A_1884 : vector<16xf32>
    %mul3A_1886 = vector.broadcast %squeeze3A_1841 : f32 to vector<16xf32>
    %mul3A_1887 = arith.mulf %mul3A_1886, %gather3A_1867 : vector<16xf32>
    %mul3A_1888 = vector.broadcast %squeeze3A_1843 : f32 to vector<16xf32>
    %mul3A_1889 = arith.mulf %mul3A_1888, %gather3A_1871 : vector<16xf32>
    %add3A_1890 = arith.addf %mul3A_1887, %mul3A_1889 : vector<16xf32>
    %mul3A_1891 = vector.broadcast %squeeze3A_1845 : f32 to vector<16xf32>
    %mul3A_1892 = arith.mulf %mul3A_1891, %gather3A_1875 : vector<16xf32>
    %add3A_1893 = arith.addf %add3A_1890, %mul3A_1892 : vector<16xf32>
    %add3A_1894 = vector.broadcast %squeeze3A_1847 : f32 to vector<16xf32>
    %add3A_1895 = arith.addf %add3A_1893, %add3A_1894 : vector<16xf32>
    %mul3A_1896 = vector.broadcast %squeeze3A_1849 : f32 to vector<16xf32>
    %mul3A_1897 = arith.mulf %mul3A_1896, %gather3A_1867 : vector<16xf32>
    %mul3A_1898 = vector.broadcast %squeeze3A_1851 : f32 to vector<16xf32>
    %mul3A_1899 = arith.mulf %mul3A_1898, %gather3A_1871 : vector<16xf32>
    %add3A_1900 = arith.addf %mul3A_1897, %mul3A_1899 : vector<16xf32>
    %mul3A_1901 = vector.broadcast %squeeze3A_1853 : f32 to vector<16xf32>
    %mul3A_1902 = arith.mulf %mul3A_1901, %gather3A_1875 : vector<16xf32>
    %add3A_1903 = arith.addf %add3A_1900, %mul3A_1902 : vector<16xf32>
    %add3A_1904 = vector.broadcast %squeeze3A_1855 : f32 to vector<16xf32>
    %add3A_1905 = arith.addf %add3A_1903, %add3A_1904 : vector<16xf32>
    %div3A_1906 = arith.constant 1.000000e+00 : f32
    %div3A_1907 = vector.broadcast %div3A_1906 : f32 to vector<16xf32>
    %div3A_1908 = arith.divf %div3A_1907, %add3A_1905 : vector<16xf32>
    %mul3A_1909 = arith.mulf %add3A_1885, %div3A_1908 : vector<16xf32>
    %mul3A_1910 = arith.constant 3.200000e+02 : f32
    %mul3A_1911 = vector.broadcast %mul3A_1910 : f32 to vector<16xf32>
    %mul3A_1912 = arith.mulf %mul3A_1909, %mul3A_1911 : vector<16xf32>
    %add3A_1913 = arith.constant 3.200000e+02 : f32
    %add3A_1914 = vector.broadcast %add3A_1913 : f32 to vector<16xf32>
    %add3A_1915 = arith.addf %mul3A_1912, %add3A_1914 : vector<16xf32>
    %mul3A_1916 = arith.mulf %add3A_1895, %div3A_1908 : vector<16xf32>
    %mul3A_1917 = arith.constant 3.200000e+02 : f32
    %mul3A_1918 = vector.broadcast %mul3A_1917 : f32 to vector<16xf32>
    %mul3A_1919 = arith.mulf %mul3A_1916, %mul3A_1918 : vector<16xf32>
    %add3A_1920 = arith.constant 2.400000e+02 : f32
    %add3A_1921 = vector.broadcast %add3A_1920 : f32 to vector<16xf32>
    %add3A_1922 = arith.addf %mul3A_1919, %add3A_1921 : vector<16xf32>
    %swap3A_1923 = arith.constant 288 : index
    %swap3A_1924 = tpu.vector_load %arg10[%swap3A_1923] {strides = array<i32>} : memref<512xf32, #tpu.memory_space<vmem>>, vector<16xf32>,
    tpu.vector_store %arg10[%swap3A_1923], %add3A_1915 {strides = array<i32>} : memref<512xf32, #tpu.memory_space<vmem>>, vector<16xf32>,
    %swap3A_1925 = arith.constant 288 : index
    %swap3A_1926 = tpu.vector_load %arg11[%swap3A_1925] {strides = array<i32>} : memref<512xf32, #tpu.memory_space<vmem>>, vector<16xf32>,
    tpu.vector_store %arg11[%swap3A_1925], %add3A_1922 {strides = array<i32>} : memref<512xf32, #tpu.memory_space<vmem>>, vector<16xf32>,
    %slice3A_1927 = vector.extract_strided_slice %get3A_13 {offsets = [9], sizes = [1], strides = [1]} : vector<16xi32> to vector<1xi32>
    %squeeze3A_1928 = vector.extract %slice3A_1927[0] : i32 from vector<1xi32>
    %mul3A_1929 = arith.constant 16 : i32
    %mul3A_1930 = arith.muli %squeeze3A_1928, %mul3A_1929 : i32
    %get3A_1931 = arith.index_cast %mul3A_1930 : i32 to index
    %get3A_1932 = tpu.vector_load %arg12[%get3A_1931] {strides = array<i32>} : memref<352xf32, #tpu.memory_space<vmem>>, vector<16xf32>,
    %slice3A_1933 = vector.extract_strided_slice %get3A_1932 {offsets = [0], sizes = [1], strides = [1]} : vector<16xf32> to vector<1xf32>
    %squeeze3A_1934 = vector.extract %slice3A_1933[0] : f32 from vector<1xf32>
    %slice3A_1935 = vector.extract_strided_slice %get3A_1932 {offsets = [1], sizes = [1], strides = [1]} : vector<16xf32> to vector<1xf32>
    %squeeze3A_1936 = vector.extract %slice3A_1935[0] : f32 from vector<1xf32>
    %slice3A_1937 = vector.extract_strided_slice %get3A_1932 {offsets = [2], sizes = [1], strides = [1]} : vector<16xf32> to vector<1xf32>
    %squeeze3A_1938 = vector.extract %slice3A_1937[0] : f32 from vector<1xf32>
    %slice3A_1939 = vector.extract_strided_slice %get3A_1932 {offsets = [3], sizes = [1], strides = [1]} : vector<16xf32> to vector<1xf32>
    %squeeze3A_1940 = vector.extract %slice3A_1939[0] : f32 from vector<1xf32>
    %slice3A_1941 = vector.extract_strided_slice %get3A_1932 {offsets = [4], sizes = [1], strides = [1]} : vector<16xf32> to vector<1xf32>
    %squeeze3A_1942 = vector.extract %slice3A_1941[0] : f32 from vector<1xf32>
    %slice3A_1943 = vector.extract_strided_slice %get3A_1932 {offsets = [5], sizes = [1], strides = [1]} : vector<16xf32> to vector<1xf32>
    %squeeze3A_1944 = vector.extract %slice3A_1943[0] : f32 from vector<1xf32>
    %slice3A_1945 = vector.extract_strided_slice %get3A_1932 {offsets = [6], sizes = [1], strides = [1]} : vector<16xf32> to vector<1xf32>
    %squeeze3A_1946 = vector.extract %slice3A_1945[0] : f32 from vector<1xf32>
    %slice3A_1947 = vector.extract_strided_slice %get3A_1932 {offsets = [7], sizes = [1], strides = [1]} : vector<16xf32> to vector<1xf32>
    %squeeze3A_1948 = vector.extract %slice3A_1947[0] : f32 from vector<1xf32>
    %slice3A_1949 = vector.extract_strided_slice %get3A_1932 {offsets = [8], sizes = [1], strides = [1]} : vector<16xf32> to vector<1xf32>
    %squeeze3A_1950 = vector.extract %slice3A_1949[0] : f32 from vector<1xf32>
    %slice3A_1951 = vector.extract_strided_slice %get3A_1932 {offsets = [9], sizes = [1], strides = [1]} : vector<16xf32> to vector<1xf32>
    %squeeze3A_1952 = vector.extract %slice3A_1951[0] : f32 from vector<1xf32>
    %slice3A_1953 = vector.extract_strided_slice %get3A_1932 {offsets = [10], sizes = [1], strides = [1]} : vector<16xf32> to vector<1xf32>
    %squeeze3A_1954 = vector.extract %slice3A_1953[0] : f32 from vector<1xf32>
    %slice3A_1955 = vector.extract_strided_slice %get3A_1932 {offsets = [11], sizes = [1], strides = [1]} : vector<16xf32> to vector<1xf32>
    %squeeze3A_1956 = vector.extract %slice3A_1955[0] : f32 from vector<1xf32>
    %add3A_1957 = arith.constant 16 : i32
    %add3A_1958 = vector.broadcast %add3A_1957 : i32 to vector<16xi32>
    %add3A_1959 = arith.addi %add3A_1958, %iota3A : vector<16xi32>
    %gather3A_1960 = tpu.vector_load_idx %arg15[%add3A_1959] : memref<32xi32, #tpu.memory_space<vmem>>[vector<16xi32>], vector<16xi32>,
    %add3A_1961 = arith.constant 256 : i32
    %add3A_1962 = vector.broadcast %add3A_1961 : i32 to vector<16xi32>
    %add3A_1963 = arith.addi %add3A_1962, %gather3A_1960 : vector<16xi32>
    %shift_left3A_1964 = arith.constant 1 : i32
    %shift_left3A_1965 = vector.broadcast %shift_left3A_1964 : i32 to vector<16xi32>
    %shift_left3A_1966 = arith.shli %gather3A_1960, %shift_left3A_1965 : vector<16xi32>
    %add3A_1967 = arith.addi %add3A_1963, %shift_left3A_1966 : vector<16xi32>
    %gather3A_1968 = tpu.vector_load_idx %arg12[%add3A_1967] : memref<352xf32, #tpu.memory_space<vmem>>[vector<16xi32>], vector<16xf32>,
    %add3A_1969 = arith.constant 1 : i32
    %add3A_1970 = vector.broadcast %add3A_1969 : i32 to vector<16xi32>
    %add3A_1971 = arith.addi %add3A_1967, %add3A_1970 : vector<16xi32>
    %gather3A_1972 = tpu.vector_load_idx %arg12[%add3A_1971] : memref<352xf32, #tpu.memory_space<vmem>>[vector<16xi32>], vector<16xf32>,
    %add3A_1973 = arith.constant 2 : i32
    %add3A_1974 = vector.broadcast %add3A_1973 : i32 to vector<16xi32>
    %add3A_1975 = arith.addi %add3A_1967, %add3A_1974 : vector<16xi32>
    %gather3A_1976 = tpu.vector_load_idx %arg12[%add3A_1975] : memref<352xf32, #tpu.memory_space<vmem>>[vector<16xi32>], vector<16xf32>,
    %mul3A_1977 = vector.broadcast %squeeze3A_1934 : f32 to vector<16xf32>
    %mul3A_1978 = arith.mulf %mul3A_1977, %gather3A_1968 : vector<16xf32>
    %mul3A_1979 = vector.broadcast %squeeze3A_1936 : f32 to vector<16xf32>
    %mul3A_1980 = arith.mulf %mul3A_1979, %gather3A_1972 : vector<16xf32>
    %add3A_1981 = arith.addf %mul3A_1978, %mul3A_1980 : vector<16xf32>
    %mul3A_1982 = vector.broadcast %squeeze3A_1938 : f32 to vector<16xf32>
    %mul3A_1983 = arith.mulf %mul3A_1982, %gather3A_1976 : vector<16xf32>
    %add3A_1984 = arith.addf %add3A_1981, %mul3A_1983 : vector<16xf32>
    %add3A_1985 = vector.broadcast %squeeze3A_1940 : f32 to vector<16xf32>
    %add3A_1986 = arith.addf %add3A_1984, %add3A_1985 : vector<16xf32>
    %mul3A_1987 = vector.broadcast %squeeze3A_1942 : f32 to vector<16xf32>
    %mul3A_1988 = arith.mulf %mul3A_1987, %gather3A_1968 : vector<16xf32>
    %mul3A_1989 = vector.broadcast %squeeze3A_1944 : f32 to vector<16xf32>
    %mul3A_1990 = arith.mulf %mul3A_1989, %gather3A_1972 : vector<16xf32>
    %add3A_1991 = arith.addf %mul3A_1988, %mul3A_1990 : vector<16xf32>
    %mul3A_1992 = vector.broadcast %squeeze3A_1946 : f32 to vector<16xf32>
    %mul3A_1993 = arith.mulf %mul3A_1992, %gather3A_1976 : vector<16xf32>
    %add3A_1994 = arith.addf %add3A_1991, %mul3A_1993 : vector<16xf32>
    %add3A_1995 = vector.broadcast %squeeze3A_1948 : f32 to vector<16xf32>
    %add3A_1996 = arith.addf %add3A_1994, %add3A_1995 : vector<16xf32>
    %mul3A_1997 = vector.broadcast %squeeze3A_1950 : f32 to vector<16xf32>
    %mul3A_1998 = arith.mulf %mul3A_1997, %gather3A_1968 : vector<16xf32>
    %mul3A_1999 = vector.broadcast %squeeze3A_1952 : f32 to vector<16xf32>
    %mul3A_2000 = arith.mulf %mul3A_1999, %gather3A_1972 : vector<16xf32>
    %add3A_2001 = arith.addf %mul3A_1998, %mul3A_2000 : vector<16xf32>
    %mul3A_2002 = vector.broadcast %squeeze3A_1954 : f32 to vector<16xf32>
    %mul3A_2003 = arith.mulf %mul3A_2002, %gather3A_1976 : vector<16xf32>
    %add3A_2004 = arith.addf %add3A_2001, %mul3A_2003 : vector<16xf32>
    %add3A_2005 = vector.broadcast %squeeze3A_1956 : f32 to vector<16xf32>
    %add3A_2006 = arith.addf %add3A_2004, %add3A_2005 : vector<16xf32>
    %div3A_2007 = arith.constant 1.000000e+00 : f32
    %div3A_2008 = vector.broadcast %div3A_2007 : f32 to vector<16xf32>
    %div3A_2009 = arith.divf %div3A_2008, %add3A_2006 : vector<16xf32>
    %mul3A_2010 = arith.mulf %add3A_1986, %div3A_2009 : vector<16xf32>
    %mul3A_2011 = arith.constant 3.200000e+02 : f32
    %mul3A_2012 = vector.broadcast %mul3A_2011 : f32 to vector<16xf32>
    %mul3A_2013 = arith.mulf %mul3A_2010, %mul3A_2012 : vector<16xf32>
    %add3A_2014 = arith.constant 3.200000e+02 : f32
    %add3A_2015 = vector.broadcast %add3A_2014 : f32 to vector<16xf32>
    %add3A_2016 = arith.addf %mul3A_2013, %add3A_2015 : vector<16xf32>
    %mul3A_2017 = arith.mulf %add3A_1996, %div3A_2009 : vector<16xf32>
    %mul3A_2018 = arith.constant 3.200000e+02 : f32
    %mul3A_2019 = vector.broadcast %mul3A_2018 : f32 to vector<16xf32>
    %mul3A_2020 = arith.mulf %mul3A_2017, %mul3A_2019 : vector<16xf32>
    %add3A_2021 = arith.constant 2.400000e+02 : f32
    %add3A_2022 = vector.broadcast %add3A_2021 : f32 to vector<16xf32>
    %add3A_2023 = arith.addf %mul3A_2020, %add3A_2022 : vector<16xf32>
    %swap3A_2024 = arith.constant 304 : index
    %swap3A_2025 = tpu.vector_load %arg10[%swap3A_2024] {strides = array<i32>} : memref<512xf32, #tpu.memory_space<vmem>>, vector<16xf32>,
    tpu.vector_store %arg10[%swap3A_2024], %add3A_2016 {strides = array<i32>} : memref<512xf32, #tpu.memory_space<vmem>>, vector<16xf32>,
    %swap3A_2026 = arith.constant 304 : index
    %swap3A_2027 = tpu.vector_load %arg11[%swap3A_2026] {strides = array<i32>} : memref<512xf32, #tpu.memory_space<vmem>>, vector<16xf32>,
    tpu.vector_store %arg11[%swap3A_2026], %add3A_2023 {strides = array<i32>} : memref<512xf32, #tpu.memory_space<vmem>>, vector<16xf32>,
    %slice3A_2028 = vector.extract_strided_slice %get3A_13 {offsets = [10], sizes = [1], strides = [1]} : vector<16xi32> to vector<1xi32>
    %squeeze3A_2029 = vector.extract %slice3A_2028[0] : i32 from vector<1xi32>
    %mul3A_2030 = arith.constant 16 : i32
    %mul3A_2031 = arith.muli %squeeze3A_2029, %mul3A_2030 : i32
    %get3A_2032 = arith.index_cast %mul3A_2031 : i32 to index
    %get3A_2033 = tpu.vector_load %arg12[%get3A_2032] {strides = array<i32>} : memref<352xf32, #tpu.memory_space<vmem>>, vector<16xf32>,
    %slice3A_2034 = vector.extract_strided_slice %get3A_2033 {offsets = [0], sizes = [1], strides = [1]} : vector<16xf32> to vector<1xf32>
    %squeeze3A_2035 = vector.extract %slice3A_2034[0] : f32 from vector<1xf32>
    %slice3A_2036 = vector.extract_strided_slice %get3A_2033 {offsets = [1], sizes = [1], strides = [1]} : vector<16xf32> to vector<1xf32>
    %squeeze3A_2037 = vector.extract %slice3A_2036[0] : f32 from vector<1xf32>
    %slice3A_2038 = vector.extract_strided_slice %get3A_2033 {offsets = [2], sizes = [1], strides = [1]} : vector<16xf32> to vector<1xf32>
    %squeeze3A_2039 = vector.extract %slice3A_2038[0] : f32 from vector<1xf32>
    %slice3A_2040 = vector.extract_strided_slice %get3A_2033 {offsets = [3], sizes = [1], strides = [1]} : vector<16xf32> to vector<1xf32>
    %squeeze3A_2041 = vector.extract %slice3A_2040[0] : f32 from vector<1xf32>
    %slice3A_2042 = vector.extract_strided_slice %get3A_2033 {offsets = [4], sizes = [1], strides = [1]} : vector<16xf32> to vector<1xf32>
    %squeeze3A_2043 = vector.extract %slice3A_2042[0] : f32 from vector<1xf32>
    %slice3A_2044 = vector.extract_strided_slice %get3A_2033 {offsets = [5], sizes = [1], strides = [1]} : vector<16xf32> to vector<1xf32>
    %squeeze3A_2045 = vector.extract %slice3A_2044[0] : f32 from vector<1xf32>
    %slice3A_2046 = vector.extract_strided_slice %get3A_2033 {offsets = [6], sizes = [1], strides = [1]} : vector<16xf32> to vector<1xf32>
    %squeeze3A_2047 = vector.extract %slice3A_2046[0] : f32 from vector<1xf32>
    %slice3A_2048 = vector.extract_strided_slice %get3A_2033 {offsets = [7], sizes = [1], strides = [1]} : vector<16xf32> to vector<1xf32>
    %squeeze3A_2049 = vector.extract %slice3A_2048[0] : f32 from vector<1xf32>
    %slice3A_2050 = vector.extract_strided_slice %get3A_2033 {offsets = [8], sizes = [1], strides = [1]} : vector<16xf32> to vector<1xf32>
    %squeeze3A_2051 = vector.extract %slice3A_2050[0] : f32 from vector<1xf32>
    %slice3A_2052 = vector.extract_strided_slice %get3A_2033 {offsets = [9], sizes = [1], strides = [1]} : vector<16xf32> to vector<1xf32>
    %squeeze3A_2053 = vector.extract %slice3A_2052[0] : f32 from vector<1xf32>
    %slice3A_2054 = vector.extract_strided_slice %get3A_2033 {offsets = [10], sizes = [1], strides = [1]} : vector<16xf32> to vector<1xf32>
    %squeeze3A_2055 = vector.extract %slice3A_2054[0] : f32 from vector<1xf32>
    %slice3A_2056 = vector.extract_strided_slice %get3A_2033 {offsets = [11], sizes = [1], strides = [1]} : vector<16xf32> to vector<1xf32>
    %squeeze3A_2057 = vector.extract %slice3A_2056[0] : f32 from vector<1xf32>
    %add3A_2058 = arith.constant 0 : i32
    %add3A_2059 = vector.broadcast %add3A_2058 : i32 to vector<16xi32>
    %add3A_2060 = arith.addi %add3A_2059, %iota3A : vector<16xi32>
    %gather3A_2061 = tpu.vector_load_idx %arg15[%add3A_2060] : memref<32xi32, #tpu.memory_space<vmem>>[vector<16xi32>], vector<16xi32>,
    %add3A_2062 = arith.constant 256 : i32
    %add3A_2063 = vector.broadcast %add3A_2062 : i32 to vector<16xi32>
    %add3A_2064 = arith.addi %add3A_2063, %gather3A_2061 : vector<16xi32>
    %shift_left3A_2065 = arith.constant 1 : i32
    %shift_left3A_2066 = vector.broadcast %shift_left3A_2065 : i32 to vector<16xi32>
    %shift_left3A_2067 = arith.shli %gather3A_2061, %shift_left3A_2066 : vector<16xi32>
    %add3A_2068 = arith.addi %add3A_2064, %shift_left3A_2067 : vector<16xi32>
    %gather3A_2069 = tpu.vector_load_idx %arg12[%add3A_2068] : memref<352xf32, #tpu.memory_space<vmem>>[vector<16xi32>], vector<16xf32>,
    %add3A_2070 = arith.constant 1 : i32
    %add3A_2071 = vector.broadcast %add3A_2070 : i32 to vector<16xi32>
    %add3A_2072 = arith.addi %add3A_2068, %add3A_2071 : vector<16xi32>
    %gather3A_2073 = tpu.vector_load_idx %arg12[%add3A_2072] : memref<352xf32, #tpu.memory_space<vmem>>[vector<16xi32>], vector<16xf32>,
    %add3A_2074 = arith.constant 2 : i32
    %add3A_2075 = vector.broadcast %add3A_2074 : i32 to vector<16xi32>
    %add3A_2076 = arith.addi %add3A_2068, %add3A_2075 : vector<16xi32>
    %gather3A_2077 = tpu.vector_load_idx %arg12[%add3A_2076] : memref<352xf32, #tpu.memory_space<vmem>>[vector<16xi32>], vector<16xf32>,
    %mul3A_2078 = vector.broadcast %squeeze3A_2035 : f32 to vector<16xf32>
    %mul3A_2079 = arith.mulf %mul3A_2078, %gather3A_2069 : vector<16xf32>
    %mul3A_2080 = vector.broadcast %squeeze3A_2037 : f32 to vector<16xf32>
    %mul3A_2081 = arith.mulf %mul3A_2080, %gather3A_2073 : vector<16xf32>
    %add3A_2082 = arith.addf %mul3A_2079, %mul3A_2081 : vector<16xf32>
    %mul3A_2083 = vector.broadcast %squeeze3A_2039 : f32 to vector<16xf32>
    %mul3A_2084 = arith.mulf %mul3A_2083, %gather3A_2077 : vector<16xf32>
    %add3A_2085 = arith.addf %add3A_2082, %mul3A_2084 : vector<16xf32>
    %add3A_2086 = vector.broadcast %squeeze3A_2041 : f32 to vector<16xf32>
    %add3A_2087 = arith.addf %add3A_2085, %add3A_2086 : vector<16xf32>
    %mul3A_2088 = vector.broadcast %squeeze3A_2043 : f32 to vector<16xf32>
    %mul3A_2089 = arith.mulf %mul3A_2088, %gather3A_2069 : vector<16xf32>
    %mul3A_2090 = vector.broadcast %squeeze3A_2045 : f32 to vector<16xf32>
    %mul3A_2091 = arith.mulf %mul3A_2090, %gather3A_2073 : vector<16xf32>
    %add3A_2092 = arith.addf %mul3A_2089, %mul3A_2091 : vector<16xf32>
    %mul3A_2093 = vector.broadcast %squeeze3A_2047 : f32 to vector<16xf32>
    %mul3A_2094 = arith.mulf %mul3A_2093, %gather3A_2077 : vector<16xf32>
    %add3A_2095 = arith.addf %add3A_2092, %mul3A_2094 : vector<16xf32>
    %add3A_2096 = vector.broadcast %squeeze3A_2049 : f32 to vector<16xf32>
    %add3A_2097 = arith.addf %add3A_2095, %add3A_2096 : vector<16xf32>
    %mul3A_2098 = vector.broadcast %squeeze3A_2051 : f32 to vector<16xf32>
    %mul3A_2099 = arith.mulf %mul3A_2098, %gather3A_2069 : vector<16xf32>
    %mul3A_2100 = vector.broadcast %squeeze3A_2053 : f32 to vector<16xf32>
    %mul3A_2101 = arith.mulf %mul3A_2100, %gather3A_2073 : vector<16xf32>
    %add3A_2102 = arith.addf %mul3A_2099, %mul3A_2101 : vector<16xf32>
    %mul3A_2103 = vector.broadcast %squeeze3A_2055 : f32 to vector<16xf32>
    %mul3A_2104 = arith.mulf %mul3A_2103, %gather3A_2077 : vector<16xf32>
    %add3A_2105 = arith.addf %add3A_2102, %mul3A_2104 : vector<16xf32>
    %add3A_2106 = vector.broadcast %squeeze3A_2057 : f32 to vector<16xf32>
    %add3A_2107 = arith.addf %add3A_2105, %add3A_2106 : vector<16xf32>
    %div3A_2108 = arith.constant 1.000000e+00 : f32
    %div3A_2109 = vector.broadcast %div3A_2108 : f32 to vector<16xf32>
    %div3A_2110 = arith.divf %div3A_2109, %add3A_2107 : vector<16xf32>
    %mul3A_2111 = arith.mulf %add3A_2087, %div3A_2110 : vector<16xf32>
    %mul3A_2112 = arith.constant 3.200000e+02 : f32
    %mul3A_2113 = vector.broadcast %mul3A_2112 : f32 to vector<16xf32>
    %mul3A_2114 = arith.mulf %mul3A_2111, %mul3A_2113 : vector<16xf32>
    %add3A_2115 = arith.constant 3.200000e+02 : f32
    %add3A_2116 = vector.broadcast %add3A_2115 : f32 to vector<16xf32>
    %add3A_2117 = arith.addf %mul3A_2114, %add3A_2116 : vector<16xf32>
    %mul3A_2118 = arith.mulf %add3A_2097, %div3A_2110 : vector<16xf32>
    %mul3A_2119 = arith.constant 3.200000e+02 : f32
    %mul3A_2120 = vector.broadcast %mul3A_2119 : f32 to vector<16xf32>
    %mul3A_2121 = arith.mulf %mul3A_2118, %mul3A_2120 : vector<16xf32>
    %add3A_2122 = arith.constant 2.400000e+02 : f32
    %add3A_2123 = vector.broadcast %add3A_2122 : f32 to vector<16xf32>
    %add3A_2124 = arith.addf %mul3A_2121, %add3A_2123 : vector<16xf32>
    %swap3A_2125 = arith.constant 320 : index
    %swap3A_2126 = tpu.vector_load %arg10[%swap3A_2125] {strides = array<i32>} : memref<512xf32, #tpu.memory_space<vmem>>, vector<16xf32>,
    tpu.vector_store %arg10[%swap3A_2125], %add3A_2117 {strides = array<i32>} : memref<512xf32, #tpu.memory_space<vmem>>, vector<16xf32>,
    %swap3A_2127 = arith.constant 320 : index
    %swap3A_2128 = tpu.vector_load %arg11[%swap3A_2127] {strides = array<i32>} : memref<512xf32, #tpu.memory_space<vmem>>, vector<16xf32>,
    tpu.vector_store %arg11[%swap3A_2127], %add3A_2124 {strides = array<i32>} : memref<512xf32, #tpu.memory_space<vmem>>, vector<16xf32>,
    %slice3A_2129 = vector.extract_strided_slice %get3A_13 {offsets = [10], sizes = [1], strides = [1]} : vector<16xi32> to vector<1xi32>
    %squeeze3A_2130 = vector.extract %slice3A_2129[0] : i32 from vector<1xi32>
    %mul3A_2131 = arith.constant 16 : i32
    %mul3A_2132 = arith.muli %squeeze3A_2130, %mul3A_2131 : i32
    %get3A_2133 = arith.index_cast %mul3A_2132 : i32 to index
    %get3A_2134 = tpu.vector_load %arg12[%get3A_2133] {strides = array<i32>} : memref<352xf32, #tpu.memory_space<vmem>>, vector<16xf32>,
    %slice3A_2135 = vector.extract_strided_slice %get3A_2134 {offsets = [0], sizes = [1], strides = [1]} : vector<16xf32> to vector<1xf32>
    %squeeze3A_2136 = vector.extract %slice3A_2135[0] : f32 from vector<1xf32>
    %slice3A_2137 = vector.extract_strided_slice %get3A_2134 {offsets = [1], sizes = [1], strides = [1]} : vector<16xf32> to vector<1xf32>
    %squeeze3A_2138 = vector.extract %slice3A_2137[0] : f32 from vector<1xf32>
    %slice3A_2139 = vector.extract_strided_slice %get3A_2134 {offsets = [2], sizes = [1], strides = [1]} : vector<16xf32> to vector<1xf32>
    %squeeze3A_2140 = vector.extract %slice3A_2139[0] : f32 from vector<1xf32>
    %slice3A_2141 = vector.extract_strided_slice %get3A_2134 {offsets = [3], sizes = [1], strides = [1]} : vector<16xf32> to vector<1xf32>
    %squeeze3A_2142 = vector.extract %slice3A_2141[0] : f32 from vector<1xf32>
    %slice3A_2143 = vector.extract_strided_slice %get3A_2134 {offsets = [4], sizes = [1], strides = [1]} : vector<16xf32> to vector<1xf32>
    %squeeze3A_2144 = vector.extract %slice3A_2143[0] : f32 from vector<1xf32>
    %slice3A_2145 = vector.extract_strided_slice %get3A_2134 {offsets = [5], sizes = [1], strides = [1]} : vector<16xf32> to vector<1xf32>
    %squeeze3A_2146 = vector.extract %slice3A_2145[0] : f32 from vector<1xf32>
    %slice3A_2147 = vector.extract_strided_slice %get3A_2134 {offsets = [6], sizes = [1], strides = [1]} : vector<16xf32> to vector<1xf32>
    %squeeze3A_2148 = vector.extract %slice3A_2147[0] : f32 from vector<1xf32>
    %slice3A_2149 = vector.extract_strided_slice %get3A_2134 {offsets = [7], sizes = [1], strides = [1]} : vector<16xf32> to vector<1xf32>
    %squeeze3A_2150 = vector.extract %slice3A_2149[0] : f32 from vector<1xf32>
    %slice3A_2151 = vector.extract_strided_slice %get3A_2134 {offsets = [8], sizes = [1], strides = [1]} : vector<16xf32> to vector<1xf32>
    %squeeze3A_2152 = vector.extract %slice3A_2151[0] : f32 from vector<1xf32>
    %slice3A_2153 = vector.extract_strided_slice %get3A_2134 {offsets = [9], sizes = [1], strides = [1]} : vector<16xf32> to vector<1xf32>
    %squeeze3A_2154 = vector.extract %slice3A_2153[0] : f32 from vector<1xf32>
    %slice3A_2155 = vector.extract_strided_slice %get3A_2134 {offsets = [10], sizes = [1], strides = [1]} : vector<16xf32> to vector<1xf32>
    %squeeze3A_2156 = vector.extract %slice3A_2155[0] : f32 from vector<1xf32>
    %slice3A_2157 = vector.extract_strided_slice %get3A_2134 {offsets = [11], sizes = [1], strides = [1]} : vector<16xf32> to vector<1xf32>
    %squeeze3A_2158 = vector.extract %slice3A_2157[0] : f32 from vector<1xf32>
    %add3A_2159 = arith.constant 16 : i32
    %add3A_2160 = vector.broadcast %add3A_2159 : i32 to vector<16xi32>
    %add3A_2161 = arith.addi %add3A_2160, %iota3A : vector<16xi32>
    %gather3A_2162 = tpu.vector_load_idx %arg15[%add3A_2161] : memref<32xi32, #tpu.memory_space<vmem>>[vector<16xi32>], vector<16xi32>,
    %add3A_2163 = arith.constant 256 : i32
    %add3A_2164 = vector.broadcast %add3A_2163 : i32 to vector<16xi32>
    %add3A_2165 = arith.addi %add3A_2164, %gather3A_2162 : vector<16xi32>
    %shift_left3A_2166 = arith.constant 1 : i32
    %shift_left3A_2167 = vector.broadcast %shift_left3A_2166 : i32 to vector<16xi32>
    %shift_left3A_2168 = arith.shli %gather3A_2162, %shift_left3A_2167 : vector<16xi32>
    %add3A_2169 = arith.addi %add3A_2165, %shift_left3A_2168 : vector<16xi32>
    %gather3A_2170 = tpu.vector_load_idx %arg12[%add3A_2169] : memref<352xf32, #tpu.memory_space<vmem>>[vector<16xi32>], vector<16xf32>,
    %add3A_2171 = arith.constant 1 : i32
    %add3A_2172 = vector.broadcast %add3A_2171 : i32 to vector<16xi32>
    %add3A_2173 = arith.addi %add3A_2169, %add3A_2172 : vector<16xi32>
    %gather3A_2174 = tpu.vector_load_idx %arg12[%add3A_2173] : memref<352xf32, #tpu.memory_space<vmem>>[vector<16xi32>], vector<16xf32>,
    %add3A_2175 = arith.constant 2 : i32
    %add3A_2176 = vector.broadcast %add3A_2175 : i32 to vector<16xi32>
    %add3A_2177 = arith.addi %add3A_2169, %add3A_2176 : vector<16xi32>
    %gather3A_2178 = tpu.vector_load_idx %arg12[%add3A_2177] : memref<352xf32, #tpu.memory_space<vmem>>[vector<16xi32>], vector<16xf32>,
    %mul3A_2179 = vector.broadcast %squeeze3A_2136 : f32 to vector<16xf32>
    %mul3A_2180 = arith.mulf %mul3A_2179, %gather3A_2170 : vector<16xf32>
    %mul3A_2181 = vector.broadcast %squeeze3A_2138 : f32 to vector<16xf32>
    %mul3A_2182 = arith.mulf %mul3A_2181, %gather3A_2174 : vector<16xf32>
    %add3A_2183 = arith.addf %mul3A_2180, %mul3A_2182 : vector<16xf32>
    %mul3A_2184 = vector.broadcast %squeeze3A_2140 : f32 to vector<16xf32>
    %mul3A_2185 = arith.mulf %mul3A_2184, %gather3A_2178 : vector<16xf32>
    %add3A_2186 = arith.addf %add3A_2183, %mul3A_2185 : vector<16xf32>
    %add3A_2187 = vector.broadcast %squeeze3A_2142 : f32 to vector<16xf32>
    %add3A_2188 = arith.addf %add3A_2186, %add3A_2187 : vector<16xf32>
    %mul3A_2189 = vector.broadcast %squeeze3A_2144 : f32 to vector<16xf32>
    %mul3A_2190 = arith.mulf %mul3A_2189, %gather3A_2170 : vector<16xf32>
    %mul3A_2191 = vector.broadcast %squeeze3A_2146 : f32 to vector<16xf32>
    %mul3A_2192 = arith.mulf %mul3A_2191, %gather3A_2174 : vector<16xf32>
    %add3A_2193 = arith.addf %mul3A_2190, %mul3A_2192 : vector<16xf32>
    %mul3A_2194 = vector.broadcast %squeeze3A_2148 : f32 to vector<16xf32>
    %mul3A_2195 = arith.mulf %mul3A_2194, %gather3A_2178 : vector<16xf32>
    %add3A_2196 = arith.addf %add3A_2193, %mul3A_2195 : vector<16xf32>
    %add3A_2197 = vector.broadcast %squeeze3A_2150 : f32 to vector<16xf32>
    %add3A_2198 = arith.addf %add3A_2196, %add3A_2197 : vector<16xf32>
    %mul3A_2199 = vector.broadcast %squeeze3A_2152 : f32 to vector<16xf32>
    %mul3A_2200 = arith.mulf %mul3A_2199, %gather3A_2170 : vector<16xf32>
    %mul3A_2201 = vector.broadcast %squeeze3A_2154 : f32 to vector<16xf32>
    %mul3A_2202 = arith.mulf %mul3A_2201, %gather3A_2174 : vector<16xf32>
    %add3A_2203 = arith.addf %mul3A_2200, %mul3A_2202 : vector<16xf32>
    %mul3A_2204 = vector.broadcast %squeeze3A_2156 : f32 to vector<16xf32>
    %mul3A_2205 = arith.mulf %mul3A_2204, %gather3A_2178 : vector<16xf32>
    %add3A_2206 = arith.addf %add3A_2203, %mul3A_2205 : vector<16xf32>
    %add3A_2207 = vector.broadcast %squeeze3A_2158 : f32 to vector<16xf32>
    %add3A_2208 = arith.addf %add3A_2206, %add3A_2207 : vector<16xf32>
    %div3A_2209 = arith.constant 1.000000e+00 : f32
    %div3A_2210 = vector.broadcast %div3A_2209 : f32 to vector<16xf32>
    %div3A_2211 = arith.divf %div3A_2210, %add3A_2208 : vector<16xf32>
    %mul3A_2212 = arith.mulf %add3A_2188, %div3A_2211 : vector<16xf32>
    %mul3A_2213 = arith.constant 3.200000e+02 : f32
    %mul3A_2214 = vector.broadcast %mul3A_2213 : f32 to vector<16xf32>
    %mul3A_2215 = arith.mulf %mul3A_2212, %mul3A_2214 : vector<16xf32>
    %add3A_2216 = arith.constant 3.200000e+02 : f32
    %add3A_2217 = vector.broadcast %add3A_2216 : f32 to vector<16xf32>
    %add3A_2218 = arith.addf %mul3A_2215, %add3A_2217 : vector<16xf32>
    %mul3A_2219 = arith.mulf %add3A_2198, %div3A_2211 : vector<16xf32>
    %mul3A_2220 = arith.constant 3.200000e+02 : f32
    %mul3A_2221 = vector.broadcast %mul3A_2220 : f32 to vector<16xf32>
    %mul3A_2222 = arith.mulf %mul3A_2219, %mul3A_2221 : vector<16xf32>
    %add3A_2223 = arith.constant 2.400000e+02 : f32
    %add3A_2224 = vector.broadcast %add3A_2223 : f32 to vector<16xf32>
    %add3A_2225 = arith.addf %mul3A_2222, %add3A_2224 : vector<16xf32>
    %swap3A_2226 = arith.constant 336 : index
    %swap3A_2227 = tpu.vector_load %arg10[%swap3A_2226] {strides = array<i32>} : memref<512xf32, #tpu.memory_space<vmem>>, vector<16xf32>,
    tpu.vector_store %arg10[%swap3A_2226], %add3A_2218 {strides = array<i32>} : memref<512xf32, #tpu.memory_space<vmem>>, vector<16xf32>,
    %swap3A_2228 = arith.constant 336 : index
    %swap3A_2229 = tpu.vector_load %arg11[%swap3A_2228] {strides = array<i32>} : memref<512xf32, #tpu.memory_space<vmem>>, vector<16xf32>,
    tpu.vector_store %arg11[%swap3A_2228], %add3A_2225 {strides = array<i32>} : memref<512xf32, #tpu.memory_space<vmem>>, vector<16xf32>,
    %slice3A_2230 = vector.extract_strided_slice %get3A_13 {offsets = [11], sizes = [1], strides = [1]} : vector<16xi32> to vector<1xi32>
    %squeeze3A_2231 = vector.extract %slice3A_2230[0] : i32 from vector<1xi32>
    %mul3A_2232 = arith.constant 16 : i32
    %mul3A_2233 = arith.muli %squeeze3A_2231, %mul3A_2232 : i32
    %get3A_2234 = arith.index_cast %mul3A_2233 : i32 to index
    %get3A_2235 = tpu.vector_load %arg12[%get3A_2234] {strides = array<i32>} : memref<352xf32, #tpu.memory_space<vmem>>, vector<16xf32>,
    %slice3A_2236 = vector.extract_strided_slice %get3A_2235 {offsets = [0], sizes = [1], strides = [1]} : vector<16xf32> to vector<1xf32>
    %squeeze3A_2237 = vector.extract %slice3A_2236[0] : f32 from vector<1xf32>
    %slice3A_2238 = vector.extract_strided_slice %get3A_2235 {offsets = [1], sizes = [1], strides = [1]} : vector<16xf32> to vector<1xf32>
    %squeeze3A_2239 = vector.extract %slice3A_2238[0] : f32 from vector<1xf32>
    %slice3A_2240 = vector.extract_strided_slice %get3A_2235 {offsets = [2], sizes = [1], strides = [1]} : vector<16xf32> to vector<1xf32>
    %squeeze3A_2241 = vector.extract %slice3A_2240[0] : f32 from vector<1xf32>
    %slice3A_2242 = vector.extract_strided_slice %get3A_2235 {offsets = [3], sizes = [1], strides = [1]} : vector<16xf32> to vector<1xf32>
    %squeeze3A_2243 = vector.extract %slice3A_2242[0] : f32 from vector<1xf32>
    %slice3A_2244 = vector.extract_strided_slice %get3A_2235 {offsets = [4], sizes = [1], strides = [1]} : vector<16xf32> to vector<1xf32>
    %squeeze3A_2245 = vector.extract %slice3A_2244[0] : f32 from vector<1xf32>
    %slice3A_2246 = vector.extract_strided_slice %get3A_2235 {offsets = [5], sizes = [1], strides = [1]} : vector<16xf32> to vector<1xf32>
    %squeeze3A_2247 = vector.extract %slice3A_2246[0] : f32 from vector<1xf32>
    %slice3A_2248 = vector.extract_strided_slice %get3A_2235 {offsets = [6], sizes = [1], strides = [1]} : vector<16xf32> to vector<1xf32>
    %squeeze3A_2249 = vector.extract %slice3A_2248[0] : f32 from vector<1xf32>
    %slice3A_2250 = vector.extract_strided_slice %get3A_2235 {offsets = [7], sizes = [1], strides = [1]} : vector<16xf32> to vector<1xf32>
    %squeeze3A_2251 = vector.extract %slice3A_2250[0] : f32 from vector<1xf32>
    %slice3A_2252 = vector.extract_strided_slice %get3A_2235 {offsets = [8], sizes = [1], strides = [1]} : vector<16xf32> to vector<1xf32>
    %squeeze3A_2253 = vector.extract %slice3A_2252[0] : f32 from vector<1xf32>
    %slice3A_2254 = vector.extract_strided_slice %get3A_2235 {offsets = [9], sizes = [1], strides = [1]} : vector<16xf32> to vector<1xf32>
    %squeeze3A_2255 = vector.extract %slice3A_2254[0] : f32 from vector<1xf32>
    %slice3A_2256 = vector.extract_strided_slice %get3A_2235 {offsets = [10], sizes = [1], strides = [1]} : vector<16xf32> to vector<1xf32>
    %squeeze3A_2257 = vector.extract %slice3A_2256[0] : f32 from vector<1xf32>
    %slice3A_2258 = vector.extract_strided_slice %get3A_2235 {offsets = [11], sizes = [1], strides = [1]} : vector<16xf32> to vector<1xf32>
    %squeeze3A_2259 = vector.extract %slice3A_2258[0] : f32 from vector<1xf32>
    %add3A_2260 = arith.constant 0 : i32
    %add3A_2261 = vector.broadcast %add3A_2260 : i32 to vector<16xi32>
    %add3A_2262 = arith.addi %add3A_2261, %iota3A : vector<16xi32>
    %gather3A_2263 = tpu.vector_load_idx %arg15[%add3A_2262] : memref<32xi32, #tpu.memory_space<vmem>>[vector<16xi32>], vector<16xi32>,
    %add3A_2264 = arith.constant 256 : i32
    %add3A_2265 = vector.broadcast %add3A_2264 : i32 to vector<16xi32>
    %add3A_2266 = arith.addi %add3A_2265, %gather3A_2263 : vector<16xi32>
    %shift_left3A_2267 = arith.constant 1 : i32
    %shift_left3A_2268 = vector.broadcast %shift_left3A_2267 : i32 to vector<16xi32>
    %shift_left3A_2269 = arith.shli %gather3A_2263, %shift_left3A_2268 : vector<16xi32>
    %add3A_2270 = arith.addi %add3A_2266, %shift_left3A_2269 : vector<16xi32>
    %gather3A_2271 = tpu.vector_load_idx %arg12[%add3A_2270] : memref<352xf32, #tpu.memory_space<vmem>>[vector<16xi32>], vector<16xf32>,
    %add3A_2272 = arith.constant 1 : i32
    %add3A_2273 = vector.broadcast %add3A_2272 : i32 to vector<16xi32>
    %add3A_2274 = arith.addi %add3A_2270, %add3A_2273 : vector<16xi32>
    %gather3A_2275 = tpu.vector_load_idx %arg12[%add3A_2274] : memref<352xf32, #tpu.memory_space<vmem>>[vector<16xi32>], vector<16xf32>,
    %add3A_2276 = arith.constant 2 : i32
    %add3A_2277 = vector.broadcast %add3A_2276 : i32 to vector<16xi32>
    %add3A_2278 = arith.addi %add3A_2270, %add3A_2277 : vector<16xi32>
    %gather3A_2279 = tpu.vector_load_idx %arg12[%add3A_2278] : memref<352xf32, #tpu.memory_space<vmem>>[vector<16xi32>], vector<16xf32>,
    %mul3A_2280 = vector.broadcast %squeeze3A_2237 : f32 to vector<16xf32>
    %mul3A_2281 = arith.mulf %mul3A_2280, %gather3A_2271 : vector<16xf32>
    %mul3A_2282 = vector.broadcast %squeeze3A_2239 : f32 to vector<16xf32>
    %mul3A_2283 = arith.mulf %mul3A_2282, %gather3A_2275 : vector<16xf32>
    %add3A_2284 = arith.addf %mul3A_2281, %mul3A_2283 : vector<16xf32>
    %mul3A_2285 = vector.broadcast %squeeze3A_2241 : f32 to vector<16xf32>
    %mul3A_2286 = arith.mulf %mul3A_2285, %gather3A_2279 : vector<16xf32>
    %add3A_2287 = arith.addf %add3A_2284, %mul3A_2286 : vector<16xf32>
    %add3A_2288 = vector.broadcast %squeeze3A_2243 : f32 to vector<16xf32>
    %add3A_2289 = arith.addf %add3A_2287, %add3A_2288 : vector<16xf32>
    %mul3A_2290 = vector.broadcast %squeeze3A_2245 : f32 to vector<16xf32>
    %mul3A_2291 = arith.mulf %mul3A_2290, %gather3A_2271 : vector<16xf32>
    %mul3A_2292 = vector.broadcast %squeeze3A_2247 : f32 to vector<16xf32>
    %mul3A_2293 = arith.mulf %mul3A_2292, %gather3A_2275 : vector<16xf32>
    %add3A_2294 = arith.addf %mul3A_2291, %mul3A_2293 : vector<16xf32>
    %mul3A_2295 = vector.broadcast %squeeze3A_2249 : f32 to vector<16xf32>
    %mul3A_2296 = arith.mulf %mul3A_2295, %gather3A_2279 : vector<16xf32>
    %add3A_2297 = arith.addf %add3A_2294, %mul3A_2296 : vector<16xf32>
    %add3A_2298 = vector.broadcast %squeeze3A_2251 : f32 to vector<16xf32>
    %add3A_2299 = arith.addf %add3A_2297, %add3A_2298 : vector<16xf32>
    %mul3A_2300 = vector.broadcast %squeeze3A_2253 : f32 to vector<16xf32>
    %mul3A_2301 = arith.mulf %mul3A_2300, %gather3A_2271 : vector<16xf32>
    %mul3A_2302 = vector.broadcast %squeeze3A_2255 : f32 to vector<16xf32>
    %mul3A_2303 = arith.mulf %mul3A_2302, %gather3A_2275 : vector<16xf32>
    %add3A_2304 = arith.addf %mul3A_2301, %mul3A_2303 : vector<16xf32>
    %mul3A_2305 = vector.broadcast %squeeze3A_2257 : f32 to vector<16xf32>
    %mul3A_2306 = arith.mulf %mul3A_2305, %gather3A_2279 : vector<16xf32>
    %add3A_2307 = arith.addf %add3A_2304, %mul3A_2306 : vector<16xf32>
    %add3A_2308 = vector.broadcast %squeeze3A_2259 : f32 to vector<16xf32>
    %add3A_2309 = arith.addf %add3A_2307, %add3A_2308 : vector<16xf32>
    %div3A_2310 = arith.constant 1.000000e+00 : f32
    %div3A_2311 = vector.broadcast %div3A_2310 : f32 to vector<16xf32>
    %div3A_2312 = arith.divf %div3A_2311, %add3A_2309 : vector<16xf32>
    %mul3A_2313 = arith.mulf %add3A_2289, %div3A_2312 : vector<16xf32>
    %mul3A_2314 = arith.constant 3.200000e+02 : f32
    %mul3A_2315 = vector.broadcast %mul3A_2314 : f32 to vector<16xf32>
    %mul3A_2316 = arith.mulf %mul3A_2313, %mul3A_2315 : vector<16xf32>
    %add3A_2317 = arith.constant 3.200000e+02 : f32
    %add3A_2318 = vector.broadcast %add3A_2317 : f32 to vector<16xf32>
    %add3A_2319 = arith.addf %mul3A_2316, %add3A_2318 : vector<16xf32>
    %mul3A_2320 = arith.mulf %add3A_2299, %div3A_2312 : vector<16xf32>
    %mul3A_2321 = arith.constant 3.200000e+02 : f32
    %mul3A_2322 = vector.broadcast %mul3A_2321 : f32 to vector<16xf32>
    %mul3A_2323 = arith.mulf %mul3A_2320, %mul3A_2322 : vector<16xf32>
    %add3A_2324 = arith.constant 2.400000e+02 : f32
    %add3A_2325 = vector.broadcast %add3A_2324 : f32 to vector<16xf32>
    %add3A_2326 = arith.addf %mul3A_2323, %add3A_2325 : vector<16xf32>
    %swap3A_2327 = arith.constant 352 : index
    %swap3A_2328 = tpu.vector_load %arg10[%swap3A_2327] {strides = array<i32>} : memref<512xf32, #tpu.memory_space<vmem>>, vector<16xf32>,
    tpu.vector_store %arg10[%swap3A_2327], %add3A_2319 {strides = array<i32>} : memref<512xf32, #tpu.memory_space<vmem>>, vector<16xf32>,
    %swap3A_2329 = arith.constant 352 : index
    %swap3A_2330 = tpu.vector_load %arg11[%swap3A_2329] {strides = array<i32>} : memref<512xf32, #tpu.memory_space<vmem>>, vector<16xf32>,
    tpu.vector_store %arg11[%swap3A_2329], %add3A_2326 {strides = array<i32>} : memref<512xf32, #tpu.memory_space<vmem>>, vector<16xf32>,
    %slice3A_2331 = vector.extract_strided_slice %get3A_13 {offsets = [11], sizes = [1], strides = [1]} : vector<16xi32> to vector<1xi32>
    %squeeze3A_2332 = vector.extract %slice3A_2331[0] : i32 from vector<1xi32>
    %mul3A_2333 = arith.constant 16 : i32
    %mul3A_2334 = arith.muli %squeeze3A_2332, %mul3A_2333 : i32
    %get3A_2335 = arith.index_cast %mul3A_2334 : i32 to index
    %get3A_2336 = tpu.vector_load %arg12[%get3A_2335] {strides = array<i32>} : memref<352xf32, #tpu.memory_space<vmem>>, vector<16xf32>,
    %slice3A_2337 = vector.extract_strided_slice %get3A_2336 {offsets = [0], sizes = [1], strides = [1]} : vector<16xf32> to vector<1xf32>
    %squeeze3A_2338 = vector.extract %slice3A_2337[0] : f32 from vector<1xf32>
    %slice3A_2339 = vector.extract_strided_slice %get3A_2336 {offsets = [1], sizes = [1], strides = [1]} : vector<16xf32> to vector<1xf32>
    %squeeze3A_2340 = vector.extract %slice3A_2339[0] : f32 from vector<1xf32>
    %slice3A_2341 = vector.extract_strided_slice %get3A_2336 {offsets = [2], sizes = [1], strides = [1]} : vector<16xf32> to vector<1xf32>
    %squeeze3A_2342 = vector.extract %slice3A_2341[0] : f32 from vector<1xf32>
    %slice3A_2343 = vector.extract_strided_slice %get3A_2336 {offsets = [3], sizes = [1], strides = [1]} : vector<16xf32> to vector<1xf32>
    %squeeze3A_2344 = vector.extract %slice3A_2343[0] : f32 from vector<1xf32>
    %slice3A_2345 = vector.extract_strided_slice %get3A_2336 {offsets = [4], sizes = [1], strides = [1]} : vector<16xf32> to vector<1xf32>
    %squeeze3A_2346 = vector.extract %slice3A_2345[0] : f32 from vector<1xf32>
    %slice3A_2347 = vector.extract_strided_slice %get3A_2336 {offsets = [5], sizes = [1], strides = [1]} : vector<16xf32> to vector<1xf32>
    %squeeze3A_2348 = vector.extract %slice3A_2347[0] : f32 from vector<1xf32>
    %slice3A_2349 = vector.extract_strided_slice %get3A_2336 {offsets = [6], sizes = [1], strides = [1]} : vector<16xf32> to vector<1xf32>
    %squeeze3A_2350 = vector.extract %slice3A_2349[0] : f32 from vector<1xf32>
    %slice3A_2351 = vector.extract_strided_slice %get3A_2336 {offsets = [7], sizes = [1], strides = [1]} : vector<16xf32> to vector<1xf32>
    %squeeze3A_2352 = vector.extract %slice3A_2351[0] : f32 from vector<1xf32>
    %slice3A_2353 = vector.extract_strided_slice %get3A_2336 {offsets = [8], sizes = [1], strides = [1]} : vector<16xf32> to vector<1xf32>
    %squeeze3A_2354 = vector.extract %slice3A_2353[0] : f32 from vector<1xf32>
    %slice3A_2355 = vector.extract_strided_slice %get3A_2336 {offsets = [9], sizes = [1], strides = [1]} : vector<16xf32> to vector<1xf32>
    %squeeze3A_2356 = vector.extract %slice3A_2355[0] : f32 from vector<1xf32>
    %slice3A_2357 = vector.extract_strided_slice %get3A_2336 {offsets = [10], sizes = [1], strides = [1]} : vector<16xf32> to vector<1xf32>
    %squeeze3A_2358 = vector.extract %slice3A_2357[0] : f32 from vector<1xf32>
    %slice3A_2359 = vector.extract_strided_slice %get3A_2336 {offsets = [11], sizes = [1], strides = [1]} : vector<16xf32> to vector<1xf32>
    %squeeze3A_2360 = vector.extract %slice3A_2359[0] : f32 from vector<1xf32>
    %add3A_2361 = arith.constant 16 : i32
    %add3A_2362 = vector.broadcast %add3A_2361 : i32 to vector<16xi32>
    %add3A_2363 = arith.addi %add3A_2362, %iota3A : vector<16xi32>
    %gather3A_2364 = tpu.vector_load_idx %arg15[%add3A_2363] : memref<32xi32, #tpu.memory_space<vmem>>[vector<16xi32>], vector<16xi32>,
    %add3A_2365 = arith.constant 256 : i32
    %add3A_2366 = vector.broadcast %add3A_2365 : i32 to vector<16xi32>
    %add3A_2367 = arith.addi %add3A_2366, %gather3A_2364 : vector<16xi32>
    %shift_left3A_2368 = arith.constant 1 : i32
    %shift_left3A_2369 = vector.broadcast %shift_left3A_2368 : i32 to vector<16xi32>
    %shift_left3A_2370 = arith.shli %gather3A_2364, %shift_left3A_2369 : vector<16xi32>
    %add3A_2371 = arith.addi %add3A_2367, %shift_left3A_2370 : vector<16xi32>
    %gather3A_2372 = tpu.vector_load_idx %arg12[%add3A_2371] : memref<352xf32, #tpu.memory_space<vmem>>[vector<16xi32>], vector<16xf32>,
    %add3A_2373 = arith.constant 1 : i32
    %add3A_2374 = vector.broadcast %add3A_2373 : i32 to vector<16xi32>
    %add3A_2375 = arith.addi %add3A_2371, %add3A_2374 : vector<16xi32>
    %gather3A_2376 = tpu.vector_load_idx %arg12[%add3A_2375] : memref<352xf32, #tpu.memory_space<vmem>>[vector<16xi32>], vector<16xf32>,
    %add3A_2377 = arith.constant 2 : i32
    %add3A_2378 = vector.broadcast %add3A_2377 : i32 to vector<16xi32>
    %add3A_2379 = arith.addi %add3A_2371, %add3A_2378 : vector<16xi32>
    %gather3A_2380 = tpu.vector_load_idx %arg12[%add3A_2379] : memref<352xf32, #tpu.memory_space<vmem>>[vector<16xi32>], vector<16xf32>,
    %mul3A_2381 = vector.broadcast %squeeze3A_2338 : f32 to vector<16xf32>
    %mul3A_2382 = arith.mulf %mul3A_2381, %gather3A_2372 : vector<16xf32>
    %mul3A_2383 = vector.broadcast %squeeze3A_2340 : f32 to vector<16xf32>
    %mul3A_2384 = arith.mulf %mul3A_2383, %gather3A_2376 : vector<16xf32>
    %add3A_2385 = arith.addf %mul3A_2382, %mul3A_2384 : vector<16xf32>
    %mul3A_2386 = vector.broadcast %squeeze3A_2342 : f32 to vector<16xf32>
    %mul3A_2387 = arith.mulf %mul3A_2386, %gather3A_2380 : vector<16xf32>
    %add3A_2388 = arith.addf %add3A_2385, %mul3A_2387 : vector<16xf32>
    %add3A_2389 = vector.broadcast %squeeze3A_2344 : f32 to vector<16xf32>
    %add3A_2390 = arith.addf %add3A_2388, %add3A_2389 : vector<16xf32>
    %mul3A_2391 = vector.broadcast %squeeze3A_2346 : f32 to vector<16xf32>
    %mul3A_2392 = arith.mulf %mul3A_2391, %gather3A_2372 : vector<16xf32>
    %mul3A_2393 = vector.broadcast %squeeze3A_2348 : f32 to vector<16xf32>
    %mul3A_2394 = arith.mulf %mul3A_2393, %gather3A_2376 : vector<16xf32>
    %add3A_2395 = arith.addf %mul3A_2392, %mul3A_2394 : vector<16xf32>
    %mul3A_2396 = vector.broadcast %squeeze3A_2350 : f32 to vector<16xf32>
    %mul3A_2397 = arith.mulf %mul3A_2396, %gather3A_2380 : vector<16xf32>
    %add3A_2398 = arith.addf %add3A_2395, %mul3A_2397 : vector<16xf32>
    %add3A_2399 = vector.broadcast %squeeze3A_2352 : f32 to vector<16xf32>
    %add3A_2400 = arith.addf %add3A_2398, %add3A_2399 : vector<16xf32>
    %mul3A_2401 = vector.broadcast %squeeze3A_2354 : f32 to vector<16xf32>
    %mul3A_2402 = arith.mulf %mul3A_2401, %gather3A_2372 : vector<16xf32>
    %mul3A_2403 = vector.broadcast %squeeze3A_2356 : f32 to vector<16xf32>
    %mul3A_2404 = arith.mulf %mul3A_2403, %gather3A_2376 : vector<16xf32>
    %add3A_2405 = arith.addf %mul3A_2402, %mul3A_2404 : vector<16xf32>
    %mul3A_2406 = vector.broadcast %squeeze3A_2358 : f32 to vector<16xf32>
    %mul3A_2407 = arith.mulf %mul3A_2406, %gather3A_2380 : vector<16xf32>
    %add3A_2408 = arith.addf %add3A_2405, %mul3A_2407 : vector<16xf32>
    %add3A_2409 = vector.broadcast %squeeze3A_2360 : f32 to vector<16xf32>
    %add3A_2410 = arith.addf %add3A_2408, %add3A_2409 : vector<16xf32>
    %div3A_2411 = arith.constant 1.000000e+00 : f32
    %div3A_2412 = vector.broadcast %div3A_2411 : f32 to vector<16xf32>
    %div3A_2413 = arith.divf %div3A_2412, %add3A_2410 : vector<16xf32>
    %mul3A_2414 = arith.mulf %add3A_2390, %div3A_2413 : vector<16xf32>
    %mul3A_2415 = arith.constant 3.200000e+02 : f32
    %mul3A_2416 = vector.broadcast %mul3A_2415 : f32 to vector<16xf32>
    %mul3A_2417 = arith.mulf %mul3A_2414, %mul3A_2416 : vector<16xf32>
    %add3A_2418 = arith.constant 3.200000e+02 : f32
    %add3A_2419 = vector.broadcast %add3A_2418 : f32 to vector<16xf32>
    %add3A_2420 = arith.addf %mul3A_2417, %add3A_2419 : vector<16xf32>
    %mul3A_2421 = arith.mulf %add3A_2400, %div3A_2413 : vector<16xf32>
    %mul3A_2422 = arith.constant 3.200000e+02 : f32
    %mul3A_2423 = vector.broadcast %mul3A_2422 : f32 to vector<16xf32>
    %mul3A_2424 = arith.mulf %mul3A_2421, %mul3A_2423 : vector<16xf32>
    %add3A_2425 = arith.constant 2.400000e+02 : f32
    %add3A_2426 = vector.broadcast %add3A_2425 : f32 to vector<16xf32>
    %add3A_2427 = arith.addf %mul3A_2424, %add3A_2426 : vector<16xf32>
    %swap3A_2428 = arith.constant 368 : index
    %swap3A_2429 = tpu.vector_load %arg10[%swap3A_2428] {strides = array<i32>} : memref<512xf32, #tpu.memory_space<vmem>>, vector<16xf32>,
    tpu.vector_store %arg10[%swap3A_2428], %add3A_2420 {strides = array<i32>} : memref<512xf32, #tpu.memory_space<vmem>>, vector<16xf32>,
    %swap3A_2430 = arith.constant 368 : index
    %swap3A_2431 = tpu.vector_load %arg11[%swap3A_2430] {strides = array<i32>} : memref<512xf32, #tpu.memory_space<vmem>>, vector<16xf32>,
    tpu.vector_store %arg11[%swap3A_2430], %add3A_2427 {strides = array<i32>} : memref<512xf32, #tpu.memory_space<vmem>>, vector<16xf32>,
    %slice3A_2432 = vector.extract_strided_slice %get3A_13 {offsets = [12], sizes = [1], strides = [1]} : vector<16xi32> to vector<1xi32>
    %squeeze3A_2433 = vector.extract %slice3A_2432[0] : i32 from vector<1xi32>
    %mul3A_2434 = arith.constant 16 : i32
    %mul3A_2435 = arith.muli %squeeze3A_2433, %mul3A_2434 : i32
    %get3A_2436 = arith.index_cast %mul3A_2435 : i32 to index
    %get3A_2437 = tpu.vector_load %arg12[%get3A_2436] {strides = array<i32>} : memref<352xf32, #tpu.memory_space<vmem>>, vector<16xf32>,
    %slice3A_2438 = vector.extract_strided_slice %get3A_2437 {offsets = [0], sizes = [1], strides = [1]} : vector<16xf32> to vector<1xf32>
    %squeeze3A_2439 = vector.extract %slice3A_2438[0] : f32 from vector<1xf32>
    %slice3A_2440 = vector.extract_strided_slice %get3A_2437 {offsets = [1], sizes = [1], strides = [1]} : vector<16xf32> to vector<1xf32>
    %squeeze3A_2441 = vector.extract %slice3A_2440[0] : f32 from vector<1xf32>
    %slice3A_2442 = vector.extract_strided_slice %get3A_2437 {offsets = [2], sizes = [1], strides = [1]} : vector<16xf32> to vector<1xf32>
    %squeeze3A_2443 = vector.extract %slice3A_2442[0] : f32 from vector<1xf32>
    %slice3A_2444 = vector.extract_strided_slice %get3A_2437 {offsets = [3], sizes = [1], strides = [1]} : vector<16xf32> to vector<1xf32>
    %squeeze3A_2445 = vector.extract %slice3A_2444[0] : f32 from vector<1xf32>
    %slice3A_2446 = vector.extract_strided_slice %get3A_2437 {offsets = [4], sizes = [1], strides = [1]} : vector<16xf32> to vector<1xf32>
    %squeeze3A_2447 = vector.extract %slice3A_2446[0] : f32 from vector<1xf32>
    %slice3A_2448 = vector.extract_strided_slice %get3A_2437 {offsets = [5], sizes = [1], strides = [1]} : vector<16xf32> to vector<1xf32>
    %squeeze3A_2449 = vector.extract %slice3A_2448[0] : f32 from vector<1xf32>
    %slice3A_2450 = vector.extract_strided_slice %get3A_2437 {offsets = [6], sizes = [1], strides = [1]} : vector<16xf32> to vector<1xf32>
    %squeeze3A_2451 = vector.extract %slice3A_2450[0] : f32 from vector<1xf32>
    %slice3A_2452 = vector.extract_strided_slice %get3A_2437 {offsets = [7], sizes = [1], strides = [1]} : vector<16xf32> to vector<1xf32>
    %squeeze3A_2453 = vector.extract %slice3A_2452[0] : f32 from vector<1xf32>
    %slice3A_2454 = vector.extract_strided_slice %get3A_2437 {offsets = [8], sizes = [1], strides = [1]} : vector<16xf32> to vector<1xf32>
    %squeeze3A_2455 = vector.extract %slice3A_2454[0] : f32 from vector<1xf32>
    %slice3A_2456 = vector.extract_strided_slice %get3A_2437 {offsets = [9], sizes = [1], strides = [1]} : vector<16xf32> to vector<1xf32>
    %squeeze3A_2457 = vector.extract %slice3A_2456[0] : f32 from vector<1xf32>
    %slice3A_2458 = vector.extract_strided_slice %get3A_2437 {offsets = [10], sizes = [1], strides = [1]} : vector<16xf32> to vector<1xf32>
    %squeeze3A_2459 = vector.extract %slice3A_2458[0] : f32 from vector<1xf32>
    %slice3A_2460 = vector.extract_strided_slice %get3A_2437 {offsets = [11], sizes = [1], strides = [1]} : vector<16xf32> to vector<1xf32>
    %squeeze3A_2461 = vector.extract %slice3A_2460[0] : f32 from vector<1xf32>
    %add3A_2462 = arith.constant 0 : i32
    %add3A_2463 = vector.broadcast %add3A_2462 : i32 to vector<16xi32>
    %add3A_2464 = arith.addi %add3A_2463, %iota3A : vector<16xi32>
    %gather3A_2465 = tpu.vector_load_idx %arg15[%add3A_2464] : memref<32xi32, #tpu.memory_space<vmem>>[vector<16xi32>], vector<16xi32>,
    %add3A_2466 = arith.constant 256 : i32
    %add3A_2467 = vector.broadcast %add3A_2466 : i32 to vector<16xi32>
    %add3A_2468 = arith.addi %add3A_2467, %gather3A_2465 : vector<16xi32>
    %shift_left3A_2469 = arith.constant 1 : i32
    %shift_left3A_2470 = vector.broadcast %shift_left3A_2469 : i32 to vector<16xi32>
    %shift_left3A_2471 = arith.shli %gather3A_2465, %shift_left3A_2470 : vector<16xi32>
    %add3A_2472 = arith.addi %add3A_2468, %shift_left3A_2471 : vector<16xi32>
    %gather3A_2473 = tpu.vector_load_idx %arg12[%add3A_2472] : memref<352xf32, #tpu.memory_space<vmem>>[vector<16xi32>], vector<16xf32>,
    %add3A_2474 = arith.constant 1 : i32
    %add3A_2475 = vector.broadcast %add3A_2474 : i32 to vector<16xi32>
    %add3A_2476 = arith.addi %add3A_2472, %add3A_2475 : vector<16xi32>
    %gather3A_2477 = tpu.vector_load_idx %arg12[%add3A_2476] : memref<352xf32, #tpu.memory_space<vmem>>[vector<16xi32>], vector<16xf32>,
    %add3A_2478 = arith.constant 2 : i32
    %add3A_2479 = vector.broadcast %add3A_2478 : i32 to vector<16xi32>
    %add3A_2480 = arith.addi %add3A_2472, %add3A_2479 : vector<16xi32>
    %gather3A_2481 = tpu.vector_load_idx %arg12[%add3A_2480] : memref<352xf32, #tpu.memory_space<vmem>>[vector<16xi32>], vector<16xf32>,
    %mul3A_2482 = vector.broadcast %squeeze3A_2439 : f32 to vector<16xf32>
    %mul3A_2483 = arith.mulf %mul3A_2482, %gather3A_2473 : vector<16xf32>
    %mul3A_2484 = vector.broadcast %squeeze3A_2441 : f32 to vector<16xf32>
    %mul3A_2485 = arith.mulf %mul3A_2484, %gather3A_2477 : vector<16xf32>
    %add3A_2486 = arith.addf %mul3A_2483, %mul3A_2485 : vector<16xf32>
    %mul3A_2487 = vector.broadcast %squeeze3A_2443 : f32 to vector<16xf32>
    %mul3A_2488 = arith.mulf %mul3A_2487, %gather3A_2481 : vector<16xf32>
    %add3A_2489 = arith.addf %add3A_2486, %mul3A_2488 : vector<16xf32>
    %add3A_2490 = vector.broadcast %squeeze3A_2445 : f32 to vector<16xf32>
    %add3A_2491 = arith.addf %add3A_2489, %add3A_2490 : vector<16xf32>
    %mul3A_2492 = vector.broadcast %squeeze3A_2447 : f32 to vector<16xf32>
    %mul3A_2493 = arith.mulf %mul3A_2492, %gather3A_2473 : vector<16xf32>
    %mul3A_2494 = vector.broadcast %squeeze3A_2449 : f32 to vector<16xf32>
    %mul3A_2495 = arith.mulf %mul3A_2494, %gather3A_2477 : vector<16xf32>
    %add3A_2496 = arith.addf %mul3A_2493, %mul3A_2495 : vector<16xf32>
    %mul3A_2497 = vector.broadcast %squeeze3A_2451 : f32 to vector<16xf32>
    %mul3A_2498 = arith.mulf %mul3A_2497, %gather3A_2481 : vector<16xf32>
    %add3A_2499 = arith.addf %add3A_2496, %mul3A_2498 : vector<16xf32>
    %add3A_2500 = vector.broadcast %squeeze3A_2453 : f32 to vector<16xf32>
    %add3A_2501 = arith.addf %add3A_2499, %add3A_2500 : vector<16xf32>
    %mul3A_2502 = vector.broadcast %squeeze3A_2455 : f32 to vector<16xf32>
    %mul3A_2503 = arith.mulf %mul3A_2502, %gather3A_2473 : vector<16xf32>
    %mul3A_2504 = vector.broadcast %squeeze3A_2457 : f32 to vector<16xf32>
    %mul3A_2505 = arith.mulf %mul3A_2504, %gather3A_2477 : vector<16xf32>
    %add3A_2506 = arith.addf %mul3A_2503, %mul3A_2505 : vector<16xf32>
    %mul3A_2507 = vector.broadcast %squeeze3A_2459 : f32 to vector<16xf32>
    %mul3A_2508 = arith.mulf %mul3A_2507, %gather3A_2481 : vector<16xf32>
    %add3A_2509 = arith.addf %add3A_2506, %mul3A_2508 : vector<16xf32>
    %add3A_2510 = vector.broadcast %squeeze3A_2461 : f32 to vector<16xf32>
    %add3A_2511 = arith.addf %add3A_2509, %add3A_2510 : vector<16xf32>
    %div3A_2512 = arith.constant 1.000000e+00 : f32
    %div3A_2513 = vector.broadcast %div3A_2512 : f32 to vector<16xf32>
    %div3A_2514 = arith.divf %div3A_2513, %add3A_2511 : vector<16xf32>
    %mul3A_2515 = arith.mulf %add3A_2491, %div3A_2514 : vector<16xf32>
    %mul3A_2516 = arith.constant 3.200000e+02 : f32
    %mul3A_2517 = vector.broadcast %mul3A_2516 : f32 to vector<16xf32>
    %mul3A_2518 = arith.mulf %mul3A_2515, %mul3A_2517 : vector<16xf32>
    %add3A_2519 = arith.constant 3.200000e+02 : f32
    %add3A_2520 = vector.broadcast %add3A_2519 : f32 to vector<16xf32>
    %add3A_2521 = arith.addf %mul3A_2518, %add3A_2520 : vector<16xf32>
    %mul3A_2522 = arith.mulf %add3A_2501, %div3A_2514 : vector<16xf32>
    %mul3A_2523 = arith.constant 3.200000e+02 : f32
    %mul3A_2524 = vector.broadcast %mul3A_2523 : f32 to vector<16xf32>
    %mul3A_2525 = arith.mulf %mul3A_2522, %mul3A_2524 : vector<16xf32>
    %add3A_2526 = arith.constant 2.400000e+02 : f32
    %add3A_2527 = vector.broadcast %add3A_2526 : f32 to vector<16xf32>
    %add3A_2528 = arith.addf %mul3A_2525, %add3A_2527 : vector<16xf32>
    %swap3A_2529 = arith.constant 384 : index
    %swap3A_2530 = tpu.vector_load %arg10[%swap3A_2529] {strides = array<i32>} : memref<512xf32, #tpu.memory_space<vmem>>, vector<16xf32>,
    tpu.vector_store %arg10[%swap3A_2529], %add3A_2521 {strides = array<i32>} : memref<512xf32, #tpu.memory_space<vmem>>, vector<16xf32>,
    %swap3A_2531 = arith.constant 384 : index
    %swap3A_2532 = tpu.vector_load %arg11[%swap3A_2531] {strides = array<i32>} : memref<512xf32, #tpu.memory_space<vmem>>, vector<16xf32>,
    tpu.vector_store %arg11[%swap3A_2531], %add3A_2528 {strides = array<i32>} : memref<512xf32, #tpu.memory_space<vmem>>, vector<16xf32>,
    %slice3A_2533 = vector.extract_strided_slice %get3A_13 {offsets = [12], sizes = [1], strides = [1]} : vector<16xi32> to vector<1xi32>
    %squeeze3A_2534 = vector.extract %slice3A_2533[0] : i32 from vector<1xi32>
    %mul3A_2535 = arith.constant 16 : i32
    %mul3A_2536 = arith.muli %squeeze3A_2534, %mul3A_2535 : i32
    %get3A_2537 = arith.index_cast %mul3A_2536 : i32 to index
    %get3A_2538 = tpu.vector_load %arg12[%get3A_2537] {strides = array<i32>} : memref<352xf32, #tpu.memory_space<vmem>>, vector<16xf32>,
    %slice3A_2539 = vector.extract_strided_slice %get3A_2538 {offsets = [0], sizes = [1], strides = [1]} : vector<16xf32> to vector<1xf32>
    %squeeze3A_2540 = vector.extract %slice3A_2539[0] : f32 from vector<1xf32>
    %slice3A_2541 = vector.extract_strided_slice %get3A_2538 {offsets = [1], sizes = [1], strides = [1]} : vector<16xf32> to vector<1xf32>
    %squeeze3A_2542 = vector.extract %slice3A_2541[0] : f32 from vector<1xf32>
    %slice3A_2543 = vector.extract_strided_slice %get3A_2538 {offsets = [2], sizes = [1], strides = [1]} : vector<16xf32> to vector<1xf32>
    %squeeze3A_2544 = vector.extract %slice3A_2543[0] : f32 from vector<1xf32>
    %slice3A_2545 = vector.extract_strided_slice %get3A_2538 {offsets = [3], sizes = [1], strides = [1]} : vector<16xf32> to vector<1xf32>
    %squeeze3A_2546 = vector.extract %slice3A_2545[0] : f32 from vector<1xf32>
    %slice3A_2547 = vector.extract_strided_slice %get3A_2538 {offsets = [4], sizes = [1], strides = [1]} : vector<16xf32> to vector<1xf32>
    %squeeze3A_2548 = vector.extract %slice3A_2547[0] : f32 from vector<1xf32>
    %slice3A_2549 = vector.extract_strided_slice %get3A_2538 {offsets = [5], sizes = [1], strides = [1]} : vector<16xf32> to vector<1xf32>
    %squeeze3A_2550 = vector.extract %slice3A_2549[0] : f32 from vector<1xf32>
    %slice3A_2551 = vector.extract_strided_slice %get3A_2538 {offsets = [6], sizes = [1], strides = [1]} : vector<16xf32> to vector<1xf32>
    %squeeze3A_2552 = vector.extract %slice3A_2551[0] : f32 from vector<1xf32>
    %slice3A_2553 = vector.extract_strided_slice %get3A_2538 {offsets = [7], sizes = [1], strides = [1]} : vector<16xf32> to vector<1xf32>
    %squeeze3A_2554 = vector.extract %slice3A_2553[0] : f32 from vector<1xf32>
    %slice3A_2555 = vector.extract_strided_slice %get3A_2538 {offsets = [8], sizes = [1], strides = [1]} : vector<16xf32> to vector<1xf32>
    %squeeze3A_2556 = vector.extract %slice3A_2555[0] : f32 from vector<1xf32>
    %slice3A_2557 = vector.extract_strided_slice %get3A_2538 {offsets = [9], sizes = [1], strides = [1]} : vector<16xf32> to vector<1xf32>
    %squeeze3A_2558 = vector.extract %slice3A_2557[0] : f32 from vector<1xf32>
    %slice3A_2559 = vector.extract_strided_slice %get3A_2538 {offsets = [10], sizes = [1], strides = [1]} : vector<16xf32> to vector<1xf32>
    %squeeze3A_2560 = vector.extract %slice3A_2559[0] : f32 from vector<1xf32>
    %slice3A_2561 = vector.extract_strided_slice %get3A_2538 {offsets = [11], sizes = [1], strides = [1]} : vector<16xf32> to vector<1xf32>
    %squeeze3A_2562 = vector.extract %slice3A_2561[0] : f32 from vector<1xf32>
    %add3A_2563 = arith.constant 16 : i32
    %add3A_2564 = vector.broadcast %add3A_2563 : i32 to vector<16xi32>
    %add3A_2565 = arith.addi %add3A_2564, %iota3A : vector<16xi32>
    %gather3A_2566 = tpu.vector_load_idx %arg15[%add3A_2565] : memref<32xi32, #tpu.memory_space<vmem>>[vector<16xi32>], vector<16xi32>,
    %add3A_2567 = arith.constant 256 : i32
    %add3A_2568 = vector.broadcast %add3A_2567 : i32 to vector<16xi32>
    %add3A_2569 = arith.addi %add3A_2568, %gather3A_2566 : vector<16xi32>
    %shift_left3A_2570 = arith.constant 1 : i32
    %shift_left3A_2571 = vector.broadcast %shift_left3A_2570 : i32 to vector<16xi32>
    %shift_left3A_2572 = arith.shli %gather3A_2566, %shift_left3A_2571 : vector<16xi32>
    %add3A_2573 = arith.addi %add3A_2569, %shift_left3A_2572 : vector<16xi32>
    %gather3A_2574 = tpu.vector_load_idx %arg12[%add3A_2573] : memref<352xf32, #tpu.memory_space<vmem>>[vector<16xi32>], vector<16xf32>,
    %add3A_2575 = arith.constant 1 : i32
    %add3A_2576 = vector.broadcast %add3A_2575 : i32 to vector<16xi32>
    %add3A_2577 = arith.addi %add3A_2573, %add3A_2576 : vector<16xi32>
    %gather3A_2578 = tpu.vector_load_idx %arg12[%add3A_2577] : memref<352xf32, #tpu.memory_space<vmem>>[vector<16xi32>], vector<16xf32>,
    %add3A_2579 = arith.constant 2 : i32
    %add3A_2580 = vector.broadcast %add3A_2579 : i32 to vector<16xi32>
    %add3A_2581 = arith.addi %add3A_2573, %add3A_2580 : vector<16xi32>
    %gather3A_2582 = tpu.vector_load_idx %arg12[%add3A_2581] : memref<352xf32, #tpu.memory_space<vmem>>[vector<16xi32>], vector<16xf32>,
    %mul3A_2583 = vector.broadcast %squeeze3A_2540 : f32 to vector<16xf32>
    %mul3A_2584 = arith.mulf %mul3A_2583, %gather3A_2574 : vector<16xf32>
    %mul3A_2585 = vector.broadcast %squeeze3A_2542 : f32 to vector<16xf32>
    %mul3A_2586 = arith.mulf %mul3A_2585, %gather3A_2578 : vector<16xf32>
    %add3A_2587 = arith.addf %mul3A_2584, %mul3A_2586 : vector<16xf32>
    %mul3A_2588 = vector.broadcast %squeeze3A_2544 : f32 to vector<16xf32>
    %mul3A_2589 = arith.mulf %mul3A_2588, %gather3A_2582 : vector<16xf32>
    %add3A_2590 = arith.addf %add3A_2587, %mul3A_2589 : vector<16xf32>
    %add3A_2591 = vector.broadcast %squeeze3A_2546 : f32 to vector<16xf32>
    %add3A_2592 = arith.addf %add3A_2590, %add3A_2591 : vector<16xf32>
    %mul3A_2593 = vector.broadcast %squeeze3A_2548 : f32 to vector<16xf32>
    %mul3A_2594 = arith.mulf %mul3A_2593, %gather3A_2574 : vector<16xf32>
    %mul3A_2595 = vector.broadcast %squeeze3A_2550 : f32 to vector<16xf32>
    %mul3A_2596 = arith.mulf %mul3A_2595, %gather3A_2578 : vector<16xf32>
    %add3A_2597 = arith.addf %mul3A_2594, %mul3A_2596 : vector<16xf32>
    %mul3A_2598 = vector.broadcast %squeeze3A_2552 : f32 to vector<16xf32>
    %mul3A_2599 = arith.mulf %mul3A_2598, %gather3A_2582 : vector<16xf32>
    %add3A_2600 = arith.addf %add3A_2597, %mul3A_2599 : vector<16xf32>
    %add3A_2601 = vector.broadcast %squeeze3A_2554 : f32 to vector<16xf32>
    %add3A_2602 = arith.addf %add3A_2600, %add3A_2601 : vector<16xf32>
    %mul3A_2603 = vector.broadcast %squeeze3A_2556 : f32 to vector<16xf32>
    %mul3A_2604 = arith.mulf %mul3A_2603, %gather3A_2574 : vector<16xf32>
    %mul3A_2605 = vector.broadcast %squeeze3A_2558 : f32 to vector<16xf32>
    %mul3A_2606 = arith.mulf %mul3A_2605, %gather3A_2578 : vector<16xf32>
    %add3A_2607 = arith.addf %mul3A_2604, %mul3A_2606 : vector<16xf32>
    %mul3A_2608 = vector.broadcast %squeeze3A_2560 : f32 to vector<16xf32>
    %mul3A_2609 = arith.mulf %mul3A_2608, %gather3A_2582 : vector<16xf32>
    %add3A_2610 = arith.addf %add3A_2607, %mul3A_2609 : vector<16xf32>
    %add3A_2611 = vector.broadcast %squeeze3A_2562 : f32 to vector<16xf32>
    %add3A_2612 = arith.addf %add3A_2610, %add3A_2611 : vector<16xf32>
    %div3A_2613 = arith.constant 1.000000e+00 : f32
    %div3A_2614 = vector.broadcast %div3A_2613 : f32 to vector<16xf32>
    %div3A_2615 = arith.divf %div3A_2614, %add3A_2612 : vector<16xf32>
    %mul3A_2616 = arith.mulf %add3A_2592, %div3A_2615 : vector<16xf32>
    %mul3A_2617 = arith.constant 3.200000e+02 : f32
    %mul3A_2618 = vector.broadcast %mul3A_2617 : f32 to vector<16xf32>
    %mul3A_2619 = arith.mulf %mul3A_2616, %mul3A_2618 : vector<16xf32>
    %add3A_2620 = arith.constant 3.200000e+02 : f32
    %add3A_2621 = vector.broadcast %add3A_2620 : f32 to vector<16xf32>
    %add3A_2622 = arith.addf %mul3A_2619, %add3A_2621 : vector<16xf32>
    %mul3A_2623 = arith.mulf %add3A_2602, %div3A_2615 : vector<16xf32>
    %mul3A_2624 = arith.constant 3.200000e+02 : f32
    %mul3A_2625 = vector.broadcast %mul3A_2624 : f32 to vector<16xf32>
    %mul3A_2626 = arith.mulf %mul3A_2623, %mul3A_2625 : vector<16xf32>
    %add3A_2627 = arith.constant 2.400000e+02 : f32
    %add3A_2628 = vector.broadcast %add3A_2627 : f32 to vector<16xf32>
    %add3A_2629 = arith.addf %mul3A_2626, %add3A_2628 : vector<16xf32>
    %swap3A_2630 = arith.constant 400 : index
    %swap3A_2631 = tpu.vector_load %arg10[%swap3A_2630] {strides = array<i32>} : memref<512xf32, #tpu.memory_space<vmem>>, vector<16xf32>,
    tpu.vector_store %arg10[%swap3A_2630], %add3A_2622 {strides = array<i32>} : memref<512xf32, #tpu.memory_space<vmem>>, vector<16xf32>,
    %swap3A_2632 = arith.constant 400 : index
    %swap3A_2633 = tpu.vector_load %arg11[%swap3A_2632] {strides = array<i32>} : memref<512xf32, #tpu.memory_space<vmem>>, vector<16xf32>,
    tpu.vector_store %arg11[%swap3A_2632], %add3A_2629 {strides = array<i32>} : memref<512xf32, #tpu.memory_space<vmem>>, vector<16xf32>,
    %slice3A_2634 = vector.extract_strided_slice %get3A_13 {offsets = [13], sizes = [1], strides = [1]} : vector<16xi32> to vector<1xi32>
    %squeeze3A_2635 = vector.extract %slice3A_2634[0] : i32 from vector<1xi32>
    %mul3A_2636 = arith.constant 16 : i32
    %mul3A_2637 = arith.muli %squeeze3A_2635, %mul3A_2636 : i32
    %get3A_2638 = arith.index_cast %mul3A_2637 : i32 to index
    %get3A_2639 = tpu.vector_load %arg12[%get3A_2638] {strides = array<i32>} : memref<352xf32, #tpu.memory_space<vmem>>, vector<16xf32>,
    %slice3A_2640 = vector.extract_strided_slice %get3A_2639 {offsets = [0], sizes = [1], strides = [1]} : vector<16xf32> to vector<1xf32>
    %squeeze3A_2641 = vector.extract %slice3A_2640[0] : f32 from vector<1xf32>
    %slice3A_2642 = vector.extract_strided_slice %get3A_2639 {offsets = [1], sizes = [1], strides = [1]} : vector<16xf32> to vector<1xf32>
    %squeeze3A_2643 = vector.extract %slice3A_2642[0] : f32 from vector<1xf32>
    %slice3A_2644 = vector.extract_strided_slice %get3A_2639 {offsets = [2], sizes = [1], strides = [1]} : vector<16xf32> to vector<1xf32>
    %squeeze3A_2645 = vector.extract %slice3A_2644[0] : f32 from vector<1xf32>
    %slice3A_2646 = vector.extract_strided_slice %get3A_2639 {offsets = [3], sizes = [1], strides = [1]} : vector<16xf32> to vector<1xf32>
    %squeeze3A_2647 = vector.extract %slice3A_2646[0] : f32 from vector<1xf32>
    %slice3A_2648 = vector.extract_strided_slice %get3A_2639 {offsets = [4], sizes = [1], strides = [1]} : vector<16xf32> to vector<1xf32>
    %squeeze3A_2649 = vector.extract %slice3A_2648[0] : f32 from vector<1xf32>
    %slice3A_2650 = vector.extract_strided_slice %get3A_2639 {offsets = [5], sizes = [1], strides = [1]} : vector<16xf32> to vector<1xf32>
    %squeeze3A_2651 = vector.extract %slice3A_2650[0] : f32 from vector<1xf32>
    %slice3A_2652 = vector.extract_strided_slice %get3A_2639 {offsets = [6], sizes = [1], strides = [1]} : vector<16xf32> to vector<1xf32>
    %squeeze3A_2653 = vector.extract %slice3A_2652[0] : f32 from vector<1xf32>
    %slice3A_2654 = vector.extract_strided_slice %get3A_2639 {offsets = [7], sizes = [1], strides = [1]} : vector<16xf32> to vector<1xf32>
    %squeeze3A_2655 = vector.extract %slice3A_2654[0] : f32 from vector<1xf32>
    %slice3A_2656 = vector.extract_strided_slice %get3A_2639 {offsets = [8], sizes = [1], strides = [1]} : vector<16xf32> to vector<1xf32>
    %squeeze3A_2657 = vector.extract %slice3A_2656[0] : f32 from vector<1xf32>
    %slice3A_2658 = vector.extract_strided_slice %get3A_2639 {offsets = [9], sizes = [1], strides = [1]} : vector<16xf32> to vector<1xf32>
    %squeeze3A_2659 = vector.extract %slice3A_2658[0] : f32 from vector<1xf32>
    %slice3A_2660 = vector.extract_strided_slice %get3A_2639 {offsets = [10], sizes = [1], strides = [1]} : vector<16xf32> to vector<1xf32>
    %squeeze3A_2661 = vector.extract %slice3A_2660[0] : f32 from vector<1xf32>
    %slice3A_2662 = vector.extract_strided_slice %get3A_2639 {offsets = [11], sizes = [1], strides = [1]} : vector<16xf32> to vector<1xf32>
    %squeeze3A_2663 = vector.extract %slice3A_2662[0] : f32 from vector<1xf32>
    %add3A_2664 = arith.constant 0 : i32
    %add3A_2665 = vector.broadcast %add3A_2664 : i32 to vector<16xi32>
    %add3A_2666 = arith.addi %add3A_2665, %iota3A : vector<16xi32>
    %gather3A_2667 = tpu.vector_load_idx %arg15[%add3A_2666] : memref<32xi32, #tpu.memory_space<vmem>>[vector<16xi32>], vector<16xi32>,
    %add3A_2668 = arith.constant 256 : i32
    %add3A_2669 = vector.broadcast %add3A_2668 : i32 to vector<16xi32>
    %add3A_2670 = arith.addi %add3A_2669, %gather3A_2667 : vector<16xi32>
    %shift_left3A_2671 = arith.constant 1 : i32
    %shift_left3A_2672 = vector.broadcast %shift_left3A_2671 : i32 to vector<16xi32>
    %shift_left3A_2673 = arith.shli %gather3A_2667, %shift_left3A_2672 : vector<16xi32>
    %add3A_2674 = arith.addi %add3A_2670, %shift_left3A_2673 : vector<16xi32>
    %gather3A_2675 = tpu.vector_load_idx %arg12[%add3A_2674] : memref<352xf32, #tpu.memory_space<vmem>>[vector<16xi32>], vector<16xf32>,
    %add3A_2676 = arith.constant 1 : i32
    %add3A_2677 = vector.broadcast %add3A_2676 : i32 to vector<16xi32>
    %add3A_2678 = arith.addi %add3A_2674, %add3A_2677 : vector<16xi32>
    %gather3A_2679 = tpu.vector_load_idx %arg12[%add3A_2678] : memref<352xf32, #tpu.memory_space<vmem>>[vector<16xi32>], vector<16xf32>,
    %add3A_2680 = arith.constant 2 : i32
    %add3A_2681 = vector.broadcast %add3A_2680 : i32 to vector<16xi32>
    %add3A_2682 = arith.addi %add3A_2674, %add3A_2681 : vector<16xi32>
    %gather3A_2683 = tpu.vector_load_idx %arg12[%add3A_2682] : memref<352xf32, #tpu.memory_space<vmem>>[vector<16xi32>], vector<16xf32>,
    %mul3A_2684 = vector.broadcast %squeeze3A_2641 : f32 to vector<16xf32>
    %mul3A_2685 = arith.mulf %mul3A_2684, %gather3A_2675 : vector<16xf32>
    %mul3A_2686 = vector.broadcast %squeeze3A_2643 : f32 to vector<16xf32>
    %mul3A_2687 = arith.mulf %mul3A_2686, %gather3A_2679 : vector<16xf32>
    %add3A_2688 = arith.addf %mul3A_2685, %mul3A_2687 : vector<16xf32>
    %mul3A_2689 = vector.broadcast %squeeze3A_2645 : f32 to vector<16xf32>
    %mul3A_2690 = arith.mulf %mul3A_2689, %gather3A_2683 : vector<16xf32>
    %add3A_2691 = arith.addf %add3A_2688, %mul3A_2690 : vector<16xf32>
    %add3A_2692 = vector.broadcast %squeeze3A_2647 : f32 to vector<16xf32>
    %add3A_2693 = arith.addf %add3A_2691, %add3A_2692 : vector<16xf32>
    %mul3A_2694 = vector.broadcast %squeeze3A_2649 : f32 to vector<16xf32>
    %mul3A_2695 = arith.mulf %mul3A_2694, %gather3A_2675 : vector<16xf32>
    %mul3A_2696 = vector.broadcast %squeeze3A_2651 : f32 to vector<16xf32>
    %mul3A_2697 = arith.mulf %mul3A_2696, %gather3A_2679 : vector<16xf32>
    %add3A_2698 = arith.addf %mul3A_2695, %mul3A_2697 : vector<16xf32>
    %mul3A_2699 = vector.broadcast %squeeze3A_2653 : f32 to vector<16xf32>
    %mul3A_2700 = arith.mulf %mul3A_2699, %gather3A_2683 : vector<16xf32>
    %add3A_2701 = arith.addf %add3A_2698, %mul3A_2700 : vector<16xf32>
    %add3A_2702 = vector.broadcast %squeeze3A_2655 : f32 to vector<16xf32>
    %add3A_2703 = arith.addf %add3A_2701, %add3A_2702 : vector<16xf32>
    %mul3A_2704 = vector.broadcast %squeeze3A_2657 : f32 to vector<16xf32>
    %mul3A_2705 = arith.mulf %mul3A_2704, %gather3A_2675 : vector<16xf32>
    %mul3A_2706 = vector.broadcast %squeeze3A_2659 : f32 to vector<16xf32>
    %mul3A_2707 = arith.mulf %mul3A_2706, %gather3A_2679 : vector<16xf32>
    %add3A_2708 = arith.addf %mul3A_2705, %mul3A_2707 : vector<16xf32>
    %mul3A_2709 = vector.broadcast %squeeze3A_2661 : f32 to vector<16xf32>
    %mul3A_2710 = arith.mulf %mul3A_2709, %gather3A_2683 : vector<16xf32>
    %add3A_2711 = arith.addf %add3A_2708, %mul3A_2710 : vector<16xf32>
    %add3A_2712 = vector.broadcast %squeeze3A_2663 : f32 to vector<16xf32>
    %add3A_2713 = arith.addf %add3A_2711, %add3A_2712 : vector<16xf32>
    %div3A_2714 = arith.constant 1.000000e+00 : f32
    %div3A_2715 = vector.broadcast %div3A_2714 : f32 to vector<16xf32>
    %div3A_2716 = arith.divf %div3A_2715, %add3A_2713 : vector<16xf32>
    %mul3A_2717 = arith.mulf %add3A_2693, %div3A_2716 : vector<16xf32>
    %mul3A_2718 = arith.constant 3.200000e+02 : f32
    %mul3A_2719 = vector.broadcast %mul3A_2718 : f32 to vector<16xf32>
    %mul3A_2720 = arith.mulf %mul3A_2717, %mul3A_2719 : vector<16xf32>
    %add3A_2721 = arith.constant 3.200000e+02 : f32
    %add3A_2722 = vector.broadcast %add3A_2721 : f32 to vector<16xf32>
    %add3A_2723 = arith.addf %mul3A_2720, %add3A_2722 : vector<16xf32>
    %mul3A_2724 = arith.mulf %add3A_2703, %div3A_2716 : vector<16xf32>
    %mul3A_2725 = arith.constant 3.200000e+02 : f32
    %mul3A_2726 = vector.broadcast %mul3A_2725 : f32 to vector<16xf32>
    %mul3A_2727 = arith.mulf %mul3A_2724, %mul3A_2726 : vector<16xf32>
    %add3A_2728 = arith.constant 2.400000e+02 : f32
    %add3A_2729 = vector.broadcast %add3A_2728 : f32 to vector<16xf32>
    %add3A_2730 = arith.addf %mul3A_2727, %add3A_2729 : vector<16xf32>
    %swap3A_2731 = arith.constant 416 : index
    %swap3A_2732 = tpu.vector_load %arg10[%swap3A_2731] {strides = array<i32>} : memref<512xf32, #tpu.memory_space<vmem>>, vector<16xf32>,
    tpu.vector_store %arg10[%swap3A_2731], %add3A_2723 {strides = array<i32>} : memref<512xf32, #tpu.memory_space<vmem>>, vector<16xf32>,
    %swap3A_2733 = arith.constant 416 : index
    %swap3A_2734 = tpu.vector_load %arg11[%swap3A_2733] {strides = array<i32>} : memref<512xf32, #tpu.memory_space<vmem>>, vector<16xf32>,
    tpu.vector_store %arg11[%swap3A_2733], %add3A_2730 {strides = array<i32>} : memref<512xf32, #tpu.memory_space<vmem>>, vector<16xf32>,
    %slice3A_2735 = vector.extract_strided_slice %get3A_13 {offsets = [13], sizes = [1], strides = [1]} : vector<16xi32> to vector<1xi32>
    %squeeze3A_2736 = vector.extract %slice3A_2735[0] : i32 from vector<1xi32>
    %mul3A_2737 = arith.constant 16 : i32
    %mul3A_2738 = arith.muli %squeeze3A_2736, %mul3A_2737 : i32
    %get3A_2739 = arith.index_cast %mul3A_2738 : i32 to index
    %get3A_2740 = tpu.vector_load %arg12[%get3A_2739] {strides = array<i32>} : memref<352xf32, #tpu.memory_space<vmem>>, vector<16xf32>,
    %slice3A_2741 = vector.extract_strided_slice %get3A_2740 {offsets = [0], sizes = [1], strides = [1]} : vector<16xf32> to vector<1xf32>
    %squeeze3A_2742 = vector.extract %slice3A_2741[0] : f32 from vector<1xf32>
    %slice3A_2743 = vector.extract_strided_slice %get3A_2740 {offsets = [1], sizes = [1], strides = [1]} : vector<16xf32> to vector<1xf32>
    %squeeze3A_2744 = vector.extract %slice3A_2743[0] : f32 from vector<1xf32>
    %slice3A_2745 = vector.extract_strided_slice %get3A_2740 {offsets = [2], sizes = [1], strides = [1]} : vector<16xf32> to vector<1xf32>
    %squeeze3A_2746 = vector.extract %slice3A_2745[0] : f32 from vector<1xf32>
    %slice3A_2747 = vector.extract_strided_slice %get3A_2740 {offsets = [3], sizes = [1], strides = [1]} : vector<16xf32> to vector<1xf32>
    %squeeze3A_2748 = vector.extract %slice3A_2747[0] : f32 from vector<1xf32>
    %slice3A_2749 = vector.extract_strided_slice %get3A_2740 {offsets = [4], sizes = [1], strides = [1]} : vector<16xf32> to vector<1xf32>
    %squeeze3A_2750 = vector.extract %slice3A_2749[0] : f32 from vector<1xf32>
    %slice3A_2751 = vector.extract_strided_slice %get3A_2740 {offsets = [5], sizes = [1], strides = [1]} : vector<16xf32> to vector<1xf32>
    %squeeze3A_2752 = vector.extract %slice3A_2751[0] : f32 from vector<1xf32>
    %slice3A_2753 = vector.extract_strided_slice %get3A_2740 {offsets = [6], sizes = [1], strides = [1]} : vector<16xf32> to vector<1xf32>
    %squeeze3A_2754 = vector.extract %slice3A_2753[0] : f32 from vector<1xf32>
    %slice3A_2755 = vector.extract_strided_slice %get3A_2740 {offsets = [7], sizes = [1], strides = [1]} : vector<16xf32> to vector<1xf32>
    %squeeze3A_2756 = vector.extract %slice3A_2755[0] : f32 from vector<1xf32>
    %slice3A_2757 = vector.extract_strided_slice %get3A_2740 {offsets = [8], sizes = [1], strides = [1]} : vector<16xf32> to vector<1xf32>
    %squeeze3A_2758 = vector.extract %slice3A_2757[0] : f32 from vector<1xf32>
    %slice3A_2759 = vector.extract_strided_slice %get3A_2740 {offsets = [9], sizes = [1], strides = [1]} : vector<16xf32> to vector<1xf32>
    %squeeze3A_2760 = vector.extract %slice3A_2759[0] : f32 from vector<1xf32>
    %slice3A_2761 = vector.extract_strided_slice %get3A_2740 {offsets = [10], sizes = [1], strides = [1]} : vector<16xf32> to vector<1xf32>
    %squeeze3A_2762 = vector.extract %slice3A_2761[0] : f32 from vector<1xf32>
    %slice3A_2763 = vector.extract_strided_slice %get3A_2740 {offsets = [11], sizes = [1], strides = [1]} : vector<16xf32> to vector<1xf32>
    %squeeze3A_2764 = vector.extract %slice3A_2763[0] : f32 from vector<1xf32>
    %add3A_2765 = arith.constant 16 : i32
    %add3A_2766 = vector.broadcast %add3A_2765 : i32 to vector<16xi32>
    %add3A_2767 = arith.addi %add3A_2766, %iota3A : vector<16xi32>
    %gather3A_2768 = tpu.vector_load_idx %arg15[%add3A_2767] : memref<32xi32, #tpu.memory_space<vmem>>[vector<16xi32>], vector<16xi32>,
    %add3A_2769 = arith.constant 256 : i32
    %add3A_2770 = vector.broadcast %add3A_2769 : i32 to vector<16xi32>
    %add3A_2771 = arith.addi %add3A_2770, %gather3A_2768 : vector<16xi32>
    %shift_left3A_2772 = arith.constant 1 : i32
    %shift_left3A_2773 = vector.broadcast %shift_left3A_2772 : i32 to vector<16xi32>
    %shift_left3A_2774 = arith.shli %gather3A_2768, %shift_left3A_2773 : vector<16xi32>
    %add3A_2775 = arith.addi %add3A_2771, %shift_left3A_2774 : vector<16xi32>
    %gather3A_2776 = tpu.vector_load_idx %arg12[%add3A_2775] : memref<352xf32, #tpu.memory_space<vmem>>[vector<16xi32>], vector<16xf32>,
    %add3A_2777 = arith.constant 1 : i32
    %add3A_2778 = vector.broadcast %add3A_2777 : i32 to vector<16xi32>
    %add3A_2779 = arith.addi %add3A_2775, %add3A_2778 : vector<16xi32>
    %gather3A_2780 = tpu.vector_load_idx %arg12[%add3A_2779] : memref<352xf32, #tpu.memory_space<vmem>>[vector<16xi32>], vector<16xf32>,
    %add3A_2781 = arith.constant 2 : i32
    %add3A_2782 = vector.broadcast %add3A_2781 : i32 to vector<16xi32>
    %add3A_2783 = arith.addi %add3A_2775, %add3A_2782 : vector<16xi32>
    %gather3A_2784 = tpu.vector_load_idx %arg12[%add3A_2783] : memref<352xf32, #tpu.memory_space<vmem>>[vector<16xi32>], vector<16xf32>,
    %mul3A_2785 = vector.broadcast %squeeze3A_2742 : f32 to vector<16xf32>
    %mul3A_2786 = arith.mulf %mul3A_2785, %gather3A_2776 : vector<16xf32>
    %mul3A_2787 = vector.broadcast %squeeze3A_2744 : f32 to vector<16xf32>
    %mul3A_2788 = arith.mulf %mul3A_2787, %gather3A_2780 : vector<16xf32>
    %add3A_2789 = arith.addf %mul3A_2786, %mul3A_2788 : vector<16xf32>
    %mul3A_2790 = vector.broadcast %squeeze3A_2746 : f32 to vector<16xf32>
    %mul3A_2791 = arith.mulf %mul3A_2790, %gather3A_2784 : vector<16xf32>
    %add3A_2792 = arith.addf %add3A_2789, %mul3A_2791 : vector<16xf32>
    %add3A_2793 = vector.broadcast %squeeze3A_2748 : f32 to vector<16xf32>
    %add3A_2794 = arith.addf %add3A_2792, %add3A_2793 : vector<16xf32>
    %mul3A_2795 = vector.broadcast %squeeze3A_2750 : f32 to vector<16xf32>
    %mul3A_2796 = arith.mulf %mul3A_2795, %gather3A_2776 : vector<16xf32>
    %mul3A_2797 = vector.broadcast %squeeze3A_2752 : f32 to vector<16xf32>
    %mul3A_2798 = arith.mulf %mul3A_2797, %gather3A_2780 : vector<16xf32>
    %add3A_2799 = arith.addf %mul3A_2796, %mul3A_2798 : vector<16xf32>
    %mul3A_2800 = vector.broadcast %squeeze3A_2754 : f32 to vector<16xf32>
    %mul3A_2801 = arith.mulf %mul3A_2800, %gather3A_2784 : vector<16xf32>
    %add3A_2802 = arith.addf %add3A_2799, %mul3A_2801 : vector<16xf32>
    %add3A_2803 = vector.broadcast %squeeze3A_2756 : f32 to vector<16xf32>
    %add3A_2804 = arith.addf %add3A_2802, %add3A_2803 : vector<16xf32>
    %mul3A_2805 = vector.broadcast %squeeze3A_2758 : f32 to vector<16xf32>
    %mul3A_2806 = arith.mulf %mul3A_2805, %gather3A_2776 : vector<16xf32>
    %mul3A_2807 = vector.broadcast %squeeze3A_2760 : f32 to vector<16xf32>
    %mul3A_2808 = arith.mulf %mul3A_2807, %gather3A_2780 : vector<16xf32>
    %add3A_2809 = arith.addf %mul3A_2806, %mul3A_2808 : vector<16xf32>
    %mul3A_2810 = vector.broadcast %squeeze3A_2762 : f32 to vector<16xf32>
    %mul3A_2811 = arith.mulf %mul3A_2810, %gather3A_2784 : vector<16xf32>
    %add3A_2812 = arith.addf %add3A_2809, %mul3A_2811 : vector<16xf32>
    %add3A_2813 = vector.broadcast %squeeze3A_2764 : f32 to vector<16xf32>
    %add3A_2814 = arith.addf %add3A_2812, %add3A_2813 : vector<16xf32>
    %div3A_2815 = arith.constant 1.000000e+00 : f32
    %div3A_2816 = vector.broadcast %div3A_2815 : f32 to vector<16xf32>
    %div3A_2817 = arith.divf %div3A_2816, %add3A_2814 : vector<16xf32>
    %mul3A_2818 = arith.mulf %add3A_2794, %div3A_2817 : vector<16xf32>
    %mul3A_2819 = arith.constant 3.200000e+02 : f32
    %mul3A_2820 = vector.broadcast %mul3A_2819 : f32 to vector<16xf32>
    %mul3A_2821 = arith.mulf %mul3A_2818, %mul3A_2820 : vector<16xf32>
    %add3A_2822 = arith.constant 3.200000e+02 : f32
    %add3A_2823 = vector.broadcast %add3A_2822 : f32 to vector<16xf32>
    %add3A_2824 = arith.addf %mul3A_2821, %add3A_2823 : vector<16xf32>
    %mul3A_2825 = arith.mulf %add3A_2804, %div3A_2817 : vector<16xf32>
    %mul3A_2826 = arith.constant 3.200000e+02 : f32
    %mul3A_2827 = vector.broadcast %mul3A_2826 : f32 to vector<16xf32>
    %mul3A_2828 = arith.mulf %mul3A_2825, %mul3A_2827 : vector<16xf32>
    %add3A_2829 = arith.constant 2.400000e+02 : f32
    %add3A_2830 = vector.broadcast %add3A_2829 : f32 to vector<16xf32>
    %add3A_2831 = arith.addf %mul3A_2828, %add3A_2830 : vector<16xf32>
    %swap3A_2832 = arith.constant 432 : index
    %swap3A_2833 = tpu.vector_load %arg10[%swap3A_2832] {strides = array<i32>} : memref<512xf32, #tpu.memory_space<vmem>>, vector<16xf32>,
    tpu.vector_store %arg10[%swap3A_2832], %add3A_2824 {strides = array<i32>} : memref<512xf32, #tpu.memory_space<vmem>>, vector<16xf32>,
    %swap3A_2834 = arith.constant 432 : index
    %swap3A_2835 = tpu.vector_load %arg11[%swap3A_2834] {strides = array<i32>} : memref<512xf32, #tpu.memory_space<vmem>>, vector<16xf32>,
    tpu.vector_store %arg11[%swap3A_2834], %add3A_2831 {strides = array<i32>} : memref<512xf32, #tpu.memory_space<vmem>>, vector<16xf32>,
    %slice3A_2836 = vector.extract_strided_slice %get3A_13 {offsets = [14], sizes = [1], strides = [1]} : vector<16xi32> to vector<1xi32>
    %squeeze3A_2837 = vector.extract %slice3A_2836[0] : i32 from vector<1xi32>
    %mul3A_2838 = arith.constant 16 : i32
    %mul3A_2839 = arith.muli %squeeze3A_2837, %mul3A_2838 : i32
    %get3A_2840 = arith.index_cast %mul3A_2839 : i32 to index
    %get3A_2841 = tpu.vector_load %arg12[%get3A_2840] {strides = array<i32>} : memref<352xf32, #tpu.memory_space<vmem>>, vector<16xf32>,
    %slice3A_2842 = vector.extract_strided_slice %get3A_2841 {offsets = [0], sizes = [1], strides = [1]} : vector<16xf32> to vector<1xf32>
    %squeeze3A_2843 = vector.extract %slice3A_2842[0] : f32 from vector<1xf32>
    %slice3A_2844 = vector.extract_strided_slice %get3A_2841 {offsets = [1], sizes = [1], strides = [1]} : vector<16xf32> to vector<1xf32>
    %squeeze3A_2845 = vector.extract %slice3A_2844[0] : f32 from vector<1xf32>
    %slice3A_2846 = vector.extract_strided_slice %get3A_2841 {offsets = [2], sizes = [1], strides = [1]} : vector<16xf32> to vector<1xf32>
    %squeeze3A_2847 = vector.extract %slice3A_2846[0] : f32 from vector<1xf32>
    %slice3A_2848 = vector.extract_strided_slice %get3A_2841 {offsets = [3], sizes = [1], strides = [1]} : vector<16xf32> to vector<1xf32>
    %squeeze3A_2849 = vector.extract %slice3A_2848[0] : f32 from vector<1xf32>
    %slice3A_2850 = vector.extract_strided_slice %get3A_2841 {offsets = [4], sizes = [1], strides = [1]} : vector<16xf32> to vector<1xf32>
    %squeeze3A_2851 = vector.extract %slice3A_2850[0] : f32 from vector<1xf32>
    %slice3A_2852 = vector.extract_strided_slice %get3A_2841 {offsets = [5], sizes = [1], strides = [1]} : vector<16xf32> to vector<1xf32>
    %squeeze3A_2853 = vector.extract %slice3A_2852[0] : f32 from vector<1xf32>
    %slice3A_2854 = vector.extract_strided_slice %get3A_2841 {offsets = [6], sizes = [1], strides = [1]} : vector<16xf32> to vector<1xf32>
    %squeeze3A_2855 = vector.extract %slice3A_2854[0] : f32 from vector<1xf32>
    %slice3A_2856 = vector.extract_strided_slice %get3A_2841 {offsets = [7], sizes = [1], strides = [1]} : vector<16xf32> to vector<1xf32>
    %squeeze3A_2857 = vector.extract %slice3A_2856[0] : f32 from vector<1xf32>
    %slice3A_2858 = vector.extract_strided_slice %get3A_2841 {offsets = [8], sizes = [1], strides = [1]} : vector<16xf32> to vector<1xf32>
    %squeeze3A_2859 = vector.extract %slice3A_2858[0] : f32 from vector<1xf32>
    %slice3A_2860 = vector.extract_strided_slice %get3A_2841 {offsets = [9], sizes = [1], strides = [1]} : vector<16xf32> to vector<1xf32>
    %squeeze3A_2861 = vector.extract %slice3A_2860[0] : f32 from vector<1xf32>
    %slice3A_2862 = vector.extract_strided_slice %get3A_2841 {offsets = [10], sizes = [1], strides = [1]} : vector<16xf32> to vector<1xf32>
    %squeeze3A_2863 = vector.extract %slice3A_2862[0] : f32 from vector<1xf32>
    %slice3A_2864 = vector.extract_strided_slice %get3A_2841 {offsets = [11], sizes = [1], strides = [1]} : vector<16xf32> to vector<1xf32>
    %squeeze3A_2865 = vector.extract %slice3A_2864[0] : f32 from vector<1xf32>
    %add3A_2866 = arith.constant 0 : i32
    %add3A_2867 = vector.broadcast %add3A_2866 : i32 to vector<16xi32>
    %add3A_2868 = arith.addi %add3A_2867, %iota3A : vector<16xi32>
    %gather3A_2869 = tpu.vector_load_idx %arg15[%add3A_2868] : memref<32xi32, #tpu.memory_space<vmem>>[vector<16xi32>], vector<16xi32>,
    %add3A_2870 = arith.constant 256 : i32
    %add3A_2871 = vector.broadcast %add3A_2870 : i32 to vector<16xi32>
    %add3A_2872 = arith.addi %add3A_2871, %gather3A_2869 : vector<16xi32>
    %shift_left3A_2873 = arith.constant 1 : i32
    %shift_left3A_2874 = vector.broadcast %shift_left3A_2873 : i32 to vector<16xi32>
    %shift_left3A_2875 = arith.shli %gather3A_2869, %shift_left3A_2874 : vector<16xi32>
    %add3A_2876 = arith.addi %add3A_2872, %shift_left3A_2875 : vector<16xi32>
    %gather3A_2877 = tpu.vector_load_idx %arg12[%add3A_2876] : memref<352xf32, #tpu.memory_space<vmem>>[vector<16xi32>], vector<16xf32>,
    %add3A_2878 = arith.constant 1 : i32
    %add3A_2879 = vector.broadcast %add3A_2878 : i32 to vector<16xi32>
    %add3A_2880 = arith.addi %add3A_2876, %add3A_2879 : vector<16xi32>
    %gather3A_2881 = tpu.vector_load_idx %arg12[%add3A_2880] : memref<352xf32, #tpu.memory_space<vmem>>[vector<16xi32>], vector<16xf32>,
    %add3A_2882 = arith.constant 2 : i32
    %add3A_2883 = vector.broadcast %add3A_2882 : i32 to vector<16xi32>
    %add3A_2884 = arith.addi %add3A_2876, %add3A_2883 : vector<16xi32>
    %gather3A_2885 = tpu.vector_load_idx %arg12[%add3A_2884] : memref<352xf32, #tpu.memory_space<vmem>>[vector<16xi32>], vector<16xf32>,
    %mul3A_2886 = vector.broadcast %squeeze3A_2843 : f32 to vector<16xf32>
    %mul3A_2887 = arith.mulf %mul3A_2886, %gather3A_2877 : vector<16xf32>
    %mul3A_2888 = vector.broadcast %squeeze3A_2845 : f32 to vector<16xf32>
    %mul3A_2889 = arith.mulf %mul3A_2888, %gather3A_2881 : vector<16xf32>
    %add3A_2890 = arith.addf %mul3A_2887, %mul3A_2889 : vector<16xf32>
    %mul3A_2891 = vector.broadcast %squeeze3A_2847 : f32 to vector<16xf32>
    %mul3A_2892 = arith.mulf %mul3A_2891, %gather3A_2885 : vector<16xf32>
    %add3A_2893 = arith.addf %add3A_2890, %mul3A_2892 : vector<16xf32>
    %add3A_2894 = vector.broadcast %squeeze3A_2849 : f32 to vector<16xf32>
    %add3A_2895 = arith.addf %add3A_2893, %add3A_2894 : vector<16xf32>
    %mul3A_2896 = vector.broadcast %squeeze3A_2851 : f32 to vector<16xf32>
    %mul3A_2897 = arith.mulf %mul3A_2896, %gather3A_2877 : vector<16xf32>
    %mul3A_2898 = vector.broadcast %squeeze3A_2853 : f32 to vector<16xf32>
    %mul3A_2899 = arith.mulf %mul3A_2898, %gather3A_2881 : vector<16xf32>
    %add3A_2900 = arith.addf %mul3A_2897, %mul3A_2899 : vector<16xf32>
    %mul3A_2901 = vector.broadcast %squeeze3A_2855 : f32 to vector<16xf32>
    %mul3A_2902 = arith.mulf %mul3A_2901, %gather3A_2885 : vector<16xf32>
    %add3A_2903 = arith.addf %add3A_2900, %mul3A_2902 : vector<16xf32>
    %add3A_2904 = vector.broadcast %squeeze3A_2857 : f32 to vector<16xf32>
    %add3A_2905 = arith.addf %add3A_2903, %add3A_2904 : vector<16xf32>
    %mul3A_2906 = vector.broadcast %squeeze3A_2859 : f32 to vector<16xf32>
    %mul3A_2907 = arith.mulf %mul3A_2906, %gather3A_2877 : vector<16xf32>
    %mul3A_2908 = vector.broadcast %squeeze3A_2861 : f32 to vector<16xf32>
    %mul3A_2909 = arith.mulf %mul3A_2908, %gather3A_2881 : vector<16xf32>
    %add3A_2910 = arith.addf %mul3A_2907, %mul3A_2909 : vector<16xf32>
    %mul3A_2911 = vector.broadcast %squeeze3A_2863 : f32 to vector<16xf32>
    %mul3A_2912 = arith.mulf %mul3A_2911, %gather3A_2885 : vector<16xf32>
    %add3A_2913 = arith.addf %add3A_2910, %mul3A_2912 : vector<16xf32>
    %add3A_2914 = vector.broadcast %squeeze3A_2865 : f32 to vector<16xf32>
    %add3A_2915 = arith.addf %add3A_2913, %add3A_2914 : vector<16xf32>
    %div3A_2916 = arith.constant 1.000000e+00 : f32
    %div3A_2917 = vector.broadcast %div3A_2916 : f32 to vector<16xf32>
    %div3A_2918 = arith.divf %div3A_2917, %add3A_2915 : vector<16xf32>
    %mul3A_2919 = arith.mulf %add3A_2895, %div3A_2918 : vector<16xf32>
    %mul3A_2920 = arith.constant 3.200000e+02 : f32
    %mul3A_2921 = vector.broadcast %mul3A_2920 : f32 to vector<16xf32>
    %mul3A_2922 = arith.mulf %mul3A_2919, %mul3A_2921 : vector<16xf32>
    %add3A_2923 = arith.constant 3.200000e+02 : f32
    %add3A_2924 = vector.broadcast %add3A_2923 : f32 to vector<16xf32>
    %add3A_2925 = arith.addf %mul3A_2922, %add3A_2924 : vector<16xf32>
    %mul3A_2926 = arith.mulf %add3A_2905, %div3A_2918 : vector<16xf32>
    %mul3A_2927 = arith.constant 3.200000e+02 : f32
    %mul3A_2928 = vector.broadcast %mul3A_2927 : f32 to vector<16xf32>
    %mul3A_2929 = arith.mulf %mul3A_2926, %mul3A_2928 : vector<16xf32>
    %add3A_2930 = arith.constant 2.400000e+02 : f32
    %add3A_2931 = vector.broadcast %add3A_2930 : f32 to vector<16xf32>
    %add3A_2932 = arith.addf %mul3A_2929, %add3A_2931 : vector<16xf32>
    %swap3A_2933 = arith.constant 448 : index
    %swap3A_2934 = tpu.vector_load %arg10[%swap3A_2933] {strides = array<i32>} : memref<512xf32, #tpu.memory_space<vmem>>, vector<16xf32>,
    tpu.vector_store %arg10[%swap3A_2933], %add3A_2925 {strides = array<i32>} : memref<512xf32, #tpu.memory_space<vmem>>, vector<16xf32>,
    %swap3A_2935 = arith.constant 448 : index
    %swap3A_2936 = tpu.vector_load %arg11[%swap3A_2935] {strides = array<i32>} : memref<512xf32, #tpu.memory_space<vmem>>, vector<16xf32>,
    tpu.vector_store %arg11[%swap3A_2935], %add3A_2932 {strides = array<i32>} : memref<512xf32, #tpu.memory_space<vmem>>, vector<16xf32>,
    %slice3A_2937 = vector.extract_strided_slice %get3A_13 {offsets = [14], sizes = [1], strides = [1]} : vector<16xi32> to vector<1xi32>
    %squeeze3A_2938 = vector.extract %slice3A_2937[0] : i32 from vector<1xi32>
    %mul3A_2939 = arith.constant 16 : i32
    %mul3A_2940 = arith.muli %squeeze3A_2938, %mul3A_2939 : i32
    %get3A_2941 = arith.index_cast %mul3A_2940 : i32 to index
    %get3A_2942 = tpu.vector_load %arg12[%get3A_2941] {strides = array<i32>} : memref<352xf32, #tpu.memory_space<vmem>>, vector<16xf32>,
    %slice3A_2943 = vector.extract_strided_slice %get3A_2942 {offsets = [0], sizes = [1], strides = [1]} : vector<16xf32> to vector<1xf32>
    %squeeze3A_2944 = vector.extract %slice3A_2943[0] : f32 from vector<1xf32>
    %slice3A_2945 = vector.extract_strided_slice %get3A_2942 {offsets = [1], sizes = [1], strides = [1]} : vector<16xf32> to vector<1xf32>
    %squeeze3A_2946 = vector.extract %slice3A_2945[0] : f32 from vector<1xf32>
    %slice3A_2947 = vector.extract_strided_slice %get3A_2942 {offsets = [2], sizes = [1], strides = [1]} : vector<16xf32> to vector<1xf32>
    %squeeze3A_2948 = vector.extract %slice3A_2947[0] : f32 from vector<1xf32>
    %slice3A_2949 = vector.extract_strided_slice %get3A_2942 {offsets = [3], sizes = [1], strides = [1]} : vector<16xf32> to vector<1xf32>
    %squeeze3A_2950 = vector.extract %slice3A_2949[0] : f32 from vector<1xf32>
    %slice3A_2951 = vector.extract_strided_slice %get3A_2942 {offsets = [4], sizes = [1], strides = [1]} : vector<16xf32> to vector<1xf32>
    %squeeze3A_2952 = vector.extract %slice3A_2951[0] : f32 from vector<1xf32>
    %slice3A_2953 = vector.extract_strided_slice %get3A_2942 {offsets = [5], sizes = [1], strides = [1]} : vector<16xf32> to vector<1xf32>
    %squeeze3A_2954 = vector.extract %slice3A_2953[0] : f32 from vector<1xf32>
    %slice3A_2955 = vector.extract_strided_slice %get3A_2942 {offsets = [6], sizes = [1], strides = [1]} : vector<16xf32> to vector<1xf32>
    %squeeze3A_2956 = vector.extract %slice3A_2955[0] : f32 from vector<1xf32>
    %slice3A_2957 = vector.extract_strided_slice %get3A_2942 {offsets = [7], sizes = [1], strides = [1]} : vector<16xf32> to vector<1xf32>
    %squeeze3A_2958 = vector.extract %slice3A_2957[0] : f32 from vector<1xf32>
    %slice3A_2959 = vector.extract_strided_slice %get3A_2942 {offsets = [8], sizes = [1], strides = [1]} : vector<16xf32> to vector<1xf32>
    %squeeze3A_2960 = vector.extract %slice3A_2959[0] : f32 from vector<1xf32>
    %slice3A_2961 = vector.extract_strided_slice %get3A_2942 {offsets = [9], sizes = [1], strides = [1]} : vector<16xf32> to vector<1xf32>
    %squeeze3A_2962 = vector.extract %slice3A_2961[0] : f32 from vector<1xf32>
    %slice3A_2963 = vector.extract_strided_slice %get3A_2942 {offsets = [10], sizes = [1], strides = [1]} : vector<16xf32> to vector<1xf32>
    %squeeze3A_2964 = vector.extract %slice3A_2963[0] : f32 from vector<1xf32>
    %slice3A_2965 = vector.extract_strided_slice %get3A_2942 {offsets = [11], sizes = [1], strides = [1]} : vector<16xf32> to vector<1xf32>
    %squeeze3A_2966 = vector.extract %slice3A_2965[0] : f32 from vector<1xf32>
    %add3A_2967 = arith.constant 16 : i32
    %add3A_2968 = vector.broadcast %add3A_2967 : i32 to vector<16xi32>
    %add3A_2969 = arith.addi %add3A_2968, %iota3A : vector<16xi32>
    %gather3A_2970 = tpu.vector_load_idx %arg15[%add3A_2969] : memref<32xi32, #tpu.memory_space<vmem>>[vector<16xi32>], vector<16xi32>,
    %add3A_2971 = arith.constant 256 : i32
    %add3A_2972 = vector.broadcast %add3A_2971 : i32 to vector<16xi32>
    %add3A_2973 = arith.addi %add3A_2972, %gather3A_2970 : vector<16xi32>
    %shift_left3A_2974 = arith.constant 1 : i32
    %shift_left3A_2975 = vector.broadcast %shift_left3A_2974 : i32 to vector<16xi32>
    %shift_left3A_2976 = arith.shli %gather3A_2970, %shift_left3A_2975 : vector<16xi32>
    %add3A_2977 = arith.addi %add3A_2973, %shift_left3A_2976 : vector<16xi32>
    %gather3A_2978 = tpu.vector_load_idx %arg12[%add3A_2977] : memref<352xf32, #tpu.memory_space<vmem>>[vector<16xi32>], vector<16xf32>,
    %add3A_2979 = arith.constant 1 : i32
    %add3A_2980 = vector.broadcast %add3A_2979 : i32 to vector<16xi32>
    %add3A_2981 = arith.addi %add3A_2977, %add3A_2980 : vector<16xi32>
    %gather3A_2982 = tpu.vector_load_idx %arg12[%add3A_2981] : memref<352xf32, #tpu.memory_space<vmem>>[vector<16xi32>], vector<16xf32>,
    %add3A_2983 = arith.constant 2 : i32
    %add3A_2984 = vector.broadcast %add3A_2983 : i32 to vector<16xi32>
    %add3A_2985 = arith.addi %add3A_2977, %add3A_2984 : vector<16xi32>
    %gather3A_2986 = tpu.vector_load_idx %arg12[%add3A_2985] : memref<352xf32, #tpu.memory_space<vmem>>[vector<16xi32>], vector<16xf32>,
    %mul3A_2987 = vector.broadcast %squeeze3A_2944 : f32 to vector<16xf32>
    %mul3A_2988 = arith.mulf %mul3A_2987, %gather3A_2978 : vector<16xf32>
    %mul3A_2989 = vector.broadcast %squeeze3A_2946 : f32 to vector<16xf32>
    %mul3A_2990 = arith.mulf %mul3A_2989, %gather3A_2982 : vector<16xf32>
    %add3A_2991 = arith.addf %mul3A_2988, %mul3A_2990 : vector<16xf32>
    %mul3A_2992 = vector.broadcast %squeeze3A_2948 : f32 to vector<16xf32>
    %mul3A_2993 = arith.mulf %mul3A_2992, %gather3A_2986 : vector<16xf32>
    %add3A_2994 = arith.addf %add3A_2991, %mul3A_2993 : vector<16xf32>
    %add3A_2995 = vector.broadcast %squeeze3A_2950 : f32 to vector<16xf32>
    %add3A_2996 = arith.addf %add3A_2994, %add3A_2995 : vector<16xf32>
    %mul3A_2997 = vector.broadcast %squeeze3A_2952 : f32 to vector<16xf32>
    %mul3A_2998 = arith.mulf %mul3A_2997, %gather3A_2978 : vector<16xf32>
    %mul3A_2999 = vector.broadcast %squeeze3A_2954 : f32 to vector<16xf32>
    %mul3A_3000 = arith.mulf %mul3A_2999, %gather3A_2982 : vector<16xf32>
    %add3A_3001 = arith.addf %mul3A_2998, %mul3A_3000 : vector<16xf32>
    %mul3A_3002 = vector.broadcast %squeeze3A_2956 : f32 to vector<16xf32>
    %mul3A_3003 = arith.mulf %mul3A_3002, %gather3A_2986 : vector<16xf32>
    %add3A_3004 = arith.addf %add3A_3001, %mul3A_3003 : vector<16xf32>
    %add3A_3005 = vector.broadcast %squeeze3A_2958 : f32 to vector<16xf32>
    %add3A_3006 = arith.addf %add3A_3004, %add3A_3005 : vector<16xf32>
    %mul3A_3007 = vector.broadcast %squeeze3A_2960 : f32 to vector<16xf32>
    %mul3A_3008 = arith.mulf %mul3A_3007, %gather3A_2978 : vector<16xf32>
    %mul3A_3009 = vector.broadcast %squeeze3A_2962 : f32 to vector<16xf32>
    %mul3A_3010 = arith.mulf %mul3A_3009, %gather3A_2982 : vector<16xf32>
    %add3A_3011 = arith.addf %mul3A_3008, %mul3A_3010 : vector<16xf32>
    %mul3A_3012 = vector.broadcast %squeeze3A_2964 : f32 to vector<16xf32>
    %mul3A_3013 = arith.mulf %mul3A_3012, %gather3A_2986 : vector<16xf32>
    %add3A_3014 = arith.addf %add3A_3011, %mul3A_3013 : vector<16xf32>
    %add3A_3015 = vector.broadcast %squeeze3A_2966 : f32 to vector<16xf32>
    %add3A_3016 = arith.addf %add3A_3014, %add3A_3015 : vector<16xf32>
    %div3A_3017 = arith.constant 1.000000e+00 : f32
    %div3A_3018 = vector.broadcast %div3A_3017 : f32 to vector<16xf32>
    %div3A_3019 = arith.divf %div3A_3018, %add3A_3016 : vector<16xf32>
    %mul3A_3020 = arith.mulf %add3A_2996, %div3A_3019 : vector<16xf32>
    %mul3A_3021 = arith.constant 3.200000e+02 : f32
    %mul3A_3022 = vector.broadcast %mul3A_3021 : f32 to vector<16xf32>
    %mul3A_3023 = arith.mulf %mul3A_3020, %mul3A_3022 : vector<16xf32>
    %add3A_3024 = arith.constant 3.200000e+02 : f32
    %add3A_3025 = vector.broadcast %add3A_3024 : f32 to vector<16xf32>
    %add3A_3026 = arith.addf %mul3A_3023, %add3A_3025 : vector<16xf32>
    %mul3A_3027 = arith.mulf %add3A_3006, %div3A_3019 : vector<16xf32>
    %mul3A_3028 = arith.constant 3.200000e+02 : f32
    %mul3A_3029 = vector.broadcast %mul3A_3028 : f32 to vector<16xf32>
    %mul3A_3030 = arith.mulf %mul3A_3027, %mul3A_3029 : vector<16xf32>
    %add3A_3031 = arith.constant 2.400000e+02 : f32
    %add3A_3032 = vector.broadcast %add3A_3031 : f32 to vector<16xf32>
    %add3A_3033 = arith.addf %mul3A_3030, %add3A_3032 : vector<16xf32>
    %swap3A_3034 = arith.constant 464 : index
    %swap3A_3035 = tpu.vector_load %arg10[%swap3A_3034] {strides = array<i32>} : memref<512xf32, #tpu.memory_space<vmem>>, vector<16xf32>,
    tpu.vector_store %arg10[%swap3A_3034], %add3A_3026 {strides = array<i32>} : memref<512xf32, #tpu.memory_space<vmem>>, vector<16xf32>,
    %swap3A_3036 = arith.constant 464 : index
    %swap3A_3037 = tpu.vector_load %arg11[%swap3A_3036] {strides = array<i32>} : memref<512xf32, #tpu.memory_space<vmem>>, vector<16xf32>,
    tpu.vector_store %arg11[%swap3A_3036], %add3A_3033 {strides = array<i32>} : memref<512xf32, #tpu.memory_space<vmem>>, vector<16xf32>,
    %slice3A_3038 = vector.extract_strided_slice %get3A_13 {offsets = [15], sizes = [1], strides = [1]} : vector<16xi32> to vector<1xi32>
    %squeeze3A_3039 = vector.extract %slice3A_3038[0] : i32 from vector<1xi32>
    %mul3A_3040 = arith.constant 16 : i32
    %mul3A_3041 = arith.muli %squeeze3A_3039, %mul3A_3040 : i32
    %get3A_3042 = arith.index_cast %mul3A_3041 : i32 to index
    %get3A_3043 = tpu.vector_load %arg12[%get3A_3042] {strides = array<i32>} : memref<352xf32, #tpu.memory_space<vmem>>, vector<16xf32>,
    %slice3A_3044 = vector.extract_strided_slice %get3A_3043 {offsets = [0], sizes = [1], strides = [1]} : vector<16xf32> to vector<1xf32>
    %squeeze3A_3045 = vector.extract %slice3A_3044[0] : f32 from vector<1xf32>
    %slice3A_3046 = vector.extract_strided_slice %get3A_3043 {offsets = [1], sizes = [1], strides = [1]} : vector<16xf32> to vector<1xf32>
    %squeeze3A_3047 = vector.extract %slice3A_3046[0] : f32 from vector<1xf32>
    %slice3A_3048 = vector.extract_strided_slice %get3A_3043 {offsets = [2], sizes = [1], strides = [1]} : vector<16xf32> to vector<1xf32>
    %squeeze3A_3049 = vector.extract %slice3A_3048[0] : f32 from vector<1xf32>
    %slice3A_3050 = vector.extract_strided_slice %get3A_3043 {offsets = [3], sizes = [1], strides = [1]} : vector<16xf32> to vector<1xf32>
    %squeeze3A_3051 = vector.extract %slice3A_3050[0] : f32 from vector<1xf32>
    %slice3A_3052 = vector.extract_strided_slice %get3A_3043 {offsets = [4], sizes = [1], strides = [1]} : vector<16xf32> to vector<1xf32>
    %squeeze3A_3053 = vector.extract %slice3A_3052[0] : f32 from vector<1xf32>
    %slice3A_3054 = vector.extract_strided_slice %get3A_3043 {offsets = [5], sizes = [1], strides = [1]} : vector<16xf32> to vector<1xf32>
    %squeeze3A_3055 = vector.extract %slice3A_3054[0] : f32 from vector<1xf32>
    %slice3A_3056 = vector.extract_strided_slice %get3A_3043 {offsets = [6], sizes = [1], strides = [1]} : vector<16xf32> to vector<1xf32>
    %squeeze3A_3057 = vector.extract %slice3A_3056[0] : f32 from vector<1xf32>
    %slice3A_3058 = vector.extract_strided_slice %get3A_3043 {offsets = [7], sizes = [1], strides = [1]} : vector<16xf32> to vector<1xf32>
    %squeeze3A_3059 = vector.extract %slice3A_3058[0] : f32 from vector<1xf32>
    %slice3A_3060 = vector.extract_strided_slice %get3A_3043 {offsets = [8], sizes = [1], strides = [1]} : vector<16xf32> to vector<1xf32>
    %squeeze3A_3061 = vector.extract %slice3A_3060[0] : f32 from vector<1xf32>
    %slice3A_3062 = vector.extract_strided_slice %get3A_3043 {offsets = [9], sizes = [1], strides = [1]} : vector<16xf32> to vector<1xf32>
    %squeeze3A_3063 = vector.extract %slice3A_3062[0] : f32 from vector<1xf32>
    %slice3A_3064 = vector.extract_strided_slice %get3A_3043 {offsets = [10], sizes = [1], strides = [1]} : vector<16xf32> to vector<1xf32>
    %squeeze3A_3065 = vector.extract %slice3A_3064[0] : f32 from vector<1xf32>
    %slice3A_3066 = vector.extract_strided_slice %get3A_3043 {offsets = [11], sizes = [1], strides = [1]} : vector<16xf32> to vector<1xf32>
    %squeeze3A_3067 = vector.extract %slice3A_3066[0] : f32 from vector<1xf32>
    %add3A_3068 = arith.constant 0 : i32
    %add3A_3069 = vector.broadcast %add3A_3068 : i32 to vector<16xi32>
    %add3A_3070 = arith.addi %add3A_3069, %iota3A : vector<16xi32>
    %gather3A_3071 = tpu.vector_load_idx %arg15[%add3A_3070] : memref<32xi32, #tpu.memory_space<vmem>>[vector<16xi32>], vector<16xi32>,
    %add3A_3072 = arith.constant 256 : i32
    %add3A_3073 = vector.broadcast %add3A_3072 : i32 to vector<16xi32>
    %add3A_3074 = arith.addi %add3A_3073, %gather3A_3071 : vector<16xi32>
    %shift_left3A_3075 = arith.constant 1 : i32
    %shift_left3A_3076 = vector.broadcast %shift_left3A_3075 : i32 to vector<16xi32>
    %shift_left3A_3077 = arith.shli %gather3A_3071, %shift_left3A_3076 : vector<16xi32>
    %add3A_3078 = arith.addi %add3A_3074, %shift_left3A_3077 : vector<16xi32>
    %gather3A_3079 = tpu.vector_load_idx %arg12[%add3A_3078] : memref<352xf32, #tpu.memory_space<vmem>>[vector<16xi32>], vector<16xf32>,
    %add3A_3080 = arith.constant 1 : i32
    %add3A_3081 = vector.broadcast %add3A_3080 : i32 to vector<16xi32>
    %add3A_3082 = arith.addi %add3A_3078, %add3A_3081 : vector<16xi32>
    %gather3A_3083 = tpu.vector_load_idx %arg12[%add3A_3082] : memref<352xf32, #tpu.memory_space<vmem>>[vector<16xi32>], vector<16xf32>,
    %add3A_3084 = arith.constant 2 : i32
    %add3A_3085 = vector.broadcast %add3A_3084 : i32 to vector<16xi32>
    %add3A_3086 = arith.addi %add3A_3078, %add3A_3085 : vector<16xi32>
    %gather3A_3087 = tpu.vector_load_idx %arg12[%add3A_3086] : memref<352xf32, #tpu.memory_space<vmem>>[vector<16xi32>], vector<16xf32>,
    %mul3A_3088 = vector.broadcast %squeeze3A_3045 : f32 to vector<16xf32>
    %mul3A_3089 = arith.mulf %mul3A_3088, %gather3A_3079 : vector<16xf32>
    %mul3A_3090 = vector.broadcast %squeeze3A_3047 : f32 to vector<16xf32>
    %mul3A_3091 = arith.mulf %mul3A_3090, %gather3A_3083 : vector<16xf32>
    %add3A_3092 = arith.addf %mul3A_3089, %mul3A_3091 : vector<16xf32>
    %mul3A_3093 = vector.broadcast %squeeze3A_3049 : f32 to vector<16xf32>
    %mul3A_3094 = arith.mulf %mul3A_3093, %gather3A_3087 : vector<16xf32>
    %add3A_3095 = arith.addf %add3A_3092, %mul3A_3094 : vector<16xf32>
    %add3A_3096 = vector.broadcast %squeeze3A_3051 : f32 to vector<16xf32>
    %add3A_3097 = arith.addf %add3A_3095, %add3A_3096 : vector<16xf32>
    %mul3A_3098 = vector.broadcast %squeeze3A_3053 : f32 to vector<16xf32>
    %mul3A_3099 = arith.mulf %mul3A_3098, %gather3A_3079 : vector<16xf32>
    %mul3A_3100 = vector.broadcast %squeeze3A_3055 : f32 to vector<16xf32>
    %mul3A_3101 = arith.mulf %mul3A_3100, %gather3A_3083 : vector<16xf32>
    %add3A_3102 = arith.addf %mul3A_3099, %mul3A_3101 : vector<16xf32>
    %mul3A_3103 = vector.broadcast %squeeze3A_3057 : f32 to vector<16xf32>
    %mul3A_3104 = arith.mulf %mul3A_3103, %gather3A_3087 : vector<16xf32>
    %add3A_3105 = arith.addf %add3A_3102, %mul3A_3104 : vector<16xf32>
    %add3A_3106 = vector.broadcast %squeeze3A_3059 : f32 to vector<16xf32>
    %add3A_3107 = arith.addf %add3A_3105, %add3A_3106 : vector<16xf32>
    %mul3A_3108 = vector.broadcast %squeeze3A_3061 : f32 to vector<16xf32>
    %mul3A_3109 = arith.mulf %mul3A_3108, %gather3A_3079 : vector<16xf32>
    %mul3A_3110 = vector.broadcast %squeeze3A_3063 : f32 to vector<16xf32>
    %mul3A_3111 = arith.mulf %mul3A_3110, %gather3A_3083 : vector<16xf32>
    %add3A_3112 = arith.addf %mul3A_3109, %mul3A_3111 : vector<16xf32>
    %mul3A_3113 = vector.broadcast %squeeze3A_3065 : f32 to vector<16xf32>
    %mul3A_3114 = arith.mulf %mul3A_3113, %gather3A_3087 : vector<16xf32>
    %add3A_3115 = arith.addf %add3A_3112, %mul3A_3114 : vector<16xf32>
    %add3A_3116 = vector.broadcast %squeeze3A_3067 : f32 to vector<16xf32>
    %add3A_3117 = arith.addf %add3A_3115, %add3A_3116 : vector<16xf32>
    %div3A_3118 = arith.constant 1.000000e+00 : f32
    %div3A_3119 = vector.broadcast %div3A_3118 : f32 to vector<16xf32>
    %div3A_3120 = arith.divf %div3A_3119, %add3A_3117 : vector<16xf32>
    %mul3A_3121 = arith.mulf %add3A_3097, %div3A_3120 : vector<16xf32>
    %mul3A_3122 = arith.constant 3.200000e+02 : f32
    %mul3A_3123 = vector.broadcast %mul3A_3122 : f32 to vector<16xf32>
    %mul3A_3124 = arith.mulf %mul3A_3121, %mul3A_3123 : vector<16xf32>
    %add3A_3125 = arith.constant 3.200000e+02 : f32
    %add3A_3126 = vector.broadcast %add3A_3125 : f32 to vector<16xf32>
    %add3A_3127 = arith.addf %mul3A_3124, %add3A_3126 : vector<16xf32>
    %mul3A_3128 = arith.mulf %add3A_3107, %div3A_3120 : vector<16xf32>
    %mul3A_3129 = arith.constant 3.200000e+02 : f32
    %mul3A_3130 = vector.broadcast %mul3A_3129 : f32 to vector<16xf32>
    %mul3A_3131 = arith.mulf %mul3A_3128, %mul3A_3130 : vector<16xf32>
    %add3A_3132 = arith.constant 2.400000e+02 : f32
    %add3A_3133 = vector.broadcast %add3A_3132 : f32 to vector<16xf32>
    %add3A_3134 = arith.addf %mul3A_3131, %add3A_3133 : vector<16xf32>
    %swap3A_3135 = arith.constant 480 : index
    %swap3A_3136 = tpu.vector_load %arg10[%swap3A_3135] {strides = array<i32>} : memref<512xf32, #tpu.memory_space<vmem>>, vector<16xf32>,
    tpu.vector_store %arg10[%swap3A_3135], %add3A_3127 {strides = array<i32>} : memref<512xf32, #tpu.memory_space<vmem>>, vector<16xf32>,
    %swap3A_3137 = arith.constant 480 : index
    %swap3A_3138 = tpu.vector_load %arg11[%swap3A_3137] {strides = array<i32>} : memref<512xf32, #tpu.memory_space<vmem>>, vector<16xf32>,
    tpu.vector_store %arg11[%swap3A_3137], %add3A_3134 {strides = array<i32>} : memref<512xf32, #tpu.memory_space<vmem>>, vector<16xf32>,
    %slice3A_3139 = vector.extract_strided_slice %get3A_13 {offsets = [15], sizes = [1], strides = [1]} : vector<16xi32> to vector<1xi32>
    %squeeze3A_3140 = vector.extract %slice3A_3139[0] : i32 from vector<1xi32>
    %mul3A_3141 = arith.constant 16 : i32
    %mul3A_3142 = arith.muli %squeeze3A_3140, %mul3A_3141 : i32
    %get3A_3143 = arith.index_cast %mul3A_3142 : i32 to index
    %get3A_3144 = tpu.vector_load %arg12[%get3A_3143] {strides = array<i32>} : memref<352xf32, #tpu.memory_space<vmem>>, vector<16xf32>,
    %slice3A_3145 = vector.extract_strided_slice %get3A_3144 {offsets = [0], sizes = [1], strides = [1]} : vector<16xf32> to vector<1xf32>
    %squeeze3A_3146 = vector.extract %slice3A_3145[0] : f32 from vector<1xf32>
    %slice3A_3147 = vector.extract_strided_slice %get3A_3144 {offsets = [1], sizes = [1], strides = [1]} : vector<16xf32> to vector<1xf32>
    %squeeze3A_3148 = vector.extract %slice3A_3147[0] : f32 from vector<1xf32>
    %slice3A_3149 = vector.extract_strided_slice %get3A_3144 {offsets = [2], sizes = [1], strides = [1]} : vector<16xf32> to vector<1xf32>
    %squeeze3A_3150 = vector.extract %slice3A_3149[0] : f32 from vector<1xf32>
    %slice3A_3151 = vector.extract_strided_slice %get3A_3144 {offsets = [3], sizes = [1], strides = [1]} : vector<16xf32> to vector<1xf32>
    %squeeze3A_3152 = vector.extract %slice3A_3151[0] : f32 from vector<1xf32>
    %slice3A_3153 = vector.extract_strided_slice %get3A_3144 {offsets = [4], sizes = [1], strides = [1]} : vector<16xf32> to vector<1xf32>
    %squeeze3A_3154 = vector.extract %slice3A_3153[0] : f32 from vector<1xf32>
    %slice3A_3155 = vector.extract_strided_slice %get3A_3144 {offsets = [5], sizes = [1], strides = [1]} : vector<16xf32> to vector<1xf32>
    %squeeze3A_3156 = vector.extract %slice3A_3155[0] : f32 from vector<1xf32>
    %slice3A_3157 = vector.extract_strided_slice %get3A_3144 {offsets = [6], sizes = [1], strides = [1]} : vector<16xf32> to vector<1xf32>
    %squeeze3A_3158 = vector.extract %slice3A_3157[0] : f32 from vector<1xf32>
    %slice3A_3159 = vector.extract_strided_slice %get3A_3144 {offsets = [7], sizes = [1], strides = [1]} : vector<16xf32> to vector<1xf32>
    %squeeze3A_3160 = vector.extract %slice3A_3159[0] : f32 from vector<1xf32>
    %slice3A_3161 = vector.extract_strided_slice %get3A_3144 {offsets = [8], sizes = [1], strides = [1]} : vector<16xf32> to vector<1xf32>
    %squeeze3A_3162 = vector.extract %slice3A_3161[0] : f32 from vector<1xf32>
    %slice3A_3163 = vector.extract_strided_slice %get3A_3144 {offsets = [9], sizes = [1], strides = [1]} : vector<16xf32> to vector<1xf32>
    %squeeze3A_3164 = vector.extract %slice3A_3163[0] : f32 from vector<1xf32>
    %slice3A_3165 = vector.extract_strided_slice %get3A_3144 {offsets = [10], sizes = [1], strides = [1]} : vector<16xf32> to vector<1xf32>
    %squeeze3A_3166 = vector.extract %slice3A_3165[0] : f32 from vector<1xf32>
    %slice3A_3167 = vector.extract_strided_slice %get3A_3144 {offsets = [11], sizes = [1], strides = [1]} : vector<16xf32> to vector<1xf32>
    %squeeze3A_3168 = vector.extract %slice3A_3167[0] : f32 from vector<1xf32>
    %add3A_3169 = arith.constant 16 : i32
    %add3A_3170 = vector.broadcast %add3A_3169 : i32 to vector<16xi32>
    %add3A_3171 = arith.addi %add3A_3170, %iota3A : vector<16xi32>
    %gather3A_3172 = tpu.vector_load_idx %arg15[%add3A_3171] : memref<32xi32, #tpu.memory_space<vmem>>[vector<16xi32>], vector<16xi32>,
    %add3A_3173 = arith.constant 256 : i32
    %add3A_3174 = vector.broadcast %add3A_3173 : i32 to vector<16xi32>
    %add3A_3175 = arith.addi %add3A_3174, %gather3A_3172 : vector<16xi32>
    %shift_left3A_3176 = arith.constant 1 : i32
    %shift_left3A_3177 = vector.broadcast %shift_left3A_3176 : i32 to vector<16xi32>
    %shift_left3A_3178 = arith.shli %gather3A_3172, %shift_left3A_3177 : vector<16xi32>
    %add3A_3179 = arith.addi %add3A_3175, %shift_left3A_3178 : vector<16xi32>
    %gather3A_3180 = tpu.vector_load_idx %arg12[%add3A_3179] : memref<352xf32, #tpu.memory_space<vmem>>[vector<16xi32>], vector<16xf32>,
    %add3A_3181 = arith.constant 1 : i32
    %add3A_3182 = vector.broadcast %add3A_3181 : i32 to vector<16xi32>
    %add3A_3183 = arith.addi %add3A_3179, %add3A_3182 : vector<16xi32>
    %gather3A_3184 = tpu.vector_load_idx %arg12[%add3A_3183] : memref<352xf32, #tpu.memory_space<vmem>>[vector<16xi32>], vector<16xf32>,
    %add3A_3185 = arith.constant 2 : i32
    %add3A_3186 = vector.broadcast %add3A_3185 : i32 to vector<16xi32>
    %add3A_3187 = arith.addi %add3A_3179, %add3A_3186 : vector<16xi32>
    %gather3A_3188 = tpu.vector_load_idx %arg12[%add3A_3187] : memref<352xf32, #tpu.memory_space<vmem>>[vector<16xi32>], vector<16xf32>,
    %mul3A_3189 = vector.broadcast %squeeze3A_3146 : f32 to vector<16xf32>
    %mul3A_3190 = arith.mulf %mul3A_3189, %gather3A_3180 : vector<16xf32>
    %mul3A_3191 = vector.broadcast %squeeze3A_3148 : f32 to vector<16xf32>
    %mul3A_3192 = arith.mulf %mul3A_3191, %gather3A_3184 : vector<16xf32>
    %add3A_3193 = arith.addf %mul3A_3190, %mul3A_3192 : vector<16xf32>
    %mul3A_3194 = vector.broadcast %squeeze3A_3150 : f32 to vector<16xf32>
    %mul3A_3195 = arith.mulf %mul3A_3194, %gather3A_3188 : vector<16xf32>
    %add3A_3196 = arith.addf %add3A_3193, %mul3A_3195 : vector<16xf32>
    %add3A_3197 = vector.broadcast %squeeze3A_3152 : f32 to vector<16xf32>
    %add3A_3198 = arith.addf %add3A_3196, %add3A_3197 : vector<16xf32>
    %mul3A_3199 = vector.broadcast %squeeze3A_3154 : f32 to vector<16xf32>
    %mul3A_3200 = arith.mulf %mul3A_3199, %gather3A_3180 : vector<16xf32>
    %mul3A_3201 = vector.broadcast %squeeze3A_3156 : f32 to vector<16xf32>
    %mul3A_3202 = arith.mulf %mul3A_3201, %gather3A_3184 : vector<16xf32>
    %add3A_3203 = arith.addf %mul3A_3200, %mul3A_3202 : vector<16xf32>
    %mul3A_3204 = vector.broadcast %squeeze3A_3158 : f32 to vector<16xf32>
    %mul3A_3205 = arith.mulf %mul3A_3204, %gather3A_3188 : vector<16xf32>
    %add3A_3206 = arith.addf %add3A_3203, %mul3A_3205 : vector<16xf32>
    %add3A_3207 = vector.broadcast %squeeze3A_3160 : f32 to vector<16xf32>
    %add3A_3208 = arith.addf %add3A_3206, %add3A_3207 : vector<16xf32>
    %mul3A_3209 = vector.broadcast %squeeze3A_3162 : f32 to vector<16xf32>
    %mul3A_3210 = arith.mulf %mul3A_3209, %gather3A_3180 : vector<16xf32>
    %mul3A_3211 = vector.broadcast %squeeze3A_3164 : f32 to vector<16xf32>
    %mul3A_3212 = arith.mulf %mul3A_3211, %gather3A_3184 : vector<16xf32>
    %add3A_3213 = arith.addf %mul3A_3210, %mul3A_3212 : vector<16xf32>
    %mul3A_3214 = vector.broadcast %squeeze3A_3166 : f32 to vector<16xf32>
    %mul3A_3215 = arith.mulf %mul3A_3214, %gather3A_3188 : vector<16xf32>
    %add3A_3216 = arith.addf %add3A_3213, %mul3A_3215 : vector<16xf32>
    %add3A_3217 = vector.broadcast %squeeze3A_3168 : f32 to vector<16xf32>
    %add3A_3218 = arith.addf %add3A_3216, %add3A_3217 : vector<16xf32>
    %div3A_3219 = arith.constant 1.000000e+00 : f32
    %div3A_3220 = vector.broadcast %div3A_3219 : f32 to vector<16xf32>
    %div3A_3221 = arith.divf %div3A_3220, %add3A_3218 : vector<16xf32>
    %mul3A_3222 = arith.mulf %add3A_3198, %div3A_3221 : vector<16xf32>
    %mul3A_3223 = arith.constant 3.200000e+02 : f32
    %mul3A_3224 = vector.broadcast %mul3A_3223 : f32 to vector<16xf32>
    %mul3A_3225 = arith.mulf %mul3A_3222, %mul3A_3224 : vector<16xf32>
    %add3A_3226 = arith.constant 3.200000e+02 : f32
    %add3A_3227 = vector.broadcast %add3A_3226 : f32 to vector<16xf32>
    %add3A_3228 = arith.addf %mul3A_3225, %add3A_3227 : vector<16xf32>
    %mul3A_3229 = arith.mulf %add3A_3208, %div3A_3221 : vector<16xf32>
    %mul3A_3230 = arith.constant 3.200000e+02 : f32
    %mul3A_3231 = vector.broadcast %mul3A_3230 : f32 to vector<16xf32>
    %mul3A_3232 = arith.mulf %mul3A_3229, %mul3A_3231 : vector<16xf32>
    %add3A_3233 = arith.constant 2.400000e+02 : f32
    %add3A_3234 = vector.broadcast %add3A_3233 : f32 to vector<16xf32>
    %add3A_3235 = arith.addf %mul3A_3232, %add3A_3234 : vector<16xf32>
    %swap3A_3236 = arith.constant 496 : index
    %swap3A_3237 = tpu.vector_load %arg10[%swap3A_3236] {strides = array<i32>} : memref<512xf32, #tpu.memory_space<vmem>>, vector<16xf32>,
    tpu.vector_store %arg10[%swap3A_3236], %add3A_3228 {strides = array<i32>} : memref<512xf32, #tpu.memory_space<vmem>>, vector<16xf32>,
    %swap3A_3238 = arith.constant 496 : index
    %swap3A_3239 = tpu.vector_load %arg11[%swap3A_3238] {strides = array<i32>} : memref<512xf32, #tpu.memory_space<vmem>>, vector<16xf32>,
    tpu.vector_store %arg11[%swap3A_3238], %add3A_3235 {strides = array<i32>} : memref<512xf32, #tpu.memory_space<vmem>>, vector<16xf32>,
    %dma_wait3A = tpu.memref_slice %arg2[%mul3A_2] : memref<131072xi32, #tpu.memory_space<hbm>> -> memref<4096xi32, #tpu.memory_space<hbm>>
    %dma_wait3A_3240 = tpu.memref_slice %arg2[%mul3A_2] : memref<131072xi32, #tpu.memory_space<hbm>> -> memref<4096xi32, #tpu.memory_space<hbm>>
    tpu.wait_dma2 semaphore(%arg18 : memref<!tpu.dma_semaphore, #tpu.memory_space<semaphore_mem>>) src(%dma_wait3A_3240 : memref<4096xi32, #tpu.memory_space<hbm>>) dst(%arg7 : memref<4096xi32, #tpu.memory_space<vmem>>)
    %scan3A = arith.constant 0 : i32
    %scan3A_3241 = arith.constant 0 : i32
    %scan3A_3242 = arith.constant 16 : i32
    %scan3A_3243 = arith.addi %scan3A_3241, %scan3A_3242 : i32
    %scan3A_3244 = arith.constant 4 : i32
    %scan3A_3245 = scf.for %scan3A_3259 = %scan3A_3241 to %scan3A_3243 step %scan3A_3244 iter_args(%scan3A_3260 = %scan3A) -> (i32)  : i32 {
      %shift_right_logical3A = arith.constant 1 : i32
      %shift_right_logical3A_3261 = arith.shrui %scan3A_3260, %shift_right_logical3A : i32
      %add3A_3262 = arith.constant 0 : i32
      %add3A_3263 = arith.addi %scan3A_3260, %add3A_3262 : i32
      %get3A_3264 = arith.index_cast %add3A_3263 : i32 to index
      %get3A_3265 = tpu.vector_load %arg7[%get3A_3264] {strides = array<i32>} : memref<4096xi32, #tpu.memory_space<vmem>>, vector<16xi32>,
      %add3A_3266 = arith.constant 128 : i32
      %add3A_3267 = arith.addi %scan3A_3260, %add3A_3266 : i32
      %add3A_3268 = arith.constant 0 : i32
      %add3A_3269 = arith.addi %add3A_3267, %add3A_3268 : i32
      %get3A_3270 = arith.index_cast %add3A_3269 : i32 to index
      %get3A_3271 = tpu.vector_load %arg7[%get3A_3270] {strides = array<i32>} : memref<4096xi32, #tpu.memory_space<vmem>>, vector<16xi32>,
      %shift_left3A_3272 = arith.constant 5 : i32
      %shift_left3A_3273 = vector.broadcast %shift_left3A_3272 : i32 to vector<16xi32>
      %shift_left3A_3274 = arith.shli %get3A_3265, %shift_left3A_3273 : vector<16xi32>
      %add3A_3275 = arith.addi %shift_left3A_3274, %get3A_3271 : vector<16xi32>
      %gather3A_3276 = tpu.vector_load_idx %arg10[%add3A_3275] : memref<512xf32, #tpu.memory_space<vmem>>[vector<16xi32>], vector<16xf32>,
      %add3A_3277 = arith.constant 0 : i32
      %add3A_3278 = arith.addi %shift_right_logical3A_3261, %add3A_3277 : i32
      %swap3A_3279 = arith.index_cast %add3A_3278 : i32 to index
      %swap3A_3280 = tpu.vector_load %arg8[%swap3A_3279] {strides = array<i32>} : memref<2048xf32, #tpu.memory_space<vmem>>, vector<16xf32>,
      tpu.vector_store %arg8[%swap3A_3279], %gather3A_3276 {strides = array<i32>} : memref<2048xf32, #tpu.memory_space<vmem>>, vector<16xf32>,
      %gather3A_3281 = tpu.vector_load_idx %arg11[%add3A_3275] : memref<512xf32, #tpu.memory_space<vmem>>[vector<16xi32>], vector<16xf32>,
      %add3A_3282 = arith.constant 0 : i32
      %add3A_3283 = arith.addi %shift_right_logical3A_3261, %add3A_3282 : i32
      %swap3A_3284 = arith.index_cast %add3A_3283 : i32 to index
      %swap3A_3285 = tpu.vector_load %arg9[%swap3A_3284] {strides = array<i32>} : memref<2048xf32, #tpu.memory_space<vmem>>, vector<16xf32>,
      tpu.vector_store %arg9[%swap3A_3284], %gather3A_3281 {strides = array<i32>} : memref<2048xf32, #tpu.memory_space<vmem>>, vector<16xf32>,
      %add3A_3286 = arith.constant 16 : i32
      %add3A_3287 = arith.addi %scan3A_3260, %add3A_3286 : i32
      %get3A_3288 = arith.index_cast %add3A_3287 : i32 to index
      %get3A_3289 = tpu.vector_load %arg7[%get3A_3288] {strides = array<i32>} : memref<4096xi32, #tpu.memory_space<vmem>>, vector<16xi32>,
      %add3A_3290 = arith.constant 128 : i32
      %add3A_3291 = arith.addi %scan3A_3260, %add3A_3290 : i32
      %add3A_3292 = arith.constant 16 : i32
      %add3A_3293 = arith.addi %add3A_3291, %add3A_3292 : i32
      %get3A_3294 = arith.index_cast %add3A_3293 : i32 to index
      %get3A_3295 = tpu.vector_load %arg7[%get3A_3294] {strides = array<i32>} : memref<4096xi32, #tpu.memory_space<vmem>>, vector<16xi32>,
      %shift_left3A_3296 = arith.constant 5 : i32
      %shift_left3A_3297 = vector.broadcast %shift_left3A_3296 : i32 to vector<16xi32>
      %shift_left3A_3298 = arith.shli %get3A_3289, %shift_left3A_3297 : vector<16xi32>
      %add3A_3299 = arith.addi %shift_left3A_3298, %get3A_3295 : vector<16xi32>
      %gather3A_3300 = tpu.vector_load_idx %arg10[%add3A_3299] : memref<512xf32, #tpu.memory_space<vmem>>[vector<16xi32>], vector<16xf32>,
      %add3A_3301 = arith.constant 16 : i32
      %add3A_3302 = arith.addi %shift_right_logical3A_3261, %add3A_3301 : i32
      %swap3A_3303 = arith.index_cast %add3A_3302 : i32 to index
      %swap3A_3304 = tpu.vector_load %arg8[%swap3A_3303] {strides = array<i32>} : memref<2048xf32, #tpu.memory_space<vmem>>, vector<16xf32>,
      tpu.vector_store %arg8[%swap3A_3303], %gather3A_3300 {strides = array<i32>} : memref<2048xf32, #tpu.memory_space<vmem>>, vector<16xf32>,
      %gather3A_3305 = tpu.vector_load_idx %arg11[%add3A_3299] : memref<512xf32, #tpu.memory_space<vmem>>[vector<16xi32>], vector<16xf32>,
      %add3A_3306 = arith.constant 16 : i32
      %add3A_3307 = arith.addi %shift_right_logical3A_3261, %add3A_3306 : i32
      %swap3A_3308 = arith.index_cast %add3A_3307 : i32 to index
      %swap3A_3309 = tpu.vector_load %arg9[%swap3A_3308] {strides = array<i32>} : memref<2048xf32, #tpu.memory_space<vmem>>, vector<16xf32>,
      tpu.vector_store %arg9[%swap3A_3308], %gather3A_3305 {strides = array<i32>} : memref<2048xf32, #tpu.memory_space<vmem>>, vector<16xf32>,
      %add3A_3310 = arith.constant 32 : i32
      %add3A_3311 = arith.addi %scan3A_3260, %add3A_3310 : i32
      %get3A_3312 = arith.index_cast %add3A_3311 : i32 to index
      %get3A_3313 = tpu.vector_load %arg7[%get3A_3312] {strides = array<i32>} : memref<4096xi32, #tpu.memory_space<vmem>>, vector<16xi32>,
      %add3A_3314 = arith.constant 128 : i32
      %add3A_3315 = arith.addi %scan3A_3260, %add3A_3314 : i32
      %add3A_3316 = arith.constant 32 : i32
      %add3A_3317 = arith.addi %add3A_3315, %add3A_3316 : i32
      %get3A_3318 = arith.index_cast %add3A_3317 : i32 to index
      %get3A_3319 = tpu.vector_load %arg7[%get3A_3318] {strides = array<i32>} : memref<4096xi32, #tpu.memory_space<vmem>>, vector<16xi32>,
      %shift_left3A_3320 = arith.constant 5 : i32
      %shift_left3A_3321 = vector.broadcast %shift_left3A_3320 : i32 to vector<16xi32>
      %shift_left3A_3322 = arith.shli %get3A_3313, %shift_left3A_3321 : vector<16xi32>
      %add3A_3323 = arith.addi %shift_left3A_3322, %get3A_3319 : vector<16xi32>
      %gather3A_3324 = tpu.vector_load_idx %arg10[%add3A_3323] : memref<512xf32, #tpu.memory_space<vmem>>[vector<16xi32>], vector<16xf32>,
      %add3A_3325 = arith.constant 32 : i32
      %add3A_3326 = arith.addi %shift_right_logical3A_3261, %add3A_3325 : i32
      %swap3A_3327 = arith.index_cast %add3A_3326 : i32 to index
      %swap3A_3328 = tpu.vector_load %arg8[%swap3A_3327] {strides = array<i32>} : memref<2048xf32, #tpu.memory_space<vmem>>, vector<16xf32>,
      tpu.vector_store %arg8[%swap3A_3327], %gather3A_3324 {strides = array<i32>} : memref<2048xf32, #tpu.memory_space<vmem>>, vector<16xf32>,
      %gather3A_3329 = tpu.vector_load_idx %arg11[%add3A_3323] : memref<512xf32, #tpu.memory_space<vmem>>[vector<16xi32>], vector<16xf32>,
      %add3A_3330 = arith.constant 32 : i32
      %add3A_3331 = arith.addi %shift_right_logical3A_3261, %add3A_3330 : i32
      %swap3A_3332 = arith.index_cast %add3A_3331 : i32 to index
      %swap3A_3333 = tpu.vector_load %arg9[%swap3A_3332] {strides = array<i32>} : memref<2048xf32, #tpu.memory_space<vmem>>, vector<16xf32>,
      tpu.vector_store %arg9[%swap3A_3332], %gather3A_3329 {strides = array<i32>} : memref<2048xf32, #tpu.memory_space<vmem>>, vector<16xf32>,
      %add3A_3334 = arith.constant 48 : i32
      %add3A_3335 = arith.addi %scan3A_3260, %add3A_3334 : i32
      %get3A_3336 = arith.index_cast %add3A_3335 : i32 to index
      %get3A_3337 = tpu.vector_load %arg7[%get3A_3336] {strides = array<i32>} : memref<4096xi32, #tpu.memory_space<vmem>>, vector<16xi32>,
      %add3A_3338 = arith.constant 128 : i32
      %add3A_3339 = arith.addi %scan3A_3260, %add3A_3338 : i32
      %add3A_3340 = arith.constant 48 : i32
      %add3A_3341 = arith.addi %add3A_3339, %add3A_3340 : i32
      %get3A_3342 = arith.index_cast %add3A_3341 : i32 to index
      %get3A_3343 = tpu.vector_load %arg7[%get3A_3342] {strides = array<i32>} : memref<4096xi32, #tpu.memory_space<vmem>>, vector<16xi32>,
      %shift_left3A_3344 = arith.constant 5 : i32
      %shift_left3A_3345 = vector.broadcast %shift_left3A_3344 : i32 to vector<16xi32>
      %shift_left3A_3346 = arith.shli %get3A_3337, %shift_left3A_3345 : vector<16xi32>
      %add3A_3347 = arith.addi %shift_left3A_3346, %get3A_3343 : vector<16xi32>
      %gather3A_3348 = tpu.vector_load_idx %arg10[%add3A_3347] : memref<512xf32, #tpu.memory_space<vmem>>[vector<16xi32>], vector<16xf32>,
      %add3A_3349 = arith.constant 48 : i32
      %add3A_3350 = arith.addi %shift_right_logical3A_3261, %add3A_3349 : i32
      %swap3A_3351 = arith.index_cast %add3A_3350 : i32 to index
      %swap3A_3352 = tpu.vector_load %arg8[%swap3A_3351] {strides = array<i32>} : memref<2048xf32, #tpu.memory_space<vmem>>, vector<16xf32>,
      tpu.vector_store %arg8[%swap3A_3351], %gather3A_3348 {strides = array<i32>} : memref<2048xf32, #tpu.memory_space<vmem>>, vector<16xf32>,
      %gather3A_3353 = tpu.vector_load_idx %arg11[%add3A_3347] : memref<512xf32, #tpu.memory_space<vmem>>[vector<16xi32>], vector<16xf32>,
      %add3A_3354 = arith.constant 48 : i32
      %add3A_3355 = arith.addi %shift_right_logical3A_3261, %add3A_3354 : i32
      %swap3A_3356 = arith.index_cast %add3A_3355 : i32 to index
      %swap3A_3357 = tpu.vector_load %arg9[%swap3A_3356] {strides = array<i32>} : memref<2048xf32, #tpu.memory_space<vmem>>, vector<16xf32>,
      tpu.vector_store %arg9[%swap3A_3356], %gather3A_3353 {strides = array<i32>} : memref<2048xf32, #tpu.memory_space<vmem>>, vector<16xf32>,
      %add3A_3358 = arith.constant 64 : i32
      %add3A_3359 = arith.addi %scan3A_3260, %add3A_3358 : i32
      %get3A_3360 = arith.index_cast %add3A_3359 : i32 to index
      %get3A_3361 = tpu.vector_load %arg7[%get3A_3360] {strides = array<i32>} : memref<4096xi32, #tpu.memory_space<vmem>>, vector<16xi32>,
      %add3A_3362 = arith.constant 128 : i32
      %add3A_3363 = arith.addi %scan3A_3260, %add3A_3362 : i32
      %add3A_3364 = arith.constant 64 : i32
      %add3A_3365 = arith.addi %add3A_3363, %add3A_3364 : i32
      %get3A_3366 = arith.index_cast %add3A_3365 : i32 to index
      %get3A_3367 = tpu.vector_load %arg7[%get3A_3366] {strides = array<i32>} : memref<4096xi32, #tpu.memory_space<vmem>>, vector<16xi32>,
      %shift_left3A_3368 = arith.constant 5 : i32
      %shift_left3A_3369 = vector.broadcast %shift_left3A_3368 : i32 to vector<16xi32>
      %shift_left3A_3370 = arith.shli %get3A_3361, %shift_left3A_3369 : vector<16xi32>
      %add3A_3371 = arith.addi %shift_left3A_3370, %get3A_3367 : vector<16xi32>
      %gather3A_3372 = tpu.vector_load_idx %arg10[%add3A_3371] : memref<512xf32, #tpu.memory_space<vmem>>[vector<16xi32>], vector<16xf32>,
      %add3A_3373 = arith.constant 64 : i32
      %add3A_3374 = arith.addi %shift_right_logical3A_3261, %add3A_3373 : i32
      %swap3A_3375 = arith.index_cast %add3A_3374 : i32 to index
      %swap3A_3376 = tpu.vector_load %arg8[%swap3A_3375] {strides = array<i32>} : memref<2048xf32, #tpu.memory_space<vmem>>, vector<16xf32>,
      tpu.vector_store %arg8[%swap3A_3375], %gather3A_3372 {strides = array<i32>} : memref<2048xf32, #tpu.memory_space<vmem>>, vector<16xf32>,
      %gather3A_3377 = tpu.vector_load_idx %arg11[%add3A_3371] : memref<512xf32, #tpu.memory_space<vmem>>[vector<16xi32>], vector<16xf32>,
      %add3A_3378 = arith.constant 64 : i32
      %add3A_3379 = arith.addi %shift_right_logical3A_3261, %add3A_3378 : i32
      %swap3A_3380 = arith.index_cast %add3A_3379 : i32 to index
      %swap3A_3381 = tpu.vector_load %arg9[%swap3A_3380] {strides = array<i32>} : memref<2048xf32, #tpu.memory_space<vmem>>, vector<16xf32>,
      tpu.vector_store %arg9[%swap3A_3380], %gather3A_3377 {strides = array<i32>} : memref<2048xf32, #tpu.memory_space<vmem>>, vector<16xf32>,
      %add3A_3382 = arith.constant 80 : i32
      %add3A_3383 = arith.addi %scan3A_3260, %add3A_3382 : i32
      %get3A_3384 = arith.index_cast %add3A_3383 : i32 to index
      %get3A_3385 = tpu.vector_load %arg7[%get3A_3384] {strides = array<i32>} : memref<4096xi32, #tpu.memory_space<vmem>>, vector<16xi32>,
      %add3A_3386 = arith.constant 128 : i32
      %add3A_3387 = arith.addi %scan3A_3260, %add3A_3386 : i32
      %add3A_3388 = arith.constant 80 : i32
      %add3A_3389 = arith.addi %add3A_3387, %add3A_3388 : i32
      %get3A_3390 = arith.index_cast %add3A_3389 : i32 to index
      %get3A_3391 = tpu.vector_load %arg7[%get3A_3390] {strides = array<i32>} : memref<4096xi32, #tpu.memory_space<vmem>>, vector<16xi32>,
      %shift_left3A_3392 = arith.constant 5 : i32
      %shift_left3A_3393 = vector.broadcast %shift_left3A_3392 : i32 to vector<16xi32>
      %shift_left3A_3394 = arith.shli %get3A_3385, %shift_left3A_3393 : vector<16xi32>
      %add3A_3395 = arith.addi %shift_left3A_3394, %get3A_3391 : vector<16xi32>
      %gather3A_3396 = tpu.vector_load_idx %arg10[%add3A_3395] : memref<512xf32, #tpu.memory_space<vmem>>[vector<16xi32>], vector<16xf32>,
      %add3A_3397 = arith.constant 80 : i32
      %add3A_3398 = arith.addi %shift_right_logical3A_3261, %add3A_3397 : i32
      %swap3A_3399 = arith.index_cast %add3A_3398 : i32 to index
      %swap3A_3400 = tpu.vector_load %arg8[%swap3A_3399] {strides = array<i32>} : memref<2048xf32, #tpu.memory_space<vmem>>, vector<16xf32>,
      tpu.vector_store %arg8[%swap3A_3399], %gather3A_3396 {strides = array<i32>} : memref<2048xf32, #tpu.memory_space<vmem>>, vector<16xf32>,
      %gather3A_3401 = tpu.vector_load_idx %arg11[%add3A_3395] : memref<512xf32, #tpu.memory_space<vmem>>[vector<16xi32>], vector<16xf32>,
      %add3A_3402 = arith.constant 80 : i32
      %add3A_3403 = arith.addi %shift_right_logical3A_3261, %add3A_3402 : i32
      %swap3A_3404 = arith.index_cast %add3A_3403 : i32 to index
      %swap3A_3405 = tpu.vector_load %arg9[%swap3A_3404] {strides = array<i32>} : memref<2048xf32, #tpu.memory_space<vmem>>, vector<16xf32>,
      tpu.vector_store %arg9[%swap3A_3404], %gather3A_3401 {strides = array<i32>} : memref<2048xf32, #tpu.memory_space<vmem>>, vector<16xf32>,
      %add3A_3406 = arith.constant 96 : i32
      %add3A_3407 = arith.addi %scan3A_3260, %add3A_3406 : i32
      %get3A_3408 = arith.index_cast %add3A_3407 : i32 to index
      %get3A_3409 = tpu.vector_load %arg7[%get3A_3408] {strides = array<i32>} : memref<4096xi32, #tpu.memory_space<vmem>>, vector<16xi32>,
      %add3A_3410 = arith.constant 128 : i32
      %add3A_3411 = arith.addi %scan3A_3260, %add3A_3410 : i32
      %add3A_3412 = arith.constant 96 : i32
      %add3A_3413 = arith.addi %add3A_3411, %add3A_3412 : i32
      %get3A_3414 = arith.index_cast %add3A_3413 : i32 to index
      %get3A_3415 = tpu.vector_load %arg7[%get3A_3414] {strides = array<i32>} : memref<4096xi32, #tpu.memory_space<vmem>>, vector<16xi32>,
      %shift_left3A_3416 = arith.constant 5 : i32
      %shift_left3A_3417 = vector.broadcast %shift_left3A_3416 : i32 to vector<16xi32>
      %shift_left3A_3418 = arith.shli %get3A_3409, %shift_left3A_3417 : vector<16xi32>
      %add3A_3419 = arith.addi %shift_left3A_3418, %get3A_3415 : vector<16xi32>
      %gather3A_3420 = tpu.vector_load_idx %arg10[%add3A_3419] : memref<512xf32, #tpu.memory_space<vmem>>[vector<16xi32>], vector<16xf32>,
      %add3A_3421 = arith.constant 96 : i32
      %add3A_3422 = arith.addi %shift_right_logical3A_3261, %add3A_3421 : i32
      %swap3A_3423 = arith.index_cast %add3A_3422 : i32 to index
      %swap3A_3424 = tpu.vector_load %arg8[%swap3A_3423] {strides = array<i32>} : memref<2048xf32, #tpu.memory_space<vmem>>, vector<16xf32>,
      tpu.vector_store %arg8[%swap3A_3423], %gather3A_3420 {strides = array<i32>} : memref<2048xf32, #tpu.memory_space<vmem>>, vector<16xf32>,
      %gather3A_3425 = tpu.vector_load_idx %arg11[%add3A_3419] : memref<512xf32, #tpu.memory_space<vmem>>[vector<16xi32>], vector<16xf32>,
      %add3A_3426 = arith.constant 96 : i32
      %add3A_3427 = arith.addi %shift_right_logical3A_3261, %add3A_3426 : i32
      %swap3A_3428 = arith.index_cast %add3A_3427 : i32 to index
      %swap3A_3429 = tpu.vector_load %arg9[%swap3A_3428] {strides = array<i32>} : memref<2048xf32, #tpu.memory_space<vmem>>, vector<16xf32>,
      tpu.vector_store %arg9[%swap3A_3428], %gather3A_3425 {strides = array<i32>} : memref<2048xf32, #tpu.memory_space<vmem>>, vector<16xf32>,
      %add3A_3430 = arith.constant 112 : i32
      %add3A_3431 = arith.addi %scan3A_3260, %add3A_3430 : i32
      %get3A_3432 = arith.index_cast %add3A_3431 : i32 to index
      %get3A_3433 = tpu.vector_load %arg7[%get3A_3432] {strides = array<i32>} : memref<4096xi32, #tpu.memory_space<vmem>>, vector<16xi32>,
      %add3A_3434 = arith.constant 128 : i32
      %add3A_3435 = arith.addi %scan3A_3260, %add3A_3434 : i32
      %add3A_3436 = arith.constant 112 : i32
      %add3A_3437 = arith.addi %add3A_3435, %add3A_3436 : i32
      %get3A_3438 = arith.index_cast %add3A_3437 : i32 to index
      %get3A_3439 = tpu.vector_load %arg7[%get3A_3438] {strides = array<i32>} : memref<4096xi32, #tpu.memory_space<vmem>>, vector<16xi32>,
      %shift_left3A_3440 = arith.constant 5 : i32
      %shift_left3A_3441 = vector.broadcast %shift_left3A_3440 : i32 to vector<16xi32>
      %shift_left3A_3442 = arith.shli %get3A_3433, %shift_left3A_3441 : vector<16xi32>
      %add3A_3443 = arith.addi %shift_left3A_3442, %get3A_3439 : vector<16xi32>
      %gather3A_3444 = tpu.vector_load_idx %arg10[%add3A_3443] : memref<512xf32, #tpu.memory_space<vmem>>[vector<16xi32>], vector<16xf32>,
      %add3A_3445 = arith.constant 112 : i32
      %add3A_3446 = arith.addi %shift_right_logical3A_3261, %add3A_3445 : i32
      %swap3A_3447 = arith.index_cast %add3A_3446 : i32 to index
      %swap3A_3448 = tpu.vector_load %arg8[%swap3A_3447] {strides = array<i32>} : memref<2048xf32, #tpu.memory_space<vmem>>, vector<16xf32>,
      tpu.vector_store %arg8[%swap3A_3447], %gather3A_3444 {strides = array<i32>} : memref<2048xf32, #tpu.memory_space<vmem>>, vector<16xf32>,
      %gather3A_3449 = tpu.vector_load_idx %arg11[%add3A_3443] : memref<512xf32, #tpu.memory_space<vmem>>[vector<16xi32>], vector<16xf32>,
      %add3A_3450 = arith.constant 112 : i32
      %add3A_3451 = arith.addi %shift_right_logical3A_3261, %add3A_3450 : i32
      %swap3A_3452 = arith.index_cast %add3A_3451 : i32 to index
      %swap3A_3453 = tpu.vector_load %arg9[%swap3A_3452] {strides = array<i32>} : memref<2048xf32, #tpu.memory_space<vmem>>, vector<16xf32>,
      tpu.vector_store %arg9[%swap3A_3452], %gather3A_3449 {strides = array<i32>} : memref<2048xf32, #tpu.memory_space<vmem>>, vector<16xf32>,
      %add3A_3454 = arith.constant 256 : i32
      %add3A_3455 = arith.addi %scan3A_3260, %add3A_3454 : i32
      %scan3A_3456 = arith.constant 1 : i32
      %scan3A_3457 = arith.addi %scan3A_3259, %scan3A_3456 : i32
      %shift_right_logical3A_3458 = arith.constant 1 : i32
      %shift_right_logical3A_3459 = arith.shrui %add3A_3455, %shift_right_logical3A_3458 : i32
      %add3A_3460 = arith.constant 0 : i32
      %add3A_3461 = arith.addi %add3A_3455, %add3A_3460 : i32
      %get3A_3462 = arith.index_cast %add3A_3461 : i32 to index
      %get3A_3463 = tpu.vector_load %arg7[%get3A_3462] {strides = array<i32>} : memref<4096xi32, #tpu.memory_space<vmem>>, vector<16xi32>,
      %add3A_3464 = arith.constant 128 : i32
      %add3A_3465 = arith.addi %add3A_3455, %add3A_3464 : i32
      %add3A_3466 = arith.constant 0 : i32
      %add3A_3467 = arith.addi %add3A_3465, %add3A_3466 : i32
      %get3A_3468 = arith.index_cast %add3A_3467 : i32 to index
      %get3A_3469 = tpu.vector_load %arg7[%get3A_3468] {strides = array<i32>} : memref<4096xi32, #tpu.memory_space<vmem>>, vector<16xi32>,
      %shift_left3A_3470 = arith.constant 5 : i32
      %shift_left3A_3471 = vector.broadcast %shift_left3A_3470 : i32 to vector<16xi32>
      %shift_left3A_3472 = arith.shli %get3A_3463, %shift_left3A_3471 : vector<16xi32>
      %add3A_3473 = arith.addi %shift_left3A_3472, %get3A_3469 : vector<16xi32>
      %gather3A_3474 = tpu.vector_load_idx %arg10[%add3A_3473] : memref<512xf32, #tpu.memory_space<vmem>>[vector<16xi32>], vector<16xf32>,
      %add3A_3475 = arith.constant 0 : i32
      %add3A_3476 = arith.addi %shift_right_logical3A_3459, %add3A_3475 : i32
      %swap3A_3477 = arith.index_cast %add3A_3476 : i32 to index
      %swap3A_3478 = tpu.vector_load %arg8[%swap3A_3477] {strides = array<i32>} : memref<2048xf32, #tpu.memory_space<vmem>>, vector<16xf32>,
      tpu.vector_store %arg8[%swap3A_3477], %gather3A_3474 {strides = array<i32>} : memref<2048xf32, #tpu.memory_space<vmem>>, vector<16xf32>,
      %gather3A_3479 = tpu.vector_load_idx %arg11[%add3A_3473] : memref<512xf32, #tpu.memory_space<vmem>>[vector<16xi32>], vector<16xf32>,
      %add3A_3480 = arith.constant 0 : i32
      %add3A_3481 = arith.addi %shift_right_logical3A_3459, %add3A_3480 : i32
      %swap3A_3482 = arith.index_cast %add3A_3481 : i32 to index
      %swap3A_3483 = tpu.vector_load %arg9[%swap3A_3482] {strides = array<i32>} : memref<2048xf32, #tpu.memory_space<vmem>>, vector<16xf32>,
      tpu.vector_store %arg9[%swap3A_3482], %gather3A_3479 {strides = array<i32>} : memref<2048xf32, #tpu.memory_space<vmem>>, vector<16xf32>,
      %add3A_3484 = arith.constant 16 : i32
      %add3A_3485 = arith.addi %add3A_3455, %add3A_3484 : i32
      %get3A_3486 = arith.index_cast %add3A_3485 : i32 to index
      %get3A_3487 = tpu.vector_load %arg7[%get3A_3486] {strides = array<i32>} : memref<4096xi32, #tpu.memory_space<vmem>>, vector<16xi32>,
      %add3A_3488 = arith.constant 128 : i32
      %add3A_3489 = arith.addi %add3A_3455, %add3A_3488 : i32
      %add3A_3490 = arith.constant 16 : i32
      %add3A_3491 = arith.addi %add3A_3489, %add3A_3490 : i32
      %get3A_3492 = arith.index_cast %add3A_3491 : i32 to index
      %get3A_3493 = tpu.vector_load %arg7[%get3A_3492] {strides = array<i32>} : memref<4096xi32, #tpu.memory_space<vmem>>, vector<16xi32>,
      %shift_left3A_3494 = arith.constant 5 : i32
      %shift_left3A_3495 = vector.broadcast %shift_left3A_3494 : i32 to vector<16xi32>
      %shift_left3A_3496 = arith.shli %get3A_3487, %shift_left3A_3495 : vector<16xi32>
      %add3A_3497 = arith.addi %shift_left3A_3496, %get3A_3493 : vector<16xi32>
      %gather3A_3498 = tpu.vector_load_idx %arg10[%add3A_3497] : memref<512xf32, #tpu.memory_space<vmem>>[vector<16xi32>], vector<16xf32>,
      %add3A_3499 = arith.constant 16 : i32
      %add3A_3500 = arith.addi %shift_right_logical3A_3459, %add3A_3499 : i32
      %swap3A_3501 = arith.index_cast %add3A_3500 : i32 to index
      %swap3A_3502 = tpu.vector_load %arg8[%swap3A_3501] {strides = array<i32>} : memref<2048xf32, #tpu.memory_space<vmem>>, vector<16xf32>,
      tpu.vector_store %arg8[%swap3A_3501], %gather3A_3498 {strides = array<i32>} : memref<2048xf32, #tpu.memory_space<vmem>>, vector<16xf32>,
      %gather3A_3503 = tpu.vector_load_idx %arg11[%add3A_3497] : memref<512xf32, #tpu.memory_space<vmem>>[vector<16xi32>], vector<16xf32>,
      %add3A_3504 = arith.constant 16 : i32
      %add3A_3505 = arith.addi %shift_right_logical3A_3459, %add3A_3504 : i32
      %swap3A_3506 = arith.index_cast %add3A_3505 : i32 to index
      %swap3A_3507 = tpu.vector_load %arg9[%swap3A_3506] {strides = array<i32>} : memref<2048xf32, #tpu.memory_space<vmem>>, vector<16xf32>,
      tpu.vector_store %arg9[%swap3A_3506], %gather3A_3503 {strides = array<i32>} : memref<2048xf32, #tpu.memory_space<vmem>>, vector<16xf32>,
      %add3A_3508 = arith.constant 32 : i32
      %add3A_3509 = arith.addi %add3A_3455, %add3A_3508 : i32
      %get3A_3510 = arith.index_cast %add3A_3509 : i32 to index
      %get3A_3511 = tpu.vector_load %arg7[%get3A_3510] {strides = array<i32>} : memref<4096xi32, #tpu.memory_space<vmem>>, vector<16xi32>,
      %add3A_3512 = arith.constant 128 : i32
      %add3A_3513 = arith.addi %add3A_3455, %add3A_3512 : i32
      %add3A_3514 = arith.constant 32 : i32
      %add3A_3515 = arith.addi %add3A_3513, %add3A_3514 : i32
      %get3A_3516 = arith.index_cast %add3A_3515 : i32 to index
      %get3A_3517 = tpu.vector_load %arg7[%get3A_3516] {strides = array<i32>} : memref<4096xi32, #tpu.memory_space<vmem>>, vector<16xi32>,
      %shift_left3A_3518 = arith.constant 5 : i32
      %shift_left3A_3519 = vector.broadcast %shift_left3A_3518 : i32 to vector<16xi32>
      %shift_left3A_3520 = arith.shli %get3A_3511, %shift_left3A_3519 : vector<16xi32>
      %add3A_3521 = arith.addi %shift_left3A_3520, %get3A_3517 : vector<16xi32>
      %gather3A_3522 = tpu.vector_load_idx %arg10[%add3A_3521] : memref<512xf32, #tpu.memory_space<vmem>>[vector<16xi32>], vector<16xf32>,
      %add3A_3523 = arith.constant 32 : i32
      %add3A_3524 = arith.addi %shift_right_logical3A_3459, %add3A_3523 : i32
      %swap3A_3525 = arith.index_cast %add3A_3524 : i32 to index
      %swap3A_3526 = tpu.vector_load %arg8[%swap3A_3525] {strides = array<i32>} : memref<2048xf32, #tpu.memory_space<vmem>>, vector<16xf32>,
      tpu.vector_store %arg8[%swap3A_3525], %gather3A_3522 {strides = array<i32>} : memref<2048xf32, #tpu.memory_space<vmem>>, vector<16xf32>,
      %gather3A_3527 = tpu.vector_load_idx %arg11[%add3A_3521] : memref<512xf32, #tpu.memory_space<vmem>>[vector<16xi32>], vector<16xf32>,
      %add3A_3528 = arith.constant 32 : i32
      %add3A_3529 = arith.addi %shift_right_logical3A_3459, %add3A_3528 : i32
      %swap3A_3530 = arith.index_cast %add3A_3529 : i32 to index
      %swap3A_3531 = tpu.vector_load %arg9[%swap3A_3530] {strides = array<i32>} : memref<2048xf32, #tpu.memory_space<vmem>>, vector<16xf32>,
      tpu.vector_store %arg9[%swap3A_3530], %gather3A_3527 {strides = array<i32>} : memref<2048xf32, #tpu.memory_space<vmem>>, vector<16xf32>,
      %add3A_3532 = arith.constant 48 : i32
      %add3A_3533 = arith.addi %add3A_3455, %add3A_3532 : i32
      %get3A_3534 = arith.index_cast %add3A_3533 : i32 to index
      %get3A_3535 = tpu.vector_load %arg7[%get3A_3534] {strides = array<i32>} : memref<4096xi32, #tpu.memory_space<vmem>>, vector<16xi32>,
      %add3A_3536 = arith.constant 128 : i32
      %add3A_3537 = arith.addi %add3A_3455, %add3A_3536 : i32
      %add3A_3538 = arith.constant 48 : i32
      %add3A_3539 = arith.addi %add3A_3537, %add3A_3538 : i32
      %get3A_3540 = arith.index_cast %add3A_3539 : i32 to index
      %get3A_3541 = tpu.vector_load %arg7[%get3A_3540] {strides = array<i32>} : memref<4096xi32, #tpu.memory_space<vmem>>, vector<16xi32>,
      %shift_left3A_3542 = arith.constant 5 : i32
      %shift_left3A_3543 = vector.broadcast %shift_left3A_3542 : i32 to vector<16xi32>
      %shift_left3A_3544 = arith.shli %get3A_3535, %shift_left3A_3543 : vector<16xi32>
      %add3A_3545 = arith.addi %shift_left3A_3544, %get3A_3541 : vector<16xi32>
      %gather3A_3546 = tpu.vector_load_idx %arg10[%add3A_3545] : memref<512xf32, #tpu.memory_space<vmem>>[vector<16xi32>], vector<16xf32>,
      %add3A_3547 = arith.constant 48 : i32
      %add3A_3548 = arith.addi %shift_right_logical3A_3459, %add3A_3547 : i32
      %swap3A_3549 = arith.index_cast %add3A_3548 : i32 to index
      %swap3A_3550 = tpu.vector_load %arg8[%swap3A_3549] {strides = array<i32>} : memref<2048xf32, #tpu.memory_space<vmem>>, vector<16xf32>,
      tpu.vector_store %arg8[%swap3A_3549], %gather3A_3546 {strides = array<i32>} : memref<2048xf32, #tpu.memory_space<vmem>>, vector<16xf32>,
      %gather3A_3551 = tpu.vector_load_idx %arg11[%add3A_3545] : memref<512xf32, #tpu.memory_space<vmem>>[vector<16xi32>], vector<16xf32>,
      %add3A_3552 = arith.constant 48 : i32
      %add3A_3553 = arith.addi %shift_right_logical3A_3459, %add3A_3552 : i32
      %swap3A_3554 = arith.index_cast %add3A_3553 : i32 to index
      %swap3A_3555 = tpu.vector_load %arg9[%swap3A_3554] {strides = array<i32>} : memref<2048xf32, #tpu.memory_space<vmem>>, vector<16xf32>,
      tpu.vector_store %arg9[%swap3A_3554], %gather3A_3551 {strides = array<i32>} : memref<2048xf32, #tpu.memory_space<vmem>>, vector<16xf32>,
      %add3A_3556 = arith.constant 64 : i32
      %add3A_3557 = arith.addi %add3A_3455, %add3A_3556 : i32
      %get3A_3558 = arith.index_cast %add3A_3557 : i32 to index
      %get3A_3559 = tpu.vector_load %arg7[%get3A_3558] {strides = array<i32>} : memref<4096xi32, #tpu.memory_space<vmem>>, vector<16xi32>,
      %add3A_3560 = arith.constant 128 : i32
      %add3A_3561 = arith.addi %add3A_3455, %add3A_3560 : i32
      %add3A_3562 = arith.constant 64 : i32
      %add3A_3563 = arith.addi %add3A_3561, %add3A_3562 : i32
      %get3A_3564 = arith.index_cast %add3A_3563 : i32 to index
      %get3A_3565 = tpu.vector_load %arg7[%get3A_3564] {strides = array<i32>} : memref<4096xi32, #tpu.memory_space<vmem>>, vector<16xi32>,
      %shift_left3A_3566 = arith.constant 5 : i32
      %shift_left3A_3567 = vector.broadcast %shift_left3A_3566 : i32 to vector<16xi32>
      %shift_left3A_3568 = arith.shli %get3A_3559, %shift_left3A_3567 : vector<16xi32>
      %add3A_3569 = arith.addi %shift_left3A_3568, %get3A_3565 : vector<16xi32>
      %gather3A_3570 = tpu.vector_load_idx %arg10[%add3A_3569] : memref<512xf32, #tpu.memory_space<vmem>>[vector<16xi32>], vector<16xf32>,
      %add3A_3571 = arith.constant 64 : i32
      %add3A_3572 = arith.addi %shift_right_logical3A_3459, %add3A_3571 : i32
      %swap3A_3573 = arith.index_cast %add3A_3572 : i32 to index
      %swap3A_3574 = tpu.vector_load %arg8[%swap3A_3573] {strides = array<i32>} : memref<2048xf32, #tpu.memory_space<vmem>>, vector<16xf32>,
      tpu.vector_store %arg8[%swap3A_3573], %gather3A_3570 {strides = array<i32>} : memref<2048xf32, #tpu.memory_space<vmem>>, vector<16xf32>,
      %gather3A_3575 = tpu.vector_load_idx %arg11[%add3A_3569] : memref<512xf32, #tpu.memory_space<vmem>>[vector<16xi32>], vector<16xf32>,
      %add3A_3576 = arith.constant 64 : i32
      %add3A_3577 = arith.addi %shift_right_logical3A_3459, %add3A_3576 : i32
      %swap3A_3578 = arith.index_cast %add3A_3577 : i32 to index
      %swap3A_3579 = tpu.vector_load %arg9[%swap3A_3578] {strides = array<i32>} : memref<2048xf32, #tpu.memory_space<vmem>>, vector<16xf32>,
      tpu.vector_store %arg9[%swap3A_3578], %gather3A_3575 {strides = array<i32>} : memref<2048xf32, #tpu.memory_space<vmem>>, vector<16xf32>,
      %add3A_3580 = arith.constant 80 : i32
      %add3A_3581 = arith.addi %add3A_3455, %add3A_3580 : i32
      %get3A_3582 = arith.index_cast %add3A_3581 : i32 to index
      %get3A_3583 = tpu.vector_load %arg7[%get3A_3582] {strides = array<i32>} : memref<4096xi32, #tpu.memory_space<vmem>>, vector<16xi32>,
      %add3A_3584 = arith.constant 128 : i32
      %add3A_3585 = arith.addi %add3A_3455, %add3A_3584 : i32
      %add3A_3586 = arith.constant 80 : i32
      %add3A_3587 = arith.addi %add3A_3585, %add3A_3586 : i32
      %get3A_3588 = arith.index_cast %add3A_3587 : i32 to index
      %get3A_3589 = tpu.vector_load %arg7[%get3A_3588] {strides = array<i32>} : memref<4096xi32, #tpu.memory_space<vmem>>, vector<16xi32>,
      %shift_left3A_3590 = arith.constant 5 : i32
      %shift_left3A_3591 = vector.broadcast %shift_left3A_3590 : i32 to vector<16xi32>
      %shift_left3A_3592 = arith.shli %get3A_3583, %shift_left3A_3591 : vector<16xi32>
      %add3A_3593 = arith.addi %shift_left3A_3592, %get3A_3589 : vector<16xi32>
      %gather3A_3594 = tpu.vector_load_idx %arg10[%add3A_3593] : memref<512xf32, #tpu.memory_space<vmem>>[vector<16xi32>], vector<16xf32>,
      %add3A_3595 = arith.constant 80 : i32
      %add3A_3596 = arith.addi %shift_right_logical3A_3459, %add3A_3595 : i32
      %swap3A_3597 = arith.index_cast %add3A_3596 : i32 to index
      %swap3A_3598 = tpu.vector_load %arg8[%swap3A_3597] {strides = array<i32>} : memref<2048xf32, #tpu.memory_space<vmem>>, vector<16xf32>,
      tpu.vector_store %arg8[%swap3A_3597], %gather3A_3594 {strides = array<i32>} : memref<2048xf32, #tpu.memory_space<vmem>>, vector<16xf32>,
      %gather3A_3599 = tpu.vector_load_idx %arg11[%add3A_3593] : memref<512xf32, #tpu.memory_space<vmem>>[vector<16xi32>], vector<16xf32>,
      %add3A_3600 = arith.constant 80 : i32
      %add3A_3601 = arith.addi %shift_right_logical3A_3459, %add3A_3600 : i32
      %swap3A_3602 = arith.index_cast %add3A_3601 : i32 to index
      %swap3A_3603 = tpu.vector_load %arg9[%swap3A_3602] {strides = array<i32>} : memref<2048xf32, #tpu.memory_space<vmem>>, vector<16xf32>,
      tpu.vector_store %arg9[%swap3A_3602], %gather3A_3599 {strides = array<i32>} : memref<2048xf32, #tpu.memory_space<vmem>>, vector<16xf32>,
      %add3A_3604 = arith.constant 96 : i32
      %add3A_3605 = arith.addi %add3A_3455, %add3A_3604 : i32
      %get3A_3606 = arith.index_cast %add3A_3605 : i32 to index
      %get3A_3607 = tpu.vector_load %arg7[%get3A_3606] {strides = array<i32>} : memref<4096xi32, #tpu.memory_space<vmem>>, vector<16xi32>,
      %add3A_3608 = arith.constant 128 : i32
      %add3A_3609 = arith.addi %add3A_3455, %add3A_3608 : i32
      %add3A_3610 = arith.constant 96 : i32
      %add3A_3611 = arith.addi %add3A_3609, %add3A_3610 : i32
      %get3A_3612 = arith.index_cast %add3A_3611 : i32 to index
      %get3A_3613 = tpu.vector_load %arg7[%get3A_3612] {strides = array<i32>} : memref<4096xi32, #tpu.memory_space<vmem>>, vector<16xi32>,
      %shift_left3A_3614 = arith.constant 5 : i32
      %shift_left3A_3615 = vector.broadcast %shift_left3A_3614 : i32 to vector<16xi32>
      %shift_left3A_3616 = arith.shli %get3A_3607, %shift_left3A_3615 : vector<16xi32>
      %add3A_3617 = arith.addi %shift_left3A_3616, %get3A_3613 : vector<16xi32>
      %gather3A_3618 = tpu.vector_load_idx %arg10[%add3A_3617] : memref<512xf32, #tpu.memory_space<vmem>>[vector<16xi32>], vector<16xf32>,
      %add3A_3619 = arith.constant 96 : i32
      %add3A_3620 = arith.addi %shift_right_logical3A_3459, %add3A_3619 : i32
      %swap3A_3621 = arith.index_cast %add3A_3620 : i32 to index
      %swap3A_3622 = tpu.vector_load %arg8[%swap3A_3621] {strides = array<i32>} : memref<2048xf32, #tpu.memory_space<vmem>>, vector<16xf32>,
      tpu.vector_store %arg8[%swap3A_3621], %gather3A_3618 {strides = array<i32>} : memref<2048xf32, #tpu.memory_space<vmem>>, vector<16xf32>,
      %gather3A_3623 = tpu.vector_load_idx %arg11[%add3A_3617] : memref<512xf32, #tpu.memory_space<vmem>>[vector<16xi32>], vector<16xf32>,
      %add3A_3624 = arith.constant 96 : i32
      %add3A_3625 = arith.addi %shift_right_logical3A_3459, %add3A_3624 : i32
      %swap3A_3626 = arith.index_cast %add3A_3625 : i32 to index
      %swap3A_3627 = tpu.vector_load %arg9[%swap3A_3626] {strides = array<i32>} : memref<2048xf32, #tpu.memory_space<vmem>>, vector<16xf32>,
      tpu.vector_store %arg9[%swap3A_3626], %gather3A_3623 {strides = array<i32>} : memref<2048xf32, #tpu.memory_space<vmem>>, vector<16xf32>,
      %add3A_3628 = arith.constant 112 : i32
      %add3A_3629 = arith.addi %add3A_3455, %add3A_3628 : i32
      %get3A_3630 = arith.index_cast %add3A_3629 : i32 to index
      %get3A_3631 = tpu.vector_load %arg7[%get3A_3630] {strides = array<i32>} : memref<4096xi32, #tpu.memory_space<vmem>>, vector<16xi32>,
      %add3A_3632 = arith.constant 128 : i32
      %add3A_3633 = arith.addi %add3A_3455, %add3A_3632 : i32
      %add3A_3634 = arith.constant 112 : i32
      %add3A_3635 = arith.addi %add3A_3633, %add3A_3634 : i32
      %get3A_3636 = arith.index_cast %add3A_3635 : i32 to index
      %get3A_3637 = tpu.vector_load %arg7[%get3A_3636] {strides = array<i32>} : memref<4096xi32, #tpu.memory_space<vmem>>, vector<16xi32>,
      %shift_left3A_3638 = arith.constant 5 : i32
      %shift_left3A_3639 = vector.broadcast %shift_left3A_3638 : i32 to vector<16xi32>
      %shift_left3A_3640 = arith.shli %get3A_3631, %shift_left3A_3639 : vector<16xi32>
      %add3A_3641 = arith.addi %shift_left3A_3640, %get3A_3637 : vector<16xi32>
      %gather3A_3642 = tpu.vector_load_idx %arg10[%add3A_3641] : memref<512xf32, #tpu.memory_space<vmem>>[vector<16xi32>], vector<16xf32>,
      %add3A_3643 = arith.constant 112 : i32
      %add3A_3644 = arith.addi %shift_right_logical3A_3459, %add3A_3643 : i32
      %swap3A_3645 = arith.index_cast %add3A_3644 : i32 to index
      %swap3A_3646 = tpu.vector_load %arg8[%swap3A_3645] {strides = array<i32>} : memref<2048xf32, #tpu.memory_space<vmem>>, vector<16xf32>,
      tpu.vector_store %arg8[%swap3A_3645], %gather3A_3642 {strides = array<i32>} : memref<2048xf32, #tpu.memory_space<vmem>>, vector<16xf32>,
      %gather3A_3647 = tpu.vector_load_idx %arg11[%add3A_3641] : memref<512xf32, #tpu.memory_space<vmem>>[vector<16xi32>], vector<16xf32>,
      %add3A_3648 = arith.constant 112 : i32
      %add3A_3649 = arith.addi %shift_right_logical3A_3459, %add3A_3648 : i32
      %swap3A_3650 = arith.index_cast %add3A_3649 : i32 to index
      %swap3A_3651 = tpu.vector_load %arg9[%swap3A_3650] {strides = array<i32>} : memref<2048xf32, #tpu.memory_space<vmem>>, vector<16xf32>,
      tpu.vector_store %arg9[%swap3A_3650], %gather3A_3647 {strides = array<i32>} : memref<2048xf32, #tpu.memory_space<vmem>>, vector<16xf32>,
      %add3A_3652 = arith.constant 256 : i32
      %add3A_3653 = arith.addi %add3A_3455, %add3A_3652 : i32
      %scan3A_3654 = arith.constant 2 : i32
      %scan3A_3655 = arith.addi %scan3A_3259, %scan3A_3654 : i32
      %shift_right_logical3A_3656 = arith.constant 1 : i32
      %shift_right_logical3A_3657 = arith.shrui %add3A_3653, %shift_right_logical3A_3656 : i32
      %add3A_3658 = arith.constant 0 : i32
      %add3A_3659 = arith.addi %add3A_3653, %add3A_3658 : i32
      %get3A_3660 = arith.index_cast %add3A_3659 : i32 to index
      %get3A_3661 = tpu.vector_load %arg7[%get3A_3660] {strides = array<i32>} : memref<4096xi32, #tpu.memory_space<vmem>>, vector<16xi32>,
      %add3A_3662 = arith.constant 128 : i32
      %add3A_3663 = arith.addi %add3A_3653, %add3A_3662 : i32
      %add3A_3664 = arith.constant 0 : i32
      %add3A_3665 = arith.addi %add3A_3663, %add3A_3664 : i32
      %get3A_3666 = arith.index_cast %add3A_3665 : i32 to index
      %get3A_3667 = tpu.vector_load %arg7[%get3A_3666] {strides = array<i32>} : memref<4096xi32, #tpu.memory_space<vmem>>, vector<16xi32>,
      %shift_left3A_3668 = arith.constant 5 : i32
      %shift_left3A_3669 = vector.broadcast %shift_left3A_3668 : i32 to vector<16xi32>
      %shift_left3A_3670 = arith.shli %get3A_3661, %shift_left3A_3669 : vector<16xi32>
      %add3A_3671 = arith.addi %shift_left3A_3670, %get3A_3667 : vector<16xi32>
      %gather3A_3672 = tpu.vector_load_idx %arg10[%add3A_3671] : memref<512xf32, #tpu.memory_space<vmem>>[vector<16xi32>], vector<16xf32>,
      %add3A_3673 = arith.constant 0 : i32
      %add3A_3674 = arith.addi %shift_right_logical3A_3657, %add3A_3673 : i32
      %swap3A_3675 = arith.index_cast %add3A_3674 : i32 to index
      %swap3A_3676 = tpu.vector_load %arg8[%swap3A_3675] {strides = array<i32>} : memref<2048xf32, #tpu.memory_space<vmem>>, vector<16xf32>,
      tpu.vector_store %arg8[%swap3A_3675], %gather3A_3672 {strides = array<i32>} : memref<2048xf32, #tpu.memory_space<vmem>>, vector<16xf32>,
      %gather3A_3677 = tpu.vector_load_idx %arg11[%add3A_3671] : memref<512xf32, #tpu.memory_space<vmem>>[vector<16xi32>], vector<16xf32>,
      %add3A_3678 = arith.constant 0 : i32
      %add3A_3679 = arith.addi %shift_right_logical3A_3657, %add3A_3678 : i32
      %swap3A_3680 = arith.index_cast %add3A_3679 : i32 to index
      %swap3A_3681 = tpu.vector_load %arg9[%swap3A_3680] {strides = array<i32>} : memref<2048xf32, #tpu.memory_space<vmem>>, vector<16xf32>,
      tpu.vector_store %arg9[%swap3A_3680], %gather3A_3677 {strides = array<i32>} : memref<2048xf32, #tpu.memory_space<vmem>>, vector<16xf32>,
      %add3A_3682 = arith.constant 16 : i32
      %add3A_3683 = arith.addi %add3A_3653, %add3A_3682 : i32
      %get3A_3684 = arith.index_cast %add3A_3683 : i32 to index
      %get3A_3685 = tpu.vector_load %arg7[%get3A_3684] {strides = array<i32>} : memref<4096xi32, #tpu.memory_space<vmem>>, vector<16xi32>,
      %add3A_3686 = arith.constant 128 : i32
      %add3A_3687 = arith.addi %add3A_3653, %add3A_3686 : i32
      %add3A_3688 = arith.constant 16 : i32
      %add3A_3689 = arith.addi %add3A_3687, %add3A_3688 : i32
      %get3A_3690 = arith.index_cast %add3A_3689 : i32 to index
      %get3A_3691 = tpu.vector_load %arg7[%get3A_3690] {strides = array<i32>} : memref<4096xi32, #tpu.memory_space<vmem>>, vector<16xi32>,
      %shift_left3A_3692 = arith.constant 5 : i32
      %shift_left3A_3693 = vector.broadcast %shift_left3A_3692 : i32 to vector<16xi32>
      %shift_left3A_3694 = arith.shli %get3A_3685, %shift_left3A_3693 : vector<16xi32>
      %add3A_3695 = arith.addi %shift_left3A_3694, %get3A_3691 : vector<16xi32>
      %gather3A_3696 = tpu.vector_load_idx %arg10[%add3A_3695] : memref<512xf32, #tpu.memory_space<vmem>>[vector<16xi32>], vector<16xf32>,
      %add3A_3697 = arith.constant 16 : i32
      %add3A_3698 = arith.addi %shift_right_logical3A_3657, %add3A_3697 : i32
      %swap3A_3699 = arith.index_cast %add3A_3698 : i32 to index
      %swap3A_3700 = tpu.vector_load %arg8[%swap3A_3699] {strides = array<i32>} : memref<2048xf32, #tpu.memory_space<vmem>>, vector<16xf32>,
      tpu.vector_store %arg8[%swap3A_3699], %gather3A_3696 {strides = array<i32>} : memref<2048xf32, #tpu.memory_space<vmem>>, vector<16xf32>,
      %gather3A_3701 = tpu.vector_load_idx %arg11[%add3A_3695] : memref<512xf32, #tpu.memory_space<vmem>>[vector<16xi32>], vector<16xf32>,
      %add3A_3702 = arith.constant 16 : i32
      %add3A_3703 = arith.addi %shift_right_logical3A_3657, %add3A_3702 : i32
      %swap3A_3704 = arith.index_cast %add3A_3703 : i32 to index
      %swap3A_3705 = tpu.vector_load %arg9[%swap3A_3704] {strides = array<i32>} : memref<2048xf32, #tpu.memory_space<vmem>>, vector<16xf32>,
      tpu.vector_store %arg9[%swap3A_3704], %gather3A_3701 {strides = array<i32>} : memref<2048xf32, #tpu.memory_space<vmem>>, vector<16xf32>,
      %add3A_3706 = arith.constant 32 : i32
      %add3A_3707 = arith.addi %add3A_3653, %add3A_3706 : i32
      %get3A_3708 = arith.index_cast %add3A_3707 : i32 to index
      %get3A_3709 = tpu.vector_load %arg7[%get3A_3708] {strides = array<i32>} : memref<4096xi32, #tpu.memory_space<vmem>>, vector<16xi32>,
      %add3A_3710 = arith.constant 128 : i32
      %add3A_3711 = arith.addi %add3A_3653, %add3A_3710 : i32
      %add3A_3712 = arith.constant 32 : i32
      %add3A_3713 = arith.addi %add3A_3711, %add3A_3712 : i32
      %get3A_3714 = arith.index_cast %add3A_3713 : i32 to index
      %get3A_3715 = tpu.vector_load %arg7[%get3A_3714] {strides = array<i32>} : memref<4096xi32, #tpu.memory_space<vmem>>, vector<16xi32>,
      %shift_left3A_3716 = arith.constant 5 : i32
      %shift_left3A_3717 = vector.broadcast %shift_left3A_3716 : i32 to vector<16xi32>
      %shift_left3A_3718 = arith.shli %get3A_3709, %shift_left3A_3717 : vector<16xi32>
      %add3A_3719 = arith.addi %shift_left3A_3718, %get3A_3715 : vector<16xi32>
      %gather3A_3720 = tpu.vector_load_idx %arg10[%add3A_3719] : memref<512xf32, #tpu.memory_space<vmem>>[vector<16xi32>], vector<16xf32>,
      %add3A_3721 = arith.constant 32 : i32
      %add3A_3722 = arith.addi %shift_right_logical3A_3657, %add3A_3721 : i32
      %swap3A_3723 = arith.index_cast %add3A_3722 : i32 to index
      %swap3A_3724 = tpu.vector_load %arg8[%swap3A_3723] {strides = array<i32>} : memref<2048xf32, #tpu.memory_space<vmem>>, vector<16xf32>,
      tpu.vector_store %arg8[%swap3A_3723], %gather3A_3720 {strides = array<i32>} : memref<2048xf32, #tpu.memory_space<vmem>>, vector<16xf32>,
      %gather3A_3725 = tpu.vector_load_idx %arg11[%add3A_3719] : memref<512xf32, #tpu.memory_space<vmem>>[vector<16xi32>], vector<16xf32>,
      %add3A_3726 = arith.constant 32 : i32
      %add3A_3727 = arith.addi %shift_right_logical3A_3657, %add3A_3726 : i32
      %swap3A_3728 = arith.index_cast %add3A_3727 : i32 to index
      %swap3A_3729 = tpu.vector_load %arg9[%swap3A_3728] {strides = array<i32>} : memref<2048xf32, #tpu.memory_space<vmem>>, vector<16xf32>,
      tpu.vector_store %arg9[%swap3A_3728], %gather3A_3725 {strides = array<i32>} : memref<2048xf32, #tpu.memory_space<vmem>>, vector<16xf32>,
      %add3A_3730 = arith.constant 48 : i32
      %add3A_3731 = arith.addi %add3A_3653, %add3A_3730 : i32
      %get3A_3732 = arith.index_cast %add3A_3731 : i32 to index
      %get3A_3733 = tpu.vector_load %arg7[%get3A_3732] {strides = array<i32>} : memref<4096xi32, #tpu.memory_space<vmem>>, vector<16xi32>,
      %add3A_3734 = arith.constant 128 : i32
      %add3A_3735 = arith.addi %add3A_3653, %add3A_3734 : i32
      %add3A_3736 = arith.constant 48 : i32
      %add3A_3737 = arith.addi %add3A_3735, %add3A_3736 : i32
      %get3A_3738 = arith.index_cast %add3A_3737 : i32 to index
      %get3A_3739 = tpu.vector_load %arg7[%get3A_3738] {strides = array<i32>} : memref<4096xi32, #tpu.memory_space<vmem>>, vector<16xi32>,
      %shift_left3A_3740 = arith.constant 5 : i32
      %shift_left3A_3741 = vector.broadcast %shift_left3A_3740 : i32 to vector<16xi32>
      %shift_left3A_3742 = arith.shli %get3A_3733, %shift_left3A_3741 : vector<16xi32>
      %add3A_3743 = arith.addi %shift_left3A_3742, %get3A_3739 : vector<16xi32>
      %gather3A_3744 = tpu.vector_load_idx %arg10[%add3A_3743] : memref<512xf32, #tpu.memory_space<vmem>>[vector<16xi32>], vector<16xf32>,
      %add3A_3745 = arith.constant 48 : i32
      %add3A_3746 = arith.addi %shift_right_logical3A_3657, %add3A_3745 : i32
      %swap3A_3747 = arith.index_cast %add3A_3746 : i32 to index
      %swap3A_3748 = tpu.vector_load %arg8[%swap3A_3747] {strides = array<i32>} : memref<2048xf32, #tpu.memory_space<vmem>>, vector<16xf32>,
      tpu.vector_store %arg8[%swap3A_3747], %gather3A_3744 {strides = array<i32>} : memref<2048xf32, #tpu.memory_space<vmem>>, vector<16xf32>,
      %gather3A_3749 = tpu.vector_load_idx %arg11[%add3A_3743] : memref<512xf32, #tpu.memory_space<vmem>>[vector<16xi32>], vector<16xf32>,
      %add3A_3750 = arith.constant 48 : i32
      %add3A_3751 = arith.addi %shift_right_logical3A_3657, %add3A_3750 : i32
      %swap3A_3752 = arith.index_cast %add3A_3751 : i32 to index
      %swap3A_3753 = tpu.vector_load %arg9[%swap3A_3752] {strides = array<i32>} : memref<2048xf32, #tpu.memory_space<vmem>>, vector<16xf32>,
      tpu.vector_store %arg9[%swap3A_3752], %gather3A_3749 {strides = array<i32>} : memref<2048xf32, #tpu.memory_space<vmem>>, vector<16xf32>,
      %add3A_3754 = arith.constant 64 : i32
      %add3A_3755 = arith.addi %add3A_3653, %add3A_3754 : i32
      %get3A_3756 = arith.index_cast %add3A_3755 : i32 to index
      %get3A_3757 = tpu.vector_load %arg7[%get3A_3756] {strides = array<i32>} : memref<4096xi32, #tpu.memory_space<vmem>>, vector<16xi32>,
      %add3A_3758 = arith.constant 128 : i32
      %add3A_3759 = arith.addi %add3A_3653, %add3A_3758 : i32
      %add3A_3760 = arith.constant 64 : i32
      %add3A_3761 = arith.addi %add3A_3759, %add3A_3760 : i32
      %get3A_3762 = arith.index_cast %add3A_3761 : i32 to index
      %get3A_3763 = tpu.vector_load %arg7[%get3A_3762] {strides = array<i32>} : memref<4096xi32, #tpu.memory_space<vmem>>, vector<16xi32>,
      %shift_left3A_3764 = arith.constant 5 : i32
      %shift_left3A_3765 = vector.broadcast %shift_left3A_3764 : i32 to vector<16xi32>
      %shift_left3A_3766 = arith.shli %get3A_3757, %shift_left3A_3765 : vector<16xi32>
      %add3A_3767 = arith.addi %shift_left3A_3766, %get3A_3763 : vector<16xi32>
      %gather3A_3768 = tpu.vector_load_idx %arg10[%add3A_3767] : memref<512xf32, #tpu.memory_space<vmem>>[vector<16xi32>], vector<16xf32>,
      %add3A_3769 = arith.constant 64 : i32
      %add3A_3770 = arith.addi %shift_right_logical3A_3657, %add3A_3769 : i32
      %swap3A_3771 = arith.index_cast %add3A_3770 : i32 to index
      %swap3A_3772 = tpu.vector_load %arg8[%swap3A_3771] {strides = array<i32>} : memref<2048xf32, #tpu.memory_space<vmem>>, vector<16xf32>,
      tpu.vector_store %arg8[%swap3A_3771], %gather3A_3768 {strides = array<i32>} : memref<2048xf32, #tpu.memory_space<vmem>>, vector<16xf32>,
      %gather3A_3773 = tpu.vector_load_idx %arg11[%add3A_3767] : memref<512xf32, #tpu.memory_space<vmem>>[vector<16xi32>], vector<16xf32>,
      %add3A_3774 = arith.constant 64 : i32
      %add3A_3775 = arith.addi %shift_right_logical3A_3657, %add3A_3774 : i32
      %swap3A_3776 = arith.index_cast %add3A_3775 : i32 to index
      %swap3A_3777 = tpu.vector_load %arg9[%swap3A_3776] {strides = array<i32>} : memref<2048xf32, #tpu.memory_space<vmem>>, vector<16xf32>,
      tpu.vector_store %arg9[%swap3A_3776], %gather3A_3773 {strides = array<i32>} : memref<2048xf32, #tpu.memory_space<vmem>>, vector<16xf32>,
      %add3A_3778 = arith.constant 80 : i32
      %add3A_3779 = arith.addi %add3A_3653, %add3A_3778 : i32
      %get3A_3780 = arith.index_cast %add3A_3779 : i32 to index
      %get3A_3781 = tpu.vector_load %arg7[%get3A_3780] {strides = array<i32>} : memref<4096xi32, #tpu.memory_space<vmem>>, vector<16xi32>,
      %add3A_3782 = arith.constant 128 : i32
      %add3A_3783 = arith.addi %add3A_3653, %add3A_3782 : i32
      %add3A_3784 = arith.constant 80 : i32
      %add3A_3785 = arith.addi %add3A_3783, %add3A_3784 : i32
      %get3A_3786 = arith.index_cast %add3A_3785 : i32 to index
      %get3A_3787 = tpu.vector_load %arg7[%get3A_3786] {strides = array<i32>} : memref<4096xi32, #tpu.memory_space<vmem>>, vector<16xi32>,
      %shift_left3A_3788 = arith.constant 5 : i32
      %shift_left3A_3789 = vector.broadcast %shift_left3A_3788 : i32 to vector<16xi32>
      %shift_left3A_3790 = arith.shli %get3A_3781, %shift_left3A_3789 : vector<16xi32>
      %add3A_3791 = arith.addi %shift_left3A_3790, %get3A_3787 : vector<16xi32>
      %gather3A_3792 = tpu.vector_load_idx %arg10[%add3A_3791] : memref<512xf32, #tpu.memory_space<vmem>>[vector<16xi32>], vector<16xf32>,
      %add3A_3793 = arith.constant 80 : i32
      %add3A_3794 = arith.addi %shift_right_logical3A_3657, %add3A_3793 : i32
      %swap3A_3795 = arith.index_cast %add3A_3794 : i32 to index
      %swap3A_3796 = tpu.vector_load %arg8[%swap3A_3795] {strides = array<i32>} : memref<2048xf32, #tpu.memory_space<vmem>>, vector<16xf32>,
      tpu.vector_store %arg8[%swap3A_3795], %gather3A_3792 {strides = array<i32>} : memref<2048xf32, #tpu.memory_space<vmem>>, vector<16xf32>,
      %gather3A_3797 = tpu.vector_load_idx %arg11[%add3A_3791] : memref<512xf32, #tpu.memory_space<vmem>>[vector<16xi32>], vector<16xf32>,
      %add3A_3798 = arith.constant 80 : i32
      %add3A_3799 = arith.addi %shift_right_logical3A_3657, %add3A_3798 : i32
      %swap3A_3800 = arith.index_cast %add3A_3799 : i32 to index
      %swap3A_3801 = tpu.vector_load %arg9[%swap3A_3800] {strides = array<i32>} : memref<2048xf32, #tpu.memory_space<vmem>>, vector<16xf32>,
      tpu.vector_store %arg9[%swap3A_3800], %gather3A_3797 {strides = array<i32>} : memref<2048xf32, #tpu.memory_space<vmem>>, vector<16xf32>,
      %add3A_3802 = arith.constant 96 : i32
      %add3A_3803 = arith.addi %add3A_3653, %add3A_3802 : i32
      %get3A_3804 = arith.index_cast %add3A_3803 : i32 to index
      %get3A_3805 = tpu.vector_load %arg7[%get3A_3804] {strides = array<i32>} : memref<4096xi32, #tpu.memory_space<vmem>>, vector<16xi32>,
      %add3A_3806 = arith.constant 128 : i32
      %add3A_3807 = arith.addi %add3A_3653, %add3A_3806 : i32
      %add3A_3808 = arith.constant 96 : i32
      %add3A_3809 = arith.addi %add3A_3807, %add3A_3808 : i32
      %get3A_3810 = arith.index_cast %add3A_3809 : i32 to index
      %get3A_3811 = tpu.vector_load %arg7[%get3A_3810] {strides = array<i32>} : memref<4096xi32, #tpu.memory_space<vmem>>, vector<16xi32>,
      %shift_left3A_3812 = arith.constant 5 : i32
      %shift_left3A_3813 = vector.broadcast %shift_left3A_3812 : i32 to vector<16xi32>
      %shift_left3A_3814 = arith.shli %get3A_3805, %shift_left3A_3813 : vector<16xi32>
      %add3A_3815 = arith.addi %shift_left3A_3814, %get3A_3811 : vector<16xi32>
      %gather3A_3816 = tpu.vector_load_idx %arg10[%add3A_3815] : memref<512xf32, #tpu.memory_space<vmem>>[vector<16xi32>], vector<16xf32>,
      %add3A_3817 = arith.constant 96 : i32
      %add3A_3818 = arith.addi %shift_right_logical3A_3657, %add3A_3817 : i32
      %swap3A_3819 = arith.index_cast %add3A_3818 : i32 to index
      %swap3A_3820 = tpu.vector_load %arg8[%swap3A_3819] {strides = array<i32>} : memref<2048xf32, #tpu.memory_space<vmem>>, vector<16xf32>,
      tpu.vector_store %arg8[%swap3A_3819], %gather3A_3816 {strides = array<i32>} : memref<2048xf32, #tpu.memory_space<vmem>>, vector<16xf32>,
      %gather3A_3821 = tpu.vector_load_idx %arg11[%add3A_3815] : memref<512xf32, #tpu.memory_space<vmem>>[vector<16xi32>], vector<16xf32>,
      %add3A_3822 = arith.constant 96 : i32
      %add3A_3823 = arith.addi %shift_right_logical3A_3657, %add3A_3822 : i32
      %swap3A_3824 = arith.index_cast %add3A_3823 : i32 to index
      %swap3A_3825 = tpu.vector_load %arg9[%swap3A_3824] {strides = array<i32>} : memref<2048xf32, #tpu.memory_space<vmem>>, vector<16xf32>,
      tpu.vector_store %arg9[%swap3A_3824], %gather3A_3821 {strides = array<i32>} : memref<2048xf32, #tpu.memory_space<vmem>>, vector<16xf32>,
      %add3A_3826 = arith.constant 112 : i32
      %add3A_3827 = arith.addi %add3A_3653, %add3A_3826 : i32
      %get3A_3828 = arith.index_cast %add3A_3827 : i32 to index
      %get3A_3829 = tpu.vector_load %arg7[%get3A_3828] {strides = array<i32>} : memref<4096xi32, #tpu.memory_space<vmem>>, vector<16xi32>,
      %add3A_3830 = arith.constant 128 : i32
      %add3A_3831 = arith.addi %add3A_3653, %add3A_3830 : i32
      %add3A_3832 = arith.constant 112 : i32
      %add3A_3833 = arith.addi %add3A_3831, %add3A_3832 : i32
      %get3A_3834 = arith.index_cast %add3A_3833 : i32 to index
      %get3A_3835 = tpu.vector_load %arg7[%get3A_3834] {strides = array<i32>} : memref<4096xi32, #tpu.memory_space<vmem>>, vector<16xi32>,
      %shift_left3A_3836 = arith.constant 5 : i32
      %shift_left3A_3837 = vector.broadcast %shift_left3A_3836 : i32 to vector<16xi32>
      %shift_left3A_3838 = arith.shli %get3A_3829, %shift_left3A_3837 : vector<16xi32>
      %add3A_3839 = arith.addi %shift_left3A_3838, %get3A_3835 : vector<16xi32>
      %gather3A_3840 = tpu.vector_load_idx %arg10[%add3A_3839] : memref<512xf32, #tpu.memory_space<vmem>>[vector<16xi32>], vector<16xf32>,
      %add3A_3841 = arith.constant 112 : i32
      %add3A_3842 = arith.addi %shift_right_logical3A_3657, %add3A_3841 : i32
      %swap3A_3843 = arith.index_cast %add3A_3842 : i32 to index
      %swap3A_3844 = tpu.vector_load %arg8[%swap3A_3843] {strides = array<i32>} : memref<2048xf32, #tpu.memory_space<vmem>>, vector<16xf32>,
      tpu.vector_store %arg8[%swap3A_3843], %gather3A_3840 {strides = array<i32>} : memref<2048xf32, #tpu.memory_space<vmem>>, vector<16xf32>,
      %gather3A_3845 = tpu.vector_load_idx %arg11[%add3A_3839] : memref<512xf32, #tpu.memory_space<vmem>>[vector<16xi32>], vector<16xf32>,
      %add3A_3846 = arith.constant 112 : i32
      %add3A_3847 = arith.addi %shift_right_logical3A_3657, %add3A_3846 : i32
      %swap3A_3848 = arith.index_cast %add3A_3847 : i32 to index
      %swap3A_3849 = tpu.vector_load %arg9[%swap3A_3848] {strides = array<i32>} : memref<2048xf32, #tpu.memory_space<vmem>>, vector<16xf32>,
      tpu.vector_store %arg9[%swap3A_3848], %gather3A_3845 {strides = array<i32>} : memref<2048xf32, #tpu.memory_space<vmem>>, vector<16xf32>,
      %add3A_3850 = arith.constant 256 : i32
      %add3A_3851 = arith.addi %add3A_3653, %add3A_3850 : i32
      %scan3A_3852 = arith.constant 3 : i32
      %scan3A_3853 = arith.addi %scan3A_3259, %scan3A_3852 : i32
      %shift_right_logical3A_3854 = arith.constant 1 : i32
      %shift_right_logical3A_3855 = arith.shrui %add3A_3851, %shift_right_logical3A_3854 : i32
      %add3A_3856 = arith.constant 0 : i32
      %add3A_3857 = arith.addi %add3A_3851, %add3A_3856 : i32
      %get3A_3858 = arith.index_cast %add3A_3857 : i32 to index
      %get3A_3859 = tpu.vector_load %arg7[%get3A_3858] {strides = array<i32>} : memref<4096xi32, #tpu.memory_space<vmem>>, vector<16xi32>,
      %add3A_3860 = arith.constant 128 : i32
      %add3A_3861 = arith.addi %add3A_3851, %add3A_3860 : i32
      %add3A_3862 = arith.constant 0 : i32
      %add3A_3863 = arith.addi %add3A_3861, %add3A_3862 : i32
      %get3A_3864 = arith.index_cast %add3A_3863 : i32 to index
      %get3A_3865 = tpu.vector_load %arg7[%get3A_3864] {strides = array<i32>} : memref<4096xi32, #tpu.memory_space<vmem>>, vector<16xi32>,
      %shift_left3A_3866 = arith.constant 5 : i32
      %shift_left3A_3867 = vector.broadcast %shift_left3A_3866 : i32 to vector<16xi32>
      %shift_left3A_3868 = arith.shli %get3A_3859, %shift_left3A_3867 : vector<16xi32>
      %add3A_3869 = arith.addi %shift_left3A_3868, %get3A_3865 : vector<16xi32>
      %gather3A_3870 = tpu.vector_load_idx %arg10[%add3A_3869] : memref<512xf32, #tpu.memory_space<vmem>>[vector<16xi32>], vector<16xf32>,
      %add3A_3871 = arith.constant 0 : i32
      %add3A_3872 = arith.addi %shift_right_logical3A_3855, %add3A_3871 : i32
      %swap3A_3873 = arith.index_cast %add3A_3872 : i32 to index
      %swap3A_3874 = tpu.vector_load %arg8[%swap3A_3873] {strides = array<i32>} : memref<2048xf32, #tpu.memory_space<vmem>>, vector<16xf32>,
      tpu.vector_store %arg8[%swap3A_3873], %gather3A_3870 {strides = array<i32>} : memref<2048xf32, #tpu.memory_space<vmem>>, vector<16xf32>,
      %gather3A_3875 = tpu.vector_load_idx %arg11[%add3A_3869] : memref<512xf32, #tpu.memory_space<vmem>>[vector<16xi32>], vector<16xf32>,
      %add3A_3876 = arith.constant 0 : i32
      %add3A_3877 = arith.addi %shift_right_logical3A_3855, %add3A_3876 : i32
      %swap3A_3878 = arith.index_cast %add3A_3877 : i32 to index
      %swap3A_3879 = tpu.vector_load %arg9[%swap3A_3878] {strides = array<i32>} : memref<2048xf32, #tpu.memory_space<vmem>>, vector<16xf32>,
      tpu.vector_store %arg9[%swap3A_3878], %gather3A_3875 {strides = array<i32>} : memref<2048xf32, #tpu.memory_space<vmem>>, vector<16xf32>,
      %add3A_3880 = arith.constant 16 : i32
      %add3A_3881 = arith.addi %add3A_3851, %add3A_3880 : i32
      %get3A_3882 = arith.index_cast %add3A_3881 : i32 to index
      %get3A_3883 = tpu.vector_load %arg7[%get3A_3882] {strides = array<i32>} : memref<4096xi32, #tpu.memory_space<vmem>>, vector<16xi32>,
      %add3A_3884 = arith.constant 128 : i32
      %add3A_3885 = arith.addi %add3A_3851, %add3A_3884 : i32
      %add3A_3886 = arith.constant 16 : i32
      %add3A_3887 = arith.addi %add3A_3885, %add3A_3886 : i32
      %get3A_3888 = arith.index_cast %add3A_3887 : i32 to index
      %get3A_3889 = tpu.vector_load %arg7[%get3A_3888] {strides = array<i32>} : memref<4096xi32, #tpu.memory_space<vmem>>, vector<16xi32>,
      %shift_left3A_3890 = arith.constant 5 : i32
      %shift_left3A_3891 = vector.broadcast %shift_left3A_3890 : i32 to vector<16xi32>
      %shift_left3A_3892 = arith.shli %get3A_3883, %shift_left3A_3891 : vector<16xi32>
      %add3A_3893 = arith.addi %shift_left3A_3892, %get3A_3889 : vector<16xi32>
      %gather3A_3894 = tpu.vector_load_idx %arg10[%add3A_3893] : memref<512xf32, #tpu.memory_space<vmem>>[vector<16xi32>], vector<16xf32>,
      %add3A_3895 = arith.constant 16 : i32
      %add3A_3896 = arith.addi %shift_right_logical3A_3855, %add3A_3895 : i32
      %swap3A_3897 = arith.index_cast %add3A_3896 : i32 to index
      %swap3A_3898 = tpu.vector_load %arg8[%swap3A_3897] {strides = array<i32>} : memref<2048xf32, #tpu.memory_space<vmem>>, vector<16xf32>,
      tpu.vector_store %arg8[%swap3A_3897], %gather3A_3894 {strides = array<i32>} : memref<2048xf32, #tpu.memory_space<vmem>>, vector<16xf32>,
      %gather3A_3899 = tpu.vector_load_idx %arg11[%add3A_3893] : memref<512xf32, #tpu.memory_space<vmem>>[vector<16xi32>], vector<16xf32>,
      %add3A_3900 = arith.constant 16 : i32
      %add3A_3901 = arith.addi %shift_right_logical3A_3855, %add3A_3900 : i32
      %swap3A_3902 = arith.index_cast %add3A_3901 : i32 to index
      %swap3A_3903 = tpu.vector_load %arg9[%swap3A_3902] {strides = array<i32>} : memref<2048xf32, #tpu.memory_space<vmem>>, vector<16xf32>,
      tpu.vector_store %arg9[%swap3A_3902], %gather3A_3899 {strides = array<i32>} : memref<2048xf32, #tpu.memory_space<vmem>>, vector<16xf32>,
      %add3A_3904 = arith.constant 32 : i32
      %add3A_3905 = arith.addi %add3A_3851, %add3A_3904 : i32
      %get3A_3906 = arith.index_cast %add3A_3905 : i32 to index
      %get3A_3907 = tpu.vector_load %arg7[%get3A_3906] {strides = array<i32>} : memref<4096xi32, #tpu.memory_space<vmem>>, vector<16xi32>,
      %add3A_3908 = arith.constant 128 : i32
      %add3A_3909 = arith.addi %add3A_3851, %add3A_3908 : i32
      %add3A_3910 = arith.constant 32 : i32
      %add3A_3911 = arith.addi %add3A_3909, %add3A_3910 : i32
      %get3A_3912 = arith.index_cast %add3A_3911 : i32 to index
      %get3A_3913 = tpu.vector_load %arg7[%get3A_3912] {strides = array<i32>} : memref<4096xi32, #tpu.memory_space<vmem>>, vector<16xi32>,
      %shift_left3A_3914 = arith.constant 5 : i32
      %shift_left3A_3915 = vector.broadcast %shift_left3A_3914 : i32 to vector<16xi32>
      %shift_left3A_3916 = arith.shli %get3A_3907, %shift_left3A_3915 : vector<16xi32>
      %add3A_3917 = arith.addi %shift_left3A_3916, %get3A_3913 : vector<16xi32>
      %gather3A_3918 = tpu.vector_load_idx %arg10[%add3A_3917] : memref<512xf32, #tpu.memory_space<vmem>>[vector<16xi32>], vector<16xf32>,
      %add3A_3919 = arith.constant 32 : i32
      %add3A_3920 = arith.addi %shift_right_logical3A_3855, %add3A_3919 : i32
      %swap3A_3921 = arith.index_cast %add3A_3920 : i32 to index
      %swap3A_3922 = tpu.vector_load %arg8[%swap3A_3921] {strides = array<i32>} : memref<2048xf32, #tpu.memory_space<vmem>>, vector<16xf32>,
      tpu.vector_store %arg8[%swap3A_3921], %gather3A_3918 {strides = array<i32>} : memref<2048xf32, #tpu.memory_space<vmem>>, vector<16xf32>,
      %gather3A_3923 = tpu.vector_load_idx %arg11[%add3A_3917] : memref<512xf32, #tpu.memory_space<vmem>>[vector<16xi32>], vector<16xf32>,
      %add3A_3924 = arith.constant 32 : i32
      %add3A_3925 = arith.addi %shift_right_logical3A_3855, %add3A_3924 : i32
      %swap3A_3926 = arith.index_cast %add3A_3925 : i32 to index
      %swap3A_3927 = tpu.vector_load %arg9[%swap3A_3926] {strides = array<i32>} : memref<2048xf32, #tpu.memory_space<vmem>>, vector<16xf32>,
      tpu.vector_store %arg9[%swap3A_3926], %gather3A_3923 {strides = array<i32>} : memref<2048xf32, #tpu.memory_space<vmem>>, vector<16xf32>,
      %add3A_3928 = arith.constant 48 : i32
      %add3A_3929 = arith.addi %add3A_3851, %add3A_3928 : i32
      %get3A_3930 = arith.index_cast %add3A_3929 : i32 to index
      %get3A_3931 = tpu.vector_load %arg7[%get3A_3930] {strides = array<i32>} : memref<4096xi32, #tpu.memory_space<vmem>>, vector<16xi32>,
      %add3A_3932 = arith.constant 128 : i32
      %add3A_3933 = arith.addi %add3A_3851, %add3A_3932 : i32
      %add3A_3934 = arith.constant 48 : i32
      %add3A_3935 = arith.addi %add3A_3933, %add3A_3934 : i32
      %get3A_3936 = arith.index_cast %add3A_3935 : i32 to index
      %get3A_3937 = tpu.vector_load %arg7[%get3A_3936] {strides = array<i32>} : memref<4096xi32, #tpu.memory_space<vmem>>, vector<16xi32>,
      %shift_left3A_3938 = arith.constant 5 : i32
      %shift_left3A_3939 = vector.broadcast %shift_left3A_3938 : i32 to vector<16xi32>
      %shift_left3A_3940 = arith.shli %get3A_3931, %shift_left3A_3939 : vector<16xi32>
      %add3A_3941 = arith.addi %shift_left3A_3940, %get3A_3937 : vector<16xi32>
      %gather3A_3942 = tpu.vector_load_idx %arg10[%add3A_3941] : memref<512xf32, #tpu.memory_space<vmem>>[vector<16xi32>], vector<16xf32>,
      %add3A_3943 = arith.constant 48 : i32
      %add3A_3944 = arith.addi %shift_right_logical3A_3855, %add3A_3943 : i32
      %swap3A_3945 = arith.index_cast %add3A_3944 : i32 to index
      %swap3A_3946 = tpu.vector_load %arg8[%swap3A_3945] {strides = array<i32>} : memref<2048xf32, #tpu.memory_space<vmem>>, vector<16xf32>,
      tpu.vector_store %arg8[%swap3A_3945], %gather3A_3942 {strides = array<i32>} : memref<2048xf32, #tpu.memory_space<vmem>>, vector<16xf32>,
      %gather3A_3947 = tpu.vector_load_idx %arg11[%add3A_3941] : memref<512xf32, #tpu.memory_space<vmem>>[vector<16xi32>], vector<16xf32>,
      %add3A_3948 = arith.constant 48 : i32
      %add3A_3949 = arith.addi %shift_right_logical3A_3855, %add3A_3948 : i32
      %swap3A_3950 = arith.index_cast %add3A_3949 : i32 to index
      %swap3A_3951 = tpu.vector_load %arg9[%swap3A_3950] {strides = array<i32>} : memref<2048xf32, #tpu.memory_space<vmem>>, vector<16xf32>,
      tpu.vector_store %arg9[%swap3A_3950], %gather3A_3947 {strides = array<i32>} : memref<2048xf32, #tpu.memory_space<vmem>>, vector<16xf32>,
      %add3A_3952 = arith.constant 64 : i32
      %add3A_3953 = arith.addi %add3A_3851, %add3A_3952 : i32
      %get3A_3954 = arith.index_cast %add3A_3953 : i32 to index
      %get3A_3955 = tpu.vector_load %arg7[%get3A_3954] {strides = array<i32>} : memref<4096xi32, #tpu.memory_space<vmem>>, vector<16xi32>,
      %add3A_3956 = arith.constant 128 : i32
      %add3A_3957 = arith.addi %add3A_3851, %add3A_3956 : i32
      %add3A_3958 = arith.constant 64 : i32
      %add3A_3959 = arith.addi %add3A_3957, %add3A_3958 : i32
      %get3A_3960 = arith.index_cast %add3A_3959 : i32 to index
      %get3A_3961 = tpu.vector_load %arg7[%get3A_3960] {strides = array<i32>} : memref<4096xi32, #tpu.memory_space<vmem>>, vector<16xi32>,
      %shift_left3A_3962 = arith.constant 5 : i32
      %shift_left3A_3963 = vector.broadcast %shift_left3A_3962 : i32 to vector<16xi32>
      %shift_left3A_3964 = arith.shli %get3A_3955, %shift_left3A_3963 : vector<16xi32>
      %add3A_3965 = arith.addi %shift_left3A_3964, %get3A_3961 : vector<16xi32>
      %gather3A_3966 = tpu.vector_load_idx %arg10[%add3A_3965] : memref<512xf32, #tpu.memory_space<vmem>>[vector<16xi32>], vector<16xf32>,
      %add3A_3967 = arith.constant 64 : i32
      %add3A_3968 = arith.addi %shift_right_logical3A_3855, %add3A_3967 : i32
      %swap3A_3969 = arith.index_cast %add3A_3968 : i32 to index
      %swap3A_3970 = tpu.vector_load %arg8[%swap3A_3969] {strides = array<i32>} : memref<2048xf32, #tpu.memory_space<vmem>>, vector<16xf32>,
      tpu.vector_store %arg8[%swap3A_3969], %gather3A_3966 {strides = array<i32>} : memref<2048xf32, #tpu.memory_space<vmem>>, vector<16xf32>,
      %gather3A_3971 = tpu.vector_load_idx %arg11[%add3A_3965] : memref<512xf32, #tpu.memory_space<vmem>>[vector<16xi32>], vector<16xf32>,
      %add3A_3972 = arith.constant 64 : i32
      %add3A_3973 = arith.addi %shift_right_logical3A_3855, %add3A_3972 : i32
      %swap3A_3974 = arith.index_cast %add3A_3973 : i32 to index
      %swap3A_3975 = tpu.vector_load %arg9[%swap3A_3974] {strides = array<i32>} : memref<2048xf32, #tpu.memory_space<vmem>>, vector<16xf32>,
      tpu.vector_store %arg9[%swap3A_3974], %gather3A_3971 {strides = array<i32>} : memref<2048xf32, #tpu.memory_space<vmem>>, vector<16xf32>,
      %add3A_3976 = arith.constant 80 : i32
      %add3A_3977 = arith.addi %add3A_3851, %add3A_3976 : i32
      %get3A_3978 = arith.index_cast %add3A_3977 : i32 to index
      %get3A_3979 = tpu.vector_load %arg7[%get3A_3978] {strides = array<i32>} : memref<4096xi32, #tpu.memory_space<vmem>>, vector<16xi32>,
      %add3A_3980 = arith.constant 128 : i32
      %add3A_3981 = arith.addi %add3A_3851, %add3A_3980 : i32
      %add3A_3982 = arith.constant 80 : i32
      %add3A_3983 = arith.addi %add3A_3981, %add3A_3982 : i32
      %get3A_3984 = arith.index_cast %add3A_3983 : i32 to index
      %get3A_3985 = tpu.vector_load %arg7[%get3A_3984] {strides = array<i32>} : memref<4096xi32, #tpu.memory_space<vmem>>, vector<16xi32>,
      %shift_left3A_3986 = arith.constant 5 : i32
      %shift_left3A_3987 = vector.broadcast %shift_left3A_3986 : i32 to vector<16xi32>
      %shift_left3A_3988 = arith.shli %get3A_3979, %shift_left3A_3987 : vector<16xi32>
      %add3A_3989 = arith.addi %shift_left3A_3988, %get3A_3985 : vector<16xi32>
      %gather3A_3990 = tpu.vector_load_idx %arg10[%add3A_3989] : memref<512xf32, #tpu.memory_space<vmem>>[vector<16xi32>], vector<16xf32>,
      %add3A_3991 = arith.constant 80 : i32
      %add3A_3992 = arith.addi %shift_right_logical3A_3855, %add3A_3991 : i32
      %swap3A_3993 = arith.index_cast %add3A_3992 : i32 to index
      %swap3A_3994 = tpu.vector_load %arg8[%swap3A_3993] {strides = array<i32>} : memref<2048xf32, #tpu.memory_space<vmem>>, vector<16xf32>,
      tpu.vector_store %arg8[%swap3A_3993], %gather3A_3990 {strides = array<i32>} : memref<2048xf32, #tpu.memory_space<vmem>>, vector<16xf32>,
      %gather3A_3995 = tpu.vector_load_idx %arg11[%add3A_3989] : memref<512xf32, #tpu.memory_space<vmem>>[vector<16xi32>], vector<16xf32>,
      %add3A_3996 = arith.constant 80 : i32
      %add3A_3997 = arith.addi %shift_right_logical3A_3855, %add3A_3996 : i32
      %swap3A_3998 = arith.index_cast %add3A_3997 : i32 to index
      %swap3A_3999 = tpu.vector_load %arg9[%swap3A_3998] {strides = array<i32>} : memref<2048xf32, #tpu.memory_space<vmem>>, vector<16xf32>,
      tpu.vector_store %arg9[%swap3A_3998], %gather3A_3995 {strides = array<i32>} : memref<2048xf32, #tpu.memory_space<vmem>>, vector<16xf32>,
      %add3A_4000 = arith.constant 96 : i32
      %add3A_4001 = arith.addi %add3A_3851, %add3A_4000 : i32
      %get3A_4002 = arith.index_cast %add3A_4001 : i32 to index
      %get3A_4003 = tpu.vector_load %arg7[%get3A_4002] {strides = array<i32>} : memref<4096xi32, #tpu.memory_space<vmem>>, vector<16xi32>,
      %add3A_4004 = arith.constant 128 : i32
      %add3A_4005 = arith.addi %add3A_3851, %add3A_4004 : i32
      %add3A_4006 = arith.constant 96 : i32
      %add3A_4007 = arith.addi %add3A_4005, %add3A_4006 : i32
      %get3A_4008 = arith.index_cast %add3A_4007 : i32 to index
      %get3A_4009 = tpu.vector_load %arg7[%get3A_4008] {strides = array<i32>} : memref<4096xi32, #tpu.memory_space<vmem>>, vector<16xi32>,
      %shift_left3A_4010 = arith.constant 5 : i32
      %shift_left3A_4011 = vector.broadcast %shift_left3A_4010 : i32 to vector<16xi32>
      %shift_left3A_4012 = arith.shli %get3A_4003, %shift_left3A_4011 : vector<16xi32>
      %add3A_4013 = arith.addi %shift_left3A_4012, %get3A_4009 : vector<16xi32>
      %gather3A_4014 = tpu.vector_load_idx %arg10[%add3A_4013] : memref<512xf32, #tpu.memory_space<vmem>>[vector<16xi32>], vector<16xf32>,
      %add3A_4015 = arith.constant 96 : i32
      %add3A_4016 = arith.addi %shift_right_logical3A_3855, %add3A_4015 : i32
      %swap3A_4017 = arith.index_cast %add3A_4016 : i32 to index
      %swap3A_4018 = tpu.vector_load %arg8[%swap3A_4017] {strides = array<i32>} : memref<2048xf32, #tpu.memory_space<vmem>>, vector<16xf32>,
      tpu.vector_store %arg8[%swap3A_4017], %gather3A_4014 {strides = array<i32>} : memref<2048xf32, #tpu.memory_space<vmem>>, vector<16xf32>,
      %gather3A_4019 = tpu.vector_load_idx %arg11[%add3A_4013] : memref<512xf32, #tpu.memory_space<vmem>>[vector<16xi32>], vector<16xf32>,
      %add3A_4020 = arith.constant 96 : i32
      %add3A_4021 = arith.addi %shift_right_logical3A_3855, %add3A_4020 : i32
      %swap3A_4022 = arith.index_cast %add3A_4021 : i32 to index
      %swap3A_4023 = tpu.vector_load %arg9[%swap3A_4022] {strides = array<i32>} : memref<2048xf32, #tpu.memory_space<vmem>>, vector<16xf32>,
      tpu.vector_store %arg9[%swap3A_4022], %gather3A_4019 {strides = array<i32>} : memref<2048xf32, #tpu.memory_space<vmem>>, vector<16xf32>,
      %add3A_4024 = arith.constant 112 : i32
      %add3A_4025 = arith.addi %add3A_3851, %add3A_4024 : i32
      %get3A_4026 = arith.index_cast %add3A_4025 : i32 to index
      %get3A_4027 = tpu.vector_load %arg7[%get3A_4026] {strides = array<i32>} : memref<4096xi32, #tpu.memory_space<vmem>>, vector<16xi32>,
      %add3A_4028 = arith.constant 128 : i32
      %add3A_4029 = arith.addi %add3A_3851, %add3A_4028 : i32
      %add3A_4030 = arith.constant 112 : i32
      %add3A_4031 = arith.addi %add3A_4029, %add3A_4030 : i32
      %get3A_4032 = arith.index_cast %add3A_4031 : i32 to index
      %get3A_4033 = tpu.vector_load %arg7[%get3A_4032] {strides = array<i32>} : memref<4096xi32, #tpu.memory_space<vmem>>, vector<16xi32>,
      %shift_left3A_4034 = arith.constant 5 : i32
      %shift_left3A_4035 = vector.broadcast %shift_left3A_4034 : i32 to vector<16xi32>
      %shift_left3A_4036 = arith.shli %get3A_4027, %shift_left3A_4035 : vector<16xi32>
      %add3A_4037 = arith.addi %shift_left3A_4036, %get3A_4033 : vector<16xi32>
      %gather3A_4038 = tpu.vector_load_idx %arg10[%add3A_4037] : memref<512xf32, #tpu.memory_space<vmem>>[vector<16xi32>], vector<16xf32>,
      %add3A_4039 = arith.constant 112 : i32
      %add3A_4040 = arith.addi %shift_right_logical3A_3855, %add3A_4039 : i32
      %swap3A_4041 = arith.index_cast %add3A_4040 : i32 to index
      %swap3A_4042 = tpu.vector_load %arg8[%swap3A_4041] {strides = array<i32>} : memref<2048xf32, #tpu.memory_space<vmem>>, vector<16xf32>,
      tpu.vector_store %arg8[%swap3A_4041], %gather3A_4038 {strides = array<i32>} : memref<2048xf32, #tpu.memory_space<vmem>>, vector<16xf32>,
      %gather3A_4043 = tpu.vector_load_idx %arg11[%add3A_4037] : memref<512xf32, #tpu.memory_space<vmem>>[vector<16xi32>], vector<16xf32>,
      %add3A_4044 = arith.constant 112 : i32
      %add3A_4045 = arith.addi %shift_right_logical3A_3855, %add3A_4044 : i32
      %swap3A_4046 = arith.index_cast %add3A_4045 : i32 to index
      %swap3A_4047 = tpu.vector_load %arg9[%swap3A_4046] {strides = array<i32>} : memref<2048xf32, #tpu.memory_space<vmem>>, vector<16xf32>,
      tpu.vector_store %arg9[%swap3A_4046], %gather3A_4043 {strides = array<i32>} : memref<2048xf32, #tpu.memory_space<vmem>>, vector<16xf32>,
      %add3A_4048 = arith.constant 256 : i32
      %add3A_4049 = arith.addi %add3A_3851, %add3A_4048 : i32
      scf.yield %add3A_4049 : i32
    }
    %scan3A_3246 = arith.constant 16 : i32
    %mul3A_3247 = arith.constant 2048 : i32
    %mul3A_3248 = arith.muli %add3A, %mul3A_3247 : i32
    %dma_start3A_3249 = tpu.memref_slice %arg5[%mul3A_3248] : memref<65536xf32, #tpu.memory_space<hbm>> -> memref<2048xf32, #tpu.memory_space<hbm>>
    %dma_start3A_3250 = tpu.memref_slice %arg5[%mul3A_3248] : memref<65536xf32, #tpu.memory_space<hbm>> -> memref<2048xf32, #tpu.memory_space<hbm>>
    tpu.enqueue_dma source(%arg8 : memref<2048xf32, #tpu.memory_space<vmem>>) target(%dma_start3A_3250 : memref<2048xf32, #tpu.memory_space<hbm>>) target_semaphore(%arg18 : memref<!tpu.dma_semaphore, #tpu.memory_space<semaphore_mem>>)
    %mul3A_3251 = arith.constant 2048 : i32
    %mul3A_3252 = arith.muli %add3A, %mul3A_3251 : i32
    %dma_start3A_3253 = tpu.memref_slice %arg6[%mul3A_3252] : memref<65536xf32, #tpu.memory_space<hbm>> -> memref<2048xf32, #tpu.memory_space<hbm>>
    %dma_start3A_3254 = tpu.memref_slice %arg6[%mul3A_3252] : memref<65536xf32, #tpu.memory_space<hbm>> -> memref<2048xf32, #tpu.memory_space<hbm>>
    tpu.enqueue_dma source(%arg9 : memref<2048xf32, #tpu.memory_space<vmem>>) target(%dma_start3A_3254 : memref<2048xf32, #tpu.memory_space<hbm>>) target_semaphore(%arg18 : memref<!tpu.dma_semaphore, #tpu.memory_space<semaphore_mem>>)
    %dma_wait3A_3255 = tpu.memref_slice %arg5[%mul3A_3248] : memref<65536xf32, #tpu.memory_space<hbm>> -> memref<2048xf32, #tpu.memory_space<hbm>>
    %dma_wait3A_3256 = tpu.memref_slice %arg5[%mul3A_3248] : memref<65536xf32, #tpu.memory_space<hbm>> -> memref<2048xf32, #tpu.memory_space<hbm>>
    tpu.wait_dma2 semaphore(%arg18 : memref<!tpu.dma_semaphore, #tpu.memory_space<semaphore_mem>>) src(%arg8 : memref<2048xf32, #tpu.memory_space<vmem>>) dst(%dma_wait3A_3256 : memref<2048xf32, #tpu.memory_space<hbm>>)
    %dma_wait3A_3257 = tpu.memref_slice %arg6[%mul3A_3252] : memref<65536xf32, #tpu.memory_space<hbm>> -> memref<2048xf32, #tpu.memory_space<hbm>>
    %dma_wait3A_3258 = tpu.memref_slice %arg6[%mul3A_3252] : memref<65536xf32, #tpu.memory_space<hbm>> -> memref<2048xf32, #tpu.memory_space<hbm>>
    tpu.wait_dma2 semaphore(%arg18 : memref<!tpu.dma_semaphore, #tpu.memory_space<semaphore_mem>>) src(%arg9 : memref<2048xf32, #tpu.memory_space<vmem>>) dst(%dma_wait3A_3258 : memref<2048xf32, #tpu.memory_space<hbm>>)
    return
  }
}

</mosaic_0001>

<sc_bundles>
// kernel: kernel.3.cloned.1.call-start
scs
__scs_entry_jumppad:
0x0: {  	(pc) =	sbr.rel $0x88, $3  }
0x1: {  	(tag) =	ssettag $0x0;
	lr =	simm.s32 $0x1  }
0x2: {  	[smem:$0x3F9C] =	sst lr;
	_ =	strace $0xD0000000  }
0x3: {  	_ = 	snop  }
0x4: {  	_ = 	snop  }
0x5: {  	_ = 	snop  }
0x6: {  	_ = 	snop  }
0x7: {  	_ = 	snop  }
__scs_overlays_trampoline_lowered:
0x8: {  	[smem:$0x3FAB] =	sst s0  }
0x9: {  	[smem:$0x3FAC] =	sst s1  }
0xa: {  	[smem:$0x3FAD] =	sst s2  }
0xb: {  	[smem:$0x3FAE] =	sst s3  }
0xc: {  	[smem:$0x3FAF] =	sst s4  }
0xd: {  	[smem:$0x3FB0] =	sst s5  }
0xe: {  	[smem:$0x3FB1] =	sst s6  }
0xf: {  	[smem:$0x3FB2] =	sst s7  }
0x10: {  	[smem:$0x3FB3] =	sst s8  }
0x11: {  	[smem:$0x3FB4] =	sst s9;
	s0 =	simm.s32 @!p0 $0x0  }
0x12: {  	s1 =	sld [smem:$0x3F9A];
	s0 =	simm.s32 @p0 $0x1  }
0x13: {  	[smem:$0x3FB5] =	sst s0;
	s0 =	simm.s32 @!p1 $0x0  }
0x14: {  	s2 =	sld [smem:$0x3F99];
	s0 =	simm.s32 @p1 $0x1  }
0x15: {  	[smem:$0x3FB6] =	sst s0;
	s0 =	simm.s32 @!p2 $0x0  }
0x16: {  	s3 =	sld [smem:$0x3FDB];
	s0 =	simm.s32 @p2 $0x1  }
0x17: {  	s4 =	simm.s32 $0x1BF5;
	[smem:$0x3FB8] =	sst s0  }
0x18: {  	s0 =	sld [smem:$0x3F9B];
	_ =	swait.ge [sflag:s4], $0x0  }
0x19: {  	s7 =	sld [smem:$0x3F9C]  }
0x1a: {  	s8 =	sadd.s32 $0xFFFFE003, lr  }
0x1b: {  	s9 =	sadd.s32 $0xFFFFFEF7, lr;
	s5 =	simm.s32 $0xFFFFFFFF;
	p2 =	slt.u32 s8, $0xFFFFF086  }
0x1c: {  	p1 =	slt.u32 s9, $0xF7A;
	s5 =	simm.s32 @!p2 $0x0  }
0x1d: {  	s5 =	simm.s32 @p1 $0x1;
	p0 =	seq.s32 s7, s2  }
0x1e: {  	s7 =	smul.u32 @!p0 $0xF7A, s2;
	p2 =	seq.s32 @!p0 s5, $0x0  }
0x1f: {  	s9 =	smul.u32 $0xF7A, s1;
	s8 =	simm.s32 @!p0 $0x1BF5;
	p2 =	por !p2, p0  }
0x20: {  	[sflag:s8] =	ssyncset.s32 @!p0 $0xFFFFF086;
	s6 =	sadd.s32 @!p0 s3, s7;
	s7 =	simm.s32 @!p0 $0x108  }
0x21: {  	s3 =	sadd.s32 s3, s9;
	s6 =	sadd.s32 @!p0 $0x88, s6;
	s7 =	simm.s32 @p2 $0x1082  }
0x22: {  	[simem:s7], [sflag:s8] =	dma.local @!p0 [hbm:s6], $0xF7A  }
0x23: {  	s9 =	sor.u32 $0xD0000000, s2;
	s6 =	simm.s32 $0x108;
	_ =	swait.ge @!p0 [sflag:s8], $0x0  }
0x24: {  	s3 =	sadd.s32 $0x88, s3;
	s6 =	simm.s32 @!p1 $0x1082;
	[sflag:s4] =	ssyncset.s32 $0xFFFFF086  }
0x25: {  	[simem:s6], [sflag:s4] =	dma.local [hbm:s3], $0xF7A  }
0x26: {  	[smem:$0x3F9C] =	sst s1;
	(tag) =	ssettag s2;
	_ =	strace s9  }
0x27: {  	s1 =	sld [smem:$0x3FAC]  }
0x28: {  	s2 =	sld [smem:$0x3FAD]  }
0x29: {  	s4 =	sld [smem:$0x3FAF]  }
0x2a: {  	p0 =	seq.s32 s5, $0x0;
	s5 =	sld [smem:$0x3FB0]  }
0x2b: {  	s6 =	sld [smem:$0x3FB1]  }
0x2c: {  	s7 =	sld [smem:$0x3FB2]  }
0x2d: {  	s3 =	simm.s32 $0x108;
	s8 =	sld [smem:$0x3FB3]  }
0x2e: {  	s3 =	simm.s32 @!p0 $0x1082;
	s9 =	sld [smem:$0x3FB4]  }
0x2f: {  	lr =	sadd.s32 s0, s3;
	s0 =	sld [smem:$0x3FAB]  }
0x30: {  	s3 =	sld [smem:$0x3FAE]  }
0x31: {  	[smem:$0x3FB7] =	sst s10  }
0x32: {  	s10 =	sld [smem:$0x3FB5];
	_ =	sdelay $0x3  }
0x33: {  	p0 =	seq.s32 s10, $0x1;
	s10 =	sld [smem:$0x3FB7];
	_ =	sdelay $0x3  }
0x34: {  	[smem:$0x3FB7] =	sst s10  }
0x35: {  	s10 =	sld [smem:$0x3FB6];
	_ =	sdelay $0x3  }
0x36: {  	p1 =	seq.s32 s10, $0x1;
	s10 =	sld [smem:$0x3FB7];
	_ =	sdelay $0x3  }
0x37: {  	[smem:$0x3FB7] =	sst s10  }
0x38: {  	s10 =	sld [smem:$0x3FB8]  }
0x39: {  	_ = 	snop;
	(pc) =	sbr.ind lr, $3  }
0x3a: {  	_ = 	snop  }
0x3b: {  	_ = 	snop  }
0x3c: {  	p2 =	seq.s32 s10, $0x1;
	s10 =	sld [smem:$0x3FB7]  }
0x3d: {  	_ =	shalt  }
0x3e: {  	_ =	shalt  }
0x3f: {  	_ =	shalt  }
0x40: {  	_ =	shalt  }
0x41: {  	_ =	shalt  }
0x42: {  	_ =	shalt  }
0x43: {  	_ =	shalt  }
0x44: {  	_ =	shalt  }
0x45: {  	_ =	shalt  }
0x46: {  	_ =	shalt  }
0x47: {  	_ =	shalt  }
0x48: {  	_ =	shalt  }
0x49: {  	_ =	shalt  }
0x4a: {  	_ =	shalt  }
0x4b: {  	_ =	shalt  }
0x4c: {  	_ =	shalt  }
0x4d: {  	_ =	shalt  }
0x4e: {  	_ =	shalt  }
0x4f: {  	_ =	shalt  }
0x50: {  	_ =	shalt  }
0x51: {  	_ =	shalt  }
0x52: {  	_ =	shalt  }
0x53: {  	_ =	shalt  }
0x54: {  	_ =	shalt  }
0x55: {  	_ =	shalt  }
0x56: {  	_ =	shalt  }
0x57: {  	_ =	shalt  }
0x58: {  	_ =	shalt  }
0x59: {  	_ =	shalt  }
0x5a: {  	_ =	shalt  }
0x5b: {  	_ =	shalt  }
0x5c: {  	_ =	shalt  }
0x5d: {  	_ =	shalt  }
0x5e: {  	_ =	shalt  }
0x5f: {  	_ =	shalt  }
0x60: {  	_ =	shalt  }
0x61: {  	_ =	shalt  }
0x62: {  	_ =	shalt  }
0x63: {  	_ =	shalt  }
0x64: {  	_ =	shalt  }
0x65: {  	_ =	shalt  }
0x66: {  	_ =	shalt  }
0x67: {  	_ =	shalt  }
0x68: {  	_ =	shalt  }
0x69: {  	_ =	shalt  }
0x6a: {  	_ =	shalt  }
0x6b: {  	_ =	shalt  }
0x6c: {  	_ =	shalt  }
0x6d: {  	_ =	shalt  }
0x6e: {  	_ =	shalt  }
0x6f: {  	_ =	shalt  }
0x70: {  	_ =	shalt  }
0x71: {  	_ =	shalt  }
0x72: {  	_ =	shalt  }
0x73: {  	_ =	shalt  }
0x74: {  	_ =	shalt  }
0x75: {  	_ =	shalt  }
0x76: {  	_ =	shalt  }
0x77: {  	_ =	shalt  }
0x78: {  	_ =	shalt  }
0x79: {  	_ =	shalt  }
0x7a: {  	_ =	shalt  }
0x7b: {  	_ =	shalt  }
0x7c: {  	_ =	shalt  }
0x7d: {  	_ =	shalt  }
0x7e: {  	_ =	shalt  }
0x7f: {  	_ =	shalt  }
0x80: {  	_ =	shalt  }
0x81: {  	_ =	shalt  }
0x82: {  	_ =	shalt  }
0x83: {  	_ =	shalt  }
0x84: {  	_ =	shalt  }
0x85: {  	_ =	shalt  }
0x86: {  	_ =	shalt  }
0x87: {  	_ =	shalt  }
.Lfunc_end0:
.L_simem_size_0:
called_computation_lowered:
.L_overlay_start_0:
0x88: {  	s2 =	sld [smem:$0x3FD9]  }
0x89: {  	s3 =	sld [smem:$0x3FFE];
	_ =	sdelay $0x1  }
0x8a: {  	s1 =	srdreg.scid  }
0x8b: {  	s0 =	sand.u32 $0x1, s1  }
0x8c: {  	s17 =	sshll.u32 s0, $0xA;
	s2 =	sadd.s32 s3, s2  }
0x8d: {  	s2 =	sadd.s32 s2, s17  }
0x8e: {  	[smem:$0x3FC3] =	sst s2  }
0x8f: {  	_ = 	snop  }
0x90: {  	s2 =	sld [smem:$0x3FD0];
	(tm) =	ssettm $0x1  }
0x91: {  	s18 =	sld [smem:$0x3FFB];
	_ =	sdelay $0x3  }
0x92: {  	_ =	strace s18  }
0x93: {  	s3 =	sld [smem:$0x3FFC];
	_ =	sdelay $0x3  }
0x94: {  	_ =	strace s3  }
0x95: {  	s3 =	sld [smem:$0x3FFD];
	_ =	sdelay $0x3  }
0x96: {  	_ =	strace s3  }
0x97: {  	_ =	strace $0x8FFFFFFF  }
0x98: {  	s19 =	sld [smem:$0x3FDB];
	_ =	sdelay $0x1  }
0x99: {  	s4 =	simm.s32 $_scs_section_size  }
0x9a: {  	s5 =	simm.s32 $_size__tile_overlayer_lowered;
	s6 =	simm.s32 $_tile_overlayer_lowered  }
0x9b: {  	s22 =	simm.s32 $0x1BFF;
	s21 =	sshll.u32 s6, $0x1;
	s3 =	sadd.s32 s4, s19  }
0x9c: {  	s7 =	simm.s32 $0x0;
	s20 =	sshll.u32 s5, $0x1;
	s5 =	sadd.s32 s21, s3  }
0x9d: {  	[timem:s7], [sflag:s22] =	dma.local [hbm:s5], s20  }
0x9e: {  	_ =	swait.ge [sflag:s22], s20  }
0x9f: {  	s4 =	ssub.s32 $0x0, s20;
	[sflag:s22] =	ssyncset.done $0x0  }
0xa0: {  	[sflag:s22] =	ssyncadd.s32 s4;
	_ =	sdelay $0x1  }
0xa1: {  	s23 =	simm.s32 $0x1B8B  }
0xa2: {  	_ =	swait.ge [sflag:s23], $0x1  }
0xa3: {  	[sflag:s23] =	ssyncset.done $0x0  }
0xa4: {  	s25 =	simm.s32 $0x1B8E;
	s24 =	sld [smem:$0x3FFE];
	[sflag:s23] =	ssyncadd.s32 $0xFFFFFFFF  }
0xa5: {  	s26 =	simm.s32 $execute0_lowered;
	[smem:$0x3FD2] =	sst s25  }
0xa6: {  	s5 =	sshll.u32 s26, $0x1;
	_ =	strace $0x80000046;
	[dreg:$0x1] =	wrdreg $0xFFFFFFFF  }
0xa7: {  	s28 =	simm.s32 $_size_execute0_lowered;
	s3 =	sadd.s32 s3, s5;
	[dreg:$0x0] =	wrdreg $0x0  }
0xa8: {  	s5 =	sshll.u32 s28, $0x1;
	[dreg:$0x2] =	wrdreg s3  }
0xa9: {  	[dreg:$0x3] =	wrdreg s5  }
0xaa: {  	[dreg:$0x4] =	wrdreg $0xC0  }
0xab: {  	_ =	task [dreg:s7], $0x5FFFF  }
0xac: {  	[dreg:$0x1] =	wrdreg $0xFFFFFFFF  }
0xad: {  	[dreg:$0x0] =	wrdreg $0x60  }
0xae: {  	[dreg:$0x2] =	wrdreg s2  }
0xaf: {  	[dreg:$0x3] =	wrdreg s24  }
0xb0: {  	[dreg:$0x4] =	wrdreg $0x9  }
0xb1: {  	_ =	task.clear_ibuf [dreg:s7], $0x5FFFF;
	_ =	strace $0x90000046  }
0xb2: {  	s29 =	simm.s32 $0x9;
	_ =	strace $0x80000048  }
0xb3: {  	_ =	swait.ge [sflag:s29], $0x1  }
0xb4: {  	[sflag:s29] =	ssyncadd.s32 $0xFFFFFFFF  }
0xb5: {  	_ =	strace $0x90000048  }
0xb6: {  	_ =	sfence  }
0xb7: {  	s30 =	sld [smem:$0x0];
	_ =	sdelay $0x2  }
0xb8: {  	s31 =	sshll.u32 s1, $0xD;
	s1 =	sshrl.u32 s1, $0x2  }
0xb9: {  	s3 =	sand.u32 $0x4000, s31;
	s1 =	sadd.s32 s1, s30  }
0xba: {  	s0 =	sor.u32 s3, s0;
	s1 =	sshll.u32 s1, $0x11  }
0xbb: {  	s0 =	sor.u32 s1, s0  }
0xbc: {  	s0 =	sadd.s32 $0x8F2B, s0  }
0xbd: {  	[sflag:s0] =	ssyncadd.remote.s32 $0x1  }
0xbe: {  	_ =	sfence.sel $0xFFFF  }
0xbf: {  	[dreg:$0x0] =	wrdreg $0xFFFFFFFF;
	(pc) =	sbr.abs _section_cstart, $3  }
0xc0: {  	[dreg:$0x1] =	wrdreg $0xFFFFFFFF  }
0xc1: {  	_ =	task.clear_ibuf [dreg:s7], $0x2FFFF;
	_ =	strace $0x9FFFFFFF  }
0xc2: {  	(tm) =	ssettm $0x7FFFFFFF  }
0xc3: {  	_ =	shalt  }
tec
execute0_lowered:
.L_overlay_start_1:
0x0: {  	(tag) =	ssettag $0x1  }
0x1: {  	s5 =	rddreg [dreg:$0x0]  }
0x2: {  	s6 =	rddreg [dreg:$0x1]  }
0x3: {  	s0 =	rddreg [dreg:$0x2];
	s2 =	simm.s32 $0x0;
	s4 =	srdreg.scid  }
0x4: {  	s1 =	stileid.u32;
	s11 =	simm.s32 $0x1;
	s12 =	simm.s32 $0x2600  }
0x5: {  	s13 =	simm.s32 $0x2680;
	s14 =	simm.s32 $0x2;
	s15 =	simm.s32 $0x3  }
0x6: {  	s16 =	simm.s32 $0x2000;
	s17 =	simm.s32 $0x2200;
	s18 =	simm.s32 $0x1000  }
0x7: {  	s19 =	simm.s32 $0x1800;
	s20 =	simm.s32 $0x0;
	[smem:$0x7FF] =	sst s2  }
0x8: {  	s3 =	sadd.s32 $0xE00, s6;
	s7 =	sand.u32 $0x1, s4;
	s8 =	sshll.u32 s1, $0x1  }
0x9: {  	s4 =	sadd.s32 $0xC00, s6;
	s8 =	sor.u32 s7, s8;
	s7 =	ssub.s32 $0x2, s7  }
0xa: {  	_ =	strace $0x80000047;
	s9 =	sshll.u32 s8, $0x8;
	s10 =	sshrl.u32 s7, $0x1  }
0xb: {  	s8 =	sshll.u32 s8, $0x9;
	s9 =	sadd.s32 s9, s6;
	s10 =	ssub.s32 s7, s10  }
0xc: {  	v0 =	vlaneseq.u32;
	s5 =	sadd.s32 s5, s8;
	s6 =	sadd.s32 $0x1000, s9;
	s7 =	sadd.s32 $0x3000, s9  }
0xd: {  	v1 =	vor.u32 $0x10, v0;
	s8 =	smax.u32 s10, $0x1;
	s9 =	simm.s32 $0x2580;
	s10 =	simm.s32 $0x2400  }
.LBB2_1:
0xe: {  	[tilespmem:s2], [sflag:$0x3] =	stream.linear.gather [hbm4b:s5+s2], $0x1000, $0x38;
	[tilespmem:$0x2700] =	vst v63  }
0xf: {  	_ = 	snop  }
0x10: {  	[tilespmem:s9], [sflag:$0x1] =	stream.linear.gather [hbm4b:s4+s2], $0x80, $0x38;
	[tilespmem:$0x2700] =	vst v63  }
0x11: {  	_ = 	snop  }
0x12: {  	[tilespmem:s10], [sflag:$0x2] =	stream.linear.gather [hbm4b:s3+s2], $0x180, $0x38;
	[tilespmem:$0x2700] =	vst v63  }
0x13: {  	_ =	swait.ge [sflag:s11], $0x80  }
0x14: {  	[sflag:s11] =	ssyncset.done $0x0  }
0x15: {  	[sflag:s11] =	ssyncadd.s32 $0xFFFFFF80  }
0x16: {  	v2 =	vld [tilespmem:$0x2580];
	_ =	sdelay $0x7  }
0x17: {  	[tilespmem:v2+s12+$0x0] =	vst.idx.msk $0xffff, v0  }
0x18: {  	v2 =	vld [tilespmem:$0x2590];
	_ =	sdelay $0x7  }
0x19: {  	[tilespmem:v2+s13+$0x0] =	vst.idx.msk $0xffff, v0  }
0x1a: {  	v2 =	vld [tilespmem:$0x25A0];
	_ =	sdelay $0x7  }
0x1b: {  	[tilespmem:v2+s13+$0x0] =	vst.idx.msk $0xffff, v1  }
0x1c: {  	_ =	swait.ge [sflag:s14], $0x180  }
0x1d: {  	[sflag:s14] =	ssyncset.done $0x0  }
0x1e: {  	[sflag:s14] =	ssyncadd.s32 $0xFFFFFE80  }
0x1f: {  	v2 =	vld [tilespmem:$0x2600];
	_ =	sdelay $0x4  }
0x20: {  	v2 =	vshll.u32 v2, $0x6  }
0x21: {  	v2 =	vshra.s32 v2, $0x2  }
0x22: {  	v2 =	vadd.s32 $0x2400, v2  }
0x23: {  	(v2sf) =	vpush v2, $0x0;
	_ =	sdelay $0x4  }
0x24: {  	v3 =	vld.idx.msk [tilespmem:v0+s13+$0x0], $0xffff;
	_ =	sdelay $0x4  }
0x25: {  	v4 =	vshll.u32 v3, $0x1  }
0x26: {  	v3 =	vadd.s32 v4, v3  }
0x27: {  	v4 =	vadd.s32 $0x100, v3  }
0x28: {  	v3 =	vadd.s32 $0x101, v3;
	_ =	sdelay $0x1  }
0x29: {  	v6 =	vadd.s32 $0x2, v4;
	s21 =	spop (v2sf)  }
0x2a: {  	v5 =	vld [tilespmem:s21+$0x0]  }
0x2b: {  	v4 =	vld.idx.msk [tilespmem:v4+s10+$0x0], $0xffff  }
0x2c: {  	v3 =	vld.idx.msk [tilespmem:v3+s10+$0x0], $0xffff;
	_ =	sdelay $0x1  }
0x2d: {  	v6 =	vld.idx.msk [tilespmem:v6+s10+$0x0], $0xffff  }
0x2e: {  	v7 =	vbroadcast v5, $0x8;
	v8 =	vbroadcast v5, $0x9  }
0x2f: {  	v9 =	vbroadcast v5, $0xA  }
0x30: {  	v7 =	vmul.f32 v4, v7;
	v8 =	vmul.f32 v3, v8;
	_ =	sdelay $0x1  }
0x31: {  	v60 =	vmul.f32 v6, v9;
	v7 =	vadd.f32 v8, v7;
	_ =	sdelay $0x1  }
0x32: {  	v61 =	vbroadcast v5, $0xB;
	v7 =	vadd.f32 v60, v7;
	_ =	sdelay $0x1  }
0x33: {  	v62 =	vbroadcast v5, $0x0;
	v7 =	vadd.f32 v7, v61  }
0x34: {  	v12 =	vbroadcast v5, $0x1;
	v10 =	vbroadcast v5, $0x4  }
0x35: {  	v14 =	vbroadcast v5, $0x5;
	(erf) = vrcp.f32 v7  }
0x36: {  	v15 =	vbroadcast v5, $0x2;
	v16 =	vbroadcast v5, $0x6  }
0x37: {  	v63 =	vmul.f32 v4, v62;
	v13 =	vmul.f32 v3, v12  }
0x38: {  	v4 =	vmul.f32 v4, v10;
	v3 =	vmul.f32 v3, v14  }
0x39: {  	v17 =	vmul.f32 v6, v15;
	v7 =	vadd.f32 v13, v63  }
0x3a: {  	v18 =	vmul.f32 v6, v16;
	v3 =	vadd.f32 v3, v4  }
0x3b: {  	v20 =	vbroadcast v5, $0x3;
	v19 =	vadd.f32 v17, v7  }
0x3c: {  	v21 =	vbroadcast v5, $0x7;
	v3 =	vadd.f32 v18, v3  }
0x3d: {  	v22 =	vadd.f32 v19, v20  }
0x3e: {  	v3 =	vadd.f32 v3, v21;
	v23 =	vpop (erf)  }
0x3f: {  	v5 =	vmul.f32 v23, v22  }
0x40: {  	v3 =	vmul.f32 v23, v3  }
0x41: {  	v24 =	vmul.f32 $3.200000000e+02, v5  }
0x42: {  	v3 =	vmul.f32 $3.200000000e+02, v3  }
0x43: {  	v4 =	vadd.f32 $3.200000000e+02, v24  }
0x44: {  	v3 =	vadd.f32 $2.400000000e+02, v3  }
0x45: {  	[tilespmem:$0x2000] =	vst v4  }
0x46: {  	[tilespmem:$0x2200] =	vst v3  }
0x47: {  	v3 =	vld.idx.msk [tilespmem:v1+s13+$0x0], $0xffff;
	_ =	sdelay $0x4  }
0x48: {  	v25 =	vshll.u32 v3, $0x1  }
0x49: {  	v3 =	vadd.s32 v25, v3  }
0x4a: {  	v4 =	vadd.s32 $0x100, v3  }
0x4b: {  	v26 =	vadd.s32 $0x101, v3;
	_ =	sdelay $0x1  }
0x4c: {  	v3 =	vadd.s32 $0x102, v3  }
0x4d: {  	v27 =	vld [tilespmem:s21+$0x0]  }
0x4e: {  	v4 =	vld.idx.msk [tilespmem:v4+s10+$0x0], $0xffff  }
0x4f: {  	v5 =	vld.idx.msk [tilespmem:v26+s10+$0x0], $0xffff;
	_ =	sdelay $0x1  }
0x50: {  	v3 =	vld.idx.msk [tilespmem:v3+s10+$0x0], $0xffff  }
0x51: {  	v28 =	vbroadcast v27, $0x8;
	v29 =	vbroadcast v27, $0x9  }
0x52: {  	v30 =	vbroadcast v27, $0xA  }
0x53: {  	v7 =	vmul.f32 v4, v28;
	v8 =	vmul.f32 v5, v29;
	_ =	sdelay $0x1  }
0x54: {  	v31 =	vmul.f32 v3, v30;
	v7 =	vadd.f32 v8, v7;
	_ =	sdelay $0x1  }
0x55: {  	v32 =	vbroadcast v27, $0xB;
	v7 =	vadd.f32 v31, v7;
	_ =	sdelay $0x1  }
0x56: {  	v33 =	vbroadcast v27, $0x0;
	v7 =	vadd.f32 v7, v32  }
0x57: {  	v35 =	vbroadcast v27, $0x1;
	v36 =	vbroadcast v27, $0x4  }
0x58: {  	v38 =	vbroadcast v27, $0x5;
	(erf) = vrcp.f32 v7  }
0x59: {  	v39 =	vbroadcast v27, $0x2;
	v40 =	vbroadcast v27, $0x6  }
0x5a: {  	v34 =	vmul.f32 v4, v33;
	v37 =	vmul.f32 v5, v35  }
0x5b: {  	v4 =	vmul.f32 v4, v36;
	v5 =	vmul.f32 v5, v38  }
0x5c: {  	v41 =	vmul.f32 v3, v39;
	v7 =	vadd.f32 v37, v34  }
0x5d: {  	v3 =	vmul.f32 v3, v40;
	v4 =	vadd.f32 v5, v4  }
0x5e: {  	v43 =	vbroadcast v27, $0x3;
	v42 =	vadd.f32 v41, v7  }
0x5f: {  	v44 =	vbroadcast v27, $0x7;
	v3 =	vadd.f32 v3, v4  }
0x60: {  	v5 =	vadd.f32 v42, v43  }
0x61: {  	v3 =	vadd.f32 v3, v44;
	v45 =	vpop (erf)  }
0x62: {  	v5 =	vmul.f32 v45, v5  }
0x63: {  	v3 =	vmul.f32 v45, v3  }
0x64: {  	v46 =	vmul.f32 $3.200000000e+02, v5  }
0x65: {  	(v2sf) =	vpush v2, $0x1;
	v3 =	vmul.f32 $3.200000000e+02, v3  }
0x66: {  	v4 =	vadd.f32 $3.200000000e+02, v46  }
0x67: {  	v3 =	vadd.f32 $2.400000000e+02, v3  }
0x68: {  	[tilespmem:$0x2010] =	vst v4  }
0x69: {  	[tilespmem:$0x2210] =	vst v3  }
0x6a: {  	v3 =	vld.idx.msk [tilespmem:v0+s13+$0x0], $0xffff;
	_ =	sdelay $0x4  }
0x6b: {  	v47 =	vshll.u32 v3, $0x1  }
0x6c: {  	v3 =	vadd.s32 v47, v3  }
0x6d: {  	v4 =	vadd.s32 $0x100, v3  }
0x6e: {  	v48 =	vadd.s32 $0x101, v3;
	_ =	sdelay $0x1  }
0x6f: {  	s25 =	spop (v2sf);
	v3 =	vadd.s32 $0x102, v3  }
0x70: {  	v49 =	vld [tilespmem:s25+$0x0]  }
0x71: {  	v4 =	vld.idx.msk [tilespmem:v4+s10+$0x0], $0xffff  }
0x72: {  	v5 =	vld.idx.msk [tilespmem:v48+s10+$0x0], $0xffff;
	_ =	sdelay $0x1  }
0x73: {  	v3 =	vld.idx.msk [tilespmem:v3+s10+$0x0], $0xffff  }
0x74: {  	v50 =	vbroadcast v49, $0x8;
	v51 =	vbroadcast v49, $0x9  }
0x75: {  	v52 =	vbroadcast v49, $0xA  }
0x76: {  	v7 =	vmul.f32 v4, v50;
	v8 =	vmul.f32 v5, v51;
	_ =	sdelay $0x1  }
0x77: {  	v53 =	vmul.f32 v3, v52;
	v7 =	vadd.f32 v8, v7;
	_ =	sdelay $0x1  }
0x78: {  	v54 =	vbroadcast v49, $0xB;
	v7 =	vadd.f32 v53, v7;
	_ =	sdelay $0x1  }
0x79: {  	v55 =	vbroadcast v49, $0x0;
	v7 =	vadd.f32 v7, v54  }
0x7a: {  	v57 =	vbroadcast v49, $0x1;
	v58 =	vbroadcast v49, $0x4  }
0x7b: {  	v60 =	vbroadcast v49, $0x5;
	(erf) = vrcp.f32 v7  }
0x7c: {  	v61 =	vbroadcast v49, $0x2;
	v62 =	vbroadcast v49, $0x6  }
0x7d: {  	v56 =	vmul.f32 v4, v55;
	v59 =	vmul.f32 v5, v57  }
0x7e: {  	v4 =	vmul.f32 v4, v58;
	v5 =	vmul.f32 v5, v60  }
0x7f: {  	v63 =	vmul.f32 v3, v61;
	v7 =	vadd.f32 v59, v56  }
0x80: {  	v3 =	vmul.f32 v3, v62;
	v4 =	vadd.f32 v5, v4  }
0x81: {  	v13 =	vbroadcast v49, $0x3;
	v12 =	vadd.f32 v63, v7  }
0x82: {  	v14 =	vbroadcast v49, $0x7;
	v3 =	vadd.f32 v3, v4  }
0x83: {  	v5 =	vadd.f32 v12, v13  }
0x84: {  	v3 =	vadd.f32 v3, v14;
	v15 =	vpop (erf)  }
0x85: {  	v5 =	vmul.f32 v15, v5  }
0x86: {  	v3 =	vmul.f32 v15, v3  }
0x87: {  	v16 =	vmul.f32 $3.200000000e+02, v5  }
0x88: {  	v3 =	vmul.f32 $3.200000000e+02, v3  }
0x89: {  	v4 =	vadd.f32 $3.200000000e+02, v16  }
0x8a: {  	v3 =	vadd.f32 $2.400000000e+02, v3  }
0x8b: {  	[tilespmem:$0x2020] =	vst v4  }
0x8c: {  	[tilespmem:$0x2220] =	vst v3  }
0x8d: {  	v3 =	vld.idx.msk [tilespmem:v1+s13+$0x0], $0xffff;
	_ =	sdelay $0x4  }
0x8e: {  	v17 =	vshll.u32 v3, $0x1  }
0x8f: {  	v3 =	vadd.s32 v17, v3  }
0x90: {  	v4 =	vadd.s32 $0x100, v3  }
0x91: {  	v18 =	vadd.s32 $0x101, v3;
	_ =	sdelay $0x1  }
0x92: {  	v3 =	vadd.s32 $0x102, v3  }
0x93: {  	v19 =	vld [tilespmem:s25+$0x0]  }
0x94: {  	v4 =	vld.idx.msk [tilespmem:v4+s10+$0x0], $0xffff  }
0x95: {  	v5 =	vld.idx.msk [tilespmem:v18+s10+$0x0], $0xffff;
	_ =	sdelay $0x1  }
0x96: {  	v3 =	vld.idx.msk [tilespmem:v3+s10+$0x0], $0xffff  }
0x97: {  	v20 =	vbroadcast v19, $0x8;
	v21 =	vbroadcast v19, $0x9  }
0x98: {  	v22 =	vbroadcast v19, $0xA  }
0x99: {  	v7 =	vmul.f32 v4, v20;
	v8 =	vmul.f32 v5, v21;
	_ =	sdelay $0x1  }
0x9a: {  	v23 =	vmul.f32 v3, v22;
	v7 =	vadd.f32 v8, v7;
	_ =	sdelay $0x1  }
0x9b: {  	v24 =	vbroadcast v19, $0xB;
	v7 =	vadd.f32 v23, v7;
	_ =	sdelay $0x1  }
0x9c: {  	v25 =	vbroadcast v19, $0x0;
	v7 =	vadd.f32 v7, v24  }
0x9d: {  	v27 =	vbroadcast v19, $0x1;
	v28 =	vbroadcast v19, $0x4  }
0x9e: {  	v30 =	vbroadcast v19, $0x5;
	(erf) = vrcp.f32 v7  }
0x9f: {  	v31 =	vbroadcast v19, $0x2;
	v32 =	vbroadcast v19, $0x6  }
0xa0: {  	v26 =	vmul.f32 v4, v25;
	v29 =	vmul.f32 v5, v27  }
0xa1: {  	v4 =	vmul.f32 v4, v28;
	v5 =	vmul.f32 v5, v30  }
0xa2: {  	v33 =	vmul.f32 v3, v31;
	v7 =	vadd.f32 v29, v26  }
0xa3: {  	v3 =	vmul.f32 v3, v32;
	v4 =	vadd.f32 v5, v4  }
0xa4: {  	v35 =	vbroadcast v19, $0x3;
	v34 =	vadd.f32 v33, v7  }
0xa5: {  	v36 =	vbroadcast v19, $0x7;
	v3 =	vadd.f32 v3, v4  }
0xa6: {  	v5 =	vadd.f32 v34, v35  }
0xa7: {  	v3 =	vadd.f32 v3, v36;
	v37 =	vpop (erf)  }
0xa8: {  	v5 =	vmul.f32 v37, v5  }
0xa9: {  	v3 =	vmul.f32 v37, v3  }
0xaa: {  	v38 =	vmul.f32 $3.200000000e+02, v5  }
0xab: {  	(v2sf) =	vpush v2, $0x2;
	v3 =	vmul.f32 $3.200000000e+02, v3  }
0xac: {  	v4 =	vadd.f32 $3.200000000e+02, v38  }
0xad: {  	v3 =	vadd.f32 $2.400000000e+02, v3  }
0xae: {  	[tilespmem:$0x2030] =	vst v4  }
0xaf: {  	[tilespmem:$0x2230] =	vst v3  }
0xb0: {  	v3 =	vld.idx.msk [tilespmem:v0+s13+$0x0], $0xffff;
	_ =	sdelay $0x4  }
0xb1: {  	v39 =	vshll.u32 v3, $0x1  }
0xb2: {  	v3 =	vadd.s32 v39, v3  }
0xb3: {  	v4 =	vadd.s32 $0x100, v3  }
0xb4: {  	v40 =	vadd.s32 $0x101, v3;
	_ =	sdelay $0x1  }
0xb5: {  	s26 =	spop (v2sf);
	v3 =	vadd.s32 $0x102, v3  }
0xb6: {  	v41 =	vld [tilespmem:s26+$0x0]  }
0xb7: {  	v4 =	vld.idx.msk [tilespmem:v4+s10+$0x0], $0xffff  }
0xb8: {  	v5 =	vld.idx.msk [tilespmem:v40+s10+$0x0], $0xffff;
	_ =	sdelay $0x1  }
0xb9: {  	v3 =	vld.idx.msk [tilespmem:v3+s10+$0x0], $0xffff  }
0xba: {  	v42 =	vbroadcast v41, $0x8;
	v43 =	vbroadcast v41, $0x9  }
0xbb: {  	v44 =	vbroadcast v41, $0xA  }
0xbc: {  	v7 =	vmul.f32 v4, v42;
	v8 =	vmul.f32 v5, v43;
	_ =	sdelay $0x1  }
0xbd: {  	v45 =	vmul.f32 v3, v44;
	v7 =	vadd.f32 v8, v7;
	_ =	sdelay $0x1  }
0xbe: {  	v46 =	vbroadcast v41, $0xB;
	v7 =	vadd.f32 v45, v7;
	_ =	sdelay $0x1  }
0xbf: {  	v47 =	vbroadcast v41, $0x0;
	v7 =	vadd.f32 v7, v46  }
0xc0: {  	v49 =	vbroadcast v41, $0x1;
	v50 =	vbroadcast v41, $0x4  }
0xc1: {  	v52 =	vbroadcast v41, $0x5;
	(erf) = vrcp.f32 v7  }
0xc2: {  	v53 =	vbroadcast v41, $0x2;
	v54 =	vbroadcast v41, $0x6  }
0xc3: {  	v48 =	vmul.f32 v4, v47;
	v51 =	vmul.f32 v5, v49  }
0xc4: {  	v4 =	vmul.f32 v4, v50;
	v5 =	vmul.f32 v5, v52  }
0xc5: {  	v55 =	vmul.f32 v3, v53;
	v7 =	vadd.f32 v51, v48  }
0xc6: {  	v3 =	vmul.f32 v3, v54;
	v4 =	vadd.f32 v5, v4  }
0xc7: {  	v57 =	vbroadcast v41, $0x3;
	v56 =	vadd.f32 v55, v7  }
0xc8: {  	v58 =	vbroadcast v41, $0x7;
	v3 =	vadd.f32 v3, v4  }
0xc9: {  	v5 =	vadd.f32 v56, v57  }
0xca: {  	v3 =	vadd.f32 v3, v58;
	v59 =	vpop (erf)  }
0xcb: {  	v5 =	vmul.f32 v59, v5  }
0xcc: {  	v3 =	vmul.f32 v59, v3  }
0xcd: {  	v60 =	vmul.f32 $3.200000000e+02, v5  }
0xce: {  	v3 =	vmul.f32 $3.200000000e+02, v3  }
0xcf: {  	v4 =	vadd.f32 $3.200000000e+02, v60  }
0xd0: {  	v3 =	vadd.f32 $2.400000000e+02, v3  }
0xd1: {  	[tilespmem:$0x2040] =	vst v4  }
0xd2: {  	[tilespmem:$0x2240] =	vst v3  }
0xd3: {  	v3 =	vld.idx.msk [tilespmem:v1+s13+$0x0], $0xffff;
	_ =	sdelay $0x4  }
0xd4: {  	v61 =	vshll.u32 v3, $0x1  }
0xd5: {  	v3 =	vadd.s32 v61, v3  }
0xd6: {  	v4 =	vadd.s32 $0x100, v3  }
0xd7: {  	v62 =	vadd.s32 $0x101, v3;
	_ =	sdelay $0x1  }
0xd8: {  	v3 =	vadd.s32 $0x102, v3  }
0xd9: {  	v63 =	vld [tilespmem:s26+$0x0]  }
0xda: {  	v4 =	vld.idx.msk [tilespmem:v4+s10+$0x0], $0xffff  }
0xdb: {  	v5 =	vld.idx.msk [tilespmem:v62+s10+$0x0], $0xffff;
	_ =	sdelay $0x1  }
0xdc: {  	v3 =	vld.idx.msk [tilespmem:v3+s10+$0x0], $0xffff  }
0xdd: {  	v12 =	vbroadcast v63, $0x8;
	v13 =	vbroadcast v63, $0x9  }
0xde: {  	v14 =	vbroadcast v63, $0xA  }
0xdf: {  	v7 =	vmul.f32 v4, v12;
	v8 =	vmul.f32 v5, v13;
	_ =	sdelay $0x1  }
0xe0: {  	v15 =	vmul.f32 v3, v14;
	v7 =	vadd.f32 v8, v7;
	_ =	sdelay $0x1  }
0xe1: {  	v16 =	vbroadcast v63, $0xB;
	v7 =	vadd.f32 v15, v7;
	_ =	sdelay $0x1  }
0xe2: {  	v17 =	vbroadcast v63, $0x0;
	v7 =	vadd.f32 v7, v16  }
0xe3: {  	v19 =	vbroadcast v63, $0x1;
	v20 =	vbroadcast v63, $0x4  }
0xe4: {  	v22 =	vbroadcast v63, $0x5;
	(erf) = vrcp.f32 v7  }
0xe5: {  	v23 =	vbroadcast v63, $0x2;
	v24 =	vbroadcast v63, $0x6  }
0xe6: {  	v18 =	vmul.f32 v4, v17;
	v21 =	vmul.f32 v5, v19  }
0xe7: {  	v4 =	vmul.f32 v4, v20;
	v5 =	vmul.f32 v5, v22  }
0xe8: {  	v25 =	vmul.f32 v3, v23;
	v7 =	vadd.f32 v21, v18  }
0xe9: {  	v3 =	vmul.f32 v3, v24;
	v4 =	vadd.f32 v5, v4  }
0xea: {  	v27 =	vbroadcast v63, $0x3;
	v26 =	vadd.f32 v25, v7  }
0xeb: {  	v28 =	vbroadcast v63, $0x7;
	v3 =	vadd.f32 v3, v4  }
0xec: {  	v5 =	vadd.f32 v26, v27  }
0xed: {  	v3 =	vadd.f32 v3, v28;
	v29 =	vpop (erf)  }
0xee: {  	v5 =	vmul.f32 v29, v5  }
0xef: {  	v3 =	vmul.f32 v29, v3  }
0xf0: {  	v30 =	vmul.f32 $3.200000000e+02, v5  }
0xf1: {  	(v2sf) =	vpush v2, $0x3;
	v3 =	vmul.f32 $3.200000000e+02, v3  }
0xf2: {  	v4 =	vadd.f32 $3.200000000e+02, v30  }
0xf3: {  	v3 =	vadd.f32 $2.400000000e+02, v3  }
0xf4: {  	[tilespmem:$0x2050] =	vst v4  }
0xf5: {  	[tilespmem:$0x2250] =	vst v3  }
0xf6: {  	v3 =	vld.idx.msk [tilespmem:v0+s13+$0x0], $0xffff;
	_ =	sdelay $0x4  }
0xf7: {  	v31 =	vshll.u32 v3, $0x1  }
0xf8: {  	v3 =	vadd.s32 v31, v3  }
0xf9: {  	v4 =	vadd.s32 $0x100, v3  }
0xfa: {  	v32 =	vadd.s32 $0x101, v3;
	_ =	sdelay $0x1  }
0xfb: {  	s28 =	spop (v2sf);
	v3 =	vadd.s32 $0x102, v3  }
0xfc: {  	v33 =	vld [tilespmem:s28+$0x0]  }
0xfd: {  	v4 =	vld.idx.msk [tilespmem:v4+s10+$0x0], $0xffff  }
0xfe: {  	v5 =	vld.idx.msk [tilespmem:v32+s10+$0x0], $0xffff;
	_ =	sdelay $0x1  }
0xff: {  	v3 =	vld.idx.msk [tilespmem:v3+s10+$0x0], $0xffff  }
0x100: {  	v34 =	vbroadcast v33, $0x8;
	v35 =	vbroadcast v33, $0x9  }
0x101: {  	v36 =	vbroadcast v33, $0xA  }
0x102: {  	v7 =	vmul.f32 v4, v34;
	v8 =	vmul.f32 v5, v35;
	_ =	sdelay $0x1  }
0x103: {  	v37 =	vmul.f32 v3, v36;
	v7 =	vadd.f32 v8, v7;
	_ =	sdelay $0x1  }
0x104: {  	v38 =	vbroadcast v33, $0xB;
	v7 =	vadd.f32 v37, v7;
	_ =	sdelay $0x1  }
0x105: {  	v39 =	vbroadcast v33, $0x0;
	v7 =	vadd.f32 v7, v38  }
0x106: {  	v41 =	vbroadcast v33, $0x1;
	v42 =	vbroadcast v33, $0x4  }
0x107: {  	v44 =	vbroadcast v33, $0x5;
	(erf) = vrcp.f32 v7  }
0x108: {  	v45 =	vbroadcast v33, $0x2;
	v46 =	vbroadcast v33, $0x6  }
0x109: {  	v40 =	vmul.f32 v4, v39;
	v43 =	vmul.f32 v5, v41  }
0x10a: {  	v4 =	vmul.f32 v4, v42;
	v5 =	vmul.f32 v5, v44  }
0x10b: {  	v47 =	vmul.f32 v3, v45;
	v7 =	vadd.f32 v43, v40  }
0x10c: {  	v3 =	vmul.f32 v3, v46;
	v4 =	vadd.f32 v5, v4  }
0x10d: {  	v49 =	vbroadcast v33, $0x3;
	v48 =	vadd.f32 v47, v7  }
0x10e: {  	v50 =	vbroadcast v33, $0x7;
	v3 =	vadd.f32 v3, v4  }
0x10f: {  	v5 =	vadd.f32 v48, v49  }
0x110: {  	v3 =	vadd.f32 v3, v50;
	v51 =	vpop (erf)  }
0x111: {  	v5 =	vmul.f32 v51, v5  }
0x112: {  	v3 =	vmul.f32 v51, v3  }
0x113: {  	v52 =	vmul.f32 $3.200000000e+02, v5  }
0x114: {  	v3 =	vmul.f32 $3.200000000e+02, v3  }
0x115: {  	v4 =	vadd.f32 $3.200000000e+02, v52  }
0x116: {  	v3 =	vadd.f32 $2.400000000e+02, v3  }
0x117: {  	[tilespmem:$0x2060] =	vst v4  }
0x118: {  	[tilespmem:$0x2260] =	vst v3  }
0x119: {  	v3 =	vld.idx.msk [tilespmem:v1+s13+$0x0], $0xffff;
	_ =	sdelay $0x4  }
0x11a: {  	v53 =	vshll.u32 v3, $0x1  }
0x11b: {  	v3 =	vadd.s32 v53, v3  }
0x11c: {  	v4 =	vadd.s32 $0x100, v3  }
0x11d: {  	v54 =	vadd.s32 $0x101, v3;
	_ =	sdelay $0x1  }
0x11e: {  	v3 =	vadd.s32 $0x102, v3  }
0x11f: {  	v55 =	vld [tilespmem:s28+$0x0]  }
0x120: {  	v4 =	vld.idx.msk [tilespmem:v4+s10+$0x0], $0xffff  }
0x121: {  	v5 =	vld.idx.msk [tilespmem:v54+s10+$0x0], $0xffff;
	_ =	sdelay $0x1  }
0x122: {  	v3 =	vld.idx.msk [tilespmem:v3+s10+$0x0], $0xffff  }
0x123: {  	v56 =	vbroadcast v55, $0x8;
	v57 =	vbroadcast v55, $0x9  }
0x124: {  	v58 =	vbroadcast v55, $0xA  }
0x125: {  	v7 =	vmul.f32 v4, v56;
	v8 =	vmul.f32 v5, v57;
	_ =	sdelay $0x1  }
0x126: {  	v59 =	vmul.f32 v3, v58;
	v7 =	vadd.f32 v8, v7;
	_ =	sdelay $0x1  }
0x127: {  	v60 =	vbroadcast v55, $0xB;
	v7 =	vadd.f32 v59, v7;
	_ =	sdelay $0x1  }
0x128: {  	v61 =	vbroadcast v55, $0x0;
	v7 =	vadd.f32 v7, v60  }
0x129: {  	v63 =	vbroadcast v55, $0x1;
	v12 =	vbroadcast v55, $0x4  }
0x12a: {  	v14 =	vbroadcast v55, $0x5;
	(erf) = vrcp.f32 v7  }
0x12b: {  	v15 =	vbroadcast v55, $0x2;
	v16 =	vbroadcast v55, $0x6  }
0x12c: {  	v62 =	vmul.f32 v4, v61;
	v13 =	vmul.f32 v5, v63  }
0x12d: {  	v4 =	vmul.f32 v4, v12;
	v5 =	vmul.f32 v5, v14  }
0x12e: {  	v17 =	vmul.f32 v3, v15;
	v7 =	vadd.f32 v13, v62  }
0x12f: {  	v3 =	vmul.f32 v3, v16;
	v4 =	vadd.f32 v5, v4  }
0x130: {  	v19 =	vbroadcast v55, $0x3;
	v18 =	vadd.f32 v17, v7  }
0x131: {  	v20 =	vbroadcast v55, $0x7;
	v3 =	vadd.f32 v3, v4  }
0x132: {  	v5 =	vadd.f32 v18, v19  }
0x133: {  	v3 =	vadd.f32 v3, v20;
	v21 =	vpop (erf)  }
0x134: {  	v5 =	vmul.f32 v21, v5  }
0x135: {  	v3 =	vmul.f32 v21, v3  }
0x136: {  	v22 =	vmul.f32 $3.200000000e+02, v5  }
0x137: {  	(v2sf) =	vpush v2, $0x4;
	v3 =	vmul.f32 $3.200000000e+02, v3  }
0x138: {  	v4 =	vadd.f32 $3.200000000e+02, v22  }
0x139: {  	v3 =	vadd.f32 $2.400000000e+02, v3  }
0x13a: {  	[tilespmem:$0x2070] =	vst v4  }
0x13b: {  	[tilespmem:$0x2270] =	vst v3  }
0x13c: {  	v3 =	vld.idx.msk [tilespmem:v0+s13+$0x0], $0xffff;
	_ =	sdelay $0x4  }
0x13d: {  	v23 =	vshll.u32 v3, $0x1  }
0x13e: {  	v3 =	vadd.s32 v23, v3  }
0x13f: {  	v4 =	vadd.s32 $0x100, v3  }
0x140: {  	v24 =	vadd.s32 $0x101, v3;
	_ =	sdelay $0x1  }
0x141: {  	s29 =	spop (v2sf);
	v3 =	vadd.s32 $0x102, v3  }
0x142: {  	v25 =	vld [tilespmem:s29+$0x0]  }
0x143: {  	v4 =	vld.idx.msk [tilespmem:v4+s10+$0x0], $0xffff  }
0x144: {  	v5 =	vld.idx.msk [tilespmem:v24+s10+$0x0], $0xffff;
	_ =	sdelay $0x1  }
0x145: {  	v3 =	vld.idx.msk [tilespmem:v3+s10+$0x0], $0xffff  }
0x146: {  	v26 =	vbroadcast v25, $0x8;
	v27 =	vbroadcast v25, $0x9  }
0x147: {  	v28 =	vbroadcast v25, $0xA  }
0x148: {  	v7 =	vmul.f32 v4, v26;
	v8 =	vmul.f32 v5, v27;
	_ =	sdelay $0x1  }
0x149: {  	v29 =	vmul.f32 v3, v28;
	v7 =	vadd.f32 v8, v7;
	_ =	sdelay $0x1  }
0x14a: {  	v30 =	vbroadcast v25, $0xB;
	v7 =	vadd.f32 v29, v7;
	_ =	sdelay $0x1  }
0x14b: {  	v31 =	vbroadcast v25, $0x0;
	v7 =	vadd.f32 v7, v30  }
0x14c: {  	v33 =	vbroadcast v25, $0x1;
	v34 =	vbroadcast v25, $0x4  }
0x14d: {  	v36 =	vbroadcast v25, $0x5;
	(erf) = vrcp.f32 v7  }
0x14e: {  	v37 =	vbroadcast v25, $0x2;
	v38 =	vbroadcast v25, $0x6  }
0x14f: {  	v32 =	vmul.f32 v4, v31;
	v35 =	vmul.f32 v5, v33  }
0x150: {  	v4 =	vmul.f32 v4, v34;
	v5 =	vmul.f32 v5, v36  }
0x151: {  	v39 =	vmul.f32 v3, v37;
	v7 =	vadd.f32 v35, v32  }
0x152: {  	v3 =	vmul.f32 v3, v38;
	v4 =	vadd.f32 v5, v4  }
0x153: {  	v41 =	vbroadcast v25, $0x3;
	v40 =	vadd.f32 v39, v7  }
0x154: {  	v42 =	vbroadcast v25, $0x7;
	v3 =	vadd.f32 v3, v4  }
0x155: {  	v5 =	vadd.f32 v40, v41  }
0x156: {  	v3 =	vadd.f32 v3, v42;
	v43 =	vpop (erf)  }
0x157: {  	v5 =	vmul.f32 v43, v5  }
0x158: {  	v3 =	vmul.f32 v43, v3  }
0x159: {  	v44 =	vmul.f32 $3.200000000e+02, v5  }
0x15a: {  	v3 =	vmul.f32 $3.200000000e+02, v3  }
0x15b: {  	v4 =	vadd.f32 $3.200000000e+02, v44  }
0x15c: {  	v3 =	vadd.f32 $2.400000000e+02, v3  }
0x15d: {  	[tilespmem:$0x2080] =	vst v4  }
0x15e: {  	[tilespmem:$0x2280] =	vst v3  }
0x15f: {  	v3 =	vld.idx.msk [tilespmem:v1+s13+$0x0], $0xffff;
	_ =	sdelay $0x4  }
0x160: {  	v45 =	vshll.u32 v3, $0x1  }
0x161: {  	v3 =	vadd.s32 v45, v3  }
0x162: {  	v4 =	vadd.s32 $0x100, v3  }
0x163: {  	v46 =	vadd.s32 $0x101, v3;
	_ =	sdelay $0x1  }
0x164: {  	v3 =	vadd.s32 $0x102, v3  }
0x165: {  	v47 =	vld [tilespmem:s29+$0x0]  }
0x166: {  	v4 =	vld.idx.msk [tilespmem:v4+s10+$0x0], $0xffff  }
0x167: {  	v5 =	vld.idx.msk [tilespmem:v46+s10+$0x0], $0xffff;
	_ =	sdelay $0x1  }
0x168: {  	v3 =	vld.idx.msk [tilespmem:v3+s10+$0x0], $0xffff  }
0x169: {  	v48 =	vbroadcast v47, $0x8;
	v49 =	vbroadcast v47, $0x9  }
0x16a: {  	v50 =	vbroadcast v47, $0xA  }
0x16b: {  	v7 =	vmul.f32 v4, v48;
	v8 =	vmul.f32 v5, v49;
	_ =	sdelay $0x1  }
0x16c: {  	v51 =	vmul.f32 v3, v50;
	v7 =	vadd.f32 v8, v7;
	_ =	sdelay $0x1  }
0x16d: {  	v52 =	vbroadcast v47, $0xB;
	v7 =	vadd.f32 v51, v7;
	_ =	sdelay $0x1  }
0x16e: {  	v53 =	vbroadcast v47, $0x0;
	v7 =	vadd.f32 v7, v52  }
0x16f: {  	v55 =	vbroadcast v47, $0x1;
	v56 =	vbroadcast v47, $0x4  }
0x170: {  	v58 =	vbroadcast v47, $0x5;
	(erf) = vrcp.f32 v7  }
0x171: {  	v59 =	vbroadcast v47, $0x2;
	v60 =	vbroadcast v47, $0x6  }
0x172: {  	v54 =	vmul.f32 v4, v53;
	v57 =	vmul.f32 v5, v55  }
0x173: {  	v4 =	vmul.f32 v4, v56;
	v5 =	vmul.f32 v5, v58  }
0x174: {  	v61 =	vmul.f32 v3, v59;
	v7 =	vadd.f32 v57, v54  }
0x175: {  	v3 =	vmul.f32 v3, v60;
	v4 =	vadd.f32 v5, v4  }
0x176: {  	v63 =	vbroadcast v47, $0x3;
	v62 =	vadd.f32 v61, v7  }
0x177: {  	v8 =	vbroadcast v47, $0x7;
	v3 =	vadd.f32 v3, v4  }
0x178: {  	v5 =	vadd.f32 v62, v63  }
0x179: {  	v3 =	vadd.f32 v3, v8;
	v9 =	vpop (erf)  }
0x17a: {  	v5 =	vmul.f32 v9, v5  }
0x17b: {  	v3 =	vmul.f32 v9, v3  }
0x17c: {  	v10 =	vmul.f32 $3.200000000e+02, v5  }
0x17d: {  	(v2sf) =	vpush v2, $0x5;
	v3 =	vmul.f32 $3.200000000e+02, v3  }
0x17e: {  	v4 =	vadd.f32 $3.200000000e+02, v10  }
0x17f: {  	v3 =	vadd.f32 $2.400000000e+02, v3  }
0x180: {  	[tilespmem:$0x2090] =	vst v4  }
0x181: {  	[tilespmem:$0x2290] =	vst v3  }
0x182: {  	v3 =	vld.idx.msk [tilespmem:v0+s13+$0x0], $0xffff;
	_ =	sdelay $0x4  }
0x183: {  	v11 =	vshll.u32 v3, $0x1  }
0x184: {  	v3 =	vadd.s32 v11, v3  }
0x185: {  	v4 =	vadd.s32 $0x100, v3  }
0x186: {  	v12 =	vadd.s32 $0x101, v3;
	_ =	sdelay $0x1  }
0x187: {  	s30 =	spop (v2sf);
	v3 =	vadd.s32 $0x102, v3  }
0x188: {  	v13 =	vld [tilespmem:s30+$0x0]  }
0x189: {  	v4 =	vld.idx.msk [tilespmem:v4+s10+$0x0], $0xffff  }
0x18a: {  	v5 =	vld.idx.msk [tilespmem:v12+s10+$0x0], $0xffff;
	_ =	sdelay $0x1  }
0x18b: {  	v3 =	vld.idx.msk [tilespmem:v3+s10+$0x0], $0xffff  }
0x18c: {  	v14 =	vbroadcast v13, $0x8;
	v15 =	vbroadcast v13, $0x9  }
0x18d: {  	v16 =	vbroadcast v13, $0xA  }
0x18e: {  	v7 =	vmul.f32 v4, v14;
	v8 =	vmul.f32 v5, v15;
	_ =	sdelay $0x1  }
0x18f: {  	v17 =	vmul.f32 v3, v16;
	v7 =	vadd.f32 v8, v7;
	_ =	sdelay $0x1  }
0x190: {  	v18 =	vbroadcast v13, $0xB;
	v7 =	vadd.f32 v17, v7;
	_ =	sdelay $0x1  }
0x191: {  	v19 =	vbroadcast v13, $0x0;
	v7 =	vadd.f32 v7, v18  }
0x192: {  	v21 =	vbroadcast v13, $0x1;
	v22 =	vbroadcast v13, $0x4  }
0x193: {  	v24 =	vbroadcast v13, $0x5;
	(erf) = vrcp.f32 v7  }
0x194: {  	v25 =	vbroadcast v13, $0x2;
	v26 =	vbroadcast v13, $0x6  }
0x195: {  	v20 =	vmul.f32 v4, v19;
	v23 =	vmul.f32 v5, v21  }
0x196: {  	v4 =	vmul.f32 v4, v22;
	v5 =	vmul.f32 v5, v24  }
0x197: {  	v27 =	vmul.f32 v3, v25;
	v7 =	vadd.f32 v23, v20  }
0x198: {  	v3 =	vmul.f32 v3, v26;
	v4 =	vadd.f32 v5, v4  }
0x199: {  	v29 =	vbroadcast v13, $0x3;
	v28 =	vadd.f32 v27, v7  }
0x19a: {  	v30 =	vbroadcast v13, $0x7;
	v3 =	vadd.f32 v3, v4  }
0x19b: {  	v5 =	vadd.f32 v28, v29  }
0x19c: {  	v3 =	vadd.f32 v3, v30;
	v31 =	vpop (erf)  }
0x19d: {  	v5 =	vmul.f32 v31, v5  }
0x19e: {  	v3 =	vmul.f32 v31, v3  }
0x19f: {  	v32 =	vmul.f32 $3.200000000e+02, v5  }
0x1a0: {  	v3 =	vmul.f32 $3.200000000e+02, v3  }
0x1a1: {  	v4 =	vadd.f32 $3.200000000e+02, v32  }
0x1a2: {  	v3 =	vadd.f32 $2.400000000e+02, v3  }
0x1a3: {  	[tilespmem:$0x20A0] =	vst v4  }
0x1a4: {  	[tilespmem:$0x22A0] =	vst v3  }
0x1a5: {  	v3 =	vld.idx.msk [tilespmem:v1+s13+$0x0], $0xffff;
	_ =	sdelay $0x4  }
0x1a6: {  	v33 =	vshll.u32 v3, $0x1  }
0x1a7: {  	v3 =	vadd.s32 v33, v3  }
0x1a8: {  	v4 =	vadd.s32 $0x100, v3  }
0x1a9: {  	v34 =	vadd.s32 $0x101, v3;
	_ =	sdelay $0x1  }
0x1aa: {  	v3 =	vadd.s32 $0x102, v3  }
0x1ab: {  	v35 =	vld [tilespmem:s30+$0x0]  }
0x1ac: {  	v4 =	vld.idx.msk [tilespmem:v4+s10+$0x0], $0xffff  }
0x1ad: {  	v5 =	vld.idx.msk [tilespmem:v34+s10+$0x0], $0xffff;
	_ =	sdelay $0x1  }
0x1ae: {  	v3 =	vld.idx.msk [tilespmem:v3+s10+$0x0], $0xffff  }
0x1af: {  	v36 =	vbroadcast v35, $0x8;
	v37 =	vbroadcast v35, $0x9  }
0x1b0: {  	v38 =	vbroadcast v35, $0xA  }
0x1b1: {  	v7 =	vmul.f32 v4, v36;
	v8 =	vmul.f32 v5, v37;
	_ =	sdelay $0x1  }
0x1b2: {  	v39 =	vmul.f32 v3, v38;
	v7 =	vadd.f32 v8, v7;
	_ =	sdelay $0x1  }
0x1b3: {  	v40 =	vbroadcast v35, $0xB;
	v7 =	vadd.f32 v39, v7;
	_ =	sdelay $0x1  }
0x1b4: {  	v41 =	vbroadcast v35, $0x0;
	v7 =	vadd.f32 v7, v40  }
0x1b5: {  	v43 =	vbroadcast v35, $0x1;
	v44 =	vbroadcast v35, $0x4  }
0x1b6: {  	v46 =	vbroadcast v35, $0x5;
	(erf) = vrcp.f32 v7  }
0x1b7: {  	v47 =	vbroadcast v35, $0x2;
	v48 =	vbroadcast v35, $0x6  }
0x1b8: {  	v42 =	vmul.f32 v4, v41;
	v45 =	vmul.f32 v5, v43  }
0x1b9: {  	v4 =	vmul.f32 v4, v44;
	v5 =	vmul.f32 v5, v46  }
0x1ba: {  	v49 =	vmul.f32 v3, v47;
	v7 =	vadd.f32 v45, v42  }
0x1bb: {  	v3 =	vmul.f32 v3, v48;
	v4 =	vadd.f32 v5, v4  }
0x1bc: {  	v51 =	vbroadcast v35, $0x3;
	v50 =	vadd.f32 v49, v7  }
0x1bd: {  	v52 =	vbroadcast v35, $0x7;
	v3 =	vadd.f32 v3, v4  }
0x1be: {  	v5 =	vadd.f32 v50, v51  }
0x1bf: {  	v3 =	vadd.f32 v3, v52;
	v53 =	vpop (erf)  }
0x1c0: {  	v5 =	vmul.f32 v53, v5  }
0x1c1: {  	v3 =	vmul.f32 v53, v3  }
0x1c2: {  	v54 =	vmul.f32 $3.200000000e+02, v5  }
0x1c3: {  	(v2sf) =	vpush v2, $0x6;
	v3 =	vmul.f32 $3.200000000e+02, v3  }
0x1c4: {  	v4 =	vadd.f32 $3.200000000e+02, v54  }
0x1c5: {  	v3 =	vadd.f32 $2.400000000e+02, v3  }
0x1c6: {  	[tilespmem:$0x20B0] =	vst v4  }
0x1c7: {  	[tilespmem:$0x22B0] =	vst v3  }
0x1c8: {  	v3 =	vld.idx.msk [tilespmem:v0+s13+$0x0], $0xffff;
	_ =	sdelay $0x4  }
0x1c9: {  	v55 =	vshll.u32 v3, $0x1  }
0x1ca: {  	v3 =	vadd.s32 v55, v3  }
0x1cb: {  	v4 =	vadd.s32 $0x100, v3  }
0x1cc: {  	v56 =	vadd.s32 $0x101, v3;
	_ =	sdelay $0x1  }
0x1cd: {  	s31 =	spop (v2sf);
	v3 =	vadd.s32 $0x102, v3  }
0x1ce: {  	v57 =	vld [tilespmem:s31+$0x0]  }
0x1cf: {  	v4 =	vld.idx.msk [tilespmem:v4+s10+$0x0], $0xffff  }
0x1d0: {  	v5 =	vld.idx.msk [tilespmem:v56+s10+$0x0], $0xffff;
	_ =	sdelay $0x1  }
0x1d1: {  	v3 =	vld.idx.msk [tilespmem:v3+s10+$0x0], $0xffff  }
0x1d2: {  	v58 =	vbroadcast v57, $0x8;
	v59 =	vbroadcast v57, $0x9  }
0x1d3: {  	v60 =	vbroadcast v57, $0xA  }
0x1d4: {  	v7 =	vmul.f32 v4, v58;
	v8 =	vmul.f32 v5, v59;
	_ =	sdelay $0x1  }
0x1d5: {  	v61 =	vmul.f32 v3, v60;
	v7 =	vadd.f32 v8, v7;
	_ =	sdelay $0x1  }
0x1d6: {  	v62 =	vbroadcast v57, $0xB;
	v7 =	vadd.f32 v61, v7;
	_ =	sdelay $0x1  }
0x1d7: {  	v63 =	vbroadcast v57, $0x0;
	v7 =	vadd.f32 v7, v62  }
0x1d8: {  	v13 =	vbroadcast v57, $0x1;
	v14 =	vbroadcast v57, $0x4  }
0x1d9: {  	v16 =	vbroadcast v57, $0x5;
	(erf) = vrcp.f32 v7  }
0x1da: {  	v17 =	vbroadcast v57, $0x2;
	v18 =	vbroadcast v57, $0x6  }
0x1db: {  	v12 =	vmul.f32 v4, v63;
	v15 =	vmul.f32 v5, v13  }
0x1dc: {  	v4 =	vmul.f32 v4, v14;
	v5 =	vmul.f32 v5, v16  }
0x1dd: {  	v19 =	vmul.f32 v3, v17;
	v7 =	vadd.f32 v15, v12  }
0x1de: {  	v3 =	vmul.f32 v3, v18;
	v4 =	vadd.f32 v5, v4  }
0x1df: {  	v21 =	vbroadcast v57, $0x3;
	v20 =	vadd.f32 v19, v7  }
0x1e0: {  	v22 =	vbroadcast v57, $0x7;
	v3 =	vadd.f32 v3, v4  }
0x1e1: {  	v5 =	vadd.f32 v20, v21  }
0x1e2: {  	v3 =	vadd.f32 v3, v22;
	v23 =	vpop (erf)  }
0x1e3: {  	v5 =	vmul.f32 v23, v5  }
0x1e4: {  	v3 =	vmul.f32 v23, v3  }
0x1e5: {  	v24 =	vmul.f32 $3.200000000e+02, v5  }
0x1e6: {  	v3 =	vmul.f32 $3.200000000e+02, v3  }
0x1e7: {  	v4 =	vadd.f32 $3.200000000e+02, v24  }
0x1e8: {  	v3 =	vadd.f32 $2.400000000e+02, v3  }
0x1e9: {  	[tilespmem:$0x20C0] =	vst v4  }
0x1ea: {  	[tilespmem:$0x22C0] =	vst v3  }
0x1eb: {  	v3 =	vld.idx.msk [tilespmem:v1+s13+$0x0], $0xffff;
	_ =	sdelay $0x4  }
0x1ec: {  	v25 =	vshll.u32 v3, $0x1  }
0x1ed: {  	v3 =	vadd.s32 v25, v3  }
0x1ee: {  	v4 =	vadd.s32 $0x100, v3  }
0x1ef: {  	v26 =	vadd.s32 $0x101, v3;
	_ =	sdelay $0x1  }
0x1f0: {  	v3 =	vadd.s32 $0x102, v3  }
0x1f1: {  	v27 =	vld [tilespmem:s31+$0x0]  }
0x1f2: {  	v4 =	vld.idx.msk [tilespmem:v4+s10+$0x0], $0xffff  }
0x1f3: {  	v5 =	vld.idx.msk [tilespmem:v26+s10+$0x0], $0xffff;
	_ =	sdelay $0x1  }
0x1f4: {  	v3 =	vld.idx.msk [tilespmem:v3+s10+$0x0], $0xffff  }
0x1f5: {  	v28 =	vbroadcast v27, $0x8;
	v29 =	vbroadcast v27, $0x9  }
0x1f6: {  	v30 =	vbroadcast v27, $0xA  }
0x1f7: {  	v7 =	vmul.f32 v4, v28;
	v8 =	vmul.f32 v5, v29;
	_ =	sdelay $0x1  }
0x1f8: {  	v31 =	vmul.f32 v3, v30;
	v7 =	vadd.f32 v8, v7;
	_ =	sdelay $0x1  }
0x1f9: {  	v32 =	vbroadcast v27, $0xB;
	v7 =	vadd.f32 v31, v7;
	_ =	sdelay $0x1  }
0x1fa: {  	v33 =	vbroadcast v27, $0x0;
	v7 =	vadd.f32 v7, v32  }
0x1fb: {  	v35 =	vbroadcast v27, $0x1;
	v36 =	vbroadcast v27, $0x4  }
0x1fc: {  	v38 =	vbroadcast v27, $0x5;
	(erf) = vrcp.f32 v7  }
0x1fd: {  	v39 =	vbroadcast v27, $0x2;
	v40 =	vbroadcast v27, $0x6  }
0x1fe: {  	v34 =	vmul.f32 v4, v33;
	v37 =	vmul.f32 v5, v35  }
0x1ff: {  	v4 =	vmul.f32 v4, v36;
	v5 =	vmul.f32 v5, v38  }
0x200: {  	v41 =	vmul.f32 v3, v39;
	v7 =	vadd.f32 v37, v34  }
0x201: {  	v3 =	vmul.f32 v3, v40;
	v4 =	vadd.f32 v5, v4  }
0x202: {  	v43 =	vbroadcast v27, $0x3;
	v42 =	vadd.f32 v41, v7  }
0x203: {  	v44 =	vbroadcast v27, $0x7;
	v3 =	vadd.f32 v3, v4  }
0x204: {  	v5 =	vadd.f32 v42, v43  }
0x205: {  	v3 =	vadd.f32 v3, v44;
	v45 =	vpop (erf)  }
0x206: {  	v5 =	vmul.f32 v45, v5  }
0x207: {  	v3 =	vmul.f32 v45, v3  }
0x208: {  	v46 =	vmul.f32 $3.200000000e+02, v5  }
0x209: {  	(v2sf) =	vpush v2, $0x7;
	v3 =	vmul.f32 $3.200000000e+02, v3  }
0x20a: {  	v4 =	vadd.f32 $3.200000000e+02, v46  }
0x20b: {  	v3 =	vadd.f32 $2.400000000e+02, v3  }
0x20c: {  	[tilespmem:$0x20D0] =	vst v4  }
0x20d: {  	[tilespmem:$0x22D0] =	vst v3  }
0x20e: {  	v3 =	vld.idx.msk [tilespmem:v0+s13+$0x0], $0xffff;
	_ =	sdelay $0x4  }
0x20f: {  	v47 =	vshll.u32 v3, $0x1  }
0x210: {  	v3 =	vadd.s32 v47, v3  }
0x211: {  	v4 =	vadd.s32 $0x100, v3  }
0x212: {  	v48 =	vadd.s32 $0x101, v3;
	_ =	sdelay $0x1  }
0x213: {  	s22 =	spop (v2sf);
	v3 =	vadd.s32 $0x102, v3  }
0x214: {  	v49 =	vld [tilespmem:s22+$0x0]  }
0x215: {  	v4 =	vld.idx.msk [tilespmem:v4+s10+$0x0], $0xffff  }
0x216: {  	v5 =	vld.idx.msk [tilespmem:v48+s10+$0x0], $0xffff;
	_ =	sdelay $0x1  }
0x217: {  	v3 =	vld.idx.msk [tilespmem:v3+s10+$0x0], $0xffff  }
0x218: {  	v50 =	vbroadcast v49, $0x8;
	v51 =	vbroadcast v49, $0x9  }
0x219: {  	v52 =	vbroadcast v49, $0xA  }
0x21a: {  	v7 =	vmul.f32 v4, v50;
	v8 =	vmul.f32 v5, v51;
	_ =	sdelay $0x1  }
0x21b: {  	v53 =	vmul.f32 v3, v52;
	v7 =	vadd.f32 v8, v7;
	_ =	sdelay $0x1  }
0x21c: {  	v54 =	vbroadcast v49, $0xB;
	v7 =	vadd.f32 v53, v7;
	_ =	sdelay $0x1  }
0x21d: {  	v55 =	vbroadcast v49, $0x0;
	v7 =	vadd.f32 v7, v54  }
0x21e: {  	v57 =	vbroadcast v49, $0x1;
	v58 =	vbroadcast v49, $0x4  }
0x21f: {  	v60 =	vbroadcast v49, $0x5;
	(erf) = vrcp.f32 v7  }
0x220: {  	v61 =	vbroadcast v49, $0x2;
	v62 =	vbroadcast v49, $0x6  }
0x221: {  	v56 =	vmul.f32 v4, v55;
	v59 =	vmul.f32 v5, v57  }
0x222: {  	v4 =	vmul.f32 v4, v58;
	v5 =	vmul.f32 v5, v60  }
0x223: {  	v63 =	vmul.f32 v3, v61;
	v7 =	vadd.f32 v59, v56  }
0x224: {  	v3 =	vmul.f32 v3, v62;
	v4 =	vadd.f32 v5, v4  }
0x225: {  	v13 =	vbroadcast v49, $0x3;
	v12 =	vadd.f32 v63, v7  }
0x226: {  	v14 =	vbroadcast v49, $0x7;
	v3 =	vadd.f32 v3, v4  }
0x227: {  	v5 =	vadd.f32 v12, v13  }
0x228: {  	v3 =	vadd.f32 v3, v14;
	v15 =	vpop (erf)  }
0x229: {  	v5 =	vmul.f32 v15, v5  }
0x22a: {  	v3 =	vmul.f32 v15, v3  }
0x22b: {  	v16 =	vmul.f32 $3.200000000e+02, v5  }
0x22c: {  	v3 =	vmul.f32 $3.200000000e+02, v3  }
0x22d: {  	v4 =	vadd.f32 $3.200000000e+02, v16  }
0x22e: {  	v3 =	vadd.f32 $2.400000000e+02, v3  }
0x22f: {  	[tilespmem:$0x20E0] =	vst v4  }
0x230: {  	[tilespmem:$0x22E0] =	vst v3  }
0x231: {  	v3 =	vld.idx.msk [tilespmem:v1+s13+$0x0], $0xffff;
	_ =	sdelay $0x4  }
0x232: {  	v17 =	vshll.u32 v3, $0x1  }
0x233: {  	v3 =	vadd.s32 v17, v3  }
0x234: {  	v4 =	vadd.s32 $0x100, v3  }
0x235: {  	v18 =	vadd.s32 $0x101, v3;
	_ =	sdelay $0x1  }
0x236: {  	v3 =	vadd.s32 $0x102, v3  }
0x237: {  	v19 =	vld [tilespmem:s22+$0x0]  }
0x238: {  	v4 =	vld.idx.msk [tilespmem:v4+s10+$0x0], $0xffff  }
0x239: {  	v5 =	vld.idx.msk [tilespmem:v18+s10+$0x0], $0xffff;
	_ =	sdelay $0x1  }
0x23a: {  	v3 =	vld.idx.msk [tilespmem:v3+s10+$0x0], $0xffff  }
0x23b: {  	v20 =	vbroadcast v19, $0x8;
	v21 =	vbroadcast v19, $0x9  }
0x23c: {  	v22 =	vbroadcast v19, $0xA  }
0x23d: {  	v7 =	vmul.f32 v4, v20;
	v8 =	vmul.f32 v5, v21;
	_ =	sdelay $0x1  }
0x23e: {  	v23 =	vmul.f32 v3, v22;
	v7 =	vadd.f32 v8, v7;
	_ =	sdelay $0x1  }
0x23f: {  	v24 =	vbroadcast v19, $0xB;
	v7 =	vadd.f32 v23, v7;
	_ =	sdelay $0x1  }
0x240: {  	v25 =	vbroadcast v19, $0x0;
	v7 =	vadd.f32 v7, v24  }
0x241: {  	v27 =	vbroadcast v19, $0x1;
	v28 =	vbroadcast v19, $0x4  }
0x242: {  	v30 =	vbroadcast v19, $0x5;
	(erf) = vrcp.f32 v7  }
0x243: {  	v31 =	vbroadcast v19, $0x2;
	v32 =	vbroadcast v19, $0x6  }
0x244: {  	v26 =	vmul.f32 v4, v25;
	v29 =	vmul.f32 v5, v27  }
0x245: {  	v4 =	vmul.f32 v4, v28;
	v5 =	vmul.f32 v5, v30  }
0x246: {  	v33 =	vmul.f32 v3, v31;
	v7 =	vadd.f32 v29, v26  }
0x247: {  	v3 =	vmul.f32 v3, v32;
	v4 =	vadd.f32 v5, v4  }
0x248: {  	v35 =	vbroadcast v19, $0x3;
	v34 =	vadd.f32 v33, v7  }
0x249: {  	v36 =	vbroadcast v19, $0x7;
	v3 =	vadd.f32 v3, v4  }
0x24a: {  	v5 =	vadd.f32 v34, v35  }
0x24b: {  	v3 =	vadd.f32 v3, v36;
	v37 =	vpop (erf)  }
0x24c: {  	v5 =	vmul.f32 v37, v5  }
0x24d: {  	v3 =	vmul.f32 v37, v3  }
0x24e: {  	v38 =	vmul.f32 $3.200000000e+02, v5  }
0x24f: {  	(v2sf) =	vpush v2, $0x8;
	v3 =	vmul.f32 $3.200000000e+02, v3  }
0x250: {  	v4 =	vadd.f32 $3.200000000e+02, v38  }
0x251: {  	v3 =	vadd.f32 $2.400000000e+02, v3  }
0x252: {  	[tilespmem:$0x20F0] =	vst v4  }
0x253: {  	[tilespmem:$0x22F0] =	vst v3  }
0x254: {  	v3 =	vld.idx.msk [tilespmem:v0+s13+$0x0], $0xffff;
	_ =	sdelay $0x4  }
0x255: {  	v39 =	vshll.u32 v3, $0x1  }
0x256: {  	v3 =	vadd.s32 v39, v3  }
0x257: {  	v4 =	vadd.s32 $0x100, v3  }
0x258: {  	v40 =	vadd.s32 $0x101, v3;
	_ =	sdelay $0x1  }
0x259: {  	s23 =	spop (v2sf);
	v3 =	vadd.s32 $0x102, v3  }
0x25a: {  	v41 =	vld [tilespmem:s23+$0x0]  }
0x25b: {  	v4 =	vld.idx.msk [tilespmem:v4+s10+$0x0], $0xffff  }
0x25c: {  	v5 =	vld.idx.msk [tilespmem:v40+s10+$0x0], $0xffff;
	_ =	sdelay $0x1  }
0x25d: {  	v3 =	vld.idx.msk [tilespmem:v3+s10+$0x0], $0xffff  }
0x25e: {  	v42 =	vbroadcast v41, $0x8;
	v43 =	vbroadcast v41, $0x9  }
0x25f: {  	v44 =	vbroadcast v41, $0xA  }
0x260: {  	v7 =	vmul.f32 v4, v42;
	v8 =	vmul.f32 v5, v43;
	_ =	sdelay $0x1  }
0x261: {  	v45 =	vmul.f32 v3, v44;
	v7 =	vadd.f32 v8, v7;
	_ =	sdelay $0x1  }
0x262: {  	v46 =	vbroadcast v41, $0xB;
	v7 =	vadd.f32 v45, v7;
	_ =	sdelay $0x1  }
0x263: {  	v47 =	vbroadcast v41, $0x0;
	v7 =	vadd.f32 v7, v46  }
0x264: {  	v49 =	vbroadcast v41, $0x1;
	v50 =	vbroadcast v41, $0x4  }
0x265: {  	v52 =	vbroadcast v41, $0x5;
	(erf) = vrcp.f32 v7  }
0x266: {  	v53 =	vbroadcast v41, $0x2;
	v54 =	vbroadcast v41, $0x6  }
0x267: {  	v48 =	vmul.f32 v4, v47;
	v51 =	vmul.f32 v5, v49  }
0x268: {  	v4 =	vmul.f32 v4, v50;
	v5 =	vmul.f32 v5, v52  }
0x269: {  	v55 =	vmul.f32 v3, v53;
	v7 =	vadd.f32 v51, v48  }
0x26a: {  	v3 =	vmul.f32 v3, v54;
	v4 =	vadd.f32 v5, v4  }
0x26b: {  	v57 =	vbroadcast v41, $0x3;
	v56 =	vadd.f32 v55, v7  }
0x26c: {  	v58 =	vbroadcast v41, $0x7;
	v3 =	vadd.f32 v3, v4  }
0x26d: {  	v5 =	vadd.f32 v56, v57  }
0x26e: {  	v3 =	vadd.f32 v3, v58;
	v59 =	vpop (erf)  }
0x26f: {  	v5 =	vmul.f32 v59, v5  }
0x270: {  	v3 =	vmul.f32 v59, v3  }
0x271: {  	v60 =	vmul.f32 $3.200000000e+02, v5  }
0x272: {  	v3 =	vmul.f32 $3.200000000e+02, v3  }
0x273: {  	v4 =	vadd.f32 $3.200000000e+02, v60  }
0x274: {  	v3 =	vadd.f32 $2.400000000e+02, v3  }
0x275: {  	[tilespmem:$0x2100] =	vst v4  }
0x276: {  	[tilespmem:$0x2300] =	vst v3  }
0x277: {  	v3 =	vld.idx.msk [tilespmem:v1+s13+$0x0], $0xffff;
	_ =	sdelay $0x4  }
0x278: {  	v61 =	vshll.u32 v3, $0x1  }
0x279: {  	v3 =	vadd.s32 v61, v3  }
0x27a: {  	v4 =	vadd.s32 $0x100, v3  }
0x27b: {  	v62 =	vadd.s32 $0x101, v3;
	_ =	sdelay $0x1  }
0x27c: {  	v3 =	vadd.s32 $0x102, v3  }
0x27d: {  	v63 =	vld [tilespmem:s23+$0x0]  }
0x27e: {  	v4 =	vld.idx.msk [tilespmem:v4+s10+$0x0], $0xffff  }
0x27f: {  	v5 =	vld.idx.msk [tilespmem:v62+s10+$0x0], $0xffff;
	_ =	sdelay $0x1  }
0x280: {  	v3 =	vld.idx.msk [tilespmem:v3+s10+$0x0], $0xffff  }
0x281: {  	v12 =	vbroadcast v63, $0x8;
	v13 =	vbroadcast v63, $0x9  }
0x282: {  	v14 =	vbroadcast v63, $0xA  }
0x283: {  	v7 =	vmul.f32 v4, v12;
	v8 =	vmul.f32 v5, v13;
	_ =	sdelay $0x1  }
0x284: {  	v15 =	vmul.f32 v3, v14;
	v7 =	vadd.f32 v8, v7;
	_ =	sdelay $0x1  }
0x285: {  	v16 =	vbroadcast v63, $0xB;
	v7 =	vadd.f32 v15, v7;
	_ =	sdelay $0x1  }
0x286: {  	v17 =	vbroadcast v63, $0x0;
	v7 =	vadd.f32 v7, v16  }
0x287: {  	v19 =	vbroadcast v63, $0x1;
	v20 =	vbroadcast v63, $0x4  }
0x288: {  	v22 =	vbroadcast v63, $0x5;
	(erf) = vrcp.f32 v7  }
0x289: {  	v23 =	vbroadcast v63, $0x2;
	v24 =	vbroadcast v63, $0x6  }
0x28a: {  	v18 =	vmul.f32 v4, v17;
	v21 =	vmul.f32 v5, v19  }
0x28b: {  	v4 =	vmul.f32 v4, v20;
	v5 =	vmul.f32 v5, v22  }
0x28c: {  	v25 =	vmul.f32 v3, v23;
	v7 =	vadd.f32 v21, v18  }
0x28d: {  	v3 =	vmul.f32 v3, v24;
	v4 =	vadd.f32 v5, v4  }
0x28e: {  	v27 =	vbroadcast v63, $0x3;
	v26 =	vadd.f32 v25, v7  }
0x28f: {  	v28 =	vbroadcast v63, $0x7;
	v3 =	vadd.f32 v3, v4  }
0x290: {  	v5 =	vadd.f32 v26, v27  }
0x291: {  	v3 =	vadd.f32 v3, v28;
	v29 =	vpop (erf)  }
0x292: {  	v5 =	vmul.f32 v29, v5  }
0x293: {  	v3 =	vmul.f32 v29, v3  }
0x294: {  	v30 =	vmul.f32 $3.200000000e+02, v5  }
0x295: {  	(v2sf) =	vpush v2, $0x9;
	v3 =	vmul.f32 $3.200000000e+02, v3  }
0x296: {  	v4 =	vadd.f32 $3.200000000e+02, v30  }
0x297: {  	v3 =	vadd.f32 $2.400000000e+02, v3  }
0x298: {  	[tilespmem:$0x2110] =	vst v4  }
0x299: {  	[tilespmem:$0x2310] =	vst v3  }
0x29a: {  	v3 =	vld.idx.msk [tilespmem:v0+s13+$0x0], $0xffff;
	_ =	sdelay $0x4  }
0x29b: {  	v31 =	vshll.u32 v3, $0x1  }
0x29c: {  	v3 =	vadd.s32 v31, v3  }
0x29d: {  	v4 =	vadd.s32 $0x100, v3  }
0x29e: {  	v32 =	vadd.s32 $0x101, v3;
	_ =	sdelay $0x1  }
0x29f: {  	s24 =	spop (v2sf);
	v3 =	vadd.s32 $0x102, v3  }
0x2a0: {  	v33 =	vld [tilespmem:s24+$0x0]  }
0x2a1: {  	v4 =	vld.idx.msk [tilespmem:v4+s10+$0x0], $0xffff  }
0x2a2: {  	v5 =	vld.idx.msk [tilespmem:v32+s10+$0x0], $0xffff;
	_ =	sdelay $0x1  }
0x2a3: {  	v3 =	vld.idx.msk [tilespmem:v3+s10+$0x0], $0xffff  }
0x2a4: {  	v34 =	vbroadcast v33, $0x8;
	v35 =	vbroadcast v33, $0x9  }
0x2a5: {  	v36 =	vbroadcast v33, $0xA  }
0x2a6: {  	v7 =	vmul.f32 v4, v34;
	v8 =	vmul.f32 v5, v35;
	_ =	sdelay $0x1  }
0x2a7: {  	v37 =	vmul.f32 v3, v36;
	v7 =	vadd.f32 v8, v7;
	_ =	sdelay $0x1  }
0x2a8: {  	v38 =	vbroadcast v33, $0xB;
	v7 =	vadd.f32 v37, v7;
	_ =	sdelay $0x1  }
0x2a9: {  	v39 =	vbroadcast v33, $0x0;
	v7 =	vadd.f32 v7, v38  }
0x2aa: {  	v41 =	vbroadcast v33, $0x1;
	v42 =	vbroadcast v33, $0x4  }
0x2ab: {  	v44 =	vbroadcast v33, $0x5;
	(erf) = vrcp.f32 v7  }
0x2ac: {  	v45 =	vbroadcast v33, $0x2;
	v46 =	vbroadcast v33, $0x6  }
0x2ad: {  	v40 =	vmul.f32 v4, v39;
	v43 =	vmul.f32 v5, v41  }
0x2ae: {  	v4 =	vmul.f32 v4, v42;
	v5 =	vmul.f32 v5, v44  }
0x2af: {  	v47 =	vmul.f32 v3, v45;
	v7 =	vadd.f32 v43, v40  }
0x2b0: {  	v3 =	vmul.f32 v3, v46;
	v4 =	vadd.f32 v5, v4  }
0x2b1: {  	v49 =	vbroadcast v33, $0x3;
	v48 =	vadd.f32 v47, v7  }
0x2b2: {  	v50 =	vbroadcast v33, $0x7;
	v3 =	vadd.f32 v3, v4  }
0x2b3: {  	v5 =	vadd.f32 v48, v49  }
0x2b4: {  	v3 =	vadd.f32 v3, v50;
	v51 =	vpop (erf)  }
0x2b5: {  	v5 =	vmul.f32 v51, v5  }
0x2b6: {  	v3 =	vmul.f32 v51, v3  }
0x2b7: {  	v52 =	vmul.f32 $3.200000000e+02, v5  }
0x2b8: {  	v3 =	vmul.f32 $3.200000000e+02, v3  }
0x2b9: {  	v4 =	vadd.f32 $3.200000000e+02, v52  }
0x2ba: {  	v3 =	vadd.f32 $2.400000000e+02, v3  }
0x2bb: {  	[tilespmem:$0x2120] =	vst v4  }
0x2bc: {  	[tilespmem:$0x2320] =	vst v3  }
0x2bd: {  	v3 =	vld.idx.msk [tilespmem:v1+s13+$0x0], $0xffff;
	_ =	sdelay $0x4  }
0x2be: {  	v53 =	vshll.u32 v3, $0x1  }
0x2bf: {  	v3 =	vadd.s32 v53, v3  }
0x2c0: {  	v4 =	vadd.s32 $0x100, v3  }
0x2c1: {  	v54 =	vadd.s32 $0x101, v3;
	_ =	sdelay $0x1  }
0x2c2: {  	v3 =	vadd.s32 $0x102, v3  }
0x2c3: {  	v55 =	vld [tilespmem:s24+$0x0]  }
0x2c4: {  	v4 =	vld.idx.msk [tilespmem:v4+s10+$0x0], $0xffff  }
0x2c5: {  	v5 =	vld.idx.msk [tilespmem:v54+s10+$0x0], $0xffff;
	_ =	sdelay $0x1  }
0x2c6: {  	v3 =	vld.idx.msk [tilespmem:v3+s10+$0x0], $0xffff  }
0x2c7: {  	v56 =	vbroadcast v55, $0x8;
	v57 =	vbroadcast v55, $0x9  }
0x2c8: {  	v58 =	vbroadcast v55, $0xA  }
0x2c9: {  	v7 =	vmul.f32 v4, v56;
	v8 =	vmul.f32 v5, v57;
	_ =	sdelay $0x1  }
0x2ca: {  	v59 =	vmul.f32 v3, v58;
	v7 =	vadd.f32 v8, v7;
	_ =	sdelay $0x1  }
0x2cb: {  	v60 =	vbroadcast v55, $0xB;
	v7 =	vadd.f32 v59, v7;
	_ =	sdelay $0x1  }
0x2cc: {  	v61 =	vbroadcast v55, $0x0;
	v7 =	vadd.f32 v7, v60  }
0x2cd: {  	v63 =	vbroadcast v55, $0x1;
	v12 =	vbroadcast v55, $0x4  }
0x2ce: {  	v14 =	vbroadcast v55, $0x5;
	(erf) = vrcp.f32 v7  }
0x2cf: {  	v15 =	vbroadcast v55, $0x2;
	v16 =	vbroadcast v55, $0x6  }
0x2d0: {  	v62 =	vmul.f32 v4, v61;
	v13 =	vmul.f32 v5, v63  }
0x2d1: {  	v4 =	vmul.f32 v4, v12;
	v5 =	vmul.f32 v5, v14  }
0x2d2: {  	v17 =	vmul.f32 v3, v15;
	v7 =	vadd.f32 v13, v62  }
0x2d3: {  	v3 =	vmul.f32 v3, v16;
	v4 =	vadd.f32 v5, v4  }
0x2d4: {  	v19 =	vbroadcast v55, $0x3;
	v18 =	vadd.f32 v17, v7  }
0x2d5: {  	v20 =	vbroadcast v55, $0x7;
	v3 =	vadd.f32 v3, v4  }
0x2d6: {  	v5 =	vadd.f32 v18, v19  }
0x2d7: {  	v3 =	vadd.f32 v3, v20;
	v21 =	vpop (erf)  }
0x2d8: {  	v5 =	vmul.f32 v21, v5  }
0x2d9: {  	v3 =	vmul.f32 v21, v3  }
0x2da: {  	v22 =	vmul.f32 $3.200000000e+02, v5  }
0x2db: {  	(v2sf) =	vpush v2, $0xA;
	v3 =	vmul.f32 $3.200000000e+02, v3  }
0x2dc: {  	v4 =	vadd.f32 $3.200000000e+02, v22  }
0x2dd: {  	v3 =	vadd.f32 $2.400000000e+02, v3  }
0x2de: {  	[tilespmem:$0x2130] =	vst v4  }
0x2df: {  	[tilespmem:$0x2330] =	vst v3  }
0x2e0: {  	v3 =	vld.idx.msk [tilespmem:v0+s13+$0x0], $0xffff;
	_ =	sdelay $0x4  }
0x2e1: {  	v23 =	vshll.u32 v3, $0x1  }
0x2e2: {  	v3 =	vadd.s32 v23, v3  }
0x2e3: {  	v4 =	vadd.s32 $0x100, v3  }
0x2e4: {  	v24 =	vadd.s32 $0x101, v3;
	_ =	sdelay $0x1  }
0x2e5: {  	s25 =	spop (v2sf);
	v3 =	vadd.s32 $0x102, v3  }
0x2e6: {  	v25 =	vld [tilespmem:s25+$0x0]  }
0x2e7: {  	v4 =	vld.idx.msk [tilespmem:v4+s10+$0x0], $0xffff  }
0x2e8: {  	v5 =	vld.idx.msk [tilespmem:v24+s10+$0x0], $0xffff;
	_ =	sdelay $0x1  }
0x2e9: {  	v3 =	vld.idx.msk [tilespmem:v3+s10+$0x0], $0xffff  }
0x2ea: {  	v26 =	vbroadcast v25, $0x8;
	v27 =	vbroadcast v25, $0x9  }
0x2eb: {  	v28 =	vbroadcast v25, $0xA  }
0x2ec: {  	v7 =	vmul.f32 v4, v26;
	v8 =	vmul.f32 v5, v27;
	_ =	sdelay $0x1  }
0x2ed: {  	v29 =	vmul.f32 v3, v28;
	v7 =	vadd.f32 v8, v7;
	_ =	sdelay $0x1  }
0x2ee: {  	v30 =	vbroadcast v25, $0xB;
	v7 =	vadd.f32 v29, v7;
	_ =	sdelay $0x1  }
0x2ef: {  	v31 =	vbroadcast v25, $0x0;
	v7 =	vadd.f32 v7, v30  }
0x2f0: {  	v33 =	vbroadcast v25, $0x1;
	v34 =	vbroadcast v25, $0x4  }
0x2f1: {  	v36 =	vbroadcast v25, $0x5;
	(erf) = vrcp.f32 v7  }
0x2f2: {  	v37 =	vbroadcast v25, $0x2;
	v38 =	vbroadcast v25, $0x6  }
0x2f3: {  	v32 =	vmul.f32 v4, v31;
	v35 =	vmul.f32 v5, v33  }
0x2f4: {  	v4 =	vmul.f32 v4, v34;
	v5 =	vmul.f32 v5, v36  }
0x2f5: {  	v39 =	vmul.f32 v3, v37;
	v7 =	vadd.f32 v35, v32  }
0x2f6: {  	v3 =	vmul.f32 v3, v38;
	v4 =	vadd.f32 v5, v4  }
0x2f7: {  	v41 =	vbroadcast v25, $0x3;
	v40 =	vadd.f32 v39, v7  }
0x2f8: {  	v42 =	vbroadcast v25, $0x7;
	v3 =	vadd.f32 v3, v4  }
0x2f9: {  	v5 =	vadd.f32 v40, v41  }
0x2fa: {  	v3 =	vadd.f32 v3, v42;
	v43 =	vpop (erf)  }
0x2fb: {  	v5 =	vmul.f32 v43, v5  }
0x2fc: {  	v3 =	vmul.f32 v43, v3  }
0x2fd: {  	v44 =	vmul.f32 $3.200000000e+02, v5  }
0x2fe: {  	v3 =	vmul.f32 $3.200000000e+02, v3  }
0x2ff: {  	v4 =	vadd.f32 $3.200000000e+02, v44  }
0x300: {  	v3 =	vadd.f32 $2.400000000e+02, v3  }
0x301: {  	[tilespmem:$0x2140] =	vst v4  }
0x302: {  	[tilespmem:$0x2340] =	vst v3  }
0x303: {  	v3 =	vld.idx.msk [tilespmem:v1+s13+$0x0], $0xffff;
	_ =	sdelay $0x4  }
0x304: {  	v45 =	vshll.u32 v3, $0x1  }
0x305: {  	v3 =	vadd.s32 v45, v3  }
0x306: {  	v4 =	vadd.s32 $0x100, v3  }
0x307: {  	v46 =	vadd.s32 $0x101, v3;
	_ =	sdelay $0x1  }
0x308: {  	v3 =	vadd.s32 $0x102, v3  }
0x309: {  	v47 =	vld [tilespmem:s25+$0x0]  }
0x30a: {  	v4 =	vld.idx.msk [tilespmem:v4+s10+$0x0], $0xffff  }
0x30b: {  	v5 =	vld.idx.msk [tilespmem:v46+s10+$0x0], $0xffff;
	_ =	sdelay $0x1  }
0x30c: {  	v3 =	vld.idx.msk [tilespmem:v3+s10+$0x0], $0xffff  }
0x30d: {  	v48 =	vbroadcast v47, $0x8;
	v49 =	vbroadcast v47, $0x9  }
0x30e: {  	v50 =	vbroadcast v47, $0xA  }
0x30f: {  	v7 =	vmul.f32 v4, v48;
	v8 =	vmul.f32 v5, v49;
	_ =	sdelay $0x1  }
0x310: {  	v51 =	vmul.f32 v3, v50;
	v7 =	vadd.f32 v8, v7;
	_ =	sdelay $0x1  }
0x311: {  	v52 =	vbroadcast v47, $0xB;
	v7 =	vadd.f32 v51, v7;
	_ =	sdelay $0x1  }
0x312: {  	v53 =	vbroadcast v47, $0x0;
	v7 =	vadd.f32 v7, v52  }
0x313: {  	v55 =	vbroadcast v47, $0x1;
	v56 =	vbroadcast v47, $0x4  }
0x314: {  	v58 =	vbroadcast v47, $0x5;
	(erf) = vrcp.f32 v7  }
0x315: {  	v59 =	vbroadcast v47, $0x2;
	v60 =	vbroadcast v47, $0x6  }
0x316: {  	v54 =	vmul.f32 v4, v53;
	v57 =	vmul.f32 v5, v55  }
0x317: {  	v4 =	vmul.f32 v4, v56;
	v5 =	vmul.f32 v5, v58  }
0x318: {  	v61 =	vmul.f32 v3, v59;
	v7 =	vadd.f32 v57, v54  }
0x319: {  	v3 =	vmul.f32 v3, v60;
	v4 =	vadd.f32 v5, v4  }
0x31a: {  	v63 =	vbroadcast v47, $0x3;
	v62 =	vadd.f32 v61, v7  }
0x31b: {  	v8 =	vbroadcast v47, $0x7;
	v3 =	vadd.f32 v3, v4  }
0x31c: {  	v5 =	vadd.f32 v62, v63  }
0x31d: {  	v3 =	vadd.f32 v3, v8;
	v9 =	vpop (erf)  }
0x31e: {  	v5 =	vmul.f32 v9, v5  }
0x31f: {  	v3 =	vmul.f32 v9, v3  }
0x320: {  	v10 =	vmul.f32 $3.200000000e+02, v5  }
0x321: {  	(v2sf) =	vpush v2, $0xB;
	v3 =	vmul.f32 $3.200000000e+02, v3  }
0x322: {  	v4 =	vadd.f32 $3.200000000e+02, v10  }
0x323: {  	v3 =	vadd.f32 $2.400000000e+02, v3  }
0x324: {  	[tilespmem:$0x2150] =	vst v4  }
0x325: {  	[tilespmem:$0x2350] =	vst v3  }
0x326: {  	v3 =	vld.idx.msk [tilespmem:v0+s13+$0x0], $0xffff;
	_ =	sdelay $0x4  }
0x327: {  	v11 =	vshll.u32 v3, $0x1  }
0x328: {  	v3 =	vadd.s32 v11, v3  }
0x329: {  	v4 =	vadd.s32 $0x100, v3  }
0x32a: {  	v12 =	vadd.s32 $0x101, v3;
	_ =	sdelay $0x1  }
0x32b: {  	s26 =	spop (v2sf);
	v3 =	vadd.s32 $0x102, v3  }
0x32c: {  	v13 =	vld [tilespmem:s26+$0x0]  }
0x32d: {  	v4 =	vld.idx.msk [tilespmem:v4+s10+$0x0], $0xffff  }
0x32e: {  	v5 =	vld.idx.msk [tilespmem:v12+s10+$0x0], $0xffff;
	_ =	sdelay $0x1  }
0x32f: {  	v3 =	vld.idx.msk [tilespmem:v3+s10+$0x0], $0xffff  }
0x330: {  	v14 =	vbroadcast v13, $0x8;
	v15 =	vbroadcast v13, $0x9  }
0x331: {  	v16 =	vbroadcast v13, $0xA  }
0x332: {  	v7 =	vmul.f32 v4, v14;
	v8 =	vmul.f32 v5, v15;
	_ =	sdelay $0x1  }
0x333: {  	v17 =	vmul.f32 v3, v16;
	v7 =	vadd.f32 v8, v7;
	_ =	sdelay $0x1  }
0x334: {  	v18 =	vbroadcast v13, $0xB;
	v7 =	vadd.f32 v17, v7;
	_ =	sdelay $0x1  }
0x335: {  	v19 =	vbroadcast v13, $0x0;
	v7 =	vadd.f32 v7, v18  }
0x336: {  	v21 =	vbroadcast v13, $0x1;
	v22 =	vbroadcast v13, $0x4  }
0x337: {  	v24 =	vbroadcast v13, $0x5;
	(erf) = vrcp.f32 v7  }
0x338: {  	v25 =	vbroadcast v13, $0x2;
	v26 =	vbroadcast v13, $0x6  }
0x339: {  	v20 =	vmul.f32 v4, v19;
	v23 =	vmul.f32 v5, v21  }
0x33a: {  	v4 =	vmul.f32 v4, v22;
	v5 =	vmul.f32 v5, v24  }
0x33b: {  	v27 =	vmul.f32 v3, v25;
	v7 =	vadd.f32 v23, v20  }
0x33c: {  	v3 =	vmul.f32 v3, v26;
	v4 =	vadd.f32 v5, v4  }
0x33d: {  	v29 =	vbroadcast v13, $0x3;
	v28 =	vadd.f32 v27, v7  }
0x33e: {  	v30 =	vbroadcast v13, $0x7;
	v3 =	vadd.f32 v3, v4  }
0x33f: {  	v5 =	vadd.f32 v28, v29  }
0x340: {  	v3 =	vadd.f32 v3, v30;
	v31 =	vpop (erf)  }
0x341: {  	v5 =	vmul.f32 v31, v5  }
0x342: {  	v3 =	vmul.f32 v31, v3  }
0x343: {  	v32 =	vmul.f32 $3.200000000e+02, v5  }
0x344: {  	v3 =	vmul.f32 $3.200000000e+02, v3  }
0x345: {  	v4 =	vadd.f32 $3.200000000e+02, v32  }
0x346: {  	v3 =	vadd.f32 $2.400000000e+02, v3  }
0x347: {  	[tilespmem:$0x2160] =	vst v4  }
0x348: {  	[tilespmem:$0x2360] =	vst v3  }
0x349: {  	v3 =	vld.idx.msk [tilespmem:v1+s13+$0x0], $0xffff;
	_ =	sdelay $0x4  }
0x34a: {  	v33 =	vshll.u32 v3, $0x1  }
0x34b: {  	v3 =	vadd.s32 v33, v3  }
0x34c: {  	v4 =	vadd.s32 $0x100, v3  }
0x34d: {  	v34 =	vadd.s32 $0x101, v3;
	_ =	sdelay $0x1  }
0x34e: {  	v3 =	vadd.s32 $0x102, v3  }
0x34f: {  	v35 =	vld [tilespmem:s26+$0x0]  }
0x350: {  	v4 =	vld.idx.msk [tilespmem:v4+s10+$0x0], $0xffff  }
0x351: {  	v5 =	vld.idx.msk [tilespmem:v34+s10+$0x0], $0xffff;
	_ =	sdelay $0x1  }
0x352: {  	v3 =	vld.idx.msk [tilespmem:v3+s10+$0x0], $0xffff  }
0x353: {  	v36 =	vbroadcast v35, $0x8;
	v37 =	vbroadcast v35, $0x9  }
0x354: {  	v38 =	vbroadcast v35, $0xA  }
0x355: {  	v7 =	vmul.f32 v4, v36;
	v8 =	vmul.f32 v5, v37;
	_ =	sdelay $0x1  }
0x356: {  	v39 =	vmul.f32 v3, v38;
	v7 =	vadd.f32 v8, v7;
	_ =	sdelay $0x1  }
0x357: {  	v40 =	vbroadcast v35, $0xB;
	v7 =	vadd.f32 v39, v7;
	_ =	sdelay $0x1  }
0x358: {  	v41 =	vbroadcast v35, $0x0;
	v7 =	vadd.f32 v7, v40  }
0x359: {  	v43 =	vbroadcast v35, $0x1;
	v44 =	vbroadcast v35, $0x4  }
0x35a: {  	v46 =	vbroadcast v35, $0x5;
	(erf) = vrcp.f32 v7  }
0x35b: {  	v47 =	vbroadcast v35, $0x2;
	v48 =	vbroadcast v35, $0x6  }
0x35c: {  	v42 =	vmul.f32 v4, v41;
	v45 =	vmul.f32 v5, v43  }
0x35d: {  	v4 =	vmul.f32 v4, v44;
	v5 =	vmul.f32 v5, v46  }
0x35e: {  	v49 =	vmul.f32 v3, v47;
	v7 =	vadd.f32 v45, v42  }
0x35f: {  	v3 =	vmul.f32 v3, v48;
	v4 =	vadd.f32 v5, v4  }
0x360: {  	v51 =	vbroadcast v35, $0x3;
	v50 =	vadd.f32 v49, v7  }
0x361: {  	v52 =	vbroadcast v35, $0x7;
	v3 =	vadd.f32 v3, v4  }
0x362: {  	v5 =	vadd.f32 v50, v51  }
0x363: {  	v3 =	vadd.f32 v3, v52;
	v53 =	vpop (erf)  }
0x364: {  	v5 =	vmul.f32 v53, v5  }
0x365: {  	v3 =	vmul.f32 v53, v3  }
0x366: {  	v54 =	vmul.f32 $3.200000000e+02, v5  }
0x367: {  	(v2sf) =	vpush v2, $0xC;
	v3 =	vmul.f32 $3.200000000e+02, v3  }
0x368: {  	v4 =	vadd.f32 $3.200000000e+02, v54  }
0x369: {  	v3 =	vadd.f32 $2.400000000e+02, v3  }
0x36a: {  	[tilespmem:$0x2170] =	vst v4  }
0x36b: {  	[tilespmem:$0x2370] =	vst v3  }
0x36c: {  	v3 =	vld.idx.msk [tilespmem:v0+s13+$0x0], $0xffff;
	_ =	sdelay $0x4  }
0x36d: {  	v55 =	vshll.u32 v3, $0x1  }
0x36e: {  	v3 =	vadd.s32 v55, v3  }
0x36f: {  	v4 =	vadd.s32 $0x100, v3  }
0x370: {  	v56 =	vadd.s32 $0x101, v3;
	_ =	sdelay $0x1  }
0x371: {  	s28 =	spop (v2sf);
	v3 =	vadd.s32 $0x102, v3  }
0x372: {  	v57 =	vld [tilespmem:s28+$0x0]  }
0x373: {  	v4 =	vld.idx.msk [tilespmem:v4+s10+$0x0], $0xffff  }
0x374: {  	v5 =	vld.idx.msk [tilespmem:v56+s10+$0x0], $0xffff;
	_ =	sdelay $0x1  }
0x375: {  	v3 =	vld.idx.msk [tilespmem:v3+s10+$0x0], $0xffff  }
0x376: {  	v58 =	vbroadcast v57, $0x8;
	v59 =	vbroadcast v57, $0x9  }
0x377: {  	v60 =	vbroadcast v57, $0xA  }
0x378: {  	v7 =	vmul.f32 v4, v58;
	v8 =	vmul.f32 v5, v59;
	_ =	sdelay $0x1  }
0x379: {  	v61 =	vmul.f32 v3, v60;
	v7 =	vadd.f32 v8, v7;
	_ =	sdelay $0x1  }
0x37a: {  	v62 =	vbroadcast v57, $0xB;
	v7 =	vadd.f32 v61, v7;
	_ =	sdelay $0x1  }
0x37b: {  	v63 =	vbroadcast v57, $0x0;
	v7 =	vadd.f32 v7, v62  }
0x37c: {  	v13 =	vbroadcast v57, $0x1;
	v14 =	vbroadcast v57, $0x4  }
0x37d: {  	v16 =	vbroadcast v57, $0x5;
	(erf) = vrcp.f32 v7  }
0x37e: {  	v17 =	vbroadcast v57, $0x2;
	v18 =	vbroadcast v57, $0x6  }
0x37f: {  	v12 =	vmul.f32 v4, v63;
	v15 =	vmul.f32 v5, v13  }
0x380: {  	v4 =	vmul.f32 v4, v14;
	v5 =	vmul.f32 v5, v16  }
0x381: {  	v19 =	vmul.f32 v3, v17;
	v7 =	vadd.f32 v15, v12  }
0x382: {  	v3 =	vmul.f32 v3, v18;
	v4 =	vadd.f32 v5, v4  }
0x383: {  	v21 =	vbroadcast v57, $0x3;
	v20 =	vadd.f32 v19, v7  }
0x384: {  	v22 =	vbroadcast v57, $0x7;
	v3 =	vadd.f32 v3, v4  }
0x385: {  	v5 =	vadd.f32 v20, v21  }
0x386: {  	v3 =	vadd.f32 v3, v22;
	v23 =	vpop (erf)  }
0x387: {  	v5 =	vmul.f32 v23, v5  }
0x388: {  	v3 =	vmul.f32 v23, v3  }
0x389: {  	v24 =	vmul.f32 $3.200000000e+02, v5  }
0x38a: {  	v3 =	vmul.f32 $3.200000000e+02, v3  }
0x38b: {  	v4 =	vadd.f32 $3.200000000e+02, v24  }
0x38c: {  	v3 =	vadd.f32 $2.400000000e+02, v3  }
0x38d: {  	[tilespmem:$0x2180] =	vst v4  }
0x38e: {  	[tilespmem:$0x2380] =	vst v3  }
0x38f: {  	v3 =	vld.idx.msk [tilespmem:v1+s13+$0x0], $0xffff;
	_ =	sdelay $0x4  }
0x390: {  	v25 =	vshll.u32 v3, $0x1  }
0x391: {  	v3 =	vadd.s32 v25, v3  }
0x392: {  	v4 =	vadd.s32 $0x100, v3  }
0x393: {  	v26 =	vadd.s32 $0x101, v3;
	_ =	sdelay $0x1  }
0x394: {  	v3 =	vadd.s32 $0x102, v3  }
0x395: {  	v27 =	vld [tilespmem:s28+$0x0]  }
0x396: {  	v4 =	vld.idx.msk [tilespmem:v4+s10+$0x0], $0xffff  }
0x397: {  	v5 =	vld.idx.msk [tilespmem:v26+s10+$0x0], $0xffff;
	_ =	sdelay $0x1  }
0x398: {  	v3 =	vld.idx.msk [tilespmem:v3+s10+$0x0], $0xffff  }
0x399: {  	v28 =	vbroadcast v27, $0x8;
	v29 =	vbroadcast v27, $0x9  }
0x39a: {  	v30 =	vbroadcast v27, $0xA  }
0x39b: {  	v7 =	vmul.f32 v4, v28;
	v8 =	vmul.f32 v5, v29;
	_ =	sdelay $0x1  }
0x39c: {  	v31 =	vmul.f32 v3, v30;
	v7 =	vadd.f32 v8, v7;
	_ =	sdelay $0x1  }
0x39d: {  	v32 =	vbroadcast v27, $0xB;
	v7 =	vadd.f32 v31, v7;
	_ =	sdelay $0x1  }
0x39e: {  	v33 =	vbroadcast v27, $0x0;
	v7 =	vadd.f32 v7, v32  }
0x39f: {  	v35 =	vbroadcast v27, $0x1;
	v36 =	vbroadcast v27, $0x4  }
0x3a0: {  	v38 =	vbroadcast v27, $0x5;
	(erf) = vrcp.f32 v7  }
0x3a1: {  	v39 =	vbroadcast v27, $0x2;
	v40 =	vbroadcast v27, $0x6  }
0x3a2: {  	v34 =	vmul.f32 v4, v33;
	v37 =	vmul.f32 v5, v35  }
0x3a3: {  	v4 =	vmul.f32 v4, v36;
	v5 =	vmul.f32 v5, v38  }
0x3a4: {  	v41 =	vmul.f32 v3, v39;
	v7 =	vadd.f32 v37, v34  }
0x3a5: {  	v3 =	vmul.f32 v3, v40;
	v4 =	vadd.f32 v5, v4  }
0x3a6: {  	v43 =	vbroadcast v27, $0x3;
	v42 =	vadd.f32 v41, v7  }
0x3a7: {  	v44 =	vbroadcast v27, $0x7;
	v3 =	vadd.f32 v3, v4  }
0x3a8: {  	v5 =	vadd.f32 v42, v43  }
0x3a9: {  	v3 =	vadd.f32 v3, v44;
	v45 =	vpop (erf)  }
0x3aa: {  	v5 =	vmul.f32 v45, v5  }
0x3ab: {  	v3 =	vmul.f32 v45, v3  }
0x3ac: {  	v46 =	vmul.f32 $3.200000000e+02, v5  }
0x3ad: {  	(v2sf) =	vpush v2, $0xD;
	v3 =	vmul.f32 $3.200000000e+02, v3  }
0x3ae: {  	v4 =	vadd.f32 $3.200000000e+02, v46  }
0x3af: {  	v3 =	vadd.f32 $2.400000000e+02, v3  }
0x3b0: {  	[tilespmem:$0x2190] =	vst v4  }
0x3b1: {  	[tilespmem:$0x2390] =	vst v3  }
0x3b2: {  	v3 =	vld.idx.msk [tilespmem:v0+s13+$0x0], $0xffff;
	_ =	sdelay $0x4  }
0x3b3: {  	v47 =	vshll.u32 v3, $0x1  }
0x3b4: {  	v3 =	vadd.s32 v47, v3  }
0x3b5: {  	v4 =	vadd.s32 $0x100, v3  }
0x3b6: {  	v48 =	vadd.s32 $0x101, v3;
	_ =	sdelay $0x1  }
0x3b7: {  	s29 =	spop (v2sf);
	v3 =	vadd.s32 $0x102, v3  }
0x3b8: {  	v49 =	vld [tilespmem:s29+$0x0]  }
0x3b9: {  	v4 =	vld.idx.msk [tilespmem:v4+s10+$0x0], $0xffff  }
0x3ba: {  	v5 =	vld.idx.msk [tilespmem:v48+s10+$0x0], $0xffff;
	_ =	sdelay $0x1  }
0x3bb: {  	v3 =	vld.idx.msk [tilespmem:v3+s10+$0x0], $0xffff  }
0x3bc: {  	v50 =	vbroadcast v49, $0x8;
	v51 =	vbroadcast v49, $0x9  }
0x3bd: {  	v52 =	vbroadcast v49, $0xA  }
0x3be: {  	v7 =	vmul.f32 v4, v50;
	v8 =	vmul.f32 v5, v51;
	_ =	sdelay $0x1  }
0x3bf: {  	v53 =	vmul.f32 v3, v52;
	v7 =	vadd.f32 v8, v7;
	_ =	sdelay $0x1  }
0x3c0: {  	v54 =	vbroadcast v49, $0xB;
	v7 =	vadd.f32 v53, v7;
	_ =	sdelay $0x1  }
0x3c1: {  	v55 =	vbroadcast v49, $0x0;
	v7 =	vadd.f32 v7, v54  }
0x3c2: {  	v57 =	vbroadcast v49, $0x1;
	v58 =	vbroadcast v49, $0x4  }
0x3c3: {  	v60 =	vbroadcast v49, $0x5;
	(erf) = vrcp.f32 v7  }
0x3c4: {  	v61 =	vbroadcast v49, $0x2;
	v62 =	vbroadcast v49, $0x6  }
0x3c5: {  	v56 =	vmul.f32 v4, v55;
	v59 =	vmul.f32 v5, v57  }
0x3c6: {  	v4 =	vmul.f32 v4, v58;
	v5 =	vmul.f32 v5, v60  }
0x3c7: {  	v63 =	vmul.f32 v3, v61;
	v7 =	vadd.f32 v59, v56  }
0x3c8: {  	v3 =	vmul.f32 v3, v62;
	v4 =	vadd.f32 v5, v4  }
0x3c9: {  	v10 =	vbroadcast v49, $0x3;
	v9 =	vadd.f32 v63, v7  }
0x3ca: {  	v11 =	vbroadcast v49, $0x7;
	v3 =	vadd.f32 v3, v4  }
0x3cb: {  	v5 =	vadd.f32 v9, v10  }
0x3cc: {  	v3 =	vadd.f32 v3, v11;
	v12 =	vpop (erf)  }
0x3cd: {  	v5 =	vmul.f32 v12, v5  }
0x3ce: {  	v3 =	vmul.f32 v12, v3  }
0x3cf: {  	v13 =	vmul.f32 $3.200000000e+02, v5  }
0x3d0: {  	v3 =	vmul.f32 $3.200000000e+02, v3  }
0x3d1: {  	v4 =	vadd.f32 $3.200000000e+02, v13  }
0x3d2: {  	v3 =	vadd.f32 $2.400000000e+02, v3  }
0x3d3: {  	[tilespmem:$0x21A0] =	vst v4  }
0x3d4: {  	[tilespmem:$0x23A0] =	vst v3  }
0x3d5: {  	v3 =	vld.idx.msk [tilespmem:v1+s13+$0x0], $0xffff;
	_ =	sdelay $0x4  }
0x3d6: {  	v14 =	vshll.u32 v3, $0x1  }
0x3d7: {  	v3 =	vadd.s32 v14, v3  }
0x3d8: {  	v4 =	vadd.s32 $0x100, v3  }
0x3d9: {  	v15 =	vadd.s32 $0x101, v3;
	_ =	sdelay $0x1  }
0x3da: {  	v3 =	vadd.s32 $0x102, v3  }
0x3db: {  	v16 =	vld [tilespmem:s29+$0x0]  }
0x3dc: {  	v4 =	vld.idx.msk [tilespmem:v4+s10+$0x0], $0xffff  }
0x3dd: {  	v5 =	vld.idx.msk [tilespmem:v15+s10+$0x0], $0xffff;
	_ =	sdelay $0x1  }
0x3de: {  	v3 =	vld.idx.msk [tilespmem:v3+s10+$0x0], $0xffff  }
0x3df: {  	v17 =	vbroadcast v16, $0x8;
	v18 =	vbroadcast v16, $0x9  }
0x3e0: {  	v19 =	vbroadcast v16, $0xA  }
0x3e1: {  	v7 =	vmul.f32 v4, v17;
	v8 =	vmul.f32 v5, v18;
	_ =	sdelay $0x1  }
0x3e2: {  	v20 =	vmul.f32 v3, v19;
	v7 =	vadd.f32 v8, v7;
	_ =	sdelay $0x1  }
0x3e3: {  	v21 =	vbroadcast v16, $0xB;
	v7 =	vadd.f32 v20, v7;
	_ =	sdelay $0x1  }
0x3e4: {  	v22 =	vbroadcast v16, $0x0;
	v7 =	vadd.f32 v7, v21  }
0x3e5: {  	v24 =	vbroadcast v16, $0x1;
	v25 =	vbroadcast v16, $0x4  }
0x3e6: {  	v27 =	vbroadcast v16, $0x5;
	(erf) = vrcp.f32 v7  }
0x3e7: {  	v28 =	vbroadcast v16, $0x2;
	v29 =	vbroadcast v16, $0x6  }
0x3e8: {  	v23 =	vmul.f32 v4, v22;
	v26 =	vmul.f32 v5, v24  }
0x3e9: {  	v4 =	vmul.f32 v4, v25;
	v5 =	vmul.f32 v5, v27  }
0x3ea: {  	v30 =	vmul.f32 v3, v28;
	v7 =	vadd.f32 v26, v23  }
0x3eb: {  	v3 =	vmul.f32 v3, v29;
	v4 =	vadd.f32 v5, v4  }
0x3ec: {  	v32 =	vbroadcast v16, $0x3;
	v31 =	vadd.f32 v30, v7  }
0x3ed: {  	v33 =	vbroadcast v16, $0x7;
	v3 =	vadd.f32 v3, v4  }
0x3ee: {  	v5 =	vadd.f32 v31, v32  }
0x3ef: {  	v3 =	vadd.f32 v3, v33;
	v34 =	vpop (erf)  }
0x3f0: {  	v5 =	vmul.f32 v34, v5  }
0x3f1: {  	v3 =	vmul.f32 v34, v3  }
0x3f2: {  	v35 =	vmul.f32 $3.200000000e+02, v5  }
0x3f3: {  	(v2sf) =	vpush v2, $0xE;
	v3 =	vmul.f32 $3.200000000e+02, v3  }
0x3f4: {  	v4 =	vadd.f32 $3.200000000e+02, v35  }
0x3f5: {  	v3 =	vadd.f32 $2.400000000e+02, v3  }
0x3f6: {  	[tilespmem:$0x21B0] =	vst v4  }
0x3f7: {  	[tilespmem:$0x23B0] =	vst v3  }
0x3f8: {  	v3 =	vld.idx.msk [tilespmem:v0+s13+$0x0], $0xffff;
	_ =	sdelay $0x4  }
0x3f9: {  	v36 =	vshll.u32 v3, $0x1  }
0x3fa: {  	v3 =	vadd.s32 v36, v3  }
0x3fb: {  	v4 =	vadd.s32 $0x100, v3  }
0x3fc: {  	v37 =	vadd.s32 $0x101, v3;
	_ =	sdelay $0x1  }
0x3fd: {  	s30 =	spop (v2sf);
	v3 =	vadd.s32 $0x102, v3  }
0x3fe: {  	v38 =	vld [tilespmem:s30+$0x0]  }
0x3ff: {  	v4 =	vld.idx.msk [tilespmem:v4+s10+$0x0], $0xffff  }
0x400: {  	v5 =	vld.idx.msk [tilespmem:v37+s10+$0x0], $0xffff;
	_ =	sdelay $0x1  }
0x401: {  	v3 =	vld.idx.msk [tilespmem:v3+s10+$0x0], $0xffff  }
0x402: {  	v39 =	vbroadcast v38, $0x8;
	v40 =	vbroadcast v38, $0x9  }
0x403: {  	v41 =	vbroadcast v38, $0xA  }
0x404: {  	v7 =	vmul.f32 v4, v39;
	v8 =	vmul.f32 v5, v40;
	_ =	sdelay $0x1  }
0x405: {  	v42 =	vmul.f32 v3, v41;
	v7 =	vadd.f32 v8, v7;
	_ =	sdelay $0x1  }
0x406: {  	v43 =	vbroadcast v38, $0xB;
	v7 =	vadd.f32 v42, v7;
	_ =	sdelay $0x1  }
0x407: {  	v44 =	vbroadcast v38, $0x0;
	v7 =	vadd.f32 v7, v43  }
0x408: {  	v46 =	vbroadcast v38, $0x1;
	v47 =	vbroadcast v38, $0x4  }
0x409: {  	v49 =	vbroadcast v38, $0x5;
	(erf) = vrcp.f32 v7  }
0x40a: {  	v50 =	vbroadcast v38, $0x2;
	v51 =	vbroadcast v38, $0x6  }
0x40b: {  	v45 =	vmul.f32 v4, v44;
	v48 =	vmul.f32 v5, v46  }
0x40c: {  	v4 =	vmul.f32 v4, v47;
	v5 =	vmul.f32 v5, v49  }
0x40d: {  	v52 =	vmul.f32 v3, v50;
	v7 =	vadd.f32 v48, v45  }
0x40e: {  	v3 =	vmul.f32 v3, v51;
	v4 =	vadd.f32 v5, v4  }
0x40f: {  	v54 =	vbroadcast v38, $0x3;
	v53 =	vadd.f32 v52, v7  }
0x410: {  	v55 =	vbroadcast v38, $0x7;
	v3 =	vadd.f32 v3, v4  }
0x411: {  	v5 =	vadd.f32 v53, v54  }
0x412: {  	v3 =	vadd.f32 v3, v55;
	v56 =	vpop (erf)  }
0x413: {  	v5 =	vmul.f32 v56, v5  }
0x414: {  	v3 =	vmul.f32 v56, v3  }
0x415: {  	v57 =	vmul.f32 $3.200000000e+02, v5  }
0x416: {  	v3 =	vmul.f32 $3.200000000e+02, v3  }
0x417: {  	v4 =	vadd.f32 $3.200000000e+02, v57  }
0x418: {  	v3 =	vadd.f32 $2.400000000e+02, v3  }
0x419: {  	[tilespmem:$0x21C0] =	vst v4  }
0x41a: {  	[tilespmem:$0x23C0] =	vst v3  }
0x41b: {  	v3 =	vld.idx.msk [tilespmem:v1+s13+$0x0], $0xffff;
	_ =	sdelay $0x4  }
0x41c: {  	v58 =	vshll.u32 v3, $0x1  }
0x41d: {  	v3 =	vadd.s32 v58, v3  }
0x41e: {  	v4 =	vadd.s32 $0x100, v3  }
0x41f: {  	v59 =	vadd.s32 $0x101, v3;
	_ =	sdelay $0x1  }
0x420: {  	v3 =	vadd.s32 $0x102, v3  }
0x421: {  	v60 =	vld [tilespmem:s30+$0x0]  }
0x422: {  	v4 =	vld.idx.msk [tilespmem:v4+s10+$0x0], $0xffff  }
0x423: {  	v5 =	vld.idx.msk [tilespmem:v59+s10+$0x0], $0xffff;
	_ =	sdelay $0x1  }
0x424: {  	v3 =	vld.idx.msk [tilespmem:v3+s10+$0x0], $0xffff  }
0x425: {  	v61 =	vbroadcast v60, $0x8;
	v62 =	vbroadcast v60, $0x9  }
0x426: {  	v63 =	vbroadcast v60, $0xA  }
0x427: {  	v7 =	vmul.f32 v4, v61;
	v8 =	vmul.f32 v5, v62;
	_ =	sdelay $0x1  }
0x428: {  	v12 =	vmul.f32 v3, v63;
	v7 =	vadd.f32 v8, v7;
	_ =	sdelay $0x1  }
0x429: {  	v13 =	vbroadcast v60, $0xB;
	v7 =	vadd.f32 v12, v7;
	_ =	sdelay $0x1  }
0x42a: {  	v14 =	vbroadcast v60, $0x0;
	v7 =	vadd.f32 v7, v13  }
0x42b: {  	v16 =	vbroadcast v60, $0x1;
	v17 =	vbroadcast v60, $0x4  }
0x42c: {  	v19 =	vbroadcast v60, $0x5;
	(erf) = vrcp.f32 v7  }
0x42d: {  	v20 =	vbroadcast v60, $0x2;
	v21 =	vbroadcast v60, $0x6  }
0x42e: {  	v15 =	vmul.f32 v4, v14;
	v18 =	vmul.f32 v5, v16  }
0x42f: {  	v4 =	vmul.f32 v4, v17;
	v5 =	vmul.f32 v5, v19  }
0x430: {  	v22 =	vmul.f32 v3, v20;
	v7 =	vadd.f32 v18, v15  }
0x431: {  	v3 =	vmul.f32 v3, v21;
	v4 =	vadd.f32 v5, v4  }
0x432: {  	v24 =	vbroadcast v60, $0x3;
	v23 =	vadd.f32 v22, v7  }
0x433: {  	v25 =	vbroadcast v60, $0x7;
	v3 =	vadd.f32 v3, v4  }
0x434: {  	v5 =	vadd.f32 v23, v24  }
0x435: {  	v3 =	vadd.f32 v3, v25;
	v26 =	vpop (erf)  }
0x436: {  	v5 =	vmul.f32 v26, v5  }
0x437: {  	v3 =	vmul.f32 v26, v3  }
0x438: {  	v27 =	vmul.f32 $3.200000000e+02, v5  }
0x439: {  	(v2sf) =	vpush v2, $0xF;
	v2 =	vmul.f32 $3.200000000e+02, v3  }
0x43a: {  	v3 =	vadd.f32 $3.200000000e+02, v27  }
0x43b: {  	v2 =	vadd.f32 $2.400000000e+02, v2  }
0x43c: {  	[tilespmem:$0x21D0] =	vst v3  }
0x43d: {  	[tilespmem:$0x23D0] =	vst v2  }
0x43e: {  	v2 =	vld.idx.msk [tilespmem:v0+s13+$0x0], $0xffff;
	_ =	sdelay $0x4  }
0x43f: {  	v3 =	vshll.u32 v2, $0x1  }
0x440: {  	v2 =	vadd.s32 v3, v2  }
0x441: {  	v3 =	vadd.s32 $0x100, v2  }
0x442: {  	v28 =	vadd.s32 $0x101, v2;
	_ =	sdelay $0x1  }
0x443: {  	s31 =	spop (v2sf);
	v2 =	vadd.s32 $0x102, v2  }
0x444: {  	v29 =	vld [tilespmem:s31+$0x0]  }
0x445: {  	v3 =	vld.idx.msk [tilespmem:v3+s10+$0x0], $0xffff  }
0x446: {  	v4 =	vld.idx.msk [tilespmem:v28+s10+$0x0], $0xffff;
	_ =	sdelay $0x1  }
0x447: {  	v2 =	vld.idx.msk [tilespmem:v2+s10+$0x0], $0xffff  }
0x448: {  	v30 =	vbroadcast v29, $0x8;
	v31 =	vbroadcast v29, $0x9  }
0x449: {  	v32 =	vbroadcast v29, $0xA  }
0x44a: {  	v6 =	vmul.f32 v3, v30;
	v7 =	vmul.f32 v4, v31;
	_ =	sdelay $0x1  }
0x44b: {  	v33 =	vmul.f32 v2, v32;
	v6 =	vadd.f32 v7, v6;
	_ =	sdelay $0x1  }
0x44c: {  	v34 =	vbroadcast v29, $0xB;
	v35 =	vbroadcast v29, $0x0;
	v6 =	vadd.f32 v33, v6  }
0x44d: {  	v37 =	vbroadcast v29, $0x1;
	v38 =	vbroadcast v29, $0x4  }
0x44e: {  	v40 =	vbroadcast v29, $0x5;
	v41 =	vbroadcast v29, $0x2;
	v6 =	vadd.f32 v6, v34  }
0x44f: {  	v42 =	vbroadcast v29, $0x6;
	v36 =	vmul.f32 v3, v35  }
0x450: {  	v39 =	vmul.f32 v4, v37;
	(erf) = vrcp.f32 v6  }
0x451: {  	v3 =	vmul.f32 v3, v38;
	v4 =	vmul.f32 v4, v40;
	_ =	sdelay $0x1  }
0x452: {  	v43 =	vmul.f32 v2, v41;
	v2 =	vmul.f32 v2, v42;
	v3 =	vadd.f32 v4, v3  }
0x453: {  	v6 =	vadd.f32 v39, v36  }
0x454: {  	v2 =	vadd.f32 v2, v3;
	v3 =	vbroadcast v29, $0x7  }
0x455: {  	v45 =	vbroadcast v29, $0x3;
	v44 =	vadd.f32 v43, v6;
	_ =	sdelay $0x1  }
0x456: {  	v4 =	vadd.f32 v44, v45  }
0x457: {  	v2 =	vadd.f32 v2, v3;
	v3 =	vpop (erf)  }
0x458: {  	v4 =	vmul.f32 v3, v4  }
0x459: {  	v2 =	vmul.f32 v3, v2  }
0x45a: {  	v3 =	vmul.f32 $3.200000000e+02, v4  }
0x45b: {  	v2 =	vmul.f32 $3.200000000e+02, v2  }
0x45c: {  	v3 =	vadd.f32 $3.200000000e+02, v3  }
0x45d: {  	v2 =	vadd.f32 $2.400000000e+02, v2  }
0x45e: {  	[tilespmem:$0x21E0] =	vst v3  }
0x45f: {  	[tilespmem:$0x23E0] =	vst v2  }
0x460: {  	v2 =	vld.idx.msk [tilespmem:v1+s13+$0x0], $0xffff;
	_ =	sdelay $0x4  }
0x461: {  	v3 =	vshll.u32 v2, $0x1  }
0x462: {  	v2 =	vadd.s32 v3, v2  }
0x463: {  	v3 =	vadd.s32 $0x100, v2  }
0x464: {  	v46 =	vadd.s32 $0x101, v2;
	_ =	sdelay $0x1  }
0x465: {  	v2 =	vadd.s32 $0x102, v2  }
0x466: {  	v47 =	vld [tilespmem:s31+$0x0]  }
0x467: {  	v3 =	vld.idx.msk [tilespmem:v3+s10+$0x0], $0xffff  }
0x468: {  	v4 =	vld.idx.msk [tilespmem:v46+s10+$0x0], $0xffff;
	_ =	sdelay $0x1  }
0x469: {  	v2 =	vld.idx.msk [tilespmem:v2+s10+$0x0], $0xffff  }
0x46a: {  	v48 =	vbroadcast v47, $0x8;
	v49 =	vbroadcast v47, $0x9  }
0x46b: {  	v50 =	vbroadcast v47, $0xA  }
0x46c: {  	v6 =	vmul.f32 v3, v48;
	v7 =	vmul.f32 v4, v49;
	_ =	sdelay $0x1  }
0x46d: {  	v51 =	vmul.f32 v2, v50;
	v6 =	vadd.f32 v7, v6;
	_ =	sdelay $0x1  }
0x46e: {  	v52 =	vbroadcast v47, $0xB;
	v53 =	vbroadcast v47, $0x0;
	v6 =	vadd.f32 v51, v6  }
0x46f: {  	v55 =	vbroadcast v47, $0x1;
	v56 =	vbroadcast v47, $0x4  }
0x470: {  	v58 =	vbroadcast v47, $0x5;
	v59 =	vbroadcast v47, $0x2;
	v6 =	vadd.f32 v6, v52  }
0x471: {  	v60 =	vbroadcast v47, $0x6;
	v54 =	vmul.f32 v3, v53  }
0x472: {  	v57 =	vmul.f32 v4, v55;
	(erf) = vrcp.f32 v6  }
0x473: {  	v3 =	vmul.f32 v3, v56;
	v4 =	vmul.f32 v4, v58;
	_ =	sdelay $0x1  }
0x474: {  	v61 =	vmul.f32 v2, v59;
	v2 =	vmul.f32 v2, v60;
	v3 =	vadd.f32 v4, v3  }
0x475: {  	v6 =	vadd.f32 v57, v54  }
0x476: {  	v2 =	vadd.f32 v2, v3;
	v3 =	vbroadcast v47, $0x7  }
0x477: {  	v63 =	vbroadcast v47, $0x3;
	v62 =	vadd.f32 v61, v6;
	_ =	sdelay $0x1  }
0x478: {  	v4 =	vadd.f32 v62, v63  }
0x479: {  	v2 =	vadd.f32 v2, v3;
	v3 =	vpop (erf)  }
0x47a: {  	v4 =	vmul.f32 v3, v4  }
0x47b: {  	v2 =	vmul.f32 v3, v2  }
0x47c: {  	v3 =	vmul.f32 $3.200000000e+02, v4  }
0x47d: {  	v2 =	vmul.f32 $3.200000000e+02, v2  }
0x47e: {  	v3 =	vadd.f32 $3.200000000e+02, v3  }
0x47f: {  	v2 =	vadd.f32 $2.400000000e+02, v2  }
0x480: {  	[tilespmem:$0x21F0] =	vst v3  }
0x481: {  	[tilespmem:$0x23F0] =	vst v2  }
0x482: {  	_ =	swait.ge [sflag:s15], $0x1000  }
0x483: {  	s21 =	simm.s32 $0xFFFFFFFC;
	s22 =	simm.s32 $0x1900;
	[sflag:s15] =	ssyncset.done $0x0  }
0x484: {  	s23 =	simm.s32 $0x1100;
	s24 =	simm.s32 $0x200;
	[sflag:s15] =	ssyncadd.s32 $0xFFFFF000  }
.LBB2_2:
0x485: {  	v2 =	vld [tilespmem:s24+$0xFFFFFE00]  }
0x486: {  	v3 =	vld [tilespmem:s24+$0xFFFFFE80];
	_ =	sdelay $0x3  }
0x487: {  	v2 =	vshll.u32 v2, $0x5  }
0x488: {  	v2 =	vadd.s32 v3, v2;
	_ =	sdelay $0x4  }
0x489: {  	v3 =	vld.idx.msk [tilespmem:v2+s16+$0x0], $0xffff;
	_ =	sdelay $0x4  }
0x48a: {  	[tilespmem:s23+$0xFFFFFF00] =	vst v3  }
0x48b: {  	v2 =	vld.idx.msk [tilespmem:v2+s17+$0x0], $0xffff;
	_ =	sdelay $0x4  }
0x48c: {  	[tilespmem:s22+$0xFFFFFF00] =	vst v2  }
0x48d: {  	v2 =	vld [tilespmem:s24+$0xFFFFFE10]  }
0x48e: {  	v3 =	vld [tilespmem:s24+$0xFFFFFE90];
	_ =	sdelay $0x3  }
0x48f: {  	v2 =	vshll.u32 v2, $0x5  }
0x490: {  	v2 =	vadd.s32 v3, v2;
	_ =	sdelay $0x4  }
0x491: {  	v3 =	vld.idx.msk [tilespmem:v2+s16+$0x0], $0xffff;
	_ =	sdelay $0x4  }
0x492: {  	[tilespmem:s23+$0xFFFFFF10] =	vst v3  }
0x493: {  	v2 =	vld.idx.msk [tilespmem:v2+s17+$0x0], $0xffff;
	_ =	sdelay $0x4  }
0x494: {  	[tilespmem:s22+$0xFFFFFF10] =	vst v2  }
0x495: {  	v2 =	vld [tilespmem:s24+$0xFFFFFE20]  }
0x496: {  	v3 =	vld [tilespmem:s24+$0xFFFFFEA0];
	_ =	sdelay $0x3  }
0x497: {  	v2 =	vshll.u32 v2, $0x5  }
0x498: {  	v2 =	vadd.s32 v3, v2;
	_ =	sdelay $0x4  }
0x499: {  	v3 =	vld.idx.msk [tilespmem:v2+s16+$0x0], $0xffff;
	_ =	sdelay $0x4  }
0x49a: {  	[tilespmem:s23+$0xFFFFFF20] =	vst v3  }
0x49b: {  	v2 =	vld.idx.msk [tilespmem:v2+s17+$0x0], $0xffff;
	_ =	sdelay $0x4  }
0x49c: {  	[tilespmem:s22+$0xFFFFFF20] =	vst v2  }
0x49d: {  	v2 =	vld [tilespmem:s24+$0xFFFFFE30]  }
0x49e: {  	v3 =	vld [tilespmem:s24+$0xFFFFFEB0];
	_ =	sdelay $0x3  }
0x49f: {  	v2 =	vshll.u32 v2, $0x5  }
0x4a0: {  	v2 =	vadd.s32 v3, v2;
	_ =	sdelay $0x4  }
0x4a1: {  	v3 =	vld.idx.msk [tilespmem:v2+s16+$0x0], $0xffff;
	_ =	sdelay $0x4  }
0x4a2: {  	[tilespmem:s23+$0xFFFFFF30] =	vst v3  }
0x4a3: {  	v2 =	vld.idx.msk [tilespmem:v2+s17+$0x0], $0xffff;
	_ =	sdelay $0x4  }
0x4a4: {  	[tilespmem:s22+$0xFFFFFF30] =	vst v2  }
0x4a5: {  	v2 =	vld [tilespmem:s24+$0xFFFFFE40]  }
0x4a6: {  	v3 =	vld [tilespmem:s24+$0xFFFFFEC0];
	_ =	sdelay $0x3  }
0x4a7: {  	v2 =	vshll.u32 v2, $0x5  }
0x4a8: {  	v2 =	vadd.s32 v3, v2;
	_ =	sdelay $0x4  }
0x4a9: {  	v3 =	vld.idx.msk [tilespmem:v2+s16+$0x0], $0xffff;
	_ =	sdelay $0x4  }
0x4aa: {  	[tilespmem:s23+$0xFFFFFF40] =	vst v3  }
0x4ab: {  	v2 =	vld.idx.msk [tilespmem:v2+s17+$0x0], $0xffff;
	_ =	sdelay $0x4  }
0x4ac: {  	[tilespmem:s22+$0xFFFFFF40] =	vst v2  }
0x4ad: {  	v2 =	vld [tilespmem:s24+$0xFFFFFE50]  }
0x4ae: {  	v3 =	vld [tilespmem:s24+$0xFFFFFED0];
	_ =	sdelay $0x3  }
0x4af: {  	v2 =	vshll.u32 v2, $0x5  }
0x4b0: {  	v2 =	vadd.s32 v3, v2;
	_ =	sdelay $0x4  }
0x4b1: {  	v3 =	vld.idx.msk [tilespmem:v2+s16+$0x0], $0xffff;
	_ =	sdelay $0x4  }
0x4b2: {  	[tilespmem:s23+$0xFFFFFF50] =	vst v3  }
0x4b3: {  	v2 =	vld.idx.msk [tilespmem:v2+s17+$0x0], $0xffff;
	_ =	sdelay $0x4  }
0x4b4: {  	[tilespmem:s22+$0xFFFFFF50] =	vst v2  }
0x4b5: {  	v2 =	vld [tilespmem:s24+$0xFFFFFE60]  }
0x4b6: {  	v3 =	vld [tilespmem:s24+$0xFFFFFEE0];
	_ =	sdelay $0x3  }
0x4b7: {  	v2 =	vshll.u32 v2, $0x5  }
0x4b8: {  	v2 =	vadd.s32 v3, v2;
	_ =	sdelay $0x4  }
0x4b9: {  	v3 =	vld.idx.msk [tilespmem:v2+s16+$0x0], $0xffff;
	_ =	sdelay $0x4  }
0x4ba: {  	[tilespmem:s23+$0xFFFFFF60] =	vst v3  }
0x4bb: {  	v2 =	vld.idx.msk [tilespmem:v2+s17+$0x0], $0xffff;
	_ =	sdelay $0x4  }
0x4bc: {  	[tilespmem:s22+$0xFFFFFF60] =	vst v2  }
0x4bd: {  	v2 =	vld [tilespmem:s24+$0xFFFFFE70]  }
0x4be: {  	v3 =	vld [tilespmem:s24+$0xFFFFFEF0];
	_ =	sdelay $0x3  }
0x4bf: {  	v2 =	vshll.u32 v2, $0x5  }
0x4c0: {  	v2 =	vadd.s32 v3, v2;
	_ =	sdelay $0x4  }
0x4c1: {  	v3 =	vld.idx.msk [tilespmem:v2+s16+$0x0], $0xffff;
	_ =	sdelay $0x4  }
0x4c2: {  	[tilespmem:s23+$0xFFFFFF70] =	vst v3  }
0x4c3: {  	v2 =	vld.idx.msk [tilespmem:v2+s17+$0x0], $0xffff;
	_ =	sdelay $0x4  }
0x4c4: {  	[tilespmem:s22+$0xFFFFFF70] =	vst v2  }
0x4c5: {  	v2 =	vld [tilespmem:s24+$0xFFFFFF00]  }
0x4c6: {  	v3 =	vld [tilespmem:s24+$0xFFFFFF80];
	_ =	sdelay $0x3  }
0x4c7: {  	v2 =	vshll.u32 v2, $0x5  }
0x4c8: {  	v2 =	vadd.s32 v3, v2;
	_ =	sdelay $0x4  }
0x4c9: {  	v3 =	vld.idx.msk [tilespmem:v2+s16+$0x0], $0xffff;
	_ =	sdelay $0x4  }
0x4ca: {  	[tilespmem:s23+$0xFFFFFF80] =	vst v3  }
0x4cb: {  	v2 =	vld.idx.msk [tilespmem:v2+s17+$0x0], $0xffff;
	_ =	sdelay $0x4  }
0x4cc: {  	[tilespmem:s22+$0xFFFFFF80] =	vst v2  }
0x4cd: {  	v2 =	vld [tilespmem:s24+$0xFFFFFF10]  }
0x4ce: {  	v3 =	vld [tilespmem:s24+$0xFFFFFF90];
	_ =	sdelay $0x3  }
0x4cf: {  	v2 =	vshll.u32 v2, $0x5  }
0x4d0: {  	v2 =	vadd.s32 v3, v2;
	_ =	sdelay $0x4  }
0x4d1: {  	v3 =	vld.idx.msk [tilespmem:v2+s16+$0x0], $0xffff;
	_ =	sdelay $0x4  }
0x4d2: {  	[tilespmem:s23+$0xFFFFFF90] =	vst v3  }
0x4d3: {  	v2 =	vld.idx.msk [tilespmem:v2+s17+$0x0], $0xffff;
	_ =	sdelay $0x4  }
0x4d4: {  	[tilespmem:s22+$0xFFFFFF90] =	vst v2  }
0x4d5: {  	v2 =	vld [tilespmem:s24+$0xFFFFFF20]  }
0x4d6: {  	v3 =	vld [tilespmem:s24+$0xFFFFFFA0];
	_ =	sdelay $0x3  }
0x4d7: {  	v2 =	vshll.u32 v2, $0x5  }
0x4d8: {  	v2 =	vadd.s32 v3, v2;
	_ =	sdelay $0x4  }
0x4d9: {  	v3 =	vld.idx.msk [tilespmem:v2+s16+$0x0], $0xffff;
	_ =	sdelay $0x4  }
0x4da: {  	[tilespmem:s23+$0xFFFFFFA0] =	vst v3  }
0x4db: {  	v2 =	vld.idx.msk [tilespmem:v2+s17+$0x0], $0xffff;
	_ =	sdelay $0x4  }
0x4dc: {  	[tilespmem:s22+$0xFFFFFFA0] =	vst v2  }
0x4dd: {  	v2 =	vld [tilespmem:s24+$0xFFFFFF30]  }
0x4de: {  	v3 =	vld [tilespmem:s24+$0xFFFFFFB0];
	_ =	sdelay $0x3  }
0x4df: {  	v2 =	vshll.u32 v2, $0x5  }
0x4e0: {  	v2 =	vadd.s32 v3, v2;
	_ =	sdelay $0x4  }
0x4e1: {  	v3 =	vld.idx.msk [tilespmem:v2+s16+$0x0], $0xffff;
	_ =	sdelay $0x4  }
0x4e2: {  	[tilespmem:s23+$0xFFFFFFB0] =	vst v3  }
0x4e3: {  	v2 =	vld.idx.msk [tilespmem:v2+s17+$0x0], $0xffff;
	_ =	sdelay $0x4  }
0x4e4: {  	[tilespmem:s22+$0xFFFFFFB0] =	vst v2  }
0x4e5: {  	v2 =	vld [tilespmem:s24+$0xFFFFFF40]  }
0x4e6: {  	v3 =	vld [tilespmem:s24+$0xFFFFFFC0];
	_ =	sdelay $0x3  }
0x4e7: {  	v2 =	vshll.u32 v2, $0x5  }
0x4e8: {  	v2 =	vadd.s32 v3, v2;
	_ =	sdelay $0x4  }
0x4e9: {  	v3 =	vld.idx.msk [tilespmem:v2+s16+$0x0], $0xffff;
	_ =	sdelay $0x4  }
0x4ea: {  	[tilespmem:s23+$0xFFFFFFC0] =	vst v3  }
0x4eb: {  	v2 =	vld.idx.msk [tilespmem:v2+s17+$0x0], $0xffff;
	_ =	sdelay $0x4  }
0x4ec: {  	[tilespmem:s22+$0xFFFFFFC0] =	vst v2  }
0x4ed: {  	v2 =	vld [tilespmem:s24+$0xFFFFFF50]  }
0x4ee: {  	v3 =	vld [tilespmem:s24+$0xFFFFFFD0];
	_ =	sdelay $0x3  }
0x4ef: {  	v2 =	vshll.u32 v2, $0x5  }
0x4f0: {  	v2 =	vadd.s32 v3, v2;
	_ =	sdelay $0x4  }
0x4f1: {  	v3 =	vld.idx.msk [tilespmem:v2+s16+$0x0], $0xffff;
	_ =	sdelay $0x4  }
0x4f2: {  	[tilespmem:s23+$0xFFFFFFD0] =	vst v3  }
0x4f3: {  	v2 =	vld.idx.msk [tilespmem:v2+s17+$0x0], $0xffff;
	_ =	sdelay $0x4  }
0x4f4: {  	[tilespmem:s22+$0xFFFFFFD0] =	vst v2  }
0x4f5: {  	v2 =	vld [tilespmem:s24+$0xFFFFFF60]  }
0x4f6: {  	v3 =	vld [tilespmem:s24+$0xFFFFFFE0];
	_ =	sdelay $0x3  }
0x4f7: {  	v2 =	vshll.u32 v2, $0x5  }
0x4f8: {  	v2 =	vadd.s32 v3, v2;
	_ =	sdelay $0x4  }
0x4f9: {  	v3 =	vld.idx.msk [tilespmem:v2+s16+$0x0], $0xffff;
	_ =	sdelay $0x4  }
0x4fa: {  	[tilespmem:s23+$0xFFFFFFE0] =	vst v3  }
0x4fb: {  	v2 =	vld.idx.msk [tilespmem:v2+s17+$0x0], $0xffff;
	_ =	sdelay $0x4  }
0x4fc: {  	[tilespmem:s22+$0xFFFFFFE0] =	vst v2  }
0x4fd: {  	v2 =	vld [tilespmem:s24+$0xFFFFFF70]  }
0x4fe: {  	v3 =	vld [tilespmem:s24+$0xFFFFFFF0];
	_ =	sdelay $0x3  }
0x4ff: {  	v2 =	vshll.u32 v2, $0x5  }
0x500: {  	v2 =	vadd.s32 v3, v2;
	_ =	sdelay $0x4  }
0x501: {  	v3 =	vld.idx.msk [tilespmem:v2+s16+$0x0], $0xffff;
	_ =	sdelay $0x4  }
0x502: {  	[tilespmem:s23+$0xFFFFFFF0] =	vst v3  }
0x503: {  	v2 =	vld.idx.msk [tilespmem:v2+s17+$0x0], $0xffff;
	_ =	sdelay $0x4  }
0x504: {  	[tilespmem:s22+$0xFFFFFFF0] =	vst v2  }
0x505: {  	v2 =	vld [tilespmem:s24+$0x0]  }
0x506: {  	v3 =	vld [tilespmem:s24+$0x80];
	_ =	sdelay $0x3  }
0x507: {  	v2 =	vshll.u32 v2, $0x5  }
0x508: {  	v2 =	vadd.s32 v3, v2;
	_ =	sdelay $0x4  }
0x509: {  	v3 =	vld.idx.msk [tilespmem:v2+s16+$0x0], $0xffff;
	_ =	sdelay $0x4  }
0x50a: {  	[tilespmem:s23+$0x0] =	vst v3  }
0x50b: {  	v2 =	vld.idx.msk [tilespmem:v2+s17+$0x0], $0xffff;
	_ =	sdelay $0x4  }
0x50c: {  	[tilespmem:s22+$0x0] =	vst v2  }
0x50d: {  	v2 =	vld [tilespmem:s24+$0x10]  }
0x50e: {  	v3 =	vld [tilespmem:s24+$0x90];
	_ =	sdelay $0x3  }
0x50f: {  	v2 =	vshll.u32 v2, $0x5  }
0x510: {  	v2 =	vadd.s32 v3, v2;
	_ =	sdelay $0x4  }
0x511: {  	v3 =	vld.idx.msk [tilespmem:v2+s16+$0x0], $0xffff;
	_ =	sdelay $0x4  }
0x512: {  	[tilespmem:s23+$0x10] =	vst v3  }
0x513: {  	v2 =	vld.idx.msk [tilespmem:v2+s17+$0x0], $0xffff;
	_ =	sdelay $0x4  }
0x514: {  	[tilespmem:s22+$0x10] =	vst v2  }
0x515: {  	v2 =	vld [tilespmem:s24+$0x20]  }
0x516: {  	v3 =	vld [tilespmem:s24+$0xA0];
	_ =	sdelay $0x3  }
0x517: {  	v2 =	vshll.u32 v2, $0x5  }
0x518: {  	v2 =	vadd.s32 v3, v2;
	_ =	sdelay $0x4  }
0x519: {  	v3 =	vld.idx.msk [tilespmem:v2+s16+$0x0], $0xffff;
	_ =	sdelay $0x4  }
0x51a: {  	[tilespmem:s23+$0x20] =	vst v3  }
0x51b: {  	v2 =	vld.idx.msk [tilespmem:v2+s17+$0x0], $0xffff;
	_ =	sdelay $0x4  }
0x51c: {  	[tilespmem:s22+$0x20] =	vst v2  }
0x51d: {  	v2 =	vld [tilespmem:s24+$0x30]  }
0x51e: {  	v3 =	vld [tilespmem:s24+$0xB0];
	_ =	sdelay $0x3  }
0x51f: {  	v2 =	vshll.u32 v2, $0x5  }
0x520: {  	v2 =	vadd.s32 v3, v2;
	_ =	sdelay $0x4  }
0x521: {  	v3 =	vld.idx.msk [tilespmem:v2+s16+$0x0], $0xffff;
	_ =	sdelay $0x4  }
0x522: {  	[tilespmem:s23+$0x30] =	vst v3  }
0x523: {  	v2 =	vld.idx.msk [tilespmem:v2+s17+$0x0], $0xffff;
	_ =	sdelay $0x4  }
0x524: {  	[tilespmem:s22+$0x30] =	vst v2  }
0x525: {  	v2 =	vld [tilespmem:s24+$0x40]  }
0x526: {  	v3 =	vld [tilespmem:s24+$0xC0];
	_ =	sdelay $0x3  }
0x527: {  	v2 =	vshll.u32 v2, $0x5  }
0x528: {  	v2 =	vadd.s32 v3, v2;
	_ =	sdelay $0x4  }
0x529: {  	v3 =	vld.idx.msk [tilespmem:v2+s16+$0x0], $0xffff;
	_ =	sdelay $0x4  }
0x52a: {  	[tilespmem:s23+$0x40] =	vst v3  }
0x52b: {  	v2 =	vld.idx.msk [tilespmem:v2+s17+$0x0], $0xffff;
	_ =	sdelay $0x4  }
0x52c: {  	[tilespmem:s22+$0x40] =	vst v2  }
0x52d: {  	v2 =	vld [tilespmem:s24+$0x50]  }
0x52e: {  	v3 =	vld [tilespmem:s24+$0xD0];
	_ =	sdelay $0x3  }
0x52f: {  	v2 =	vshll.u32 v2, $0x5  }
0x530: {  	v2 =	vadd.s32 v3, v2;
	_ =	sdelay $0x4  }
0x531: {  	v3 =	vld.idx.msk [tilespmem:v2+s16+$0x0], $0xffff;
	_ =	sdelay $0x4  }
0x532: {  	[tilespmem:s23+$0x50] =	vst v3  }
0x533: {  	v2 =	vld.idx.msk [tilespmem:v2+s17+$0x0], $0xffff;
	_ =	sdelay $0x4  }
0x534: {  	[tilespmem:s22+$0x50] =	vst v2  }
0x535: {  	v2 =	vld [tilespmem:s24+$0x60]  }
0x536: {  	v3 =	vld [tilespmem:s24+$0xE0];
	_ =	sdelay $0x3  }
0x537: {  	v2 =	vshll.u32 v2, $0x5  }
0x538: {  	v2 =	vadd.s32 v3, v2;
	_ =	sdelay $0x4  }
0x539: {  	v3 =	vld.idx.msk [tilespmem:v2+s16+$0x0], $0xffff;
	_ =	sdelay $0x4  }
0x53a: {  	[tilespmem:s23+$0x60] =	vst v3  }
0x53b: {  	v2 =	vld.idx.msk [tilespmem:v2+s17+$0x0], $0xffff;
	_ =	sdelay $0x4  }
0x53c: {  	[tilespmem:s22+$0x60] =	vst v2  }
0x53d: {  	v2 =	vld [tilespmem:s24+$0x70]  }
0x53e: {  	v3 =	vld [tilespmem:s24+$0xF0];
	_ =	sdelay $0x3  }
0x53f: {  	v2 =	vshll.u32 v2, $0x5  }
0x540: {  	v2 =	vadd.s32 v3, v2;
	_ =	sdelay $0x4  }
0x541: {  	v3 =	vld.idx.msk [tilespmem:v2+s16+$0x0], $0xffff;
	_ =	sdelay $0x4  }
0x542: {  	[tilespmem:s23+$0x70] =	vst v3  }
0x543: {  	v2 =	vld.idx.msk [tilespmem:v2+s17+$0x0], $0xffff;
	_ =	sdelay $0x4  }
0x544: {  	[tilespmem:s22+$0x70] =	vst v2  }
0x545: {  	v2 =	vld [tilespmem:s24+$0x100]  }
0x546: {  	v3 =	vld [tilespmem:s24+$0x180];
	_ =	sdelay $0x3  }
0x547: {  	v2 =	vshll.u32 v2, $0x5  }
0x548: {  	v2 =	vadd.s32 v3, v2;
	_ =	sdelay $0x4  }
0x549: {  	v3 =	vld.idx.msk [tilespmem:v2+s16+$0x0], $0xffff;
	_ =	sdelay $0x4  }
0x54a: {  	[tilespmem:s23+$0x80] =	vst v3  }
0x54b: {  	v2 =	vld.idx.msk [tilespmem:v2+s17+$0x0], $0xffff;
	_ =	sdelay $0x4  }
0x54c: {  	[tilespmem:s22+$0x80] =	vst v2  }
0x54d: {  	v2 =	vld [tilespmem:s24+$0x110]  }
0x54e: {  	v3 =	vld [tilespmem:s24+$0x190];
	_ =	sdelay $0x3  }
0x54f: {  	v2 =	vshll.u32 v2, $0x5  }
0x550: {  	v2 =	vadd.s32 v3, v2;
	_ =	sdelay $0x4  }
0x551: {  	v3 =	vld.idx.msk [tilespmem:v2+s16+$0x0], $0xffff;
	_ =	sdelay $0x4  }
0x552: {  	[tilespmem:s23+$0x90] =	vst v3  }
0x553: {  	v2 =	vld.idx.msk [tilespmem:v2+s17+$0x0], $0xffff;
	_ =	sdelay $0x4  }
0x554: {  	[tilespmem:s22+$0x90] =	vst v2  }
0x555: {  	v2 =	vld [tilespmem:s24+$0x120]  }
0x556: {  	v3 =	vld [tilespmem:s24+$0x1A0];
	_ =	sdelay $0x3  }
0x557: {  	v2 =	vshll.u32 v2, $0x5  }
0x558: {  	v2 =	vadd.s32 v3, v2;
	_ =	sdelay $0x4  }
0x559: {  	v3 =	vld.idx.msk [tilespmem:v2+s16+$0x0], $0xffff;
	_ =	sdelay $0x4  }
0x55a: {  	[tilespmem:s23+$0xA0] =	vst v3  }
0x55b: {  	v2 =	vld.idx.msk [tilespmem:v2+s17+$0x0], $0xffff;
	_ =	sdelay $0x4  }
0x55c: {  	[tilespmem:s22+$0xA0] =	vst v2  }
0x55d: {  	v2 =	vld [tilespmem:s24+$0x130]  }
0x55e: {  	v3 =	vld [tilespmem:s24+$0x1B0];
	_ =	sdelay $0x3  }
0x55f: {  	v2 =	vshll.u32 v2, $0x5  }
0x560: {  	v2 =	vadd.s32 v3, v2;
	_ =	sdelay $0x4  }
0x561: {  	v3 =	vld.idx.msk [tilespmem:v2+s16+$0x0], $0xffff;
	_ =	sdelay $0x4  }
0x562: {  	[tilespmem:s23+$0xB0] =	vst v3  }
0x563: {  	v2 =	vld.idx.msk [tilespmem:v2+s17+$0x0], $0xffff;
	_ =	sdelay $0x4  }
0x564: {  	[tilespmem:s22+$0xB0] =	vst v2  }
0x565: {  	v2 =	vld [tilespmem:s24+$0x140]  }
0x566: {  	v3 =	vld [tilespmem:s24+$0x1C0];
	_ =	sdelay $0x3  }
0x567: {  	v2 =	vshll.u32 v2, $0x5  }
0x568: {  	v2 =	vadd.s32 v3, v2;
	_ =	sdelay $0x4  }
0x569: {  	v3 =	vld.idx.msk [tilespmem:v2+s16+$0x0], $0xffff;
	_ =	sdelay $0x4  }
0x56a: {  	[tilespmem:s23+$0xC0] =	vst v3  }
0x56b: {  	v2 =	vld.idx.msk [tilespmem:v2+s17+$0x0], $0xffff;
	_ =	sdelay $0x4  }
0x56c: {  	[tilespmem:s22+$0xC0] =	vst v2  }
0x56d: {  	v2 =	vld [tilespmem:s24+$0x150]  }
0x56e: {  	v3 =	vld [tilespmem:s24+$0x1D0];
	_ =	sdelay $0x3  }
0x56f: {  	v2 =	vshll.u32 v2, $0x5  }
0x570: {  	v2 =	vadd.s32 v3, v2;
	_ =	sdelay $0x4  }
0x571: {  	v3 =	vld.idx.msk [tilespmem:v2+s16+$0x0], $0xffff;
	_ =	sdelay $0x4  }
0x572: {  	[tilespmem:s23+$0xD0] =	vst v3  }
0x573: {  	v2 =	vld.idx.msk [tilespmem:v2+s17+$0x0], $0xffff;
	_ =	sdelay $0x4  }
0x574: {  	[tilespmem:s22+$0xD0] =	vst v2  }
0x575: {  	v2 =	vld [tilespmem:s24+$0x160]  }
0x576: {  	v3 =	vld [tilespmem:s24+$0x1E0];
	_ =	sdelay $0x3  }
0x577: {  	v2 =	vshll.u32 v2, $0x5  }
0x578: {  	v2 =	vadd.s32 v3, v2;
	_ =	sdelay $0x4  }
0x579: {  	v3 =	vld.idx.msk [tilespmem:v2+s16+$0x0], $0xffff;
	_ =	sdelay $0x4  }
0x57a: {  	[tilespmem:s23+$0xE0] =	vst v3  }
0x57b: {  	v2 =	vld.idx.msk [tilespmem:v2+s17+$0x0], $0xffff;
	_ =	sdelay $0x4  }
0x57c: {  	[tilespmem:s22+$0xE0] =	vst v2  }
0x57d: {  	v2 =	vld [tilespmem:s24+$0x170]  }
0x57e: {  	v3 =	vld [tilespmem:s24+$0x1F0];
	_ =	sdelay $0x3  }
0x57f: {  	v2 =	vshll.u32 v2, $0x5  }
0x580: {  	v2 =	vadd.s32 v3, v2;
	_ =	sdelay $0x4  }
0x581: {  	v3 =	vld.idx.msk [tilespmem:v2+s16+$0x0], $0xffff;
	_ =	sdelay $0x4  }
0x582: {  	s21 =	sadd.s32 $0x4, s21;
	[tilespmem:s23+$0xF0] =	vst v3  }
0x583: {  	p0 =	slt.u32 s21, $0xC;
	v2 =	vld.idx.msk [tilespmem:v2+s17+$0x0], $0xffff  }
.Ltmp0:
0x584: {  	_ = 	snop;
	(pc) =	sbr.rel @p0 .LBB2_2-.Ltmp0, $2  }
0x585: {  	_ =	sdelay $0x2  }
0x586: {  	s24 =	sadd.s32 $0x400, s24;
	s23 =	sadd.s32 $0x200, s23;
	[tilespmem:s22+$0xF0] =	vst v2;
	s22 =	sadd.s32 $0x200, s22  }
0x587: {  	[hbm4b:s6+s2] =	stream.linear.scatter [tilespmem:s18], [sflag:$0x3], $0x800, $0x38;
	[tilespmem:$0x2700] =	vst v63  }
0x588: {  	s20 =	sadd.s32 $0x1, s20  }
0x589: {  	[hbm4b:s7+s2] =	stream.linear.scatter [tilespmem:s19], [sflag:$0x3], $0x800, $0x38;
	[tilespmem:$0x2700] =	vst v63  }
0x58a: {  	p0 =	sne.s32 s20, s8;
	_ =	swait.ge [sflag:s15], $0x800  }
.Ltmp1:
0x58b: {  	[sflag:s15] =	ssyncset.done $0x0;
	(pc) =	sbr.rel @p0 .LBB2_1-.Ltmp1, $4  }
0x58c: {  	[sflag:s15] =	ssyncadd.s32 $0xFFFFF800  }
0x58d: {  	_ =	swait.ge [sflag:s15], $0x800  }
0x58e: {  	[sflag:s15] =	ssyncset.done $0x0  }
0x58f: {  	[sflag:s15] =	ssyncadd.s32 $0xFFFFF800  }
0x590: {  	_ =	sfence.sel $0x180000  }
0x591: {  	[bflag:$0x0] =	sbarrier.arrive $0xFFFF  }
0x592: {  	p0 =	sne.s32 s1, $0x0;
	_ =	strace $0x90000047  }
0x593: {  	s0 =	sadd.s32 @!p0 $0x100000, s0;
	[bflag:$0x2] =	sbarrier.arrive $0xFFFF  }
0x594: {  	[sflag:s0] =	ssyncadd.tile.s32 @!p0 $0x1;
	_ =	shalt  }
.Lfunc_end2:
_tile_overlayer_lowered:
.L_overlay_start_2:
0x595: {  	(tag) =	ssettag $0x2  }
0x596: {  	s0 =	rddreg [dreg:$0x0];
	s2 =	stileid.u32  }
0x597: {  	s1 =	rddreg [dreg:$0x1];
	p0 =	sne.s32 s2, $0x0  }
0x598: {  	s3 =	rddreg [dreg:$0x2];
	[bflag:$0x3] =	sbarrier.arrive $0xFFFF;
	s2 =	simm.s32 @!p0 $0x1C04  }
0x599: {  	[timem:s3], [sflag:s2] =	dma.local @!p0 [hbm:s0], s1  }
0x59a: {  	s0 =	simm.s32 @!p0 $0x4  }
0x59b: {  	_ =	swait.ge @!p0 [sflag:s0], s1  }
0x59c: {  	s1 =	ssub.s32 @!p0 $0x0, s1;
	[sflag:s0] =	ssyncset.done @!p0 $0x0  }
0x59d: {  	[sflag:s0] =	ssyncadd.s32 @!p0 s1  }
0x59e: {  	[bflag:$0x3] =	sbarrier.arrive $0xFFFF  }
0x59f: {  	_ =	shalt  }

</sc_bundles>
